<compile_context>
chip_gen: v7x
topology: tpu7x:2x2x1
jax: 0.10.2.dev20260603
libtpu: 0.0.44.dev20260713+nightly
codegen_flags: <defaults>
</compile_context>

<pallas_src>
import numpy as np
import jax
import jax.numpy as jnp
from jax import lax
from jax._src import config as jax_config
from jax.experimental import pallas as pl
from jax.experimental.pallas import tpu as pltpu
from jax.experimental.pallas import tpu_sc as plsc

N_NODES = 100000
DEG = 32
BATCH = 16384
NSAMP = 25
NSEQ = 32
TOT = BATCH * DEG

NW = 32
ROWS_W = BATCH // NW
PASS_R = 128
NPASS = ROWS_W // PASS_R

_SC_PARAMS = pltpu.CompilerParams(needs_layout_passes=False,
                                  use_tc_tiling_on_sc=True)


_ROT_A = (13, 15, 26, 6)
_ROT_B = (17, 29, 16, 24)


def _np_threefry2x32(k0, k1, x0, x1):
    with np.errstate(over="ignore"):
        k0 = np.uint32(k0); k1 = np.uint32(k1)
        k2 = np.uint32(k0 ^ k1 ^ np.uint32(0x1BD11BDA))
        x0 = np.uint32(np.uint32(x0) + k0)
        x1 = np.uint32(np.uint32(x1) + k1)
        ks = (k0, k1, k2)
        rots = (_ROT_A, _ROT_B, _ROT_A, _ROT_B, _ROT_A)
        for i in range(5):
            for r in rots[i]:
                x0 = np.uint32(x0 + x1)
                x1 = np.uint32(np.uint32(x1 << np.uint32(r))
                               | np.uint32(x1 >> np.uint32(32 - r)))
                x1 = np.uint32(x0 ^ x1)
            x0 = np.uint32(x0 + ks[(i + 1) % 3])
            x1 = np.uint32(x1 + ks[(i + 2) % 3] + np.uint32(i + 1))
    return x0, x1


_SK0, _SK1 = _np_threefry2x32(0, 0, 0, 123)
_SK2 = np.uint32(_SK0 ^ _SK1 ^ np.uint32(0x1BD11BDA))
_KSCHED = (_SK0, _SK1, _SK2)
_TINY = np.float32(np.finfo(np.float32).tiny)


def _tf_bits(mu):
    x0 = jnp.full(mu.shape, _SK0, jnp.uint32)
    x1 = mu + jnp.uint32(_SK1)
    rots = (_ROT_A, _ROT_B, _ROT_A, _ROT_B, _ROT_A)
    with np.errstate(over="ignore"):
        for i in range(5):
            for r in rots[i]:
                x0 = x0 + x1
                x1 = (x1 << jnp.uint32(r)) | (x1 >> jnp.uint32(32 - r))
                x1 = x0 ^ x1
            x0 = x0 + jnp.uint32(_KSCHED[(i + 1) % 3])
            x1 = x1 + jnp.uint32(np.uint32(_KSCHED[(i + 2) % 3]
                                           + np.uint32(i + 1)))
    return x0 ^ x1


def _compact_ids(idsp_v, idx_v):
    ev = jnp.arange(16, dtype=jnp.int32) * jnp.int32(2)
    for k in range(ROWS_W // 16):
        idx_v[pl.ds(k * 16, 16)] = plsc.load_gather(
            idsp_v, [ev + jnp.int32(32 * k)])


def _halved_ids(idx_v, half_v):
    lane = jnp.arange(16, dtype=jnp.int32)
    for k in range(ROWS_W // 16):
        v = plsc.load_gather(idx_v, [lane + jnp.int32(16 * k)])
        half_v[pl.ds(k * 16, 16)] = v >> jnp.int32(1)



def _sc_gather_body(ids_hbm, geto_hbm, probs_hbm, probs_out,
                    tab_v, idsp_v, idx_v, half_v, geto_v, pr_v,
                    sem, tab_sem):
    info = plsc.get_sparse_core_info()
    wid = lax.axis_index("s") * jnp.int32(info.num_cores) + lax.axis_index("c")
    base = wid * jnp.int32(ROWS_W)
    tab_cp = pltpu.async_copy(probs_hbm, tab_v, tab_sem)
    pltpu.sync_copy(ids_hbm.at[pl.ds(base * jnp.int32(2), 2 * ROWS_W)],
                    idsp_v)
    _compact_ids(idsp_v, idx_v)
    _halved_ids(idx_v, half_v)
    ec0 = jnp.arange(16, dtype=jnp.int32) * jnp.int32(2)
    ec1 = ec0 + jnp.int32(32)
    tab_cp.wait()
    for p in range(NPASS):
        isl = half_v.at[pl.ds(p * PASS_R, PASS_R)]
        pltpu.async_copy(geto_hbm.at[isl], geto_v, sem).wait()

        def grp_body(_, g):
            for q in range(4):
                i = g * jnp.int32(4) + jnp.int32(q)
                iv = jnp.full((16,), i, jnp.int32)
                vv = plsc.load_gather(idx_v,
                                      [iv + jnp.int32(p * PASS_R)])
                hb = (vv & jnp.int32(1)) * jnp.int32(64)
                for jj, ec in ((0, ec0), (1, ec1)):
                    nvec = plsc.load_gather(geto_v, [iv, hb + ec])
                    pr_v[g, pl.ds(32 * q + 16 * jj, 16)] = plsc.load_gather(
                        tab_v, [nvec])
            return g + jnp.int32(1)

        lax.fori_loop(jnp.int32(0), jnp.int32(PASS_R // 4), grp_body,
                      jnp.int32(0))
        pltpu.sync_copy(
            pr_v,
            probs_out.at[pl.ds(wid * jnp.int32(128) + jnp.int32(p * 32), 32)])


def _sc_gather(idsp, getop, probs):
    fn = pl.kernel(
        _sc_gather_body,
        out_type=jax.ShapeDtypeStruct((TOT // 128, 128), jnp.float32),
        compiler_params=_SC_PARAMS,
        mesh=plsc.VectorSubcoreMesh(core_axis_name="c", subcore_axis_name="s"),
        scratch_types=[
            pltpu.VMEM((N_NODES,), jnp.float32),
            pltpu.VMEM((2 * ROWS_W,), jnp.int32),
            pltpu.VMEM((ROWS_W,), jnp.int32),
            pltpu.VMEM((ROWS_W,), jnp.int32),
            pltpu.VMEM((PASS_R, 128), jnp.int32),
            pltpu.VMEM((32, 128), jnp.float32),
            pltpu.SemaphoreType.DMA,
            pltpu.SemaphoreType.DMA,
        ],
    )
    return fn(idsp, getop, probs)



_CH = 64
_NCHUNK = TOT // (_CH * 128)
_FROWS = TOT // 128


def _tc_sample_body(ns_ref, probs_ref, out_ref, cols_ref, logits_ref):
    s = pl.program_id(0)

    @pl.when(s == 0)
    def _():
        logits_ref[:] = jnp.log(probs_ref[:])

    ns = ns_ref[0]
    lo = jnp.clip(ns - jnp.int32(NSAMP), jnp.int32(0), jnp.int32(NSEQ - 1))
    hi = jnp.clip(ns - jnp.int32(1), jnp.int32(0), jnp.int32(NSEQ - 1))
    out_ref[s] = jnp.int32(0)

    @pl.when((s >= lo) & (s <= hi))
    def _():
        it = (lax.broadcasted_iota(jnp.int32, (_CH, 128), 0)
              * jnp.int32(128)
              + lax.broadcasted_iota(jnp.int32, (_CH, 128), 1))

        def chunk(_, carry):
            ci, accv, accj = carry
            jvec = ci * jnp.int32(_CH * 128) + it
            mu = (s * jnp.int32(TOT) + jvec).astype(jnp.uint32)
            bits = _tf_bits(mu)
            fb = (bits >> jnp.uint32(9)) | jnp.uint32(0x3F800000)
            fl = lax.bitcast_convert_type(fb, jnp.float32) - np.float32(1.0)
            u = fl + _TINY
            v = (logits_ref[pl.ds(ci * jnp.int32(_CH), _CH), :]
                 - jnp.log(-jnp.log(u)))
            pred = v > accv
            return (ci + jnp.int32(1),
                    jnp.where(pred, v, accv),
                    jnp.where(pred, jvec, accj))

        init = (jnp.int32(0),
                jnp.full((_CH, 128), -np.inf, jnp.float32),
                jnp.zeros((_CH, 128), jnp.int32))
        _, accv, accj = lax.fori_loop(jnp.int32(0), jnp.int32(_NCHUNK),
                                      chunk, init)
        vmax = jnp.max(accv)
        bidx = jnp.min(jnp.where(accv == vmax, accj, jnp.int32(TOT)))
        out_ref[s] = jnp.minimum(bidx, jnp.int32(NSEQ - 1))

    @pl.when(s == jnp.int32(NSEQ - 1))
    def _():
        for t in range(NSAMP):
            st = jnp.clip(jnp.int32(t) + ns - jnp.int32(NSAMP),
                          jnp.int32(0), jnp.int32(NSEQ - 1))
            cols_ref[t] = out_ref[st]
        for t in range(NSAMP, NSEQ):
            cols_ref[t] = jnp.int32(0)


def _tc_sample(ns32, probs_flat):
    return pl.pallas_call(
        _tc_sample_body,
        grid=(NSEQ,),
        in_specs=[
            pl.BlockSpec(memory_space=pltpu.SMEM),
            pl.BlockSpec((_FROWS, 128), lambda s: (0, 0)),
        ],
        out_specs=[pl.BlockSpec(memory_space=pltpu.SMEM),
                   pl.BlockSpec(memory_space=pltpu.SMEM)],
        out_shape=(jax.ShapeDtypeStruct((NSEQ,), jnp.int32),
                   jax.ShapeDtypeStruct((NSEQ,), jnp.int32)),
        scratch_shapes=[pltpu.VMEM((_FROWS, 128), jnp.float32)],
    )(ns32, probs_flat)



def _sc_select_body(ids_hbm, adj_hbm, geto_hbm, cols_hbm,
                    oa_hbm, og_hbm,
                    idsp_v, idx_v, half_v, cols_v, adj_v, geto_v,
                    oa_v, og_v, sem):
    info = plsc.get_sparse_core_info()
    wid = lax.axis_index("s") * jnp.int32(info.num_cores) + lax.axis_index("c")
    base = wid * jnp.int32(ROWS_W)
    pltpu.sync_copy(cols_hbm, cols_v)
    pltpu.sync_copy(ids_hbm.at[pl.ds(base * jnp.int32(2), 2 * ROWS_W)],
                    idsp_v)
    _compact_ids(idsp_v, idx_v)
    _halved_ids(idx_v, half_v)
    lane = jnp.arange(16, dtype=jnp.int32)
    pairsel = lane >> jnp.int32(1)
    par = lane & jnp.int32(1)
    widx = []
    for k in range(4):
        q = plsc.load_gather(cols_v, [pairsel + jnp.int32(8 * k)])
        widx.append(q * jnp.int32(2) + par)
    for p in range(NPASS):
        isl = half_v.at[pl.ds(p * PASS_R, PASS_R)]
        cpa = pltpu.async_copy(adj_hbm.at[isl], adj_v, sem)
        cpg = pltpu.async_copy(geto_hbm.at[isl], geto_v, sem)
        cpa.wait()
        cpg.wait()

        def grp_body(_, g):
            for q in range(2):
                i = g * jnp.int32(2) + jnp.int32(q)
                iv = jnp.full((16,), i, jnp.int32)
                vv = plsc.load_gather(idx_v,
                                      [iv + jnp.int32(p * PASS_R)])
                hb = (vv & jnp.int32(1)) * jnp.int32(64)
                for k in range(4):
                    oa_v[g, pl.ds(64 * q + 16 * k, 16)] = plsc.load_gather(
                        adj_v, [iv, hb + widx[k]])
                    og_v[g, pl.ds(64 * q + 16 * k, 16)] = plsc.load_gather(
                        geto_v, [iv, hb + widx[k]])
            return g + jnp.int32(1)

        lax.fori_loop(jnp.int32(0), jnp.int32(PASS_R // 2), grp_body,
                      jnp.int32(0))
        ob = wid * jnp.int32(256) + jnp.int32(p * 64)
        pltpu.sync_copy(oa_v, oa_hbm.at[pl.ds(ob, 64)])
        pltpu.sync_copy(og_v, og_hbm.at[pl.ds(ob, 64)])


def _sc_select(idsp, adjp, getop, cols32):
    fn = pl.kernel(
        _sc_select_body,
        out_type=(jax.ShapeDtypeStruct((BATCH // 2, 128), jnp.int32),
                  jax.ShapeDtypeStruct((BATCH // 2, 128), jnp.int32)),
        compiler_params=_SC_PARAMS,
        mesh=plsc.VectorSubcoreMesh(core_axis_name="c", subcore_axis_name="s"),
        scratch_types=[
            pltpu.VMEM((2 * ROWS_W,), jnp.int32),
            pltpu.VMEM((ROWS_W,), jnp.int32),
            pltpu.VMEM((ROWS_W,), jnp.int32),
            pltpu.VMEM((NSEQ,), jnp.int32),
            pltpu.VMEM((PASS_R, 128), jnp.int32),
            pltpu.VMEM((PASS_R, 128), jnp.int32),
            pltpu.VMEM((PASS_R // 2, 128), jnp.int32),
            pltpu.VMEM((PASS_R // 2, 128), jnp.int32),
            pltpu.SemaphoreType.DMA,
        ],
    )
    return fn(idsp, adjp, getop, cols32)




def kernel(ids, num_samples, adj_info, geto_adj_info, adj_probs):
    with jax_config.enable_x64(False):
        idsp = lax.bitcast_convert_type(ids, jnp.int32).reshape(2 * BATCH)
        adjp = lax.bitcast_convert_type(adj_info, jnp.int32).reshape(
            N_NODES // 2, 128)
        getop = lax.bitcast_convert_type(geto_adj_info, jnp.int32).reshape(
            N_NODES // 2, 128)
        ns32 = jnp.asarray(num_samples, jnp.int32).reshape(1)

        probs_flat = _sc_gather(idsp, getop, adj_probs)
        _, cols32 = _tc_sample(ns32, probs_flat)
        oa_p, og_p = _sc_select(idsp, adjp, getop, cols32)
        oa_pairs = oa_p.reshape(BATCH, DEG, 2)
        og_pairs = og_p.reshape(BATCH, DEG, 2)
    oa = lax.bitcast_convert_type(oa_pairs, jnp.int64)[:, :NSAMP]
    og = lax.bitcast_convert_type(og_pairs, jnp.int64)[:, :NSAMP]
    return (oa, og)

# --- scband reference (transcript-rebuilt; emitter-appended) ---
"""Pipeline reference for scband-ge-to-informed-neighbor-sampler-45612552683931 (READ-ONLY COPY).

The authoritative reference and input builder live on the scoring server;
editing this copy changes nothing except your own understanding.
"""

import jax, jax.numpy as jnp
import numpy as np
jax.config.update("jax_enable_x64", True)

RESAMPLING_RATE = 0
N_NODES = 100000
DEGREE = 32
BATCH = 16384
NUM_SAMPLES = 25

def setup_inputs(seed: int = 0) -> dict:
    key = jax.random.key(seed)
    k1, k2, k3, k4 = jax.random.split(key, 4)
    ids = jax.random.randint(k1, (BATCH,), 0, N_NODES, dtype=jnp.int64)
    adj_info = jax.random.randint(k2, (N_NODES, DEGREE), 0, N_NODES, dtype=jnp.int64)
    geto_adj_info = jax.random.randint(k3, (N_NODES, DEGREE), 0, N_NODES, dtype=jnp.int64)
    adj_probs = jax.random.uniform(k4, (N_NODES,), dtype=jnp.float32, minval=1e-6, maxval=1.0)
    return {"ids": ids, "num_samples": NUM_SAMPLES, "adj_info": adj_info,
            "geto_adj_info": geto_adj_info, "adj_probs": adj_probs}

def reference(ids, num_samples, adj_info, geto_adj_info, adj_probs):
    # adj_lists = embedding_lookup(adj_info, ids)
    adj_lists = jnp.take(adj_info, ids, axis=0)            # [B, D]
    adj_lists_T = adj_lists.T                               # [D, B]
    total_num_adj_samples = adj_lists_T.shape[0]
    total_num_adj_samples = total_num_adj_samples + RESAMPLING_RATE * total_num_adj_samples
    geto_adj_lists = jnp.take(geto_adj_info, ids, axis=0)  # [B, D]
    geto_adj_lists_T = geto_adj_lists.T                     # [D, B]
    hidden_geto_prob = jnp.take(adj_probs, geto_adj_lists, axis=0)  # [B, D]
    logits = jnp.log(hidden_geto_prob.reshape(-1))          # [B*D]
    skey = jax.random.fold_in(jax.random.key(0), 123)
    weighted_sample_indices = jax.random.categorical(skey, logits, shape=(total_num_adj_samples,))
    # NOTE: tf.gather with potentially out-of-range indices; jnp.take clips.
    weighted_adj_lists_T = jnp.take(adj_lists_T, weighted_sample_indices, axis=0, mode="clip")
    sample_idx = jnp.arange(NUM_SAMPLES, dtype=jnp.int64) + (num_samples - NUM_SAMPLES)
    weighted_adj_lists = jnp.take(weighted_adj_lists_T.T, sample_idx, axis=1, mode="clip")
    weighted_geto_adj_lists_T = jnp.take(geto_adj_lists_T, weighted_sample_indices, axis=0, mode="clip")
    weighted_geto_adj_lists = jnp.take(weighted_geto_adj_lists_T.T, sample_idx, axis=1, mode="clip")
    return (weighted_adj_lists, weighted_geto_adj_lists)

if __name__ == "__main__":
    import jax
    _d = setup_inputs()
    print(jax.jit(kernel)(*tuple(_d.values())))

</pallas_src>

<mosaic_0001>
#map = affine_map<(d0, d1) -> (0)>
#map1 = affine_map<(d0, d1) -> (0, 0)>
module attributes {stable_mosaic.version = 14 : i64} {
  func.func @_sc_select_body(%arg0: i32, %arg1: i32, %arg2: memref<32768xi32, #tpu.memory_space<hbm>>, %arg3: memref<50000x128xi32, #tpu.memory_space<hbm>>, %arg4: memref<50000x128xi32, #tpu.memory_space<hbm>>, %arg5: memref<32xi32, #tpu.memory_space<hbm>>, %arg6: memref<8192x128xi32, #tpu.memory_space<hbm>>, %arg7: memref<8192x128xi32, #tpu.memory_space<hbm>>, %arg8: memref<1024xi32, #tpu.memory_space<vmem>>, %arg9: memref<512xi32, #tpu.memory_space<vmem>>, %arg10: memref<512xi32, #tpu.memory_space<vmem>>, %arg11: memref<32xi32, #tpu.memory_space<vmem>>, %arg12: memref<128x128xi32, #tpu.memory_space<vmem>>, %arg13: memref<128x128xi32, #tpu.memory_space<vmem>>, %arg14: memref<64x128xi32, #tpu.memory_space<vmem>>, %arg15: memref<64x128xi32, #tpu.memory_space<vmem>>, %arg16: memref<!tpu.dma_semaphore, #tpu.memory_space<semaphore_mem>>) attributes {dimension_semantics = [#tpu.dimension_semantics<core_parallel>, #tpu.dimension_semantics<subcore_parallel>], iteration_bounds = array<i64: 2, 16>, scalar_prefetch = 0 : i64, scratch_operands = 9 : i64, tpu.core_type = #tpu.core_type<sc_vector_subcore>, window_params = [{transform_indices = #map}, {transform_indices = #map1}, {transform_indices = #map1}, {transform_indices = #map}, {transform_indices = #map1}, {transform_indices = #map1}]} {
    %mul3A = arith.constant 2 : i32
    %mul3A_0 = arith.muli %arg1, %mul3A : i32
    %add3A = arith.addi %mul3A_0, %arg0 : i32
    %mul3A_1 = arith.constant 512 : i32
    %mul3A_2 = arith.muli %add3A, %mul3A_1 : i32
    "tpu.region"() ({
      %run_scoped3A = tpu.sem_alloc : memref<!tpu.dma_semaphore, #tpu.memory_space<semaphore_mem>>
      tpu.enqueue_dma source(%arg5 : memref<32xi32, #tpu.memory_space<hbm>>) target(%arg11 : memref<32xi32, #tpu.memory_space<vmem>>) target_semaphore(%run_scoped3A : memref<!tpu.dma_semaphore, #tpu.memory_space<semaphore_mem>>)
      tpu.wait_dma2 semaphore(%run_scoped3A : memref<!tpu.dma_semaphore, #tpu.memory_space<semaphore_mem>>) src(%arg5 : memref<32xi32, #tpu.memory_space<hbm>>) dst(%arg11 : memref<32xi32, #tpu.memory_space<vmem>>)
      tpu.yield
    }) : () -> ()
    %mul3A_3 = arith.constant 2 : i32
    %mul3A_4 = arith.muli %mul3A_2, %mul3A_3 : i32
    "tpu.region"() ({
      %run_scoped3A = tpu.sem_alloc : memref<!tpu.dma_semaphore, #tpu.memory_space<semaphore_mem>>
      %dma_start3A_669 = tpu.memref_slice %arg2[%mul3A_4] : memref<32768xi32, #tpu.memory_space<hbm>> -> memref<1024xi32, #tpu.memory_space<hbm>>
      %dma_start3A_670 = tpu.memref_slice %arg2[%mul3A_4] : memref<32768xi32, #tpu.memory_space<hbm>> -> memref<1024xi32, #tpu.memory_space<hbm>>
      tpu.enqueue_dma source(%dma_start3A_670 : memref<1024xi32, #tpu.memory_space<hbm>>) target(%arg8 : memref<1024xi32, #tpu.memory_space<vmem>>) target_semaphore(%run_scoped3A : memref<!tpu.dma_semaphore, #tpu.memory_space<semaphore_mem>>)
      %dma_wait3A_671 = tpu.memref_slice %arg2[%mul3A_4] : memref<32768xi32, #tpu.memory_space<hbm>> -> memref<1024xi32, #tpu.memory_space<hbm>>
      %dma_wait3A_672 = tpu.memref_slice %arg2[%mul3A_4] : memref<32768xi32, #tpu.memory_space<hbm>> -> memref<1024xi32, #tpu.memory_space<hbm>>
      tpu.wait_dma2 semaphore(%run_scoped3A : memref<!tpu.dma_semaphore, #tpu.memory_space<semaphore_mem>>) src(%dma_wait3A_672 : memref<1024xi32, #tpu.memory_space<hbm>>) dst(%arg8 : memref<1024xi32, #tpu.memory_space<vmem>>)
      tpu.yield
    }) : () -> ()
    %iota3A = tpu.iota {dimensions = array<i32: 0>} : vector<16xi32>
    %mul3A_5 = arith.constant 2 : i32
    %mul3A_6 = vector.broadcast %mul3A_5 : i32 to vector<16xi32>
    %mul3A_7 = arith.muli %iota3A, %mul3A_6 : vector<16xi32>
    %add3A_8 = arith.constant 0 : i32
    %add3A_9 = vector.broadcast %add3A_8 : i32 to vector<16xi32>
    %add3A_10 = arith.addi %mul3A_7, %add3A_9 : vector<16xi32>
    %gather3A = tpu.vector_load_idx %arg8[%add3A_10] : memref<1024xi32, #tpu.memory_space<vmem>>[vector<16xi32>], vector<16xi32>,
    %swap3A = arith.constant 0 : index
    %swap3A_11 = tpu.vector_load %arg9[%swap3A] {strides = array<i32>} : memref<512xi32, #tpu.memory_space<vmem>>, vector<16xi32>,
    tpu.vector_store %arg9[%swap3A], %gather3A {strides = array<i32>} : memref<512xi32, #tpu.memory_space<vmem>>, vector<16xi32>,
    %add3A_12 = arith.constant 32 : i32
    %add3A_13 = vector.broadcast %add3A_12 : i32 to vector<16xi32>
    %add3A_14 = arith.addi %mul3A_7, %add3A_13 : vector<16xi32>
    %gather3A_15 = tpu.vector_load_idx %arg8[%add3A_14] : memref<1024xi32, #tpu.memory_space<vmem>>[vector<16xi32>], vector<16xi32>,
    %swap3A_16 = arith.constant 16 : index
    %swap3A_17 = tpu.vector_load %arg9[%swap3A_16] {strides = array<i32>} : memref<512xi32, #tpu.memory_space<vmem>>, vector<16xi32>,
    tpu.vector_store %arg9[%swap3A_16], %gather3A_15 {strides = array<i32>} : memref<512xi32, #tpu.memory_space<vmem>>, vector<16xi32>,
    %add3A_18 = arith.constant 64 : i32
    %add3A_19 = vector.broadcast %add3A_18 : i32 to vector<16xi32>
    %add3A_20 = arith.addi %mul3A_7, %add3A_19 : vector<16xi32>
    %gather3A_21 = tpu.vector_load_idx %arg8[%add3A_20] : memref<1024xi32, #tpu.memory_space<vmem>>[vector<16xi32>], vector<16xi32>,
    %swap3A_22 = arith.constant 32 : index
    %swap3A_23 = tpu.vector_load %arg9[%swap3A_22] {strides = array<i32>} : memref<512xi32, #tpu.memory_space<vmem>>, vector<16xi32>,
    tpu.vector_store %arg9[%swap3A_22], %gather3A_21 {strides = array<i32>} : memref<512xi32, #tpu.memory_space<vmem>>, vector<16xi32>,
    %add3A_24 = arith.constant 96 : i32
    %add3A_25 = vector.broadcast %add3A_24 : i32 to vector<16xi32>
    %add3A_26 = arith.addi %mul3A_7, %add3A_25 : vector<16xi32>
    %gather3A_27 = tpu.vector_load_idx %arg8[%add3A_26] : memref<1024xi32, #tpu.memory_space<vmem>>[vector<16xi32>], vector<16xi32>,
    %swap3A_28 = arith.constant 48 : index
    %swap3A_29 = tpu.vector_load %arg9[%swap3A_28] {strides = array<i32>} : memref<512xi32, #tpu.memory_space<vmem>>, vector<16xi32>,
    tpu.vector_store %arg9[%swap3A_28], %gather3A_27 {strides = array<i32>} : memref<512xi32, #tpu.memory_space<vmem>>, vector<16xi32>,
    %add3A_30 = arith.constant 128 : i32
    %add3A_31 = vector.broadcast %add3A_30 : i32 to vector<16xi32>
    %add3A_32 = arith.addi %mul3A_7, %add3A_31 : vector<16xi32>
    %gather3A_33 = tpu.vector_load_idx %arg8[%add3A_32] : memref<1024xi32, #tpu.memory_space<vmem>>[vector<16xi32>], vector<16xi32>,
    %swap3A_34 = arith.constant 64 : index
    %swap3A_35 = tpu.vector_load %arg9[%swap3A_34] {strides = array<i32>} : memref<512xi32, #tpu.memory_space<vmem>>, vector<16xi32>,
    tpu.vector_store %arg9[%swap3A_34], %gather3A_33 {strides = array<i32>} : memref<512xi32, #tpu.memory_space<vmem>>, vector<16xi32>,
    %add3A_36 = arith.constant 160 : i32
    %add3A_37 = vector.broadcast %add3A_36 : i32 to vector<16xi32>
    %add3A_38 = arith.addi %mul3A_7, %add3A_37 : vector<16xi32>
    %gather3A_39 = tpu.vector_load_idx %arg8[%add3A_38] : memref<1024xi32, #tpu.memory_space<vmem>>[vector<16xi32>], vector<16xi32>,
    %swap3A_40 = arith.constant 80 : index
    %swap3A_41 = tpu.vector_load %arg9[%swap3A_40] {strides = array<i32>} : memref<512xi32, #tpu.memory_space<vmem>>, vector<16xi32>,
    tpu.vector_store %arg9[%swap3A_40], %gather3A_39 {strides = array<i32>} : memref<512xi32, #tpu.memory_space<vmem>>, vector<16xi32>,
    %add3A_42 = arith.constant 192 : i32
    %add3A_43 = vector.broadcast %add3A_42 : i32 to vector<16xi32>
    %add3A_44 = arith.addi %mul3A_7, %add3A_43 : vector<16xi32>
    %gather3A_45 = tpu.vector_load_idx %arg8[%add3A_44] : memref<1024xi32, #tpu.memory_space<vmem>>[vector<16xi32>], vector<16xi32>,
    %swap3A_46 = arith.constant 96 : index
    %swap3A_47 = tpu.vector_load %arg9[%swap3A_46] {strides = array<i32>} : memref<512xi32, #tpu.memory_space<vmem>>, vector<16xi32>,
    tpu.vector_store %arg9[%swap3A_46], %gather3A_45 {strides = array<i32>} : memref<512xi32, #tpu.memory_space<vmem>>, vector<16xi32>,
    %add3A_48 = arith.constant 224 : i32
    %add3A_49 = vector.broadcast %add3A_48 : i32 to vector<16xi32>
    %add3A_50 = arith.addi %mul3A_7, %add3A_49 : vector<16xi32>
    %gather3A_51 = tpu.vector_load_idx %arg8[%add3A_50] : memref<1024xi32, #tpu.memory_space<vmem>>[vector<16xi32>], vector<16xi32>,
    %swap3A_52 = arith.constant 112 : index
    %swap3A_53 = tpu.vector_load %arg9[%swap3A_52] {strides = array<i32>} : memref<512xi32, #tpu.memory_space<vmem>>, vector<16xi32>,
    tpu.vector_store %arg9[%swap3A_52], %gather3A_51 {strides = array<i32>} : memref<512xi32, #tpu.memory_space<vmem>>, vector<16xi32>,
    %add3A_54 = arith.constant 256 : i32
    %add3A_55 = vector.broadcast %add3A_54 : i32 to vector<16xi32>
    %add3A_56 = arith.addi %mul3A_7, %add3A_55 : vector<16xi32>
    %gather3A_57 = tpu.vector_load_idx %arg8[%add3A_56] : memref<1024xi32, #tpu.memory_space<vmem>>[vector<16xi32>], vector<16xi32>,
    %swap3A_58 = arith.constant 128 : index
    %swap3A_59 = tpu.vector_load %arg9[%swap3A_58] {strides = array<i32>} : memref<512xi32, #tpu.memory_space<vmem>>, vector<16xi32>,
    tpu.vector_store %arg9[%swap3A_58], %gather3A_57 {strides = array<i32>} : memref<512xi32, #tpu.memory_space<vmem>>, vector<16xi32>,
    %add3A_60 = arith.constant 288 : i32
    %add3A_61 = vector.broadcast %add3A_60 : i32 to vector<16xi32>
    %add3A_62 = arith.addi %mul3A_7, %add3A_61 : vector<16xi32>
    %gather3A_63 = tpu.vector_load_idx %arg8[%add3A_62] : memref<1024xi32, #tpu.memory_space<vmem>>[vector<16xi32>], vector<16xi32>,
    %swap3A_64 = arith.constant 144 : index
    %swap3A_65 = tpu.vector_load %arg9[%swap3A_64] {strides = array<i32>} : memref<512xi32, #tpu.memory_space<vmem>>, vector<16xi32>,
    tpu.vector_store %arg9[%swap3A_64], %gather3A_63 {strides = array<i32>} : memref<512xi32, #tpu.memory_space<vmem>>, vector<16xi32>,
    %add3A_66 = arith.constant 320 : i32
    %add3A_67 = vector.broadcast %add3A_66 : i32 to vector<16xi32>
    %add3A_68 = arith.addi %mul3A_7, %add3A_67 : vector<16xi32>
    %gather3A_69 = tpu.vector_load_idx %arg8[%add3A_68] : memref<1024xi32, #tpu.memory_space<vmem>>[vector<16xi32>], vector<16xi32>,
    %swap3A_70 = arith.constant 160 : index
    %swap3A_71 = tpu.vector_load %arg9[%swap3A_70] {strides = array<i32>} : memref<512xi32, #tpu.memory_space<vmem>>, vector<16xi32>,
    tpu.vector_store %arg9[%swap3A_70], %gather3A_69 {strides = array<i32>} : memref<512xi32, #tpu.memory_space<vmem>>, vector<16xi32>,
    %add3A_72 = arith.constant 352 : i32
    %add3A_73 = vector.broadcast %add3A_72 : i32 to vector<16xi32>
    %add3A_74 = arith.addi %mul3A_7, %add3A_73 : vector<16xi32>
    %gather3A_75 = tpu.vector_load_idx %arg8[%add3A_74] : memref<1024xi32, #tpu.memory_space<vmem>>[vector<16xi32>], vector<16xi32>,
    %swap3A_76 = arith.constant 176 : index
    %swap3A_77 = tpu.vector_load %arg9[%swap3A_76] {strides = array<i32>} : memref<512xi32, #tpu.memory_space<vmem>>, vector<16xi32>,
    tpu.vector_store %arg9[%swap3A_76], %gather3A_75 {strides = array<i32>} : memref<512xi32, #tpu.memory_space<vmem>>, vector<16xi32>,
    %add3A_78 = arith.constant 384 : i32
    %add3A_79 = vector.broadcast %add3A_78 : i32 to vector<16xi32>
    %add3A_80 = arith.addi %mul3A_7, %add3A_79 : vector<16xi32>
    %gather3A_81 = tpu.vector_load_idx %arg8[%add3A_80] : memref<1024xi32, #tpu.memory_space<vmem>>[vector<16xi32>], vector<16xi32>,
    %swap3A_82 = arith.constant 192 : index
    %swap3A_83 = tpu.vector_load %arg9[%swap3A_82] {strides = array<i32>} : memref<512xi32, #tpu.memory_space<vmem>>, vector<16xi32>,
    tpu.vector_store %arg9[%swap3A_82], %gather3A_81 {strides = array<i32>} : memref<512xi32, #tpu.memory_space<vmem>>, vector<16xi32>,
    %add3A_84 = arith.constant 416 : i32
    %add3A_85 = vector.broadcast %add3A_84 : i32 to vector<16xi32>
    %add3A_86 = arith.addi %mul3A_7, %add3A_85 : vector<16xi32>
    %gather3A_87 = tpu.vector_load_idx %arg8[%add3A_86] : memref<1024xi32, #tpu.memory_space<vmem>>[vector<16xi32>], vector<16xi32>,
    %swap3A_88 = arith.constant 208 : index
    %swap3A_89 = tpu.vector_load %arg9[%swap3A_88] {strides = array<i32>} : memref<512xi32, #tpu.memory_space<vmem>>, vector<16xi32>,
    tpu.vector_store %arg9[%swap3A_88], %gather3A_87 {strides = array<i32>} : memref<512xi32, #tpu.memory_space<vmem>>, vector<16xi32>,
    %add3A_90 = arith.constant 448 : i32
    %add3A_91 = vector.broadcast %add3A_90 : i32 to vector<16xi32>
    %add3A_92 = arith.addi %mul3A_7, %add3A_91 : vector<16xi32>
    %gather3A_93 = tpu.vector_load_idx %arg8[%add3A_92] : memref<1024xi32, #tpu.memory_space<vmem>>[vector<16xi32>], vector<16xi32>,
    %swap3A_94 = arith.constant 224 : index
    %swap3A_95 = tpu.vector_load %arg9[%swap3A_94] {strides = array<i32>} : memref<512xi32, #tpu.memory_space<vmem>>, vector<16xi32>,
    tpu.vector_store %arg9[%swap3A_94], %gather3A_93 {strides = array<i32>} : memref<512xi32, #tpu.memory_space<vmem>>, vector<16xi32>,
    %add3A_96 = arith.constant 480 : i32
    %add3A_97 = vector.broadcast %add3A_96 : i32 to vector<16xi32>
    %add3A_98 = arith.addi %mul3A_7, %add3A_97 : vector<16xi32>
    %gather3A_99 = tpu.vector_load_idx %arg8[%add3A_98] : memref<1024xi32, #tpu.memory_space<vmem>>[vector<16xi32>], vector<16xi32>,
    %swap3A_100 = arith.constant 240 : index
    %swap3A_101 = tpu.vector_load %arg9[%swap3A_100] {strides = array<i32>} : memref<512xi32, #tpu.memory_space<vmem>>, vector<16xi32>,
    tpu.vector_store %arg9[%swap3A_100], %gather3A_99 {strides = array<i32>} : memref<512xi32, #tpu.memory_space<vmem>>, vector<16xi32>,
    %add3A_102 = arith.constant 512 : i32
    %add3A_103 = vector.broadcast %add3A_102 : i32 to vector<16xi32>
    %add3A_104 = arith.addi %mul3A_7, %add3A_103 : vector<16xi32>
    %gather3A_105 = tpu.vector_load_idx %arg8[%add3A_104] : memref<1024xi32, #tpu.memory_space<vmem>>[vector<16xi32>], vector<16xi32>,
    %swap3A_106 = arith.constant 256 : index
    %swap3A_107 = tpu.vector_load %arg9[%swap3A_106] {strides = array<i32>} : memref<512xi32, #tpu.memory_space<vmem>>, vector<16xi32>,
    tpu.vector_store %arg9[%swap3A_106], %gather3A_105 {strides = array<i32>} : memref<512xi32, #tpu.memory_space<vmem>>, vector<16xi32>,
    %add3A_108 = arith.constant 544 : i32
    %add3A_109 = vector.broadcast %add3A_108 : i32 to vector<16xi32>
    %add3A_110 = arith.addi %mul3A_7, %add3A_109 : vector<16xi32>
    %gather3A_111 = tpu.vector_load_idx %arg8[%add3A_110] : memref<1024xi32, #tpu.memory_space<vmem>>[vector<16xi32>], vector<16xi32>,
    %swap3A_112 = arith.constant 272 : index
    %swap3A_113 = tpu.vector_load %arg9[%swap3A_112] {strides = array<i32>} : memref<512xi32, #tpu.memory_space<vmem>>, vector<16xi32>,
    tpu.vector_store %arg9[%swap3A_112], %gather3A_111 {strides = array<i32>} : memref<512xi32, #tpu.memory_space<vmem>>, vector<16xi32>,
    %add3A_114 = arith.constant 576 : i32
    %add3A_115 = vector.broadcast %add3A_114 : i32 to vector<16xi32>
    %add3A_116 = arith.addi %mul3A_7, %add3A_115 : vector<16xi32>
    %gather3A_117 = tpu.vector_load_idx %arg8[%add3A_116] : memref<1024xi32, #tpu.memory_space<vmem>>[vector<16xi32>], vector<16xi32>,
    %swap3A_118 = arith.constant 288 : index
    %swap3A_119 = tpu.vector_load %arg9[%swap3A_118] {strides = array<i32>} : memref<512xi32, #tpu.memory_space<vmem>>, vector<16xi32>,
    tpu.vector_store %arg9[%swap3A_118], %gather3A_117 {strides = array<i32>} : memref<512xi32, #tpu.memory_space<vmem>>, vector<16xi32>,
    %add3A_120 = arith.constant 608 : i32
    %add3A_121 = vector.broadcast %add3A_120 : i32 to vector<16xi32>
    %add3A_122 = arith.addi %mul3A_7, %add3A_121 : vector<16xi32>
    %gather3A_123 = tpu.vector_load_idx %arg8[%add3A_122] : memref<1024xi32, #tpu.memory_space<vmem>>[vector<16xi32>], vector<16xi32>,
    %swap3A_124 = arith.constant 304 : index
    %swap3A_125 = tpu.vector_load %arg9[%swap3A_124] {strides = array<i32>} : memref<512xi32, #tpu.memory_space<vmem>>, vector<16xi32>,
    tpu.vector_store %arg9[%swap3A_124], %gather3A_123 {strides = array<i32>} : memref<512xi32, #tpu.memory_space<vmem>>, vector<16xi32>,
    %add3A_126 = arith.constant 640 : i32
    %add3A_127 = vector.broadcast %add3A_126 : i32 to vector<16xi32>
    %add3A_128 = arith.addi %mul3A_7, %add3A_127 : vector<16xi32>
    %gather3A_129 = tpu.vector_load_idx %arg8[%add3A_128] : memref<1024xi32, #tpu.memory_space<vmem>>[vector<16xi32>], vector<16xi32>,
    %swap3A_130 = arith.constant 320 : index
    %swap3A_131 = tpu.vector_load %arg9[%swap3A_130] {strides = array<i32>} : memref<512xi32, #tpu.memory_space<vmem>>, vector<16xi32>,
    tpu.vector_store %arg9[%swap3A_130], %gather3A_129 {strides = array<i32>} : memref<512xi32, #tpu.memory_space<vmem>>, vector<16xi32>,
    %add3A_132 = arith.constant 672 : i32
    %add3A_133 = vector.broadcast %add3A_132 : i32 to vector<16xi32>
    %add3A_134 = arith.addi %mul3A_7, %add3A_133 : vector<16xi32>
    %gather3A_135 = tpu.vector_load_idx %arg8[%add3A_134] : memref<1024xi32, #tpu.memory_space<vmem>>[vector<16xi32>], vector<16xi32>,
    %swap3A_136 = arith.constant 336 : index
    %swap3A_137 = tpu.vector_load %arg9[%swap3A_136] {strides = array<i32>} : memref<512xi32, #tpu.memory_space<vmem>>, vector<16xi32>,
    tpu.vector_store %arg9[%swap3A_136], %gather3A_135 {strides = array<i32>} : memref<512xi32, #tpu.memory_space<vmem>>, vector<16xi32>,
    %add3A_138 = arith.constant 704 : i32
    %add3A_139 = vector.broadcast %add3A_138 : i32 to vector<16xi32>
    %add3A_140 = arith.addi %mul3A_7, %add3A_139 : vector<16xi32>
    %gather3A_141 = tpu.vector_load_idx %arg8[%add3A_140] : memref<1024xi32, #tpu.memory_space<vmem>>[vector<16xi32>], vector<16xi32>,
    %swap3A_142 = arith.constant 352 : index
    %swap3A_143 = tpu.vector_load %arg9[%swap3A_142] {strides = array<i32>} : memref<512xi32, #tpu.memory_space<vmem>>, vector<16xi32>,
    tpu.vector_store %arg9[%swap3A_142], %gather3A_141 {strides = array<i32>} : memref<512xi32, #tpu.memory_space<vmem>>, vector<16xi32>,
    %add3A_144 = arith.constant 736 : i32
    %add3A_145 = vector.broadcast %add3A_144 : i32 to vector<16xi32>
    %add3A_146 = arith.addi %mul3A_7, %add3A_145 : vector<16xi32>
    %gather3A_147 = tpu.vector_load_idx %arg8[%add3A_146] : memref<1024xi32, #tpu.memory_space<vmem>>[vector<16xi32>], vector<16xi32>,
    %swap3A_148 = arith.constant 368 : index
    %swap3A_149 = tpu.vector_load %arg9[%swap3A_148] {strides = array<i32>} : memref<512xi32, #tpu.memory_space<vmem>>, vector<16xi32>,
    tpu.vector_store %arg9[%swap3A_148], %gather3A_147 {strides = array<i32>} : memref<512xi32, #tpu.memory_space<vmem>>, vector<16xi32>,
    %add3A_150 = arith.constant 768 : i32
    %add3A_151 = vector.broadcast %add3A_150 : i32 to vector<16xi32>
    %add3A_152 = arith.addi %mul3A_7, %add3A_151 : vector<16xi32>
    %gather3A_153 = tpu.vector_load_idx %arg8[%add3A_152] : memref<1024xi32, #tpu.memory_space<vmem>>[vector<16xi32>], vector<16xi32>,
    %swap3A_154 = arith.constant 384 : index
    %swap3A_155 = tpu.vector_load %arg9[%swap3A_154] {strides = array<i32>} : memref<512xi32, #tpu.memory_space<vmem>>, vector<16xi32>,
    tpu.vector_store %arg9[%swap3A_154], %gather3A_153 {strides = array<i32>} : memref<512xi32, #tpu.memory_space<vmem>>, vector<16xi32>,
    %add3A_156 = arith.constant 800 : i32
    %add3A_157 = vector.broadcast %add3A_156 : i32 to vector<16xi32>
    %add3A_158 = arith.addi %mul3A_7, %add3A_157 : vector<16xi32>
    %gather3A_159 = tpu.vector_load_idx %arg8[%add3A_158] : memref<1024xi32, #tpu.memory_space<vmem>>[vector<16xi32>], vector<16xi32>,
    %swap3A_160 = arith.constant 400 : index
    %swap3A_161 = tpu.vector_load %arg9[%swap3A_160] {strides = array<i32>} : memref<512xi32, #tpu.memory_space<vmem>>, vector<16xi32>,
    tpu.vector_store %arg9[%swap3A_160], %gather3A_159 {strides = array<i32>} : memref<512xi32, #tpu.memory_space<vmem>>, vector<16xi32>,
    %add3A_162 = arith.constant 832 : i32
    %add3A_163 = vector.broadcast %add3A_162 : i32 to vector<16xi32>
    %add3A_164 = arith.addi %mul3A_7, %add3A_163 : vector<16xi32>
    %gather3A_165 = tpu.vector_load_idx %arg8[%add3A_164] : memref<1024xi32, #tpu.memory_space<vmem>>[vector<16xi32>], vector<16xi32>,
    %swap3A_166 = arith.constant 416 : index
    %swap3A_167 = tpu.vector_load %arg9[%swap3A_166] {strides = array<i32>} : memref<512xi32, #tpu.memory_space<vmem>>, vector<16xi32>,
    tpu.vector_store %arg9[%swap3A_166], %gather3A_165 {strides = array<i32>} : memref<512xi32, #tpu.memory_space<vmem>>, vector<16xi32>,
    %add3A_168 = arith.constant 864 : i32
    %add3A_169 = vector.broadcast %add3A_168 : i32 to vector<16xi32>
    %add3A_170 = arith.addi %mul3A_7, %add3A_169 : vector<16xi32>
    %gather3A_171 = tpu.vector_load_idx %arg8[%add3A_170] : memref<1024xi32, #tpu.memory_space<vmem>>[vector<16xi32>], vector<16xi32>,
    %swap3A_172 = arith.constant 432 : index
    %swap3A_173 = tpu.vector_load %arg9[%swap3A_172] {strides = array<i32>} : memref<512xi32, #tpu.memory_space<vmem>>, vector<16xi32>,
    tpu.vector_store %arg9[%swap3A_172], %gather3A_171 {strides = array<i32>} : memref<512xi32, #tpu.memory_space<vmem>>, vector<16xi32>,
    %add3A_174 = arith.constant 896 : i32
    %add3A_175 = vector.broadcast %add3A_174 : i32 to vector<16xi32>
    %add3A_176 = arith.addi %mul3A_7, %add3A_175 : vector<16xi32>
    %gather3A_177 = tpu.vector_load_idx %arg8[%add3A_176] : memref<1024xi32, #tpu.memory_space<vmem>>[vector<16xi32>], vector<16xi32>,
    %swap3A_178 = arith.constant 448 : index
    %swap3A_179 = tpu.vector_load %arg9[%swap3A_178] {strides = array<i32>} : memref<512xi32, #tpu.memory_space<vmem>>, vector<16xi32>,
    tpu.vector_store %arg9[%swap3A_178], %gather3A_177 {strides = array<i32>} : memref<512xi32, #tpu.memory_space<vmem>>, vector<16xi32>,
    %add3A_180 = arith.constant 928 : i32
    %add3A_181 = vector.broadcast %add3A_180 : i32 to vector<16xi32>
    %add3A_182 = arith.addi %mul3A_7, %add3A_181 : vector<16xi32>
    %gather3A_183 = tpu.vector_load_idx %arg8[%add3A_182] : memref<1024xi32, #tpu.memory_space<vmem>>[vector<16xi32>], vector<16xi32>,
    %swap3A_184 = arith.constant 464 : index
    %swap3A_185 = tpu.vector_load %arg9[%swap3A_184] {strides = array<i32>} : memref<512xi32, #tpu.memory_space<vmem>>, vector<16xi32>,
    tpu.vector_store %arg9[%swap3A_184], %gather3A_183 {strides = array<i32>} : memref<512xi32, #tpu.memory_space<vmem>>, vector<16xi32>,
    %add3A_186 = arith.constant 960 : i32
    %add3A_187 = vector.broadcast %add3A_186 : i32 to vector<16xi32>
    %add3A_188 = arith.addi %mul3A_7, %add3A_187 : vector<16xi32>
    %gather3A_189 = tpu.vector_load_idx %arg8[%add3A_188] : memref<1024xi32, #tpu.memory_space<vmem>>[vector<16xi32>], vector<16xi32>,
    %swap3A_190 = arith.constant 480 : index
    %swap3A_191 = tpu.vector_load %arg9[%swap3A_190] {strides = array<i32>} : memref<512xi32, #tpu.memory_space<vmem>>, vector<16xi32>,
    tpu.vector_store %arg9[%swap3A_190], %gather3A_189 {strides = array<i32>} : memref<512xi32, #tpu.memory_space<vmem>>, vector<16xi32>,
    %add3A_192 = arith.constant 992 : i32
    %add3A_193 = vector.broadcast %add3A_192 : i32 to vector<16xi32>
    %add3A_194 = arith.addi %mul3A_7, %add3A_193 : vector<16xi32>
    %gather3A_195 = tpu.vector_load_idx %arg8[%add3A_194] : memref<1024xi32, #tpu.memory_space<vmem>>[vector<16xi32>], vector<16xi32>,
    %swap3A_196 = arith.constant 496 : index
    %swap3A_197 = tpu.vector_load %arg9[%swap3A_196] {strides = array<i32>} : memref<512xi32, #tpu.memory_space<vmem>>, vector<16xi32>,
    tpu.vector_store %arg9[%swap3A_196], %gather3A_195 {strides = array<i32>} : memref<512xi32, #tpu.memory_space<vmem>>, vector<16xi32>,
    %iota3A_198 = tpu.iota {dimensions = array<i32: 0>} : vector<16xi32>
    %add3A_199 = arith.constant 0 : i32
    %add3A_200 = vector.broadcast %add3A_199 : i32 to vector<16xi32>
    %add3A_201 = arith.addi %iota3A_198, %add3A_200 : vector<16xi32>
    %gather3A_202 = tpu.vector_load_idx %arg9[%add3A_201] : memref<512xi32, #tpu.memory_space<vmem>>[vector<16xi32>], vector<16xi32>,
    %shift_right_arithmetic3A = arith.constant 1 : i32
    %shift_right_arithmetic3A_203 = vector.broadcast %shift_right_arithmetic3A : i32 to vector<16xi32>
    %shift_right_arithmetic3A_204 = arith.shrsi %gather3A_202, %shift_right_arithmetic3A_203 : vector<16xi32>
    %swap3A_205 = arith.constant 0 : index
    %swap3A_206 = tpu.vector_load %arg10[%swap3A_205] {strides = array<i32>} : memref<512xi32, #tpu.memory_space<vmem>>, vector<16xi32>,
    tpu.vector_store %arg10[%swap3A_205], %shift_right_arithmetic3A_204 {strides = array<i32>} : memref<512xi32, #tpu.memory_space<vmem>>, vector<16xi32>,
    %add3A_207 = arith.constant 16 : i32
    %add3A_208 = vector.broadcast %add3A_207 : i32 to vector<16xi32>
    %add3A_209 = arith.addi %iota3A_198, %add3A_208 : vector<16xi32>
    %gather3A_210 = tpu.vector_load_idx %arg9[%add3A_209] : memref<512xi32, #tpu.memory_space<vmem>>[vector<16xi32>], vector<16xi32>,
    %shift_right_arithmetic3A_211 = arith.constant 1 : i32
    %shift_right_arithmetic3A_212 = vector.broadcast %shift_right_arithmetic3A_211 : i32 to vector<16xi32>
    %shift_right_arithmetic3A_213 = arith.shrsi %gather3A_210, %shift_right_arithmetic3A_212 : vector<16xi32>
    %swap3A_214 = arith.constant 16 : index
    %swap3A_215 = tpu.vector_load %arg10[%swap3A_214] {strides = array<i32>} : memref<512xi32, #tpu.memory_space<vmem>>, vector<16xi32>,
    tpu.vector_store %arg10[%swap3A_214], %shift_right_arithmetic3A_213 {strides = array<i32>} : memref<512xi32, #tpu.memory_space<vmem>>, vector<16xi32>,
    %add3A_216 = arith.constant 32 : i32
    %add3A_217 = vector.broadcast %add3A_216 : i32 to vector<16xi32>
    %add3A_218 = arith.addi %iota3A_198, %add3A_217 : vector<16xi32>
    %gather3A_219 = tpu.vector_load_idx %arg9[%add3A_218] : memref<512xi32, #tpu.memory_space<vmem>>[vector<16xi32>], vector<16xi32>,
    %shift_right_arithmetic3A_220 = arith.constant 1 : i32
    %shift_right_arithmetic3A_221 = vector.broadcast %shift_right_arithmetic3A_220 : i32 to vector<16xi32>
    %shift_right_arithmetic3A_222 = arith.shrsi %gather3A_219, %shift_right_arithmetic3A_221 : vector<16xi32>
    %swap3A_223 = arith.constant 32 : index
    %swap3A_224 = tpu.vector_load %arg10[%swap3A_223] {strides = array<i32>} : memref<512xi32, #tpu.memory_space<vmem>>, vector<16xi32>,
    tpu.vector_store %arg10[%swap3A_223], %shift_right_arithmetic3A_222 {strides = array<i32>} : memref<512xi32, #tpu.memory_space<vmem>>, vector<16xi32>,
    %add3A_225 = arith.constant 48 : i32
    %add3A_226 = vector.broadcast %add3A_225 : i32 to vector<16xi32>
    %add3A_227 = arith.addi %iota3A_198, %add3A_226 : vector<16xi32>
    %gather3A_228 = tpu.vector_load_idx %arg9[%add3A_227] : memref<512xi32, #tpu.memory_space<vmem>>[vector<16xi32>], vector<16xi32>,
    %shift_right_arithmetic3A_229 = arith.constant 1 : i32
    %shift_right_arithmetic3A_230 = vector.broadcast %shift_right_arithmetic3A_229 : i32 to vector<16xi32>
    %shift_right_arithmetic3A_231 = arith.shrsi %gather3A_228, %shift_right_arithmetic3A_230 : vector<16xi32>
    %swap3A_232 = arith.constant 48 : index
    %swap3A_233 = tpu.vector_load %arg10[%swap3A_232] {strides = array<i32>} : memref<512xi32, #tpu.memory_space<vmem>>, vector<16xi32>,
    tpu.vector_store %arg10[%swap3A_232], %shift_right_arithmetic3A_231 {strides = array<i32>} : memref<512xi32, #tpu.memory_space<vmem>>, vector<16xi32>,
    %add3A_234 = arith.constant 64 : i32
    %add3A_235 = vector.broadcast %add3A_234 : i32 to vector<16xi32>
    %add3A_236 = arith.addi %iota3A_198, %add3A_235 : vector<16xi32>
    %gather3A_237 = tpu.vector_load_idx %arg9[%add3A_236] : memref<512xi32, #tpu.memory_space<vmem>>[vector<16xi32>], vector<16xi32>,
    %shift_right_arithmetic3A_238 = arith.constant 1 : i32
    %shift_right_arithmetic3A_239 = vector.broadcast %shift_right_arithmetic3A_238 : i32 to vector<16xi32>
    %shift_right_arithmetic3A_240 = arith.shrsi %gather3A_237, %shift_right_arithmetic3A_239 : vector<16xi32>
    %swap3A_241 = arith.constant 64 : index
    %swap3A_242 = tpu.vector_load %arg10[%swap3A_241] {strides = array<i32>} : memref<512xi32, #tpu.memory_space<vmem>>, vector<16xi32>,
    tpu.vector_store %arg10[%swap3A_241], %shift_right_arithmetic3A_240 {strides = array<i32>} : memref<512xi32, #tpu.memory_space<vmem>>, vector<16xi32>,
    %add3A_243 = arith.constant 80 : i32
    %add3A_244 = vector.broadcast %add3A_243 : i32 to vector<16xi32>
    %add3A_245 = arith.addi %iota3A_198, %add3A_244 : vector<16xi32>
    %gather3A_246 = tpu.vector_load_idx %arg9[%add3A_245] : memref<512xi32, #tpu.memory_space<vmem>>[vector<16xi32>], vector<16xi32>,
    %shift_right_arithmetic3A_247 = arith.constant 1 : i32
    %shift_right_arithmetic3A_248 = vector.broadcast %shift_right_arithmetic3A_247 : i32 to vector<16xi32>
    %shift_right_arithmetic3A_249 = arith.shrsi %gather3A_246, %shift_right_arithmetic3A_248 : vector<16xi32>
    %swap3A_250 = arith.constant 80 : index
    %swap3A_251 = tpu.vector_load %arg10[%swap3A_250] {strides = array<i32>} : memref<512xi32, #tpu.memory_space<vmem>>, vector<16xi32>,
    tpu.vector_store %arg10[%swap3A_250], %shift_right_arithmetic3A_249 {strides = array<i32>} : memref<512xi32, #tpu.memory_space<vmem>>, vector<16xi32>,
    %add3A_252 = arith.constant 96 : i32
    %add3A_253 = vector.broadcast %add3A_252 : i32 to vector<16xi32>
    %add3A_254 = arith.addi %iota3A_198, %add3A_253 : vector<16xi32>
    %gather3A_255 = tpu.vector_load_idx %arg9[%add3A_254] : memref<512xi32, #tpu.memory_space<vmem>>[vector<16xi32>], vector<16xi32>,
    %shift_right_arithmetic3A_256 = arith.constant 1 : i32
    %shift_right_arithmetic3A_257 = vector.broadcast %shift_right_arithmetic3A_256 : i32 to vector<16xi32>
    %shift_right_arithmetic3A_258 = arith.shrsi %gather3A_255, %shift_right_arithmetic3A_257 : vector<16xi32>
    %swap3A_259 = arith.constant 96 : index
    %swap3A_260 = tpu.vector_load %arg10[%swap3A_259] {strides = array<i32>} : memref<512xi32, #tpu.memory_space<vmem>>, vector<16xi32>,
    tpu.vector_store %arg10[%swap3A_259], %shift_right_arithmetic3A_258 {strides = array<i32>} : memref<512xi32, #tpu.memory_space<vmem>>, vector<16xi32>,
    %add3A_261 = arith.constant 112 : i32
    %add3A_262 = vector.broadcast %add3A_261 : i32 to vector<16xi32>
    %add3A_263 = arith.addi %iota3A_198, %add3A_262 : vector<16xi32>
    %gather3A_264 = tpu.vector_load_idx %arg9[%add3A_263] : memref<512xi32, #tpu.memory_space<vmem>>[vector<16xi32>], vector<16xi32>,
    %shift_right_arithmetic3A_265 = arith.constant 1 : i32
    %shift_right_arithmetic3A_266 = vector.broadcast %shift_right_arithmetic3A_265 : i32 to vector<16xi32>
    %shift_right_arithmetic3A_267 = arith.shrsi %gather3A_264, %shift_right_arithmetic3A_266 : vector<16xi32>
    %swap3A_268 = arith.constant 112 : index
    %swap3A_269 = tpu.vector_load %arg10[%swap3A_268] {strides = array<i32>} : memref<512xi32, #tpu.memory_space<vmem>>, vector<16xi32>,
    tpu.vector_store %arg10[%swap3A_268], %shift_right_arithmetic3A_267 {strides = array<i32>} : memref<512xi32, #tpu.memory_space<vmem>>, vector<16xi32>,
    %add3A_270 = arith.constant 128 : i32
    %add3A_271 = vector.broadcast %add3A_270 : i32 to vector<16xi32>
    %add3A_272 = arith.addi %iota3A_198, %add3A_271 : vector<16xi32>
    %gather3A_273 = tpu.vector_load_idx %arg9[%add3A_272] : memref<512xi32, #tpu.memory_space<vmem>>[vector<16xi32>], vector<16xi32>,
    %shift_right_arithmetic3A_274 = arith.constant 1 : i32
    %shift_right_arithmetic3A_275 = vector.broadcast %shift_right_arithmetic3A_274 : i32 to vector<16xi32>
    %shift_right_arithmetic3A_276 = arith.shrsi %gather3A_273, %shift_right_arithmetic3A_275 : vector<16xi32>
    %swap3A_277 = arith.constant 128 : index
    %swap3A_278 = tpu.vector_load %arg10[%swap3A_277] {strides = array<i32>} : memref<512xi32, #tpu.memory_space<vmem>>, vector<16xi32>,
    tpu.vector_store %arg10[%swap3A_277], %shift_right_arithmetic3A_276 {strides = array<i32>} : memref<512xi32, #tpu.memory_space<vmem>>, vector<16xi32>,
    %add3A_279 = arith.constant 144 : i32
    %add3A_280 = vector.broadcast %add3A_279 : i32 to vector<16xi32>
    %add3A_281 = arith.addi %iota3A_198, %add3A_280 : vector<16xi32>
    %gather3A_282 = tpu.vector_load_idx %arg9[%add3A_281] : memref<512xi32, #tpu.memory_space<vmem>>[vector<16xi32>], vector<16xi32>,
    %shift_right_arithmetic3A_283 = arith.constant 1 : i32
    %shift_right_arithmetic3A_284 = vector.broadcast %shift_right_arithmetic3A_283 : i32 to vector<16xi32>
    %shift_right_arithmetic3A_285 = arith.shrsi %gather3A_282, %shift_right_arithmetic3A_284 : vector<16xi32>
    %swap3A_286 = arith.constant 144 : index
    %swap3A_287 = tpu.vector_load %arg10[%swap3A_286] {strides = array<i32>} : memref<512xi32, #tpu.memory_space<vmem>>, vector<16xi32>,
    tpu.vector_store %arg10[%swap3A_286], %shift_right_arithmetic3A_285 {strides = array<i32>} : memref<512xi32, #tpu.memory_space<vmem>>, vector<16xi32>,
    %add3A_288 = arith.constant 160 : i32
    %add3A_289 = vector.broadcast %add3A_288 : i32 to vector<16xi32>
    %add3A_290 = arith.addi %iota3A_198, %add3A_289 : vector<16xi32>
    %gather3A_291 = tpu.vector_load_idx %arg9[%add3A_290] : memref<512xi32, #tpu.memory_space<vmem>>[vector<16xi32>], vector<16xi32>,
    %shift_right_arithmetic3A_292 = arith.constant 1 : i32
    %shift_right_arithmetic3A_293 = vector.broadcast %shift_right_arithmetic3A_292 : i32 to vector<16xi32>
    %shift_right_arithmetic3A_294 = arith.shrsi %gather3A_291, %shift_right_arithmetic3A_293 : vector<16xi32>
    %swap3A_295 = arith.constant 160 : index
    %swap3A_296 = tpu.vector_load %arg10[%swap3A_295] {strides = array<i32>} : memref<512xi32, #tpu.memory_space<vmem>>, vector<16xi32>,
    tpu.vector_store %arg10[%swap3A_295], %shift_right_arithmetic3A_294 {strides = array<i32>} : memref<512xi32, #tpu.memory_space<vmem>>, vector<16xi32>,
    %add3A_297 = arith.constant 176 : i32
    %add3A_298 = vector.broadcast %add3A_297 : i32 to vector<16xi32>
    %add3A_299 = arith.addi %iota3A_198, %add3A_298 : vector<16xi32>
    %gather3A_300 = tpu.vector_load_idx %arg9[%add3A_299] : memref<512xi32, #tpu.memory_space<vmem>>[vector<16xi32>], vector<16xi32>,
    %shift_right_arithmetic3A_301 = arith.constant 1 : i32
    %shift_right_arithmetic3A_302 = vector.broadcast %shift_right_arithmetic3A_301 : i32 to vector<16xi32>
    %shift_right_arithmetic3A_303 = arith.shrsi %gather3A_300, %shift_right_arithmetic3A_302 : vector<16xi32>
    %swap3A_304 = arith.constant 176 : index
    %swap3A_305 = tpu.vector_load %arg10[%swap3A_304] {strides = array<i32>} : memref<512xi32, #tpu.memory_space<vmem>>, vector<16xi32>,
    tpu.vector_store %arg10[%swap3A_304], %shift_right_arithmetic3A_303 {strides = array<i32>} : memref<512xi32, #tpu.memory_space<vmem>>, vector<16xi32>,
    %add3A_306 = arith.constant 192 : i32
    %add3A_307 = vector.broadcast %add3A_306 : i32 to vector<16xi32>
    %add3A_308 = arith.addi %iota3A_198, %add3A_307 : vector<16xi32>
    %gather3A_309 = tpu.vector_load_idx %arg9[%add3A_308] : memref<512xi32, #tpu.memory_space<vmem>>[vector<16xi32>], vector<16xi32>,
    %shift_right_arithmetic3A_310 = arith.constant 1 : i32
    %shift_right_arithmetic3A_311 = vector.broadcast %shift_right_arithmetic3A_310 : i32 to vector<16xi32>
    %shift_right_arithmetic3A_312 = arith.shrsi %gather3A_309, %shift_right_arithmetic3A_311 : vector<16xi32>
    %swap3A_313 = arith.constant 192 : index
    %swap3A_314 = tpu.vector_load %arg10[%swap3A_313] {strides = array<i32>} : memref<512xi32, #tpu.memory_space<vmem>>, vector<16xi32>,
    tpu.vector_store %arg10[%swap3A_313], %shift_right_arithmetic3A_312 {strides = array<i32>} : memref<512xi32, #tpu.memory_space<vmem>>, vector<16xi32>,
    %add3A_315 = arith.constant 208 : i32
    %add3A_316 = vector.broadcast %add3A_315 : i32 to vector<16xi32>
    %add3A_317 = arith.addi %iota3A_198, %add3A_316 : vector<16xi32>
    %gather3A_318 = tpu.vector_load_idx %arg9[%add3A_317] : memref<512xi32, #tpu.memory_space<vmem>>[vector<16xi32>], vector<16xi32>,
    %shift_right_arithmetic3A_319 = arith.constant 1 : i32
    %shift_right_arithmetic3A_320 = vector.broadcast %shift_right_arithmetic3A_319 : i32 to vector<16xi32>
    %shift_right_arithmetic3A_321 = arith.shrsi %gather3A_318, %shift_right_arithmetic3A_320 : vector<16xi32>
    %swap3A_322 = arith.constant 208 : index
    %swap3A_323 = tpu.vector_load %arg10[%swap3A_322] {strides = array<i32>} : memref<512xi32, #tpu.memory_space<vmem>>, vector<16xi32>,
    tpu.vector_store %arg10[%swap3A_322], %shift_right_arithmetic3A_321 {strides = array<i32>} : memref<512xi32, #tpu.memory_space<vmem>>, vector<16xi32>,
    %add3A_324 = arith.constant 224 : i32
    %add3A_325 = vector.broadcast %add3A_324 : i32 to vector<16xi32>
    %add3A_326 = arith.addi %iota3A_198, %add3A_325 : vector<16xi32>
    %gather3A_327 = tpu.vector_load_idx %arg9[%add3A_326] : memref<512xi32, #tpu.memory_space<vmem>>[vector<16xi32>], vector<16xi32>,
    %shift_right_arithmetic3A_328 = arith.constant 1 : i32
    %shift_right_arithmetic3A_329 = vector.broadcast %shift_right_arithmetic3A_328 : i32 to vector<16xi32>
    %shift_right_arithmetic3A_330 = arith.shrsi %gather3A_327, %shift_right_arithmetic3A_329 : vector<16xi32>
    %swap3A_331 = arith.constant 224 : index
    %swap3A_332 = tpu.vector_load %arg10[%swap3A_331] {strides = array<i32>} : memref<512xi32, #tpu.memory_space<vmem>>, vector<16xi32>,
    tpu.vector_store %arg10[%swap3A_331], %shift_right_arithmetic3A_330 {strides = array<i32>} : memref<512xi32, #tpu.memory_space<vmem>>, vector<16xi32>,
    %add3A_333 = arith.constant 240 : i32
    %add3A_334 = vector.broadcast %add3A_333 : i32 to vector<16xi32>
    %add3A_335 = arith.addi %iota3A_198, %add3A_334 : vector<16xi32>
    %gather3A_336 = tpu.vector_load_idx %arg9[%add3A_335] : memref<512xi32, #tpu.memory_space<vmem>>[vector<16xi32>], vector<16xi32>,
    %shift_right_arithmetic3A_337 = arith.constant 1 : i32
    %shift_right_arithmetic3A_338 = vector.broadcast %shift_right_arithmetic3A_337 : i32 to vector<16xi32>
    %shift_right_arithmetic3A_339 = arith.shrsi %gather3A_336, %shift_right_arithmetic3A_338 : vector<16xi32>
    %swap3A_340 = arith.constant 240 : index
    %swap3A_341 = tpu.vector_load %arg10[%swap3A_340] {strides = array<i32>} : memref<512xi32, #tpu.memory_space<vmem>>, vector<16xi32>,
    tpu.vector_store %arg10[%swap3A_340], %shift_right_arithmetic3A_339 {strides = array<i32>} : memref<512xi32, #tpu.memory_space<vmem>>, vector<16xi32>,
    %add3A_342 = arith.constant 256 : i32
    %add3A_343 = vector.broadcast %add3A_342 : i32 to vector<16xi32>
    %add3A_344 = arith.addi %iota3A_198, %add3A_343 : vector<16xi32>
    %gather3A_345 = tpu.vector_load_idx %arg9[%add3A_344] : memref<512xi32, #tpu.memory_space<vmem>>[vector<16xi32>], vector<16xi32>,
    %shift_right_arithmetic3A_346 = arith.constant 1 : i32
    %shift_right_arithmetic3A_347 = vector.broadcast %shift_right_arithmetic3A_346 : i32 to vector<16xi32>
    %shift_right_arithmetic3A_348 = arith.shrsi %gather3A_345, %shift_right_arithmetic3A_347 : vector<16xi32>
    %swap3A_349 = arith.constant 256 : index
    %swap3A_350 = tpu.vector_load %arg10[%swap3A_349] {strides = array<i32>} : memref<512xi32, #tpu.memory_space<vmem>>, vector<16xi32>,
    tpu.vector_store %arg10[%swap3A_349], %shift_right_arithmetic3A_348 {strides = array<i32>} : memref<512xi32, #tpu.memory_space<vmem>>, vector<16xi32>,
    %add3A_351 = arith.constant 272 : i32
    %add3A_352 = vector.broadcast %add3A_351 : i32 to vector<16xi32>
    %add3A_353 = arith.addi %iota3A_198, %add3A_352 : vector<16xi32>
    %gather3A_354 = tpu.vector_load_idx %arg9[%add3A_353] : memref<512xi32, #tpu.memory_space<vmem>>[vector<16xi32>], vector<16xi32>,
    %shift_right_arithmetic3A_355 = arith.constant 1 : i32
    %shift_right_arithmetic3A_356 = vector.broadcast %shift_right_arithmetic3A_355 : i32 to vector<16xi32>
    %shift_right_arithmetic3A_357 = arith.shrsi %gather3A_354, %shift_right_arithmetic3A_356 : vector<16xi32>
    %swap3A_358 = arith.constant 272 : index
    %swap3A_359 = tpu.vector_load %arg10[%swap3A_358] {strides = array<i32>} : memref<512xi32, #tpu.memory_space<vmem>>, vector<16xi32>,
    tpu.vector_store %arg10[%swap3A_358], %shift_right_arithmetic3A_357 {strides = array<i32>} : memref<512xi32, #tpu.memory_space<vmem>>, vector<16xi32>,
    %add3A_360 = arith.constant 288 : i32
    %add3A_361 = vector.broadcast %add3A_360 : i32 to vector<16xi32>
    %add3A_362 = arith.addi %iota3A_198, %add3A_361 : vector<16xi32>
    %gather3A_363 = tpu.vector_load_idx %arg9[%add3A_362] : memref<512xi32, #tpu.memory_space<vmem>>[vector<16xi32>], vector<16xi32>,
    %shift_right_arithmetic3A_364 = arith.constant 1 : i32
    %shift_right_arithmetic3A_365 = vector.broadcast %shift_right_arithmetic3A_364 : i32 to vector<16xi32>
    %shift_right_arithmetic3A_366 = arith.shrsi %gather3A_363, %shift_right_arithmetic3A_365 : vector<16xi32>
    %swap3A_367 = arith.constant 288 : index
    %swap3A_368 = tpu.vector_load %arg10[%swap3A_367] {strides = array<i32>} : memref<512xi32, #tpu.memory_space<vmem>>, vector<16xi32>,
    tpu.vector_store %arg10[%swap3A_367], %shift_right_arithmetic3A_366 {strides = array<i32>} : memref<512xi32, #tpu.memory_space<vmem>>, vector<16xi32>,
    %add3A_369 = arith.constant 304 : i32
    %add3A_370 = vector.broadcast %add3A_369 : i32 to vector<16xi32>
    %add3A_371 = arith.addi %iota3A_198, %add3A_370 : vector<16xi32>
    %gather3A_372 = tpu.vector_load_idx %arg9[%add3A_371] : memref<512xi32, #tpu.memory_space<vmem>>[vector<16xi32>], vector<16xi32>,
    %shift_right_arithmetic3A_373 = arith.constant 1 : i32
    %shift_right_arithmetic3A_374 = vector.broadcast %shift_right_arithmetic3A_373 : i32 to vector<16xi32>
    %shift_right_arithmetic3A_375 = arith.shrsi %gather3A_372, %shift_right_arithmetic3A_374 : vector<16xi32>
    %swap3A_376 = arith.constant 304 : index
    %swap3A_377 = tpu.vector_load %arg10[%swap3A_376] {strides = array<i32>} : memref<512xi32, #tpu.memory_space<vmem>>, vector<16xi32>,
    tpu.vector_store %arg10[%swap3A_376], %shift_right_arithmetic3A_375 {strides = array<i32>} : memref<512xi32, #tpu.memory_space<vmem>>, vector<16xi32>,
    %add3A_378 = arith.constant 320 : i32
    %add3A_379 = vector.broadcast %add3A_378 : i32 to vector<16xi32>
    %add3A_380 = arith.addi %iota3A_198, %add3A_379 : vector<16xi32>
    %gather3A_381 = tpu.vector_load_idx %arg9[%add3A_380] : memref<512xi32, #tpu.memory_space<vmem>>[vector<16xi32>], vector<16xi32>,
    %shift_right_arithmetic3A_382 = arith.constant 1 : i32
    %shift_right_arithmetic3A_383 = vector.broadcast %shift_right_arithmetic3A_382 : i32 to vector<16xi32>
    %shift_right_arithmetic3A_384 = arith.shrsi %gather3A_381, %shift_right_arithmetic3A_383 : vector<16xi32>
    %swap3A_385 = arith.constant 320 : index
    %swap3A_386 = tpu.vector_load %arg10[%swap3A_385] {strides = array<i32>} : memref<512xi32, #tpu.memory_space<vmem>>, vector<16xi32>,
    tpu.vector_store %arg10[%swap3A_385], %shift_right_arithmetic3A_384 {strides = array<i32>} : memref<512xi32, #tpu.memory_space<vmem>>, vector<16xi32>,
    %add3A_387 = arith.constant 336 : i32
    %add3A_388 = vector.broadcast %add3A_387 : i32 to vector<16xi32>
    %add3A_389 = arith.addi %iota3A_198, %add3A_388 : vector<16xi32>
    %gather3A_390 = tpu.vector_load_idx %arg9[%add3A_389] : memref<512xi32, #tpu.memory_space<vmem>>[vector<16xi32>], vector<16xi32>,
    %shift_right_arithmetic3A_391 = arith.constant 1 : i32
    %shift_right_arithmetic3A_392 = vector.broadcast %shift_right_arithmetic3A_391 : i32 to vector<16xi32>
    %shift_right_arithmetic3A_393 = arith.shrsi %gather3A_390, %shift_right_arithmetic3A_392 : vector<16xi32>
    %swap3A_394 = arith.constant 336 : index
    %swap3A_395 = tpu.vector_load %arg10[%swap3A_394] {strides = array<i32>} : memref<512xi32, #tpu.memory_space<vmem>>, vector<16xi32>,
    tpu.vector_store %arg10[%swap3A_394], %shift_right_arithmetic3A_393 {strides = array<i32>} : memref<512xi32, #tpu.memory_space<vmem>>, vector<16xi32>,
    %add3A_396 = arith.constant 352 : i32
    %add3A_397 = vector.broadcast %add3A_396 : i32 to vector<16xi32>
    %add3A_398 = arith.addi %iota3A_198, %add3A_397 : vector<16xi32>
    %gather3A_399 = tpu.vector_load_idx %arg9[%add3A_398] : memref<512xi32, #tpu.memory_space<vmem>>[vector<16xi32>], vector<16xi32>,
    %shift_right_arithmetic3A_400 = arith.constant 1 : i32
    %shift_right_arithmetic3A_401 = vector.broadcast %shift_right_arithmetic3A_400 : i32 to vector<16xi32>
    %shift_right_arithmetic3A_402 = arith.shrsi %gather3A_399, %shift_right_arithmetic3A_401 : vector<16xi32>
    %swap3A_403 = arith.constant 352 : index
    %swap3A_404 = tpu.vector_load %arg10[%swap3A_403] {strides = array<i32>} : memref<512xi32, #tpu.memory_space<vmem>>, vector<16xi32>,
    tpu.vector_store %arg10[%swap3A_403], %shift_right_arithmetic3A_402 {strides = array<i32>} : memref<512xi32, #tpu.memory_space<vmem>>, vector<16xi32>,
    %add3A_405 = arith.constant 368 : i32
    %add3A_406 = vector.broadcast %add3A_405 : i32 to vector<16xi32>
    %add3A_407 = arith.addi %iota3A_198, %add3A_406 : vector<16xi32>
    %gather3A_408 = tpu.vector_load_idx %arg9[%add3A_407] : memref<512xi32, #tpu.memory_space<vmem>>[vector<16xi32>], vector<16xi32>,
    %shift_right_arithmetic3A_409 = arith.constant 1 : i32
    %shift_right_arithmetic3A_410 = vector.broadcast %shift_right_arithmetic3A_409 : i32 to vector<16xi32>
    %shift_right_arithmetic3A_411 = arith.shrsi %gather3A_408, %shift_right_arithmetic3A_410 : vector<16xi32>
    %swap3A_412 = arith.constant 368 : index
    %swap3A_413 = tpu.vector_load %arg10[%swap3A_412] {strides = array<i32>} : memref<512xi32, #tpu.memory_space<vmem>>, vector<16xi32>,
    tpu.vector_store %arg10[%swap3A_412], %shift_right_arithmetic3A_411 {strides = array<i32>} : memref<512xi32, #tpu.memory_space<vmem>>, vector<16xi32>,
    %add3A_414 = arith.constant 384 : i32
    %add3A_415 = vector.broadcast %add3A_414 : i32 to vector<16xi32>
    %add3A_416 = arith.addi %iota3A_198, %add3A_415 : vector<16xi32>
    %gather3A_417 = tpu.vector_load_idx %arg9[%add3A_416] : memref<512xi32, #tpu.memory_space<vmem>>[vector<16xi32>], vector<16xi32>,
    %shift_right_arithmetic3A_418 = arith.constant 1 : i32
    %shift_right_arithmetic3A_419 = vector.broadcast %shift_right_arithmetic3A_418 : i32 to vector<16xi32>
    %shift_right_arithmetic3A_420 = arith.shrsi %gather3A_417, %shift_right_arithmetic3A_419 : vector<16xi32>
    %swap3A_421 = arith.constant 384 : index
    %swap3A_422 = tpu.vector_load %arg10[%swap3A_421] {strides = array<i32>} : memref<512xi32, #tpu.memory_space<vmem>>, vector<16xi32>,
    tpu.vector_store %arg10[%swap3A_421], %shift_right_arithmetic3A_420 {strides = array<i32>} : memref<512xi32, #tpu.memory_space<vmem>>, vector<16xi32>,
    %add3A_423 = arith.constant 400 : i32
    %add3A_424 = vector.broadcast %add3A_423 : i32 to vector<16xi32>
    %add3A_425 = arith.addi %iota3A_198, %add3A_424 : vector<16xi32>
    %gather3A_426 = tpu.vector_load_idx %arg9[%add3A_425] : memref<512xi32, #tpu.memory_space<vmem>>[vector<16xi32>], vector<16xi32>,
    %shift_right_arithmetic3A_427 = arith.constant 1 : i32
    %shift_right_arithmetic3A_428 = vector.broadcast %shift_right_arithmetic3A_427 : i32 to vector<16xi32>
    %shift_right_arithmetic3A_429 = arith.shrsi %gather3A_426, %shift_right_arithmetic3A_428 : vector<16xi32>
    %swap3A_430 = arith.constant 400 : index
    %swap3A_431 = tpu.vector_load %arg10[%swap3A_430] {strides = array<i32>} : memref<512xi32, #tpu.memory_space<vmem>>, vector<16xi32>,
    tpu.vector_store %arg10[%swap3A_430], %shift_right_arithmetic3A_429 {strides = array<i32>} : memref<512xi32, #tpu.memory_space<vmem>>, vector<16xi32>,
    %add3A_432 = arith.constant 416 : i32
    %add3A_433 = vector.broadcast %add3A_432 : i32 to vector<16xi32>
    %add3A_434 = arith.addi %iota3A_198, %add3A_433 : vector<16xi32>
    %gather3A_435 = tpu.vector_load_idx %arg9[%add3A_434] : memref<512xi32, #tpu.memory_space<vmem>>[vector<16xi32>], vector<16xi32>,
    %shift_right_arithmetic3A_436 = arith.constant 1 : i32
    %shift_right_arithmetic3A_437 = vector.broadcast %shift_right_arithmetic3A_436 : i32 to vector<16xi32>
    %shift_right_arithmetic3A_438 = arith.shrsi %gather3A_435, %shift_right_arithmetic3A_437 : vector<16xi32>
    %swap3A_439 = arith.constant 416 : index
    %swap3A_440 = tpu.vector_load %arg10[%swap3A_439] {strides = array<i32>} : memref<512xi32, #tpu.memory_space<vmem>>, vector<16xi32>,
    tpu.vector_store %arg10[%swap3A_439], %shift_right_arithmetic3A_438 {strides = array<i32>} : memref<512xi32, #tpu.memory_space<vmem>>, vector<16xi32>,
    %add3A_441 = arith.constant 432 : i32
    %add3A_442 = vector.broadcast %add3A_441 : i32 to vector<16xi32>
    %add3A_443 = arith.addi %iota3A_198, %add3A_442 : vector<16xi32>
    %gather3A_444 = tpu.vector_load_idx %arg9[%add3A_443] : memref<512xi32, #tpu.memory_space<vmem>>[vector<16xi32>], vector<16xi32>,
    %shift_right_arithmetic3A_445 = arith.constant 1 : i32
    %shift_right_arithmetic3A_446 = vector.broadcast %shift_right_arithmetic3A_445 : i32 to vector<16xi32>
    %shift_right_arithmetic3A_447 = arith.shrsi %gather3A_444, %shift_right_arithmetic3A_446 : vector<16xi32>
    %swap3A_448 = arith.constant 432 : index
    %swap3A_449 = tpu.vector_load %arg10[%swap3A_448] {strides = array<i32>} : memref<512xi32, #tpu.memory_space<vmem>>, vector<16xi32>,
    tpu.vector_store %arg10[%swap3A_448], %shift_right_arithmetic3A_447 {strides = array<i32>} : memref<512xi32, #tpu.memory_space<vmem>>, vector<16xi32>,
    %add3A_450 = arith.constant 448 : i32
    %add3A_451 = vector.broadcast %add3A_450 : i32 to vector<16xi32>
    %add3A_452 = arith.addi %iota3A_198, %add3A_451 : vector<16xi32>
    %gather3A_453 = tpu.vector_load_idx %arg9[%add3A_452] : memref<512xi32, #tpu.memory_space<vmem>>[vector<16xi32>], vector<16xi32>,
    %shift_right_arithmetic3A_454 = arith.constant 1 : i32
    %shift_right_arithmetic3A_455 = vector.broadcast %shift_right_arithmetic3A_454 : i32 to vector<16xi32>
    %shift_right_arithmetic3A_456 = arith.shrsi %gather3A_453, %shift_right_arithmetic3A_455 : vector<16xi32>
    %swap3A_457 = arith.constant 448 : index
    %swap3A_458 = tpu.vector_load %arg10[%swap3A_457] {strides = array<i32>} : memref<512xi32, #tpu.memory_space<vmem>>, vector<16xi32>,
    tpu.vector_store %arg10[%swap3A_457], %shift_right_arithmetic3A_456 {strides = array<i32>} : memref<512xi32, #tpu.memory_space<vmem>>, vector<16xi32>,
    %add3A_459 = arith.constant 464 : i32
    %add3A_460 = vector.broadcast %add3A_459 : i32 to vector<16xi32>
    %add3A_461 = arith.addi %iota3A_198, %add3A_460 : vector<16xi32>
    %gather3A_462 = tpu.vector_load_idx %arg9[%add3A_461] : memref<512xi32, #tpu.memory_space<vmem>>[vector<16xi32>], vector<16xi32>,
    %shift_right_arithmetic3A_463 = arith.constant 1 : i32
    %shift_right_arithmetic3A_464 = vector.broadcast %shift_right_arithmetic3A_463 : i32 to vector<16xi32>
    %shift_right_arithmetic3A_465 = arith.shrsi %gather3A_462, %shift_right_arithmetic3A_464 : vector<16xi32>
    %swap3A_466 = arith.constant 464 : index
    %swap3A_467 = tpu.vector_load %arg10[%swap3A_466] {strides = array<i32>} : memref<512xi32, #tpu.memory_space<vmem>>, vector<16xi32>,
    tpu.vector_store %arg10[%swap3A_466], %shift_right_arithmetic3A_465 {strides = array<i32>} : memref<512xi32, #tpu.memory_space<vmem>>, vector<16xi32>,
    %add3A_468 = arith.constant 480 : i32
    %add3A_469 = vector.broadcast %add3A_468 : i32 to vector<16xi32>
    %add3A_470 = arith.addi %iota3A_198, %add3A_469 : vector<16xi32>
    %gather3A_471 = tpu.vector_load_idx %arg9[%add3A_470] : memref<512xi32, #tpu.memory_space<vmem>>[vector<16xi32>], vector<16xi32>,
    %shift_right_arithmetic3A_472 = arith.constant 1 : i32
    %shift_right_arithmetic3A_473 = vector.broadcast %shift_right_arithmetic3A_472 : i32 to vector<16xi32>
    %shift_right_arithmetic3A_474 = arith.shrsi %gather3A_471, %shift_right_arithmetic3A_473 : vector<16xi32>
    %swap3A_475 = arith.constant 480 : index
    %swap3A_476 = tpu.vector_load %arg10[%swap3A_475] {strides = array<i32>} : memref<512xi32, #tpu.memory_space<vmem>>, vector<16xi32>,
    tpu.vector_store %arg10[%swap3A_475], %shift_right_arithmetic3A_474 {strides = array<i32>} : memref<512xi32, #tpu.memory_space<vmem>>, vector<16xi32>,
    %add3A_477 = arith.constant 496 : i32
    %add3A_478 = vector.broadcast %add3A_477 : i32 to vector<16xi32>
    %add3A_479 = arith.addi %iota3A_198, %add3A_478 : vector<16xi32>
    %gather3A_480 = tpu.vector_load_idx %arg9[%add3A_479] : memref<512xi32, #tpu.memory_space<vmem>>[vector<16xi32>], vector<16xi32>,
    %shift_right_arithmetic3A_481 = arith.constant 1 : i32
    %shift_right_arithmetic3A_482 = vector.broadcast %shift_right_arithmetic3A_481 : i32 to vector<16xi32>
    %shift_right_arithmetic3A_483 = arith.shrsi %gather3A_480, %shift_right_arithmetic3A_482 : vector<16xi32>
    %swap3A_484 = arith.constant 496 : index
    %swap3A_485 = tpu.vector_load %arg10[%swap3A_484] {strides = array<i32>} : memref<512xi32, #tpu.memory_space<vmem>>, vector<16xi32>,
    tpu.vector_store %arg10[%swap3A_484], %shift_right_arithmetic3A_483 {strides = array<i32>} : memref<512xi32, #tpu.memory_space<vmem>>, vector<16xi32>,
    %iota3A_486 = tpu.iota {dimensions = array<i32: 0>} : vector<16xi32>
    %shift_right_arithmetic3A_487 = arith.constant 1 : i32
    %shift_right_arithmetic3A_488 = vector.broadcast %shift_right_arithmetic3A_487 : i32 to vector<16xi32>
    %shift_right_arithmetic3A_489 = arith.shrsi %iota3A_486, %shift_right_arithmetic3A_488 : vector<16xi32>
    %and3A = arith.constant 1 : i32
    %and3A_490 = vector.broadcast %and3A : i32 to vector<16xi32>
    %and3A_491 = arith.andi %iota3A_486, %and3A_490 : vector<16xi32>
    %add3A_492 = arith.constant 0 : i32
    %add3A_493 = vector.broadcast %add3A_492 : i32 to vector<16xi32>
    %add3A_494 = arith.addi %shift_right_arithmetic3A_489, %add3A_493 : vector<16xi32>
    %gather3A_495 = tpu.vector_load_idx %arg11[%add3A_494] : memref<32xi32, #tpu.memory_space<vmem>>[vector<16xi32>], vector<16xi32>,
    %mul3A_496 = arith.constant 2 : i32
    %mul3A_497 = vector.broadcast %mul3A_496 : i32 to vector<16xi32>
    %mul3A_498 = arith.muli %gather3A_495, %mul3A_497 : vector<16xi32>
    %add3A_499 = arith.addi %mul3A_498, %and3A_491 : vector<16xi32>
    %add3A_500 = arith.constant 8 : i32
    %add3A_501 = vector.broadcast %add3A_500 : i32 to vector<16xi32>
    %add3A_502 = arith.addi %shift_right_arithmetic3A_489, %add3A_501 : vector<16xi32>
    %gather3A_503 = tpu.vector_load_idx %arg11[%add3A_502] : memref<32xi32, #tpu.memory_space<vmem>>[vector<16xi32>], vector<16xi32>,
    %mul3A_504 = arith.constant 2 : i32
    %mul3A_505 = vector.broadcast %mul3A_504 : i32 to vector<16xi32>
    %mul3A_506 = arith.muli %gather3A_503, %mul3A_505 : vector<16xi32>
    %add3A_507 = arith.addi %mul3A_506, %and3A_491 : vector<16xi32>
    %add3A_508 = arith.constant 16 : i32
    %add3A_509 = vector.broadcast %add3A_508 : i32 to vector<16xi32>
    %add3A_510 = arith.addi %shift_right_arithmetic3A_489, %add3A_509 : vector<16xi32>
    %gather3A_511 = tpu.vector_load_idx %arg11[%add3A_510] : memref<32xi32, #tpu.memory_space<vmem>>[vector<16xi32>], vector<16xi32>,
    %mul3A_512 = arith.constant 2 : i32
    %mul3A_513 = vector.broadcast %mul3A_512 : i32 to vector<16xi32>
    %mul3A_514 = arith.muli %gather3A_511, %mul3A_513 : vector<16xi32>
    %add3A_515 = arith.addi %mul3A_514, %and3A_491 : vector<16xi32>
    %add3A_516 = arith.constant 24 : i32
    %add3A_517 = vector.broadcast %add3A_516 : i32 to vector<16xi32>
    %add3A_518 = arith.addi %shift_right_arithmetic3A_489, %add3A_517 : vector<16xi32>
    %gather3A_519 = tpu.vector_load_idx %arg11[%add3A_518] : memref<32xi32, #tpu.memory_space<vmem>>[vector<16xi32>], vector<16xi32>,
    %mul3A_520 = arith.constant 2 : i32
    %mul3A_521 = vector.broadcast %mul3A_520 : i32 to vector<16xi32>
    %mul3A_522 = arith.muli %gather3A_519, %mul3A_521 : vector<16xi32>
    %add3A_523 = arith.addi %mul3A_522, %and3A_491 : vector<16xi32>
    %dma_start3A = arith.constant 0 : i32
    %dma_start3A_524 = tpu.memref_slice %arg10[%dma_start3A] : memref<512xi32, #tpu.memory_space<vmem>> -> memref<128xi32, #tpu.memory_space<vmem>>
    %dma_start3A_525 = arith.constant 0 : i32
    %dma_start3A_526 = arith.constant 0 : i32
    %dma_start3A_527 = tpu.memref_slice %arg3[%dma_start3A_525, %dma_start3A_526] : memref<50000x128xi32, #tpu.memory_space<hbm>> -> memref<50000x128xi32, #tpu.memory_space<hbm>>
    tpu.enqueue_indirect_dma source(%dma_start3A_527 : memref<50000x128xi32, #tpu.memory_space<hbm>>) target(%arg12 : memref<128x128xi32, #tpu.memory_space<vmem>>) offsets(%dma_start3A_524 : memref<128xi32, #tpu.memory_space<vmem>>) semaphore(%arg16 : memref<!tpu.dma_semaphore, #tpu.memory_space<semaphore_mem>>)
    %dma_start3A_528 = arith.constant 0 : i32
    %dma_start3A_529 = tpu.memref_slice %arg10[%dma_start3A_528] : memref<512xi32, #tpu.memory_space<vmem>> -> memref<128xi32, #tpu.memory_space<vmem>>
    %dma_start3A_530 = arith.constant 0 : i32
    %dma_start3A_531 = arith.constant 0 : i32
    %dma_start3A_532 = tpu.memref_slice %arg4[%dma_start3A_530, %dma_start3A_531] : memref<50000x128xi32, #tpu.memory_space<hbm>> -> memref<50000x128xi32, #tpu.memory_space<hbm>>
    tpu.enqueue_indirect_dma source(%dma_start3A_532 : memref<50000x128xi32, #tpu.memory_space<hbm>>) target(%arg13 : memref<128x128xi32, #tpu.memory_space<vmem>>) offsets(%dma_start3A_529 : memref<128xi32, #tpu.memory_space<vmem>>) semaphore(%arg16 : memref<!tpu.dma_semaphore, #tpu.memory_space<semaphore_mem>>)
    %dma_wait3A = arith.constant 0 : i32
    %dma_wait3A_533 = tpu.memref_slice %arg10[%dma_wait3A] : memref<512xi32, #tpu.memory_space<vmem>> -> memref<128xi32, #tpu.memory_space<vmem>>
    %dma_wait3A_534 = arith.constant 0 : i32
    %dma_wait3A_535 = arith.constant 0 : i32
    %dma_wait3A_536 = tpu.memref_slice %arg3[%dma_wait3A_534, %dma_wait3A_535] : memref<50000x128xi32, #tpu.memory_space<hbm>> -> memref<50000x128xi32, #tpu.memory_space<hbm>>
    tpu.wait_indirect_dma semaphore(%arg16 : memref<!tpu.dma_semaphore, #tpu.memory_space<semaphore_mem>>) src(%dma_wait3A_536 : memref<50000x128xi32, #tpu.memory_space<hbm>>) dst(%arg12 : memref<128x128xi32, #tpu.memory_space<vmem>>)
    %dma_wait3A_537 = arith.constant 0 : i32
    %dma_wait3A_538 = tpu.memref_slice %arg10[%dma_wait3A_537] : memref<512xi32, #tpu.memory_space<vmem>> -> memref<128xi32, #tpu.memory_space<vmem>>
    %dma_wait3A_539 = arith.constant 0 : i32
    %dma_wait3A_540 = arith.constant 0 : i32
    %dma_wait3A_541 = tpu.memref_slice %arg4[%dma_wait3A_539, %dma_wait3A_540] : memref<50000x128xi32, #tpu.memory_space<hbm>> -> memref<50000x128xi32, #tpu.memory_space<hbm>>
    tpu.wait_indirect_dma semaphore(%arg16 : memref<!tpu.dma_semaphore, #tpu.memory_space<semaphore_mem>>) src(%dma_wait3A_541 : memref<50000x128xi32, #tpu.memory_space<hbm>>) dst(%arg13 : memref<128x128xi32, #tpu.memory_space<vmem>>)
    %while3A = arith.constant 0 : i32
    %while3A_542 = arith.constant 64 : i32
    %while3A_543 = arith.constant 0 : i32
    %while3A_544 = arith.subi %while3A_542, %while3A : i32
    %while3A_545 = arith.addi %while3A, %while3A_544 : i32
    %while3A_546 = arith.constant 1 : i32
    %while3A_547 = arith.divsi %while3A_544, %while3A_546 : i32
    %while3A_548 = arith.muli %while3A_547, %while3A_546 : i32
    %while3A_549 = arith.addi %while3A, %while3A_548 : i32
    %while3A_550 = arith.constant 1 : i32
    %while3A_551 = scf.for %while3A_669 = %while3A to %while3A_549 step %while3A_550 iter_args(%while3A_670 = %while3A_543) -> (i32)  : i32 {
      %mul3A_671 = arith.constant 2 : i32
      %mul3A_672 = arith.muli %while3A_670, %mul3A_671 : i32
      %add3A_673 = arith.constant 0 : i32
      %add3A_674 = arith.addi %mul3A_672, %add3A_673 : i32
      %broadcast_in_dim3A = vector.broadcast %add3A_674 : i32 to vector<16xi32>
      %add3A_675 = arith.constant 0 : i32
      %add3A_676 = vector.broadcast %add3A_675 : i32 to vector<16xi32>
      %add3A_677 = arith.addi %broadcast_in_dim3A, %add3A_676 : vector<16xi32>
      %gather3A_678 = tpu.vector_load_idx %arg9[%add3A_677] : memref<512xi32, #tpu.memory_space<vmem>>[vector<16xi32>], vector<16xi32>,
      %and3A_679 = arith.constant 1 : i32
      %and3A_680 = vector.broadcast %and3A_679 : i32 to vector<16xi32>
      %and3A_681 = arith.andi %gather3A_678, %and3A_680 : vector<16xi32>
      %mul3A_682 = arith.constant 64 : i32
      %mul3A_683 = vector.broadcast %mul3A_682 : i32 to vector<16xi32>
      %mul3A_684 = arith.muli %and3A_681, %mul3A_683 : vector<16xi32>
      %add3A_685 = arith.addi %mul3A_684, %add3A_499 : vector<16xi32>
      %gather3A_686 = tpu.vector_load_idx %arg12[%broadcast_in_dim3A, %add3A_685] : memref<128x128xi32, #tpu.memory_space<vmem>>[vector<16xi32>, vector<16xi32>], vector<16xi32>,
      %swap3A_687 = arith.index_cast %while3A_670 : i32 to index
      %swap3A_688 = arith.constant 0 : index
      %swap3A_689 = tpu.vector_load %arg14[%swap3A_687, %swap3A_688] {strides = array<i32>} : memref<64x128xi32, #tpu.memory_space<vmem>>, vector<16xi32>,
      tpu.vector_store %arg14[%swap3A_687, %swap3A_688], %gather3A_686 {strides = array<i32>} : memref<64x128xi32, #tpu.memory_space<vmem>>, vector<16xi32>,
      %add3A_690 = arith.addi %mul3A_684, %add3A_499 : vector<16xi32>
      %gather3A_691 = tpu.vector_load_idx %arg13[%broadcast_in_dim3A, %add3A_690] : memref<128x128xi32, #tpu.memory_space<vmem>>[vector<16xi32>, vector<16xi32>], vector<16xi32>,
      %swap3A_692 = arith.index_cast %while3A_670 : i32 to index
      %swap3A_693 = arith.constant 0 : index
      %swap3A_694 = tpu.vector_load %arg15[%swap3A_692, %swap3A_693] {strides = array<i32>} : memref<64x128xi32, #tpu.memory_space<vmem>>, vector<16xi32>,
      tpu.vector_store %arg15[%swap3A_692, %swap3A_693], %gather3A_691 {strides = array<i32>} : memref<64x128xi32, #tpu.memory_space<vmem>>, vector<16xi32>,
      %add3A_695 = arith.addi %mul3A_684, %add3A_507 : vector<16xi32>
      %gather3A_696 = tpu.vector_load_idx %arg12[%broadcast_in_dim3A, %add3A_695] : memref<128x128xi32, #tpu.memory_space<vmem>>[vector<16xi32>, vector<16xi32>], vector<16xi32>,
      %swap3A_697 = arith.index_cast %while3A_670 : i32 to index
      %swap3A_698 = arith.constant 16 : index
      %swap3A_699 = tpu.vector_load %arg14[%swap3A_697, %swap3A_698] {strides = array<i32>} : memref<64x128xi32, #tpu.memory_space<vmem>>, vector<16xi32>,
      tpu.vector_store %arg14[%swap3A_697, %swap3A_698], %gather3A_696 {strides = array<i32>} : memref<64x128xi32, #tpu.memory_space<vmem>>, vector<16xi32>,
      %add3A_700 = arith.addi %mul3A_684, %add3A_507 : vector<16xi32>
      %gather3A_701 = tpu.vector_load_idx %arg13[%broadcast_in_dim3A, %add3A_700] : memref<128x128xi32, #tpu.memory_space<vmem>>[vector<16xi32>, vector<16xi32>], vector<16xi32>,
      %swap3A_702 = arith.index_cast %while3A_670 : i32 to index
      %swap3A_703 = arith.constant 16 : index
      %swap3A_704 = tpu.vector_load %arg15[%swap3A_702, %swap3A_703] {strides = array<i32>} : memref<64x128xi32, #tpu.memory_space<vmem>>, vector<16xi32>,
      tpu.vector_store %arg15[%swap3A_702, %swap3A_703], %gather3A_701 {strides = array<i32>} : memref<64x128xi32, #tpu.memory_space<vmem>>, vector<16xi32>,
      %add3A_705 = arith.addi %mul3A_684, %add3A_515 : vector<16xi32>
      %gather3A_706 = tpu.vector_load_idx %arg12[%broadcast_in_dim3A, %add3A_705] : memref<128x128xi32, #tpu.memory_space<vmem>>[vector<16xi32>, vector<16xi32>], vector<16xi32>,
      %swap3A_707 = arith.index_cast %while3A_670 : i32 to index
      %swap3A_708 = arith.constant 32 : index
      %swap3A_709 = tpu.vector_load %arg14[%swap3A_707, %swap3A_708] {strides = array<i32>} : memref<64x128xi32, #tpu.memory_space<vmem>>, vector<16xi32>,
      tpu.vector_store %arg14[%swap3A_707, %swap3A_708], %gather3A_706 {strides = array<i32>} : memref<64x128xi32, #tpu.memory_space<vmem>>, vector<16xi32>,
      %add3A_710 = arith.addi %mul3A_684, %add3A_515 : vector<16xi32>
      %gather3A_711 = tpu.vector_load_idx %arg13[%broadcast_in_dim3A, %add3A_710] : memref<128x128xi32, #tpu.memory_space<vmem>>[vector<16xi32>, vector<16xi32>], vector<16xi32>,
      %swap3A_712 = arith.index_cast %while3A_670 : i32 to index
      %swap3A_713 = arith.constant 32 : index
      %swap3A_714 = tpu.vector_load %arg15[%swap3A_712, %swap3A_713] {strides = array<i32>} : memref<64x128xi32, #tpu.memory_space<vmem>>, vector<16xi32>,
      tpu.vector_store %arg15[%swap3A_712, %swap3A_713], %gather3A_711 {strides = array<i32>} : memref<64x128xi32, #tpu.memory_space<vmem>>, vector<16xi32>,
      %add3A_715 = arith.addi %mul3A_684, %add3A_523 : vector<16xi32>
      %gather3A_716 = tpu.vector_load_idx %arg12[%broadcast_in_dim3A, %add3A_715] : memref<128x128xi32, #tpu.memory_space<vmem>>[vector<16xi32>, vector<16xi32>], vector<16xi32>,
      %swap3A_717 = arith.index_cast %while3A_670 : i32 to index
      %swap3A_718 = arith.constant 48 : index
      %swap3A_719 = tpu.vector_load %arg14[%swap3A_717, %swap3A_718] {strides = array<i32>} : memref<64x128xi32, #tpu.memory_space<vmem>>, vector<16xi32>,
      tpu.vector_store %arg14[%swap3A_717, %swap3A_718], %gather3A_716 {strides = array<i32>} : memref<64x128xi32, #tpu.memory_space<vmem>>, vector<16xi32>,
      %add3A_720 = arith.addi %mul3A_684, %add3A_523 : vector<16xi32>
      %gather3A_721 = tpu.vector_load_idx %arg13[%broadcast_in_dim3A, %add3A_720] : memref<128x128xi32, #tpu.memory_space<vmem>>[vector<16xi32>, vector<16xi32>], vector<16xi32>,
      %swap3A_722 = arith.index_cast %while3A_670 : i32 to index
      %swap3A_723 = arith.constant 48 : index
      %swap3A_724 = tpu.vector_load %arg15[%swap3A_722, %swap3A_723] {strides = array<i32>} : memref<64x128xi32, #tpu.memory_space<vmem>>, vector<16xi32>,
      tpu.vector_store %arg15[%swap3A_722, %swap3A_723], %gather3A_721 {strides = array<i32>} : memref<64x128xi32, #tpu.memory_space<vmem>>, vector<16xi32>,
      %mul3A_725 = arith.constant 2 : i32
      %mul3A_726 = arith.muli %while3A_670, %mul3A_725 : i32
      %add3A_727 = arith.constant 1 : i32
      %add3A_728 = arith.addi %mul3A_726, %add3A_727 : i32
      %broadcast_in_dim3A_729 = vector.broadcast %add3A_728 : i32 to vector<16xi32>
      %add3A_730 = arith.constant 0 : i32
      %add3A_731 = vector.broadcast %add3A_730 : i32 to vector<16xi32>
      %add3A_732 = arith.addi %broadcast_in_dim3A_729, %add3A_731 : vector<16xi32>
      %gather3A_733 = tpu.vector_load_idx %arg9[%add3A_732] : memref<512xi32, #tpu.memory_space<vmem>>[vector<16xi32>], vector<16xi32>,
      %and3A_734 = arith.constant 1 : i32
      %and3A_735 = vector.broadcast %and3A_734 : i32 to vector<16xi32>
      %and3A_736 = arith.andi %gather3A_733, %and3A_735 : vector<16xi32>
      %mul3A_737 = arith.constant 64 : i32
      %mul3A_738 = vector.broadcast %mul3A_737 : i32 to vector<16xi32>
      %mul3A_739 = arith.muli %and3A_736, %mul3A_738 : vector<16xi32>
      %add3A_740 = arith.addi %mul3A_739, %add3A_499 : vector<16xi32>
      %gather3A_741 = tpu.vector_load_idx %arg12[%broadcast_in_dim3A_729, %add3A_740] : memref<128x128xi32, #tpu.memory_space<vmem>>[vector<16xi32>, vector<16xi32>], vector<16xi32>,
      %swap3A_742 = arith.index_cast %while3A_670 : i32 to index
      %swap3A_743 = arith.constant 64 : index
      %swap3A_744 = tpu.vector_load %arg14[%swap3A_742, %swap3A_743] {strides = array<i32>} : memref<64x128xi32, #tpu.memory_space<vmem>>, vector<16xi32>,
      tpu.vector_store %arg14[%swap3A_742, %swap3A_743], %gather3A_741 {strides = array<i32>} : memref<64x128xi32, #tpu.memory_space<vmem>>, vector<16xi32>,
      %add3A_745 = arith.addi %mul3A_739, %add3A_499 : vector<16xi32>
      %gather3A_746 = tpu.vector_load_idx %arg13[%broadcast_in_dim3A_729, %add3A_745] : memref<128x128xi32, #tpu.memory_space<vmem>>[vector<16xi32>, vector<16xi32>], vector<16xi32>,
      %swap3A_747 = arith.index_cast %while3A_670 : i32 to index
      %swap3A_748 = arith.constant 64 : index
      %swap3A_749 = tpu.vector_load %arg15[%swap3A_747, %swap3A_748] {strides = array<i32>} : memref<64x128xi32, #tpu.memory_space<vmem>>, vector<16xi32>,
      tpu.vector_store %arg15[%swap3A_747, %swap3A_748], %gather3A_746 {strides = array<i32>} : memref<64x128xi32, #tpu.memory_space<vmem>>, vector<16xi32>,
      %add3A_750 = arith.addi %mul3A_739, %add3A_507 : vector<16xi32>
      %gather3A_751 = tpu.vector_load_idx %arg12[%broadcast_in_dim3A_729, %add3A_750] : memref<128x128xi32, #tpu.memory_space<vmem>>[vector<16xi32>, vector<16xi32>], vector<16xi32>,
      %swap3A_752 = arith.index_cast %while3A_670 : i32 to index
      %swap3A_753 = arith.constant 80 : index
      %swap3A_754 = tpu.vector_load %arg14[%swap3A_752, %swap3A_753] {strides = array<i32>} : memref<64x128xi32, #tpu.memory_space<vmem>>, vector<16xi32>,
      tpu.vector_store %arg14[%swap3A_752, %swap3A_753], %gather3A_751 {strides = array<i32>} : memref<64x128xi32, #tpu.memory_space<vmem>>, vector<16xi32>,
      %add3A_755 = arith.addi %mul3A_739, %add3A_507 : vector<16xi32>
      %gather3A_756 = tpu.vector_load_idx %arg13[%broadcast_in_dim3A_729, %add3A_755] : memref<128x128xi32, #tpu.memory_space<vmem>>[vector<16xi32>, vector<16xi32>], vector<16xi32>,
      %swap3A_757 = arith.index_cast %while3A_670 : i32 to index
      %swap3A_758 = arith.constant 80 : index
      %swap3A_759 = tpu.vector_load %arg15[%swap3A_757, %swap3A_758] {strides = array<i32>} : memref<64x128xi32, #tpu.memory_space<vmem>>, vector<16xi32>,
      tpu.vector_store %arg15[%swap3A_757, %swap3A_758], %gather3A_756 {strides = array<i32>} : memref<64x128xi32, #tpu.memory_space<vmem>>, vector<16xi32>,
      %add3A_760 = arith.addi %mul3A_739, %add3A_515 : vector<16xi32>
      %gather3A_761 = tpu.vector_load_idx %arg12[%broadcast_in_dim3A_729, %add3A_760] : memref<128x128xi32, #tpu.memory_space<vmem>>[vector<16xi32>, vector<16xi32>], vector<16xi32>,
      %swap3A_762 = arith.index_cast %while3A_670 : i32 to index
      %swap3A_763 = arith.constant 96 : index
      %swap3A_764 = tpu.vector_load %arg14[%swap3A_762, %swap3A_763] {strides = array<i32>} : memref<64x128xi32, #tpu.memory_space<vmem>>, vector<16xi32>,
      tpu.vector_store %arg14[%swap3A_762, %swap3A_763], %gather3A_761 {strides = array<i32>} : memref<64x128xi32, #tpu.memory_space<vmem>>, vector<16xi32>,
      %add3A_765 = arith.addi %mul3A_739, %add3A_515 : vector<16xi32>
      %gather3A_766 = tpu.vector_load_idx %arg13[%broadcast_in_dim3A_729, %add3A_765] : memref<128x128xi32, #tpu.memory_space<vmem>>[vector<16xi32>, vector<16xi32>], vector<16xi32>,
      %swap3A_767 = arith.index_cast %while3A_670 : i32 to index
      %swap3A_768 = arith.constant 96 : index
      %swap3A_769 = tpu.vector_load %arg15[%swap3A_767, %swap3A_768] {strides = array<i32>} : memref<64x128xi32, #tpu.memory_space<vmem>>, vector<16xi32>,
      tpu.vector_store %arg15[%swap3A_767, %swap3A_768], %gather3A_766 {strides = array<i32>} : memref<64x128xi32, #tpu.memory_space<vmem>>, vector<16xi32>,
      %add3A_770 = arith.addi %mul3A_739, %add3A_523 : vector<16xi32>
      %gather3A_771 = tpu.vector_load_idx %arg12[%broadcast_in_dim3A_729, %add3A_770] : memref<128x128xi32, #tpu.memory_space<vmem>>[vector<16xi32>, vector<16xi32>], vector<16xi32>,
      %swap3A_772 = arith.index_cast %while3A_670 : i32 to index
      %swap3A_773 = arith.constant 112 : index
      %swap3A_774 = tpu.vector_load %arg14[%swap3A_772, %swap3A_773] {strides = array<i32>} : memref<64x128xi32, #tpu.memory_space<vmem>>, vector<16xi32>,
      tpu.vector_store %arg14[%swap3A_772, %swap3A_773], %gather3A_771 {strides = array<i32>} : memref<64x128xi32, #tpu.memory_space<vmem>>, vector<16xi32>,
      %add3A_775 = arith.addi %mul3A_739, %add3A_523 : vector<16xi32>
      %gather3A_776 = tpu.vector_load_idx %arg13[%broadcast_in_dim3A_729, %add3A_775] : memref<128x128xi32, #tpu.memory_space<vmem>>[vector<16xi32>, vector<16xi32>], vector<16xi32>,
      %swap3A_777 = arith.index_cast %while3A_670 : i32 to index
      %swap3A_778 = arith.constant 112 : index
      %swap3A_779 = tpu.vector_load %arg15[%swap3A_777, %swap3A_778] {strides = array<i32>} : memref<64x128xi32, #tpu.memory_space<vmem>>, vector<16xi32>,
      tpu.vector_store %arg15[%swap3A_777, %swap3A_778], %gather3A_776 {strides = array<i32>} : memref<64x128xi32, #tpu.memory_space<vmem>>, vector<16xi32>,
      %add3A_780 = arith.constant 1 : i32
      %add3A_781 = arith.addi %while3A_670, %add3A_780 : i32
      scf.yield %add3A_781 : i32
    }
    %while3A_552 = arith.constant 1 : i32
    %while3A_553 = scf.for %while3A_669 = %while3A_549 to %while3A_545 step %while3A_552 iter_args(%while3A_670 = %while3A_551) -> (i32)  : i32 {
      %mul3A_671 = arith.constant 2 : i32
      %mul3A_672 = arith.muli %while3A_670, %mul3A_671 : i32
      %add3A_673 = arith.constant 0 : i32
      %add3A_674 = arith.addi %mul3A_672, %add3A_673 : i32
      %broadcast_in_dim3A = vector.broadcast %add3A_674 : i32 to vector<16xi32>
      %add3A_675 = arith.constant 0 : i32
      %add3A_676 = vector.broadcast %add3A_675 : i32 to vector<16xi32>
      %add3A_677 = arith.addi %broadcast_in_dim3A, %add3A_676 : vector<16xi32>
      %gather3A_678 = tpu.vector_load_idx %arg9[%add3A_677] : memref<512xi32, #tpu.memory_space<vmem>>[vector<16xi32>], vector<16xi32>,
      %and3A_679 = arith.constant 1 : i32
      %and3A_680 = vector.broadcast %and3A_679 : i32 to vector<16xi32>
      %and3A_681 = arith.andi %gather3A_678, %and3A_680 : vector<16xi32>
      %mul3A_682 = arith.constant 64 : i32
      %mul3A_683 = vector.broadcast %mul3A_682 : i32 to vector<16xi32>
      %mul3A_684 = arith.muli %and3A_681, %mul3A_683 : vector<16xi32>
      %add3A_685 = arith.addi %mul3A_684, %add3A_499 : vector<16xi32>
      %gather3A_686 = tpu.vector_load_idx %arg12[%broadcast_in_dim3A, %add3A_685] : memref<128x128xi32, #tpu.memory_space<vmem>>[vector<16xi32>, vector<16xi32>], vector<16xi32>,
      %swap3A_687 = arith.index_cast %while3A_670 : i32 to index
      %swap3A_688 = arith.constant 0 : index
      %swap3A_689 = tpu.vector_load %arg14[%swap3A_687, %swap3A_688] {strides = array<i32>} : memref<64x128xi32, #tpu.memory_space<vmem>>, vector<16xi32>,
      tpu.vector_store %arg14[%swap3A_687, %swap3A_688], %gather3A_686 {strides = array<i32>} : memref<64x128xi32, #tpu.memory_space<vmem>>, vector<16xi32>,
      %add3A_690 = arith.addi %mul3A_684, %add3A_499 : vector<16xi32>
      %gather3A_691 = tpu.vector_load_idx %arg13[%broadcast_in_dim3A, %add3A_690] : memref<128x128xi32, #tpu.memory_space<vmem>>[vector<16xi32>, vector<16xi32>], vector<16xi32>,
      %swap3A_692 = arith.index_cast %while3A_670 : i32 to index
      %swap3A_693 = arith.constant 0 : index
      %swap3A_694 = tpu.vector_load %arg15[%swap3A_692, %swap3A_693] {strides = array<i32>} : memref<64x128xi32, #tpu.memory_space<vmem>>, vector<16xi32>,
      tpu.vector_store %arg15[%swap3A_692, %swap3A_693], %gather3A_691 {strides = array<i32>} : memref<64x128xi32, #tpu.memory_space<vmem>>, vector<16xi32>,
      %add3A_695 = arith.addi %mul3A_684, %add3A_507 : vector<16xi32>
      %gather3A_696 = tpu.vector_load_idx %arg12[%broadcast_in_dim3A, %add3A_695] : memref<128x128xi32, #tpu.memory_space<vmem>>[vector<16xi32>, vector<16xi32>], vector<16xi32>,
      %swap3A_697 = arith.index_cast %while3A_670 : i32 to index
      %swap3A_698 = arith.constant 16 : index
      %swap3A_699 = tpu.vector_load %arg14[%swap3A_697, %swap3A_698] {strides = array<i32>} : memref<64x128xi32, #tpu.memory_space<vmem>>, vector<16xi32>,
      tpu.vector_store %arg14[%swap3A_697, %swap3A_698], %gather3A_696 {strides = array<i32>} : memref<64x128xi32, #tpu.memory_space<vmem>>, vector<16xi32>,
      %add3A_700 = arith.addi %mul3A_684, %add3A_507 : vector<16xi32>
      %gather3A_701 = tpu.vector_load_idx %arg13[%broadcast_in_dim3A, %add3A_700] : memref<128x128xi32, #tpu.memory_space<vmem>>[vector<16xi32>, vector<16xi32>], vector<16xi32>,
      %swap3A_702 = arith.index_cast %while3A_670 : i32 to index
      %swap3A_703 = arith.constant 16 : index
      %swap3A_704 = tpu.vector_load %arg15[%swap3A_702, %swap3A_703] {strides = array<i32>} : memref<64x128xi32, #tpu.memory_space<vmem>>, vector<16xi32>,
      tpu.vector_store %arg15[%swap3A_702, %swap3A_703], %gather3A_701 {strides = array<i32>} : memref<64x128xi32, #tpu.memory_space<vmem>>, vector<16xi32>,
      %add3A_705 = arith.addi %mul3A_684, %add3A_515 : vector<16xi32>
      %gather3A_706 = tpu.vector_load_idx %arg12[%broadcast_in_dim3A, %add3A_705] : memref<128x128xi32, #tpu.memory_space<vmem>>[vector<16xi32>, vector<16xi32>], vector<16xi32>,
      %swap3A_707 = arith.index_cast %while3A_670 : i32 to index
      %swap3A_708 = arith.constant 32 : index
      %swap3A_709 = tpu.vector_load %arg14[%swap3A_707, %swap3A_708] {strides = array<i32>} : memref<64x128xi32, #tpu.memory_space<vmem>>, vector<16xi32>,
      tpu.vector_store %arg14[%swap3A_707, %swap3A_708], %gather3A_706 {strides = array<i32>} : memref<64x128xi32, #tpu.memory_space<vmem>>, vector<16xi32>,
      %add3A_710 = arith.addi %mul3A_684, %add3A_515 : vector<16xi32>
      %gather3A_711 = tpu.vector_load_idx %arg13[%broadcast_in_dim3A, %add3A_710] : memref<128x128xi32, #tpu.memory_space<vmem>>[vector<16xi32>, vector<16xi32>], vector<16xi32>,
      %swap3A_712 = arith.index_cast %while3A_670 : i32 to index
      %swap3A_713 = arith.constant 32 : index
      %swap3A_714 = tpu.vector_load %arg15[%swap3A_712, %swap3A_713] {strides = array<i32>} : memref<64x128xi32, #tpu.memory_space<vmem>>, vector<16xi32>,
      tpu.vector_store %arg15[%swap3A_712, %swap3A_713], %gather3A_711 {strides = array<i32>} : memref<64x128xi32, #tpu.memory_space<vmem>>, vector<16xi32>,
      %add3A_715 = arith.addi %mul3A_684, %add3A_523 : vector<16xi32>
      %gather3A_716 = tpu.vector_load_idx %arg12[%broadcast_in_dim3A, %add3A_715] : memref<128x128xi32, #tpu.memory_space<vmem>>[vector<16xi32>, vector<16xi32>], vector<16xi32>,
      %swap3A_717 = arith.index_cast %while3A_670 : i32 to index
      %swap3A_718 = arith.constant 48 : index
      %swap3A_719 = tpu.vector_load %arg14[%swap3A_717, %swap3A_718] {strides = array<i32>} : memref<64x128xi32, #tpu.memory_space<vmem>>, vector<16xi32>,
      tpu.vector_store %arg14[%swap3A_717, %swap3A_718], %gather3A_716 {strides = array<i32>} : memref<64x128xi32, #tpu.memory_space<vmem>>, vector<16xi32>,
      %add3A_720 = arith.addi %mul3A_684, %add3A_523 : vector<16xi32>
      %gather3A_721 = tpu.vector_load_idx %arg13[%broadcast_in_dim3A, %add3A_720] : memref<128x128xi32, #tpu.memory_space<vmem>>[vector<16xi32>, vector<16xi32>], vector<16xi32>,
      %swap3A_722 = arith.index_cast %while3A_670 : i32 to index
      %swap3A_723 = arith.constant 48 : index
      %swap3A_724 = tpu.vector_load %arg15[%swap3A_722, %swap3A_723] {strides = array<i32>} : memref<64x128xi32, #tpu.memory_space<vmem>>, vector<16xi32>,
      tpu.vector_store %arg15[%swap3A_722, %swap3A_723], %gather3A_721 {strides = array<i32>} : memref<64x128xi32, #tpu.memory_space<vmem>>, vector<16xi32>,
      %mul3A_725 = arith.constant 2 : i32
      %mul3A_726 = arith.muli %while3A_670, %mul3A_725 : i32
      %add3A_727 = arith.constant 1 : i32
      %add3A_728 = arith.addi %mul3A_726, %add3A_727 : i32
      %broadcast_in_dim3A_729 = vector.broadcast %add3A_728 : i32 to vector<16xi32>
      %add3A_730 = arith.constant 0 : i32
      %add3A_731 = vector.broadcast %add3A_730 : i32 to vector<16xi32>
      %add3A_732 = arith.addi %broadcast_in_dim3A_729, %add3A_731 : vector<16xi32>
      %gather3A_733 = tpu.vector_load_idx %arg9[%add3A_732] : memref<512xi32, #tpu.memory_space<vmem>>[vector<16xi32>], vector<16xi32>,
      %and3A_734 = arith.constant 1 : i32
      %and3A_735 = vector.broadcast %and3A_734 : i32 to vector<16xi32>
      %and3A_736 = arith.andi %gather3A_733, %and3A_735 : vector<16xi32>
      %mul3A_737 = arith.constant 64 : i32
      %mul3A_738 = vector.broadcast %mul3A_737 : i32 to vector<16xi32>
      %mul3A_739 = arith.muli %and3A_736, %mul3A_738 : vector<16xi32>
      %add3A_740 = arith.addi %mul3A_739, %add3A_499 : vector<16xi32>
      %gather3A_741 = tpu.vector_load_idx %arg12[%broadcast_in_dim3A_729, %add3A_740] : memref<128x128xi32, #tpu.memory_space<vmem>>[vector<16xi32>, vector<16xi32>], vector<16xi32>,
      %swap3A_742 = arith.index_cast %while3A_670 : i32 to index
      %swap3A_743 = arith.constant 64 : index
      %swap3A_744 = tpu.vector_load %arg14[%swap3A_742, %swap3A_743] {strides = array<i32>} : memref<64x128xi32, #tpu.memory_space<vmem>>, vector<16xi32>,
      tpu.vector_store %arg14[%swap3A_742, %swap3A_743], %gather3A_741 {strides = array<i32>} : memref<64x128xi32, #tpu.memory_space<vmem>>, vector<16xi32>,
      %add3A_745 = arith.addi %mul3A_739, %add3A_499 : vector<16xi32>
      %gather3A_746 = tpu.vector_load_idx %arg13[%broadcast_in_dim3A_729, %add3A_745] : memref<128x128xi32, #tpu.memory_space<vmem>>[vector<16xi32>, vector<16xi32>], vector<16xi32>,
      %swap3A_747 = arith.index_cast %while3A_670 : i32 to index
      %swap3A_748 = arith.constant 64 : index
      %swap3A_749 = tpu.vector_load %arg15[%swap3A_747, %swap3A_748] {strides = array<i32>} : memref<64x128xi32, #tpu.memory_space<vmem>>, vector<16xi32>,
      tpu.vector_store %arg15[%swap3A_747, %swap3A_748], %gather3A_746 {strides = array<i32>} : memref<64x128xi32, #tpu.memory_space<vmem>>, vector<16xi32>,
      %add3A_750 = arith.addi %mul3A_739, %add3A_507 : vector<16xi32>
      %gather3A_751 = tpu.vector_load_idx %arg12[%broadcast_in_dim3A_729, %add3A_750] : memref<128x128xi32, #tpu.memory_space<vmem>>[vector<16xi32>, vector<16xi32>], vector<16xi32>,
      %swap3A_752 = arith.index_cast %while3A_670 : i32 to index
      %swap3A_753 = arith.constant 80 : index
      %swap3A_754 = tpu.vector_load %arg14[%swap3A_752, %swap3A_753] {strides = array<i32>} : memref<64x128xi32, #tpu.memory_space<vmem>>, vector<16xi32>,
      tpu.vector_store %arg14[%swap3A_752, %swap3A_753], %gather3A_751 {strides = array<i32>} : memref<64x128xi32, #tpu.memory_space<vmem>>, vector<16xi32>,
      %add3A_755 = arith.addi %mul3A_739, %add3A_507 : vector<16xi32>
      %gather3A_756 = tpu.vector_load_idx %arg13[%broadcast_in_dim3A_729, %add3A_755] : memref<128x128xi32, #tpu.memory_space<vmem>>[vector<16xi32>, vector<16xi32>], vector<16xi32>,
      %swap3A_757 = arith.index_cast %while3A_670 : i32 to index
      %swap3A_758 = arith.constant 80 : index
      %swap3A_759 = tpu.vector_load %arg15[%swap3A_757, %swap3A_758] {strides = array<i32>} : memref<64x128xi32, #tpu.memory_space<vmem>>, vector<16xi32>,
      tpu.vector_store %arg15[%swap3A_757, %swap3A_758], %gather3A_756 {strides = array<i32>} : memref<64x128xi32, #tpu.memory_space<vmem>>, vector<16xi32>,
      %add3A_760 = arith.addi %mul3A_739, %add3A_515 : vector<16xi32>
      %gather3A_761 = tpu.vector_load_idx %arg12[%broadcast_in_dim3A_729, %add3A_760] : memref<128x128xi32, #tpu.memory_space<vmem>>[vector<16xi32>, vector<16xi32>], vector<16xi32>,
      %swap3A_762 = arith.index_cast %while3A_670 : i32 to index
      %swap3A_763 = arith.constant 96 : index
      %swap3A_764 = tpu.vector_load %arg14[%swap3A_762, %swap3A_763] {strides = array<i32>} : memref<64x128xi32, #tpu.memory_space<vmem>>, vector<16xi32>,
      tpu.vector_store %arg14[%swap3A_762, %swap3A_763], %gather3A_761 {strides = array<i32>} : memref<64x128xi32, #tpu.memory_space<vmem>>, vector<16xi32>,
      %add3A_765 = arith.addi %mul3A_739, %add3A_515 : vector<16xi32>
      %gather3A_766 = tpu.vector_load_idx %arg13[%broadcast_in_dim3A_729, %add3A_765] : memref<128x128xi32, #tpu.memory_space<vmem>>[vector<16xi32>, vector<16xi32>], vector<16xi32>,
      %swap3A_767 = arith.index_cast %while3A_670 : i32 to index
      %swap3A_768 = arith.constant 96 : index
      %swap3A_769 = tpu.vector_load %arg15[%swap3A_767, %swap3A_768] {strides = array<i32>} : memref<64x128xi32, #tpu.memory_space<vmem>>, vector<16xi32>,
      tpu.vector_store %arg15[%swap3A_767, %swap3A_768], %gather3A_766 {strides = array<i32>} : memref<64x128xi32, #tpu.memory_space<vmem>>, vector<16xi32>,
      %add3A_770 = arith.addi %mul3A_739, %add3A_523 : vector<16xi32>
      %gather3A_771 = tpu.vector_load_idx %arg12[%broadcast_in_dim3A_729, %add3A_770] : memref<128x128xi32, #tpu.memory_space<vmem>>[vector<16xi32>, vector<16xi32>], vector<16xi32>,
      %swap3A_772 = arith.index_cast %while3A_670 : i32 to index
      %swap3A_773 = arith.constant 112 : index
      %swap3A_774 = tpu.vector_load %arg14[%swap3A_772, %swap3A_773] {strides = array<i32>} : memref<64x128xi32, #tpu.memory_space<vmem>>, vector<16xi32>,
      tpu.vector_store %arg14[%swap3A_772, %swap3A_773], %gather3A_771 {strides = array<i32>} : memref<64x128xi32, #tpu.memory_space<vmem>>, vector<16xi32>,
      %add3A_775 = arith.addi %mul3A_739, %add3A_523 : vector<16xi32>
      %gather3A_776 = tpu.vector_load_idx %arg13[%broadcast_in_dim3A_729, %add3A_775] : memref<128x128xi32, #tpu.memory_space<vmem>>[vector<16xi32>, vector<16xi32>], vector<16xi32>,
      %swap3A_777 = arith.index_cast %while3A_670 : i32 to index
      %swap3A_778 = arith.constant 112 : index
      %swap3A_779 = tpu.vector_load %arg15[%swap3A_777, %swap3A_778] {strides = array<i32>} : memref<64x128xi32, #tpu.memory_space<vmem>>, vector<16xi32>,
      tpu.vector_store %arg15[%swap3A_777, %swap3A_778], %gather3A_776 {strides = array<i32>} : memref<64x128xi32, #tpu.memory_space<vmem>>, vector<16xi32>,
      %add3A_780 = arith.constant 1 : i32
      %add3A_781 = arith.addi %while3A_670, %add3A_780 : i32
      scf.yield %add3A_781 : i32
    }
    %mul3A_554 = arith.constant 256 : i32
    %mul3A_555 = arith.muli %add3A, %mul3A_554 : i32
    %add3A_556 = arith.constant 0 : i32
    %add3A_557 = arith.addi %mul3A_555, %add3A_556 : i32
    "tpu.region"() ({
      %run_scoped3A = tpu.sem_alloc : memref<!tpu.dma_semaphore, #tpu.memory_space<semaphore_mem>>
      %dma_start3A_669 = arith.constant 0 : i32
      %dma_start3A_670 = tpu.memref_slice %arg6[%add3A_557, %dma_start3A_669] : memref<8192x128xi32, #tpu.memory_space<hbm>> -> memref<64x128xi32, #tpu.memory_space<hbm>>
      %dma_start3A_671 = arith.constant 0 : i32
      %dma_start3A_672 = tpu.memref_slice %arg6[%add3A_557, %dma_start3A_671] : memref<8192x128xi32, #tpu.memory_space<hbm>> -> memref<64x128xi32, #tpu.memory_space<hbm>>
      tpu.enqueue_dma source(%arg14 : memref<64x128xi32, #tpu.memory_space<vmem>>) target(%dma_start3A_672 : memref<64x128xi32, #tpu.memory_space<hbm>>) target_semaphore(%run_scoped3A : memref<!tpu.dma_semaphore, #tpu.memory_space<semaphore_mem>>)
      %dma_wait3A_673 = arith.constant 0 : i32
      %dma_wait3A_674 = tpu.memref_slice %arg6[%add3A_557, %dma_wait3A_673] : memref<8192x128xi32, #tpu.memory_space<hbm>> -> memref<64x128xi32, #tpu.memory_space<hbm>>
      %dma_wait3A_675 = arith.constant 0 : i32
      %dma_wait3A_676 = tpu.memref_slice %arg6[%add3A_557, %dma_wait3A_675] : memref<8192x128xi32, #tpu.memory_space<hbm>> -> memref<64x128xi32, #tpu.memory_space<hbm>>
      tpu.wait_dma2 semaphore(%run_scoped3A : memref<!tpu.dma_semaphore, #tpu.memory_space<semaphore_mem>>) src(%arg14 : memref<64x128xi32, #tpu.memory_space<vmem>>) dst(%dma_wait3A_676 : memref<64x128xi32, #tpu.memory_space<hbm>>)
      tpu.yield
    }) : () -> ()
    "tpu.region"() ({
      %run_scoped3A = tpu.sem_alloc : memref<!tpu.dma_semaphore, #tpu.memory_space<semaphore_mem>>
      %dma_start3A_669 = arith.constant 0 : i32
      %dma_start3A_670 = tpu.memref_slice %arg7[%add3A_557, %dma_start3A_669] : memref<8192x128xi32, #tpu.memory_space<hbm>> -> memref<64x128xi32, #tpu.memory_space<hbm>>
      %dma_start3A_671 = arith.constant 0 : i32
      %dma_start3A_672 = tpu.memref_slice %arg7[%add3A_557, %dma_start3A_671] : memref<8192x128xi32, #tpu.memory_space<hbm>> -> memref<64x128xi32, #tpu.memory_space<hbm>>
      tpu.enqueue_dma source(%arg15 : memref<64x128xi32, #tpu.memory_space<vmem>>) target(%dma_start3A_672 : memref<64x128xi32, #tpu.memory_space<hbm>>) target_semaphore(%run_scoped3A : memref<!tpu.dma_semaphore, #tpu.memory_space<semaphore_mem>>)
      %dma_wait3A_673 = arith.constant 0 : i32
      %dma_wait3A_674 = tpu.memref_slice %arg7[%add3A_557, %dma_wait3A_673] : memref<8192x128xi32, #tpu.memory_space<hbm>> -> memref<64x128xi32, #tpu.memory_space<hbm>>
      %dma_wait3A_675 = arith.constant 0 : i32
      %dma_wait3A_676 = tpu.memref_slice %arg7[%add3A_557, %dma_wait3A_675] : memref<8192x128xi32, #tpu.memory_space<hbm>> -> memref<64x128xi32, #tpu.memory_space<hbm>>
      tpu.wait_dma2 semaphore(%run_scoped3A : memref<!tpu.dma_semaphore, #tpu.memory_space<semaphore_mem>>) src(%arg15 : memref<64x128xi32, #tpu.memory_space<vmem>>) dst(%dma_wait3A_676 : memref<64x128xi32, #tpu.memory_space<hbm>>)
      tpu.yield
    }) : () -> ()
    %dma_start3A_558 = arith.constant 128 : i32
    %dma_start3A_559 = tpu.memref_slice %arg10[%dma_start3A_558] : memref<512xi32, #tpu.memory_space<vmem>> -> memref<128xi32, #tpu.memory_space<vmem>>
    %dma_start3A_560 = arith.constant 0 : i32
    %dma_start3A_561 = arith.constant 0 : i32
    %dma_start3A_562 = tpu.memref_slice %arg3[%dma_start3A_560, %dma_start3A_561] : memref<50000x128xi32, #tpu.memory_space<hbm>> -> memref<50000x128xi32, #tpu.memory_space<hbm>>
    tpu.enqueue_indirect_dma source(%dma_start3A_562 : memref<50000x128xi32, #tpu.memory_space<hbm>>) target(%arg12 : memref<128x128xi32, #tpu.memory_space<vmem>>) offsets(%dma_start3A_559 : memref<128xi32, #tpu.memory_space<vmem>>) semaphore(%arg16 : memref<!tpu.dma_semaphore, #tpu.memory_space<semaphore_mem>>)
    %dma_start3A_563 = arith.constant 128 : i32
    %dma_start3A_564 = tpu.memref_slice %arg10[%dma_start3A_563] : memref<512xi32, #tpu.memory_space<vmem>> -> memref<128xi32, #tpu.memory_space<vmem>>
    %dma_start3A_565 = arith.constant 0 : i32
    %dma_start3A_566 = arith.constant 0 : i32
    %dma_start3A_567 = tpu.memref_slice %arg4[%dma_start3A_565, %dma_start3A_566] : memref<50000x128xi32, #tpu.memory_space<hbm>> -> memref<50000x128xi32, #tpu.memory_space<hbm>>
    tpu.enqueue_indirect_dma source(%dma_start3A_567 : memref<50000x128xi32, #tpu.memory_space<hbm>>) target(%arg13 : memref<128x128xi32, #tpu.memory_space<vmem>>) offsets(%dma_start3A_564 : memref<128xi32, #tpu.memory_space<vmem>>) semaphore(%arg16 : memref<!tpu.dma_semaphore, #tpu.memory_space<semaphore_mem>>)
    %dma_wait3A_568 = arith.constant 128 : i32
    %dma_wait3A_569 = tpu.memref_slice %arg10[%dma_wait3A_568] : memref<512xi32, #tpu.memory_space<vmem>> -> memref<128xi32, #tpu.memory_space<vmem>>
    %dma_wait3A_570 = arith.constant 0 : i32
    %dma_wait3A_571 = arith.constant 0 : i32
    %dma_wait3A_572 = tpu.memref_slice %arg3[%dma_wait3A_570, %dma_wait3A_571] : memref<50000x128xi32, #tpu.memory_space<hbm>> -> memref<50000x128xi32, #tpu.memory_space<hbm>>
    tpu.wait_indirect_dma semaphore(%arg16 : memref<!tpu.dma_semaphore, #tpu.memory_space<semaphore_mem>>) src(%dma_wait3A_572 : memref<50000x128xi32, #tpu.memory_space<hbm>>) dst(%arg12 : memref<128x128xi32, #tpu.memory_space<vmem>>)
    %dma_wait3A_573 = arith.constant 128 : i32
    %dma_wait3A_574 = tpu.memref_slice %arg10[%dma_wait3A_573] : memref<512xi32, #tpu.memory_space<vmem>> -> memref<128xi32, #tpu.memory_space<vmem>>
    %dma_wait3A_575 = arith.constant 0 : i32
    %dma_wait3A_576 = arith.constant 0 : i32
    %dma_wait3A_577 = tpu.memref_slice %arg4[%dma_wait3A_575, %dma_wait3A_576] : memref<50000x128xi32, #tpu.memory_space<hbm>> -> memref<50000x128xi32, #tpu.memory_space<hbm>>
    tpu.wait_indirect_dma semaphore(%arg16 : memref<!tpu.dma_semaphore, #tpu.memory_space<semaphore_mem>>) src(%dma_wait3A_577 : memref<50000x128xi32, #tpu.memory_space<hbm>>) dst(%arg13 : memref<128x128xi32, #tpu.memory_space<vmem>>)
    %while3A_578 = arith.constant 0 : i32
    %while3A_579 = arith.constant 64 : i32
    %while3A_580 = arith.constant 0 : i32
    %while3A_581 = arith.subi %while3A_579, %while3A_578 : i32
    %while3A_582 = arith.addi %while3A_578, %while3A_581 : i32
    %while3A_583 = arith.constant 1 : i32
    %while3A_584 = arith.divsi %while3A_581, %while3A_583 : i32
    %while3A_585 = arith.muli %while3A_584, %while3A_583 : i32
    %while3A_586 = arith.addi %while3A_578, %while3A_585 : i32
    %while3A_587 = arith.constant 1 : i32
    %while3A_588 = scf.for %while3A_669 = %while3A_578 to %while3A_586 step %while3A_587 iter_args(%while3A_670 = %while3A_580) -> (i32)  : i32 {
      %mul3A_671 = arith.constant 2 : i32
      %mul3A_672 = arith.muli %while3A_670, %mul3A_671 : i32
      %add3A_673 = arith.constant 0 : i32
      %add3A_674 = arith.addi %mul3A_672, %add3A_673 : i32
      %broadcast_in_dim3A = vector.broadcast %add3A_674 : i32 to vector<16xi32>
      %add3A_675 = arith.constant 128 : i32
      %add3A_676 = vector.broadcast %add3A_675 : i32 to vector<16xi32>
      %add3A_677 = arith.addi %broadcast_in_dim3A, %add3A_676 : vector<16xi32>
      %gather3A_678 = tpu.vector_load_idx %arg9[%add3A_677] : memref<512xi32, #tpu.memory_space<vmem>>[vector<16xi32>], vector<16xi32>,
      %and3A_679 = arith.constant 1 : i32
      %and3A_680 = vector.broadcast %and3A_679 : i32 to vector<16xi32>
      %and3A_681 = arith.andi %gather3A_678, %and3A_680 : vector<16xi32>
      %mul3A_682 = arith.constant 64 : i32
      %mul3A_683 = vector.broadcast %mul3A_682 : i32 to vector<16xi32>
      %mul3A_684 = arith.muli %and3A_681, %mul3A_683 : vector<16xi32>
      %add3A_685 = arith.addi %mul3A_684, %add3A_499 : vector<16xi32>
      %gather3A_686 = tpu.vector_load_idx %arg12[%broadcast_in_dim3A, %add3A_685] : memref<128x128xi32, #tpu.memory_space<vmem>>[vector<16xi32>, vector<16xi32>], vector<16xi32>,
      %swap3A_687 = arith.index_cast %while3A_670 : i32 to index
      %swap3A_688 = arith.constant 0 : index
      %swap3A_689 = tpu.vector_load %arg14[%swap3A_687, %swap3A_688] {strides = array<i32>} : memref<64x128xi32, #tpu.memory_space<vmem>>, vector<16xi32>,
      tpu.vector_store %arg14[%swap3A_687, %swap3A_688], %gather3A_686 {strides = array<i32>} : memref<64x128xi32, #tpu.memory_space<vmem>>, vector<16xi32>,
      %add3A_690 = arith.addi %mul3A_684, %add3A_499 : vector<16xi32>
      %gather3A_691 = tpu.vector_load_idx %arg13[%broadcast_in_dim3A, %add3A_690] : memref<128x128xi32, #tpu.memory_space<vmem>>[vector<16xi32>, vector<16xi32>], vector<16xi32>,
      %swap3A_692 = arith.index_cast %while3A_670 : i32 to index
      %swap3A_693 = arith.constant 0 : index
      %swap3A_694 = tpu.vector_load %arg15[%swap3A_692, %swap3A_693] {strides = array<i32>} : memref<64x128xi32, #tpu.memory_space<vmem>>, vector<16xi32>,
      tpu.vector_store %arg15[%swap3A_692, %swap3A_693], %gather3A_691 {strides = array<i32>} : memref<64x128xi32, #tpu.memory_space<vmem>>, vector<16xi32>,
      %add3A_695 = arith.addi %mul3A_684, %add3A_507 : vector<16xi32>
      %gather3A_696 = tpu.vector_load_idx %arg12[%broadcast_in_dim3A, %add3A_695] : memref<128x128xi32, #tpu.memory_space<vmem>>[vector<16xi32>, vector<16xi32>], vector<16xi32>,
      %swap3A_697 = arith.index_cast %while3A_670 : i32 to index
      %swap3A_698 = arith.constant 16 : index
      %swap3A_699 = tpu.vector_load %arg14[%swap3A_697, %swap3A_698] {strides = array<i32>} : memref<64x128xi32, #tpu.memory_space<vmem>>, vector<16xi32>,
      tpu.vector_store %arg14[%swap3A_697, %swap3A_698], %gather3A_696 {strides = array<i32>} : memref<64x128xi32, #tpu.memory_space<vmem>>, vector<16xi32>,
      %add3A_700 = arith.addi %mul3A_684, %add3A_507 : vector<16xi32>
      %gather3A_701 = tpu.vector_load_idx %arg13[%broadcast_in_dim3A, %add3A_700] : memref<128x128xi32, #tpu.memory_space<vmem>>[vector<16xi32>, vector<16xi32>], vector<16xi32>,
      %swap3A_702 = arith.index_cast %while3A_670 : i32 to index
      %swap3A_703 = arith.constant 16 : index
      %swap3A_704 = tpu.vector_load %arg15[%swap3A_702, %swap3A_703] {strides = array<i32>} : memref<64x128xi32, #tpu.memory_space<vmem>>, vector<16xi32>,
      tpu.vector_store %arg15[%swap3A_702, %swap3A_703], %gather3A_701 {strides = array<i32>} : memref<64x128xi32, #tpu.memory_space<vmem>>, vector<16xi32>,
      %add3A_705 = arith.addi %mul3A_684, %add3A_515 : vector<16xi32>
      %gather3A_706 = tpu.vector_load_idx %arg12[%broadcast_in_dim3A, %add3A_705] : memref<128x128xi32, #tpu.memory_space<vmem>>[vector<16xi32>, vector<16xi32>], vector<16xi32>,
      %swap3A_707 = arith.index_cast %while3A_670 : i32 to index
      %swap3A_708 = arith.constant 32 : index
      %swap3A_709 = tpu.vector_load %arg14[%swap3A_707, %swap3A_708] {strides = array<i32>} : memref<64x128xi32, #tpu.memory_space<vmem>>, vector<16xi32>,
      tpu.vector_store %arg14[%swap3A_707, %swap3A_708], %gather3A_706 {strides = array<i32>} : memref<64x128xi32, #tpu.memory_space<vmem>>, vector<16xi32>,
      %add3A_710 = arith.addi %mul3A_684, %add3A_515 : vector<16xi32>
      %gather3A_711 = tpu.vector_load_idx %arg13[%broadcast_in_dim3A, %add3A_710] : memref<128x128xi32, #tpu.memory_space<vmem>>[vector<16xi32>, vector<16xi32>], vector<16xi32>,
      %swap3A_712 = arith.index_cast %while3A_670 : i32 to index
      %swap3A_713 = arith.constant 32 : index
      %swap3A_714 = tpu.vector_load %arg15[%swap3A_712, %swap3A_713] {strides = array<i32>} : memref<64x128xi32, #tpu.memory_space<vmem>>, vector<16xi32>,
      tpu.vector_store %arg15[%swap3A_712, %swap3A_713], %gather3A_711 {strides = array<i32>} : memref<64x128xi32, #tpu.memory_space<vmem>>, vector<16xi32>,
      %add3A_715 = arith.addi %mul3A_684, %add3A_523 : vector<16xi32>
      %gather3A_716 = tpu.vector_load_idx %arg12[%broadcast_in_dim3A, %add3A_715] : memref<128x128xi32, #tpu.memory_space<vmem>>[vector<16xi32>, vector<16xi32>], vector<16xi32>,
      %swap3A_717 = arith.index_cast %while3A_670 : i32 to index
      %swap3A_718 = arith.constant 48 : index
      %swap3A_719 = tpu.vector_load %arg14[%swap3A_717, %swap3A_718] {strides = array<i32>} : memref<64x128xi32, #tpu.memory_space<vmem>>, vector<16xi32>,
      tpu.vector_store %arg14[%swap3A_717, %swap3A_718], %gather3A_716 {strides = array<i32>} : memref<64x128xi32, #tpu.memory_space<vmem>>, vector<16xi32>,
      %add3A_720 = arith.addi %mul3A_684, %add3A_523 : vector<16xi32>
      %gather3A_721 = tpu.vector_load_idx %arg13[%broadcast_in_dim3A, %add3A_720] : memref<128x128xi32, #tpu.memory_space<vmem>>[vector<16xi32>, vector<16xi32>], vector<16xi32>,
      %swap3A_722 = arith.index_cast %while3A_670 : i32 to index
      %swap3A_723 = arith.constant 48 : index
      %swap3A_724 = tpu.vector_load %arg15[%swap3A_722, %swap3A_723] {strides = array<i32>} : memref<64x128xi32, #tpu.memory_space<vmem>>, vector<16xi32>,
      tpu.vector_store %arg15[%swap3A_722, %swap3A_723], %gather3A_721 {strides = array<i32>} : memref<64x128xi32, #tpu.memory_space<vmem>>, vector<16xi32>,
      %mul3A_725 = arith.constant 2 : i32
      %mul3A_726 = arith.muli %while3A_670, %mul3A_725 : i32
      %add3A_727 = arith.constant 1 : i32
      %add3A_728 = arith.addi %mul3A_726, %add3A_727 : i32
      %broadcast_in_dim3A_729 = vector.broadcast %add3A_728 : i32 to vector<16xi32>
      %add3A_730 = arith.constant 128 : i32
      %add3A_731 = vector.broadcast %add3A_730 : i32 to vector<16xi32>
      %add3A_732 = arith.addi %broadcast_in_dim3A_729, %add3A_731 : vector<16xi32>
      %gather3A_733 = tpu.vector_load_idx %arg9[%add3A_732] : memref<512xi32, #tpu.memory_space<vmem>>[vector<16xi32>], vector<16xi32>,
      %and3A_734 = arith.constant 1 : i32
      %and3A_735 = vector.broadcast %and3A_734 : i32 to vector<16xi32>
      %and3A_736 = arith.andi %gather3A_733, %and3A_735 : vector<16xi32>
      %mul3A_737 = arith.constant 64 : i32
      %mul3A_738 = vector.broadcast %mul3A_737 : i32 to vector<16xi32>
      %mul3A_739 = arith.muli %and3A_736, %mul3A_738 : vector<16xi32>
      %add3A_740 = arith.addi %mul3A_739, %add3A_499 : vector<16xi32>
      %gather3A_741 = tpu.vector_load_idx %arg12[%broadcast_in_dim3A_729, %add3A_740] : memref<128x128xi32, #tpu.memory_space<vmem>>[vector<16xi32>, vector<16xi32>], vector<16xi32>,
      %swap3A_742 = arith.index_cast %while3A_670 : i32 to index
      %swap3A_743 = arith.constant 64 : index
      %swap3A_744 = tpu.vector_load %arg14[%swap3A_742, %swap3A_743] {strides = array<i32>} : memref<64x128xi32, #tpu.memory_space<vmem>>, vector<16xi32>,
      tpu.vector_store %arg14[%swap3A_742, %swap3A_743], %gather3A_741 {strides = array<i32>} : memref<64x128xi32, #tpu.memory_space<vmem>>, vector<16xi32>,
      %add3A_745 = arith.addi %mul3A_739, %add3A_499 : vector<16xi32>
      %gather3A_746 = tpu.vector_load_idx %arg13[%broadcast_in_dim3A_729, %add3A_745] : memref<128x128xi32, #tpu.memory_space<vmem>>[vector<16xi32>, vector<16xi32>], vector<16xi32>,
      %swap3A_747 = arith.index_cast %while3A_670 : i32 to index
      %swap3A_748 = arith.constant 64 : index
      %swap3A_749 = tpu.vector_load %arg15[%swap3A_747, %swap3A_748] {strides = array<i32>} : memref<64x128xi32, #tpu.memory_space<vmem>>, vector<16xi32>,
      tpu.vector_store %arg15[%swap3A_747, %swap3A_748], %gather3A_746 {strides = array<i32>} : memref<64x128xi32, #tpu.memory_space<vmem>>, vector<16xi32>,
      %add3A_750 = arith.addi %mul3A_739, %add3A_507 : vector<16xi32>
      %gather3A_751 = tpu.vector_load_idx %arg12[%broadcast_in_dim3A_729, %add3A_750] : memref<128x128xi32, #tpu.memory_space<vmem>>[vector<16xi32>, vector<16xi32>], vector<16xi32>,
      %swap3A_752 = arith.index_cast %while3A_670 : i32 to index
      %swap3A_753 = arith.constant 80 : index
      %swap3A_754 = tpu.vector_load %arg14[%swap3A_752, %swap3A_753] {strides = array<i32>} : memref<64x128xi32, #tpu.memory_space<vmem>>, vector<16xi32>,
      tpu.vector_store %arg14[%swap3A_752, %swap3A_753], %gather3A_751 {strides = array<i32>} : memref<64x128xi32, #tpu.memory_space<vmem>>, vector<16xi32>,
      %add3A_755 = arith.addi %mul3A_739, %add3A_507 : vector<16xi32>
      %gather3A_756 = tpu.vector_load_idx %arg13[%broadcast_in_dim3A_729, %add3A_755] : memref<128x128xi32, #tpu.memory_space<vmem>>[vector<16xi32>, vector<16xi32>], vector<16xi32>,
      %swap3A_757 = arith.index_cast %while3A_670 : i32 to index
      %swap3A_758 = arith.constant 80 : index
      %swap3A_759 = tpu.vector_load %arg15[%swap3A_757, %swap3A_758] {strides = array<i32>} : memref<64x128xi32, #tpu.memory_space<vmem>>, vector<16xi32>,
      tpu.vector_store %arg15[%swap3A_757, %swap3A_758], %gather3A_756 {strides = array<i32>} : memref<64x128xi32, #tpu.memory_space<vmem>>, vector<16xi32>,
      %add3A_760 = arith.addi %mul3A_739, %add3A_515 : vector<16xi32>
      %gather3A_761 = tpu.vector_load_idx %arg12[%broadcast_in_dim3A_729, %add3A_760] : memref<128x128xi32, #tpu.memory_space<vmem>>[vector<16xi32>, vector<16xi32>], vector<16xi32>,
      %swap3A_762 = arith.index_cast %while3A_670 : i32 to index
      %swap3A_763 = arith.constant 96 : index
      %swap3A_764 = tpu.vector_load %arg14[%swap3A_762, %swap3A_763] {strides = array<i32>} : memref<64x128xi32, #tpu.memory_space<vmem>>, vector<16xi32>,
      tpu.vector_store %arg14[%swap3A_762, %swap3A_763], %gather3A_761 {strides = array<i32>} : memref<64x128xi32, #tpu.memory_space<vmem>>, vector<16xi32>,
      %add3A_765 = arith.addi %mul3A_739, %add3A_515 : vector<16xi32>
      %gather3A_766 = tpu.vector_load_idx %arg13[%broadcast_in_dim3A_729, %add3A_765] : memref<128x128xi32, #tpu.memory_space<vmem>>[vector<16xi32>, vector<16xi32>], vector<16xi32>,
      %swap3A_767 = arith.index_cast %while3A_670 : i32 to index
      %swap3A_768 = arith.constant 96 : index
      %swap3A_769 = tpu.vector_load %arg15[%swap3A_767, %swap3A_768] {strides = array<i32>} : memref<64x128xi32, #tpu.memory_space<vmem>>, vector<16xi32>,
      tpu.vector_store %arg15[%swap3A_767, %swap3A_768], %gather3A_766 {strides = array<i32>} : memref<64x128xi32, #tpu.memory_space<vmem>>, vector<16xi32>,
      %add3A_770 = arith.addi %mul3A_739, %add3A_523 : vector<16xi32>
      %gather3A_771 = tpu.vector_load_idx %arg12[%broadcast_in_dim3A_729, %add3A_770] : memref<128x128xi32, #tpu.memory_space<vmem>>[vector<16xi32>, vector<16xi32>], vector<16xi32>,
      %swap3A_772 = arith.index_cast %while3A_670 : i32 to index
      %swap3A_773 = arith.constant 112 : index
      %swap3A_774 = tpu.vector_load %arg14[%swap3A_772, %swap3A_773] {strides = array<i32>} : memref<64x128xi32, #tpu.memory_space<vmem>>, vector<16xi32>,
      tpu.vector_store %arg14[%swap3A_772, %swap3A_773], %gather3A_771 {strides = array<i32>} : memref<64x128xi32, #tpu.memory_space<vmem>>, vector<16xi32>,
      %add3A_775 = arith.addi %mul3A_739, %add3A_523 : vector<16xi32>
      %gather3A_776 = tpu.vector_load_idx %arg13[%broadcast_in_dim3A_729, %add3A_775] : memref<128x128xi32, #tpu.memory_space<vmem>>[vector<16xi32>, vector<16xi32>], vector<16xi32>,
      %swap3A_777 = arith.index_cast %while3A_670 : i32 to index
      %swap3A_778 = arith.constant 112 : index
      %swap3A_779 = tpu.vector_load %arg15[%swap3A_777, %swap3A_778] {strides = array<i32>} : memref<64x128xi32, #tpu.memory_space<vmem>>, vector<16xi32>,
      tpu.vector_store %arg15[%swap3A_777, %swap3A_778], %gather3A_776 {strides = array<i32>} : memref<64x128xi32, #tpu.memory_space<vmem>>, vector<16xi32>,
      %add3A_780 = arith.constant 1 : i32
      %add3A_781 = arith.addi %while3A_670, %add3A_780 : i32
      scf.yield %add3A_781 : i32
    }
    %while3A_589 = arith.constant 1 : i32
    %while3A_590 = scf.for %while3A_669 = %while3A_586 to %while3A_582 step %while3A_589 iter_args(%while3A_670 = %while3A_588) -> (i32)  : i32 {
      %mul3A_671 = arith.constant 2 : i32
      %mul3A_672 = arith.muli %while3A_670, %mul3A_671 : i32
      %add3A_673 = arith.constant 0 : i32
      %add3A_674 = arith.addi %mul3A_672, %add3A_673 : i32
      %broadcast_in_dim3A = vector.broadcast %add3A_674 : i32 to vector<16xi32>
      %add3A_675 = arith.constant 128 : i32
      %add3A_676 = vector.broadcast %add3A_675 : i32 to vector<16xi32>
      %add3A_677 = arith.addi %broadcast_in_dim3A, %add3A_676 : vector<16xi32>
      %gather3A_678 = tpu.vector_load_idx %arg9[%add3A_677] : memref<512xi32, #tpu.memory_space<vmem>>[vector<16xi32>], vector<16xi32>,
      %and3A_679 = arith.constant 1 : i32
      %and3A_680 = vector.broadcast %and3A_679 : i32 to vector<16xi32>
      %and3A_681 = arith.andi %gather3A_678, %and3A_680 : vector<16xi32>
      %mul3A_682 = arith.constant 64 : i32
      %mul3A_683 = vector.broadcast %mul3A_682 : i32 to vector<16xi32>
      %mul3A_684 = arith.muli %and3A_681, %mul3A_683 : vector<16xi32>
      %add3A_685 = arith.addi %mul3A_684, %add3A_499 : vector<16xi32>
      %gather3A_686 = tpu.vector_load_idx %arg12[%broadcast_in_dim3A, %add3A_685] : memref<128x128xi32, #tpu.memory_space<vmem>>[vector<16xi32>, vector<16xi32>], vector<16xi32>,
      %swap3A_687 = arith.index_cast %while3A_670 : i32 to index
      %swap3A_688 = arith.constant 0 : index
      %swap3A_689 = tpu.vector_load %arg14[%swap3A_687, %swap3A_688] {strides = array<i32>} : memref<64x128xi32, #tpu.memory_space<vmem>>, vector<16xi32>,
      tpu.vector_store %arg14[%swap3A_687, %swap3A_688], %gather3A_686 {strides = array<i32>} : memref<64x128xi32, #tpu.memory_space<vmem>>, vector<16xi32>,
      %add3A_690 = arith.addi %mul3A_684, %add3A_499 : vector<16xi32>
      %gather3A_691 = tpu.vector_load_idx %arg13[%broadcast_in_dim3A, %add3A_690] : memref<128x128xi32, #tpu.memory_space<vmem>>[vector<16xi32>, vector<16xi32>], vector<16xi32>,
      %swap3A_692 = arith.index_cast %while3A_670 : i32 to index
      %swap3A_693 = arith.constant 0 : index
      %swap3A_694 = tpu.vector_load %arg15[%swap3A_692, %swap3A_693] {strides = array<i32>} : memref<64x128xi32, #tpu.memory_space<vmem>>, vector<16xi32>,
      tpu.vector_store %arg15[%swap3A_692, %swap3A_693], %gather3A_691 {strides = array<i32>} : memref<64x128xi32, #tpu.memory_space<vmem>>, vector<16xi32>,
      %add3A_695 = arith.addi %mul3A_684, %add3A_507 : vector<16xi32>
      %gather3A_696 = tpu.vector_load_idx %arg12[%broadcast_in_dim3A, %add3A_695] : memref<128x128xi32, #tpu.memory_space<vmem>>[vector<16xi32>, vector<16xi32>], vector<16xi32>,
      %swap3A_697 = arith.index_cast %while3A_670 : i32 to index
      %swap3A_698 = arith.constant 16 : index
      %swap3A_699 = tpu.vector_load %arg14[%swap3A_697, %swap3A_698] {strides = array<i32>} : memref<64x128xi32, #tpu.memory_space<vmem>>, vector<16xi32>,
      tpu.vector_store %arg14[%swap3A_697, %swap3A_698], %gather3A_696 {strides = array<i32>} : memref<64x128xi32, #tpu.memory_space<vmem>>, vector<16xi32>,
      %add3A_700 = arith.addi %mul3A_684, %add3A_507 : vector<16xi32>
      %gather3A_701 = tpu.vector_load_idx %arg13[%broadcast_in_dim3A, %add3A_700] : memref<128x128xi32, #tpu.memory_space<vmem>>[vector<16xi32>, vector<16xi32>], vector<16xi32>,
      %swap3A_702 = arith.index_cast %while3A_670 : i32 to index
      %swap3A_703 = arith.constant 16 : index
      %swap3A_704 = tpu.vector_load %arg15[%swap3A_702, %swap3A_703] {strides = array<i32>} : memref<64x128xi32, #tpu.memory_space<vmem>>, vector<16xi32>,
      tpu.vector_store %arg15[%swap3A_702, %swap3A_703], %gather3A_701 {strides = array<i32>} : memref<64x128xi32, #tpu.memory_space<vmem>>, vector<16xi32>,
      %add3A_705 = arith.addi %mul3A_684, %add3A_515 : vector<16xi32>
      %gather3A_706 = tpu.vector_load_idx %arg12[%broadcast_in_dim3A, %add3A_705] : memref<128x128xi32, #tpu.memory_space<vmem>>[vector<16xi32>, vector<16xi32>], vector<16xi32>,
      %swap3A_707 = arith.index_cast %while3A_670 : i32 to index
      %swap3A_708 = arith.constant 32 : index
      %swap3A_709 = tpu.vector_load %arg14[%swap3A_707, %swap3A_708] {strides = array<i32>} : memref<64x128xi32, #tpu.memory_space<vmem>>, vector<16xi32>,
      tpu.vector_store %arg14[%swap3A_707, %swap3A_708], %gather3A_706 {strides = array<i32>} : memref<64x128xi32, #tpu.memory_space<vmem>>, vector<16xi32>,
      %add3A_710 = arith.addi %mul3A_684, %add3A_515 : vector<16xi32>
      %gather3A_711 = tpu.vector_load_idx %arg13[%broadcast_in_dim3A, %add3A_710] : memref<128x128xi32, #tpu.memory_space<vmem>>[vector<16xi32>, vector<16xi32>], vector<16xi32>,
      %swap3A_712 = arith.index_cast %while3A_670 : i32 to index
      %swap3A_713 = arith.constant 32 : index
      %swap3A_714 = tpu.vector_load %arg15[%swap3A_712, %swap3A_713] {strides = array<i32>} : memref<64x128xi32, #tpu.memory_space<vmem>>, vector<16xi32>,
      tpu.vector_store %arg15[%swap3A_712, %swap3A_713], %gather3A_711 {strides = array<i32>} : memref<64x128xi32, #tpu.memory_space<vmem>>, vector<16xi32>,
      %add3A_715 = arith.addi %mul3A_684, %add3A_523 : vector<16xi32>
      %gather3A_716 = tpu.vector_load_idx %arg12[%broadcast_in_dim3A, %add3A_715] : memref<128x128xi32, #tpu.memory_space<vmem>>[vector<16xi32>, vector<16xi32>], vector<16xi32>,
      %swap3A_717 = arith.index_cast %while3A_670 : i32 to index
      %swap3A_718 = arith.constant 48 : index
      %swap3A_719 = tpu.vector_load %arg14[%swap3A_717, %swap3A_718] {strides = array<i32>} : memref<64x128xi32, #tpu.memory_space<vmem>>, vector<16xi32>,
      tpu.vector_store %arg14[%swap3A_717, %swap3A_718], %gather3A_716 {strides = array<i32>} : memref<64x128xi32, #tpu.memory_space<vmem>>, vector<16xi32>,
      %add3A_720 = arith.addi %mul3A_684, %add3A_523 : vector<16xi32>
      %gather3A_721 = tpu.vector_load_idx %arg13[%broadcast_in_dim3A, %add3A_720] : memref<128x128xi32, #tpu.memory_space<vmem>>[vector<16xi32>, vector<16xi32>], vector<16xi32>,
      %swap3A_722 = arith.index_cast %while3A_670 : i32 to index
      %swap3A_723 = arith.constant 48 : index
      %swap3A_724 = tpu.vector_load %arg15[%swap3A_722, %swap3A_723] {strides = array<i32>} : memref<64x128xi32, #tpu.memory_space<vmem>>, vector<16xi32>,
      tpu.vector_store %arg15[%swap3A_722, %swap3A_723], %gather3A_721 {strides = array<i32>} : memref<64x128xi32, #tpu.memory_space<vmem>>, vector<16xi32>,
      %mul3A_725 = arith.constant 2 : i32
      %mul3A_726 = arith.muli %while3A_670, %mul3A_725 : i32
      %add3A_727 = arith.constant 1 : i32
      %add3A_728 = arith.addi %mul3A_726, %add3A_727 : i32
      %broadcast_in_dim3A_729 = vector.broadcast %add3A_728 : i32 to vector<16xi32>
      %add3A_730 = arith.constant 128 : i32
      %add3A_731 = vector.broadcast %add3A_730 : i32 to vector<16xi32>
      %add3A_732 = arith.addi %broadcast_in_dim3A_729, %add3A_731 : vector<16xi32>
      %gather3A_733 = tpu.vector_load_idx %arg9[%add3A_732] : memref<512xi32, #tpu.memory_space<vmem>>[vector<16xi32>], vector<16xi32>,
      %and3A_734 = arith.constant 1 : i32
      %and3A_735 = vector.broadcast %and3A_734 : i32 to vector<16xi32>
      %and3A_736 = arith.andi %gather3A_733, %and3A_735 : vector<16xi32>
      %mul3A_737 = arith.constant 64 : i32
      %mul3A_738 = vector.broadcast %mul3A_737 : i32 to vector<16xi32>
      %mul3A_739 = arith.muli %and3A_736, %mul3A_738 : vector<16xi32>
      %add3A_740 = arith.addi %mul3A_739, %add3A_499 : vector<16xi32>
      %gather3A_741 = tpu.vector_load_idx %arg12[%broadcast_in_dim3A_729, %add3A_740] : memref<128x128xi32, #tpu.memory_space<vmem>>[vector<16xi32>, vector<16xi32>], vector<16xi32>,
      %swap3A_742 = arith.index_cast %while3A_670 : i32 to index
      %swap3A_743 = arith.constant 64 : index
      %swap3A_744 = tpu.vector_load %arg14[%swap3A_742, %swap3A_743] {strides = array<i32>} : memref<64x128xi32, #tpu.memory_space<vmem>>, vector<16xi32>,
      tpu.vector_store %arg14[%swap3A_742, %swap3A_743], %gather3A_741 {strides = array<i32>} : memref<64x128xi32, #tpu.memory_space<vmem>>, vector<16xi32>,
      %add3A_745 = arith.addi %mul3A_739, %add3A_499 : vector<16xi32>
      %gather3A_746 = tpu.vector_load_idx %arg13[%broadcast_in_dim3A_729, %add3A_745] : memref<128x128xi32, #tpu.memory_space<vmem>>[vector<16xi32>, vector<16xi32>], vector<16xi32>,
      %swap3A_747 = arith.index_cast %while3A_670 : i32 to index
      %swap3A_748 = arith.constant 64 : index
      %swap3A_749 = tpu.vector_load %arg15[%swap3A_747, %swap3A_748] {strides = array<i32>} : memref<64x128xi32, #tpu.memory_space<vmem>>, vector<16xi32>,
      tpu.vector_store %arg15[%swap3A_747, %swap3A_748], %gather3A_746 {strides = array<i32>} : memref<64x128xi32, #tpu.memory_space<vmem>>, vector<16xi32>,
      %add3A_750 = arith.addi %mul3A_739, %add3A_507 : vector<16xi32>
      %gather3A_751 = tpu.vector_load_idx %arg12[%broadcast_in_dim3A_729, %add3A_750] : memref<128x128xi32, #tpu.memory_space<vmem>>[vector<16xi32>, vector<16xi32>], vector<16xi32>,
      %swap3A_752 = arith.index_cast %while3A_670 : i32 to index
      %swap3A_753 = arith.constant 80 : index
      %swap3A_754 = tpu.vector_load %arg14[%swap3A_752, %swap3A_753] {strides = array<i32>} : memref<64x128xi32, #tpu.memory_space<vmem>>, vector<16xi32>,
      tpu.vector_store %arg14[%swap3A_752, %swap3A_753], %gather3A_751 {strides = array<i32>} : memref<64x128xi32, #tpu.memory_space<vmem>>, vector<16xi32>,
      %add3A_755 = arith.addi %mul3A_739, %add3A_507 : vector<16xi32>
      %gather3A_756 = tpu.vector_load_idx %arg13[%broadcast_in_dim3A_729, %add3A_755] : memref<128x128xi32, #tpu.memory_space<vmem>>[vector<16xi32>, vector<16xi32>], vector<16xi32>,
      %swap3A_757 = arith.index_cast %while3A_670 : i32 to index
      %swap3A_758 = arith.constant 80 : index
      %swap3A_759 = tpu.vector_load %arg15[%swap3A_757, %swap3A_758] {strides = array<i32>} : memref<64x128xi32, #tpu.memory_space<vmem>>, vector<16xi32>,
      tpu.vector_store %arg15[%swap3A_757, %swap3A_758], %gather3A_756 {strides = array<i32>} : memref<64x128xi32, #tpu.memory_space<vmem>>, vector<16xi32>,
      %add3A_760 = arith.addi %mul3A_739, %add3A_515 : vector<16xi32>
      %gather3A_761 = tpu.vector_load_idx %arg12[%broadcast_in_dim3A_729, %add3A_760] : memref<128x128xi32, #tpu.memory_space<vmem>>[vector<16xi32>, vector<16xi32>], vector<16xi32>,
      %swap3A_762 = arith.index_cast %while3A_670 : i32 to index
      %swap3A_763 = arith.constant 96 : index
      %swap3A_764 = tpu.vector_load %arg14[%swap3A_762, %swap3A_763] {strides = array<i32>} : memref<64x128xi32, #tpu.memory_space<vmem>>, vector<16xi32>,
      tpu.vector_store %arg14[%swap3A_762, %swap3A_763], %gather3A_761 {strides = array<i32>} : memref<64x128xi32, #tpu.memory_space<vmem>>, vector<16xi32>,
      %add3A_765 = arith.addi %mul3A_739, %add3A_515 : vector<16xi32>
      %gather3A_766 = tpu.vector_load_idx %arg13[%broadcast_in_dim3A_729, %add3A_765] : memref<128x128xi32, #tpu.memory_space<vmem>>[vector<16xi32>, vector<16xi32>], vector<16xi32>,
      %swap3A_767 = arith.index_cast %while3A_670 : i32 to index
      %swap3A_768 = arith.constant 96 : index
      %swap3A_769 = tpu.vector_load %arg15[%swap3A_767, %swap3A_768] {strides = array<i32>} : memref<64x128xi32, #tpu.memory_space<vmem>>, vector<16xi32>,
      tpu.vector_store %arg15[%swap3A_767, %swap3A_768], %gather3A_766 {strides = array<i32>} : memref<64x128xi32, #tpu.memory_space<vmem>>, vector<16xi32>,
      %add3A_770 = arith.addi %mul3A_739, %add3A_523 : vector<16xi32>
      %gather3A_771 = tpu.vector_load_idx %arg12[%broadcast_in_dim3A_729, %add3A_770] : memref<128x128xi32, #tpu.memory_space<vmem>>[vector<16xi32>, vector<16xi32>], vector<16xi32>,
      %swap3A_772 = arith.index_cast %while3A_670 : i32 to index
      %swap3A_773 = arith.constant 112 : index
      %swap3A_774 = tpu.vector_load %arg14[%swap3A_772, %swap3A_773] {strides = array<i32>} : memref<64x128xi32, #tpu.memory_space<vmem>>, vector<16xi32>,
      tpu.vector_store %arg14[%swap3A_772, %swap3A_773], %gather3A_771 {strides = array<i32>} : memref<64x128xi32, #tpu.memory_space<vmem>>, vector<16xi32>,
      %add3A_775 = arith.addi %mul3A_739, %add3A_523 : vector<16xi32>
      %gather3A_776 = tpu.vector_load_idx %arg13[%broadcast_in_dim3A_729, %add3A_775] : memref<128x128xi32, #tpu.memory_space<vmem>>[vector<16xi32>, vector<16xi32>], vector<16xi32>,
      %swap3A_777 = arith.index_cast %while3A_670 : i32 to index
      %swap3A_778 = arith.constant 112 : index
      %swap3A_779 = tpu.vector_load %arg15[%swap3A_777, %swap3A_778] {strides = array<i32>} : memref<64x128xi32, #tpu.memory_space<vmem>>, vector<16xi32>,
      tpu.vector_store %arg15[%swap3A_777, %swap3A_778], %gather3A_776 {strides = array<i32>} : memref<64x128xi32, #tpu.memory_space<vmem>>, vector<16xi32>,
      %add3A_780 = arith.constant 1 : i32
      %add3A_781 = arith.addi %while3A_670, %add3A_780 : i32
      scf.yield %add3A_781 : i32
    }
    %mul3A_591 = arith.constant 256 : i32
    %mul3A_592 = arith.muli %add3A, %mul3A_591 : i32
    %add3A_593 = arith.constant 64 : i32
    %add3A_594 = arith.addi %mul3A_592, %add3A_593 : i32
    "tpu.region"() ({
      %run_scoped3A = tpu.sem_alloc : memref<!tpu.dma_semaphore, #tpu.memory_space<semaphore_mem>>
      %dma_start3A_669 = arith.constant 0 : i32
      %dma_start3A_670 = tpu.memref_slice %arg6[%add3A_594, %dma_start3A_669] : memref<8192x128xi32, #tpu.memory_space<hbm>> -> memref<64x128xi32, #tpu.memory_space<hbm>>
      %dma_start3A_671 = arith.constant 0 : i32
      %dma_start3A_672 = tpu.memref_slice %arg6[%add3A_594, %dma_start3A_671] : memref<8192x128xi32, #tpu.memory_space<hbm>> -> memref<64x128xi32, #tpu.memory_space<hbm>>
      tpu.enqueue_dma source(%arg14 : memref<64x128xi32, #tpu.memory_space<vmem>>) target(%dma_start3A_672 : memref<64x128xi32, #tpu.memory_space<hbm>>) target_semaphore(%run_scoped3A : memref<!tpu.dma_semaphore, #tpu.memory_space<semaphore_mem>>)
      %dma_wait3A_673 = arith.constant 0 : i32
      %dma_wait3A_674 = tpu.memref_slice %arg6[%add3A_594, %dma_wait3A_673] : memref<8192x128xi32, #tpu.memory_space<hbm>> -> memref<64x128xi32, #tpu.memory_space<hbm>>
      %dma_wait3A_675 = arith.constant 0 : i32
      %dma_wait3A_676 = tpu.memref_slice %arg6[%add3A_594, %dma_wait3A_675] : memref<8192x128xi32, #tpu.memory_space<hbm>> -> memref<64x128xi32, #tpu.memory_space<hbm>>
      tpu.wait_dma2 semaphore(%run_scoped3A : memref<!tpu.dma_semaphore, #tpu.memory_space<semaphore_mem>>) src(%arg14 : memref<64x128xi32, #tpu.memory_space<vmem>>) dst(%dma_wait3A_676 : memref<64x128xi32, #tpu.memory_space<hbm>>)
      tpu.yield
    }) : () -> ()
    "tpu.region"() ({
      %run_scoped3A = tpu.sem_alloc : memref<!tpu.dma_semaphore, #tpu.memory_space<semaphore_mem>>
      %dma_start3A_669 = arith.constant 0 : i32
      %dma_start3A_670 = tpu.memref_slice %arg7[%add3A_594, %dma_start3A_669] : memref<8192x128xi32, #tpu.memory_space<hbm>> -> memref<64x128xi32, #tpu.memory_space<hbm>>
      %dma_start3A_671 = arith.constant 0 : i32
      %dma_start3A_672 = tpu.memref_slice %arg7[%add3A_594, %dma_start3A_671] : memref<8192x128xi32, #tpu.memory_space<hbm>> -> memref<64x128xi32, #tpu.memory_space<hbm>>
      tpu.enqueue_dma source(%arg15 : memref<64x128xi32, #tpu.memory_space<vmem>>) target(%dma_start3A_672 : memref<64x128xi32, #tpu.memory_space<hbm>>) target_semaphore(%run_scoped3A : memref<!tpu.dma_semaphore, #tpu.memory_space<semaphore_mem>>)
      %dma_wait3A_673 = arith.constant 0 : i32
      %dma_wait3A_674 = tpu.memref_slice %arg7[%add3A_594, %dma_wait3A_673] : memref<8192x128xi32, #tpu.memory_space<hbm>> -> memref<64x128xi32, #tpu.memory_space<hbm>>
      %dma_wait3A_675 = arith.constant 0 : i32
      %dma_wait3A_676 = tpu.memref_slice %arg7[%add3A_594, %dma_wait3A_675] : memref<8192x128xi32, #tpu.memory_space<hbm>> -> memref<64x128xi32, #tpu.memory_space<hbm>>
      tpu.wait_dma2 semaphore(%run_scoped3A : memref<!tpu.dma_semaphore, #tpu.memory_space<semaphore_mem>>) src(%arg15 : memref<64x128xi32, #tpu.memory_space<vmem>>) dst(%dma_wait3A_676 : memref<64x128xi32, #tpu.memory_space<hbm>>)
      tpu.yield
    }) : () -> ()
    %dma_start3A_595 = arith.constant 256 : i32
    %dma_start3A_596 = tpu.memref_slice %arg10[%dma_start3A_595] : memref<512xi32, #tpu.memory_space<vmem>> -> memref<128xi32, #tpu.memory_space<vmem>>
    %dma_start3A_597 = arith.constant 0 : i32
    %dma_start3A_598 = arith.constant 0 : i32
    %dma_start3A_599 = tpu.memref_slice %arg3[%dma_start3A_597, %dma_start3A_598] : memref<50000x128xi32, #tpu.memory_space<hbm>> -> memref<50000x128xi32, #tpu.memory_space<hbm>>
    tpu.enqueue_indirect_dma source(%dma_start3A_599 : memref<50000x128xi32, #tpu.memory_space<hbm>>) target(%arg12 : memref<128x128xi32, #tpu.memory_space<vmem>>) offsets(%dma_start3A_596 : memref<128xi32, #tpu.memory_space<vmem>>) semaphore(%arg16 : memref<!tpu.dma_semaphore, #tpu.memory_space<semaphore_mem>>)
    %dma_start3A_600 = arith.constant 256 : i32
    %dma_start3A_601 = tpu.memref_slice %arg10[%dma_start3A_600] : memref<512xi32, #tpu.memory_space<vmem>> -> memref<128xi32, #tpu.memory_space<vmem>>
    %dma_start3A_602 = arith.constant 0 : i32
    %dma_start3A_603 = arith.constant 0 : i32
    %dma_start3A_604 = tpu.memref_slice %arg4[%dma_start3A_602, %dma_start3A_603] : memref<50000x128xi32, #tpu.memory_space<hbm>> -> memref<50000x128xi32, #tpu.memory_space<hbm>>
    tpu.enqueue_indirect_dma source(%dma_start3A_604 : memref<50000x128xi32, #tpu.memory_space<hbm>>) target(%arg13 : memref<128x128xi32, #tpu.memory_space<vmem>>) offsets(%dma_start3A_601 : memref<128xi32, #tpu.memory_space<vmem>>) semaphore(%arg16 : memref<!tpu.dma_semaphore, #tpu.memory_space<semaphore_mem>>)
    %dma_wait3A_605 = arith.constant 256 : i32
    %dma_wait3A_606 = tpu.memref_slice %arg10[%dma_wait3A_605] : memref<512xi32, #tpu.memory_space<vmem>> -> memref<128xi32, #tpu.memory_space<vmem>>
    %dma_wait3A_607 = arith.constant 0 : i32
    %dma_wait3A_608 = arith.constant 0 : i32
    %dma_wait3A_609 = tpu.memref_slice %arg3[%dma_wait3A_607, %dma_wait3A_608] : memref<50000x128xi32, #tpu.memory_space<hbm>> -> memref<50000x128xi32, #tpu.memory_space<hbm>>
    tpu.wait_indirect_dma semaphore(%arg16 : memref<!tpu.dma_semaphore, #tpu.memory_space<semaphore_mem>>) src(%dma_wait3A_609 : memref<50000x128xi32, #tpu.memory_space<hbm>>) dst(%arg12 : memref<128x128xi32, #tpu.memory_space<vmem>>)
    %dma_wait3A_610 = arith.constant 256 : i32
    %dma_wait3A_611 = tpu.memref_slice %arg10[%dma_wait3A_610] : memref<512xi32, #tpu.memory_space<vmem>> -> memref<128xi32, #tpu.memory_space<vmem>>
    %dma_wait3A_612 = arith.constant 0 : i32
    %dma_wait3A_613 = arith.constant 0 : i32
    %dma_wait3A_614 = tpu.memref_slice %arg4[%dma_wait3A_612, %dma_wait3A_613] : memref<50000x128xi32, #tpu.memory_space<hbm>> -> memref<50000x128xi32, #tpu.memory_space<hbm>>
    tpu.wait_indirect_dma semaphore(%arg16 : memref<!tpu.dma_semaphore, #tpu.memory_space<semaphore_mem>>) src(%dma_wait3A_614 : memref<50000x128xi32, #tpu.memory_space<hbm>>) dst(%arg13 : memref<128x128xi32, #tpu.memory_space<vmem>>)
    %while3A_615 = arith.constant 0 : i32
    %while3A_616 = arith.constant 64 : i32
    %while3A_617 = arith.constant 0 : i32
    %while3A_618 = arith.subi %while3A_616, %while3A_615 : i32
    %while3A_619 = arith.addi %while3A_615, %while3A_618 : i32
    %while3A_620 = arith.constant 1 : i32
    %while3A_621 = arith.divsi %while3A_618, %while3A_620 : i32
    %while3A_622 = arith.muli %while3A_621, %while3A_620 : i32
    %while3A_623 = arith.addi %while3A_615, %while3A_622 : i32
    %while3A_624 = arith.constant 1 : i32
    %while3A_625 = scf.for %while3A_669 = %while3A_615 to %while3A_623 step %while3A_624 iter_args(%while3A_670 = %while3A_617) -> (i32)  : i32 {
      %mul3A_671 = arith.constant 2 : i32
      %mul3A_672 = arith.muli %while3A_670, %mul3A_671 : i32
      %add3A_673 = arith.constant 0 : i32
      %add3A_674 = arith.addi %mul3A_672, %add3A_673 : i32
      %broadcast_in_dim3A = vector.broadcast %add3A_674 : i32 to vector<16xi32>
      %add3A_675 = arith.constant 256 : i32
      %add3A_676 = vector.broadcast %add3A_675 : i32 to vector<16xi32>
      %add3A_677 = arith.addi %broadcast_in_dim3A, %add3A_676 : vector<16xi32>
      %gather3A_678 = tpu.vector_load_idx %arg9[%add3A_677] : memref<512xi32, #tpu.memory_space<vmem>>[vector<16xi32>], vector<16xi32>,
      %and3A_679 = arith.constant 1 : i32
      %and3A_680 = vector.broadcast %and3A_679 : i32 to vector<16xi32>
      %and3A_681 = arith.andi %gather3A_678, %and3A_680 : vector<16xi32>
      %mul3A_682 = arith.constant 64 : i32
      %mul3A_683 = vector.broadcast %mul3A_682 : i32 to vector<16xi32>
      %mul3A_684 = arith.muli %and3A_681, %mul3A_683 : vector<16xi32>
      %add3A_685 = arith.addi %mul3A_684, %add3A_499 : vector<16xi32>
      %gather3A_686 = tpu.vector_load_idx %arg12[%broadcast_in_dim3A, %add3A_685] : memref<128x128xi32, #tpu.memory_space<vmem>>[vector<16xi32>, vector<16xi32>], vector<16xi32>,
      %swap3A_687 = arith.index_cast %while3A_670 : i32 to index
      %swap3A_688 = arith.constant 0 : index
      %swap3A_689 = tpu.vector_load %arg14[%swap3A_687, %swap3A_688] {strides = array<i32>} : memref<64x128xi32, #tpu.memory_space<vmem>>, vector<16xi32>,
      tpu.vector_store %arg14[%swap3A_687, %swap3A_688], %gather3A_686 {strides = array<i32>} : memref<64x128xi32, #tpu.memory_space<vmem>>, vector<16xi32>,
      %add3A_690 = arith.addi %mul3A_684, %add3A_499 : vector<16xi32>
      %gather3A_691 = tpu.vector_load_idx %arg13[%broadcast_in_dim3A, %add3A_690] : memref<128x128xi32, #tpu.memory_space<vmem>>[vector<16xi32>, vector<16xi32>], vector<16xi32>,
      %swap3A_692 = arith.index_cast %while3A_670 : i32 to index
      %swap3A_693 = arith.constant 0 : index
      %swap3A_694 = tpu.vector_load %arg15[%swap3A_692, %swap3A_693] {strides = array<i32>} : memref<64x128xi32, #tpu.memory_space<vmem>>, vector<16xi32>,
      tpu.vector_store %arg15[%swap3A_692, %swap3A_693], %gather3A_691 {strides = array<i32>} : memref<64x128xi32, #tpu.memory_space<vmem>>, vector<16xi32>,
      %add3A_695 = arith.addi %mul3A_684, %add3A_507 : vector<16xi32>
      %gather3A_696 = tpu.vector_load_idx %arg12[%broadcast_in_dim3A, %add3A_695] : memref<128x128xi32, #tpu.memory_space<vmem>>[vector<16xi32>, vector<16xi32>], vector<16xi32>,
      %swap3A_697 = arith.index_cast %while3A_670 : i32 to index
      %swap3A_698 = arith.constant 16 : index
      %swap3A_699 = tpu.vector_load %arg14[%swap3A_697, %swap3A_698] {strides = array<i32>} : memref<64x128xi32, #tpu.memory_space<vmem>>, vector<16xi32>,
      tpu.vector_store %arg14[%swap3A_697, %swap3A_698], %gather3A_696 {strides = array<i32>} : memref<64x128xi32, #tpu.memory_space<vmem>>, vector<16xi32>,
      %add3A_700 = arith.addi %mul3A_684, %add3A_507 : vector<16xi32>
      %gather3A_701 = tpu.vector_load_idx %arg13[%broadcast_in_dim3A, %add3A_700] : memref<128x128xi32, #tpu.memory_space<vmem>>[vector<16xi32>, vector<16xi32>], vector<16xi32>,
      %swap3A_702 = arith.index_cast %while3A_670 : i32 to index
      %swap3A_703 = arith.constant 16 : index
      %swap3A_704 = tpu.vector_load %arg15[%swap3A_702, %swap3A_703] {strides = array<i32>} : memref<64x128xi32, #tpu.memory_space<vmem>>, vector<16xi32>,
      tpu.vector_store %arg15[%swap3A_702, %swap3A_703], %gather3A_701 {strides = array<i32>} : memref<64x128xi32, #tpu.memory_space<vmem>>, vector<16xi32>,
      %add3A_705 = arith.addi %mul3A_684, %add3A_515 : vector<16xi32>
      %gather3A_706 = tpu.vector_load_idx %arg12[%broadcast_in_dim3A, %add3A_705] : memref<128x128xi32, #tpu.memory_space<vmem>>[vector<16xi32>, vector<16xi32>], vector<16xi32>,
      %swap3A_707 = arith.index_cast %while3A_670 : i32 to index
      %swap3A_708 = arith.constant 32 : index
      %swap3A_709 = tpu.vector_load %arg14[%swap3A_707, %swap3A_708] {strides = array<i32>} : memref<64x128xi32, #tpu.memory_space<vmem>>, vector<16xi32>,
      tpu.vector_store %arg14[%swap3A_707, %swap3A_708], %gather3A_706 {strides = array<i32>} : memref<64x128xi32, #tpu.memory_space<vmem>>, vector<16xi32>,
      %add3A_710 = arith.addi %mul3A_684, %add3A_515 : vector<16xi32>
      %gather3A_711 = tpu.vector_load_idx %arg13[%broadcast_in_dim3A, %add3A_710] : memref<128x128xi32, #tpu.memory_space<vmem>>[vector<16xi32>, vector<16xi32>], vector<16xi32>,
      %swap3A_712 = arith.index_cast %while3A_670 : i32 to index
      %swap3A_713 = arith.constant 32 : index
      %swap3A_714 = tpu.vector_load %arg15[%swap3A_712, %swap3A_713] {strides = array<i32>} : memref<64x128xi32, #tpu.memory_space<vmem>>, vector<16xi32>,
      tpu.vector_store %arg15[%swap3A_712, %swap3A_713], %gather3A_711 {strides = array<i32>} : memref<64x128xi32, #tpu.memory_space<vmem>>, vector<16xi32>,
      %add3A_715 = arith.addi %mul3A_684, %add3A_523 : vector<16xi32>
      %gather3A_716 = tpu.vector_load_idx %arg12[%broadcast_in_dim3A, %add3A_715] : memref<128x128xi32, #tpu.memory_space<vmem>>[vector<16xi32>, vector<16xi32>], vector<16xi32>,
      %swap3A_717 = arith.index_cast %while3A_670 : i32 to index
      %swap3A_718 = arith.constant 48 : index
      %swap3A_719 = tpu.vector_load %arg14[%swap3A_717, %swap3A_718] {strides = array<i32>} : memref<64x128xi32, #tpu.memory_space<vmem>>, vector<16xi32>,
      tpu.vector_store %arg14[%swap3A_717, %swap3A_718], %gather3A_716 {strides = array<i32>} : memref<64x128xi32, #tpu.memory_space<vmem>>, vector<16xi32>,
      %add3A_720 = arith.addi %mul3A_684, %add3A_523 : vector<16xi32>
      %gather3A_721 = tpu.vector_load_idx %arg13[%broadcast_in_dim3A, %add3A_720] : memref<128x128xi32, #tpu.memory_space<vmem>>[vector<16xi32>, vector<16xi32>], vector<16xi32>,
      %swap3A_722 = arith.index_cast %while3A_670 : i32 to index
      %swap3A_723 = arith.constant 48 : index
      %swap3A_724 = tpu.vector_load %arg15[%swap3A_722, %swap3A_723] {strides = array<i32>} : memref<64x128xi32, #tpu.memory_space<vmem>>, vector<16xi32>,
      tpu.vector_store %arg15[%swap3A_722, %swap3A_723], %gather3A_721 {strides = array<i32>} : memref<64x128xi32, #tpu.memory_space<vmem>>, vector<16xi32>,
      %mul3A_725 = arith.constant 2 : i32
      %mul3A_726 = arith.muli %while3A_670, %mul3A_725 : i32
      %add3A_727 = arith.constant 1 : i32
      %add3A_728 = arith.addi %mul3A_726, %add3A_727 : i32
      %broadcast_in_dim3A_729 = vector.broadcast %add3A_728 : i32 to vector<16xi32>
      %add3A_730 = arith.constant 256 : i32
      %add3A_731 = vector.broadcast %add3A_730 : i32 to vector<16xi32>
      %add3A_732 = arith.addi %broadcast_in_dim3A_729, %add3A_731 : vector<16xi32>
      %gather3A_733 = tpu.vector_load_idx %arg9[%add3A_732] : memref<512xi32, #tpu.memory_space<vmem>>[vector<16xi32>], vector<16xi32>,
      %and3A_734 = arith.constant 1 : i32
      %and3A_735 = vector.broadcast %and3A_734 : i32 to vector<16xi32>
      %and3A_736 = arith.andi %gather3A_733, %and3A_735 : vector<16xi32>
      %mul3A_737 = arith.constant 64 : i32
      %mul3A_738 = vector.broadcast %mul3A_737 : i32 to vector<16xi32>
      %mul3A_739 = arith.muli %and3A_736, %mul3A_738 : vector<16xi32>
      %add3A_740 = arith.addi %mul3A_739, %add3A_499 : vector<16xi32>
      %gather3A_741 = tpu.vector_load_idx %arg12[%broadcast_in_dim3A_729, %add3A_740] : memref<128x128xi32, #tpu.memory_space<vmem>>[vector<16xi32>, vector<16xi32>], vector<16xi32>,
      %swap3A_742 = arith.index_cast %while3A_670 : i32 to index
      %swap3A_743 = arith.constant 64 : index
      %swap3A_744 = tpu.vector_load %arg14[%swap3A_742, %swap3A_743] {strides = array<i32>} : memref<64x128xi32, #tpu.memory_space<vmem>>, vector<16xi32>,
      tpu.vector_store %arg14[%swap3A_742, %swap3A_743], %gather3A_741 {strides = array<i32>} : memref<64x128xi32, #tpu.memory_space<vmem>>, vector<16xi32>,
      %add3A_745 = arith.addi %mul3A_739, %add3A_499 : vector<16xi32>
      %gather3A_746 = tpu.vector_load_idx %arg13[%broadcast_in_dim3A_729, %add3A_745] : memref<128x128xi32, #tpu.memory_space<vmem>>[vector<16xi32>, vector<16xi32>], vector<16xi32>,
      %swap3A_747 = arith.index_cast %while3A_670 : i32 to index
      %swap3A_748 = arith.constant 64 : index
      %swap3A_749 = tpu.vector_load %arg15[%swap3A_747, %swap3A_748] {strides = array<i32>} : memref<64x128xi32, #tpu.memory_space<vmem>>, vector<16xi32>,
      tpu.vector_store %arg15[%swap3A_747, %swap3A_748], %gather3A_746 {strides = array<i32>} : memref<64x128xi32, #tpu.memory_space<vmem>>, vector<16xi32>,
      %add3A_750 = arith.addi %mul3A_739, %add3A_507 : vector<16xi32>
      %gather3A_751 = tpu.vector_load_idx %arg12[%broadcast_in_dim3A_729, %add3A_750] : memref<128x128xi32, #tpu.memory_space<vmem>>[vector<16xi32>, vector<16xi32>], vector<16xi32>,
      %swap3A_752 = arith.index_cast %while3A_670 : i32 to index
      %swap3A_753 = arith.constant 80 : index
      %swap3A_754 = tpu.vector_load %arg14[%swap3A_752, %swap3A_753] {strides = array<i32>} : memref<64x128xi32, #tpu.memory_space<vmem>>, vector<16xi32>,
      tpu.vector_store %arg14[%swap3A_752, %swap3A_753], %gather3A_751 {strides = array<i32>} : memref<64x128xi32, #tpu.memory_space<vmem>>, vector<16xi32>,
      %add3A_755 = arith.addi %mul3A_739, %add3A_507 : vector<16xi32>
      %gather3A_756 = tpu.vector_load_idx %arg13[%broadcast_in_dim3A_729, %add3A_755] : memref<128x128xi32, #tpu.memory_space<vmem>>[vector<16xi32>, vector<16xi32>], vector<16xi32>,
      %swap3A_757 = arith.index_cast %while3A_670 : i32 to index
      %swap3A_758 = arith.constant 80 : index
      %swap3A_759 = tpu.vector_load %arg15[%swap3A_757, %swap3A_758] {strides = array<i32>} : memref<64x128xi32, #tpu.memory_space<vmem>>, vector<16xi32>,
      tpu.vector_store %arg15[%swap3A_757, %swap3A_758], %gather3A_756 {strides = array<i32>} : memref<64x128xi32, #tpu.memory_space<vmem>>, vector<16xi32>,
      %add3A_760 = arith.addi %mul3A_739, %add3A_515 : vector<16xi32>
      %gather3A_761 = tpu.vector_load_idx %arg12[%broadcast_in_dim3A_729, %add3A_760] : memref<128x128xi32, #tpu.memory_space<vmem>>[vector<16xi32>, vector<16xi32>], vector<16xi32>,
      %swap3A_762 = arith.index_cast %while3A_670 : i32 to index
      %swap3A_763 = arith.constant 96 : index
      %swap3A_764 = tpu.vector_load %arg14[%swap3A_762, %swap3A_763] {strides = array<i32>} : memref<64x128xi32, #tpu.memory_space<vmem>>, vector<16xi32>,
      tpu.vector_store %arg14[%swap3A_762, %swap3A_763], %gather3A_761 {strides = array<i32>} : memref<64x128xi32, #tpu.memory_space<vmem>>, vector<16xi32>,
      %add3A_765 = arith.addi %mul3A_739, %add3A_515 : vector<16xi32>
      %gather3A_766 = tpu.vector_load_idx %arg13[%broadcast_in_dim3A_729, %add3A_765] : memref<128x128xi32, #tpu.memory_space<vmem>>[vector<16xi32>, vector<16xi32>], vector<16xi32>,
      %swap3A_767 = arith.index_cast %while3A_670 : i32 to index
      %swap3A_768 = arith.constant 96 : index
      %swap3A_769 = tpu.vector_load %arg15[%swap3A_767, %swap3A_768] {strides = array<i32>} : memref<64x128xi32, #tpu.memory_space<vmem>>, vector<16xi32>,
      tpu.vector_store %arg15[%swap3A_767, %swap3A_768], %gather3A_766 {strides = array<i32>} : memref<64x128xi32, #tpu.memory_space<vmem>>, vector<16xi32>,
      %add3A_770 = arith.addi %mul3A_739, %add3A_523 : vector<16xi32>
      %gather3A_771 = tpu.vector_load_idx %arg12[%broadcast_in_dim3A_729, %add3A_770] : memref<128x128xi32, #tpu.memory_space<vmem>>[vector<16xi32>, vector<16xi32>], vector<16xi32>,
      %swap3A_772 = arith.index_cast %while3A_670 : i32 to index
      %swap3A_773 = arith.constant 112 : index
      %swap3A_774 = tpu.vector_load %arg14[%swap3A_772, %swap3A_773] {strides = array<i32>} : memref<64x128xi32, #tpu.memory_space<vmem>>, vector<16xi32>,
      tpu.vector_store %arg14[%swap3A_772, %swap3A_773], %gather3A_771 {strides = array<i32>} : memref<64x128xi32, #tpu.memory_space<vmem>>, vector<16xi32>,
      %add3A_775 = arith.addi %mul3A_739, %add3A_523 : vector<16xi32>
      %gather3A_776 = tpu.vector_load_idx %arg13[%broadcast_in_dim3A_729, %add3A_775] : memref<128x128xi32, #tpu.memory_space<vmem>>[vector<16xi32>, vector<16xi32>], vector<16xi32>,
      %swap3A_777 = arith.index_cast %while3A_670 : i32 to index
      %swap3A_778 = arith.constant 112 : index
      %swap3A_779 = tpu.vector_load %arg15[%swap3A_777, %swap3A_778] {strides = array<i32>} : memref<64x128xi32, #tpu.memory_space<vmem>>, vector<16xi32>,
      tpu.vector_store %arg15[%swap3A_777, %swap3A_778], %gather3A_776 {strides = array<i32>} : memref<64x128xi32, #tpu.memory_space<vmem>>, vector<16xi32>,
      %add3A_780 = arith.constant 1 : i32
      %add3A_781 = arith.addi %while3A_670, %add3A_780 : i32
      scf.yield %add3A_781 : i32
    }
    %while3A_626 = arith.constant 1 : i32
    %while3A_627 = scf.for %while3A_669 = %while3A_623 to %while3A_619 step %while3A_626 iter_args(%while3A_670 = %while3A_625) -> (i32)  : i32 {
      %mul3A_671 = arith.constant 2 : i32
      %mul3A_672 = arith.muli %while3A_670, %mul3A_671 : i32
      %add3A_673 = arith.constant 0 : i32
      %add3A_674 = arith.addi %mul3A_672, %add3A_673 : i32
      %broadcast_in_dim3A = vector.broadcast %add3A_674 : i32 to vector<16xi32>
      %add3A_675 = arith.constant 256 : i32
      %add3A_676 = vector.broadcast %add3A_675 : i32 to vector<16xi32>
      %add3A_677 = arith.addi %broadcast_in_dim3A, %add3A_676 : vector<16xi32>
      %gather3A_678 = tpu.vector_load_idx %arg9[%add3A_677] : memref<512xi32, #tpu.memory_space<vmem>>[vector<16xi32>], vector<16xi32>,
      %and3A_679 = arith.constant 1 : i32
      %and3A_680 = vector.broadcast %and3A_679 : i32 to vector<16xi32>
      %and3A_681 = arith.andi %gather3A_678, %and3A_680 : vector<16xi32>
      %mul3A_682 = arith.constant 64 : i32
      %mul3A_683 = vector.broadcast %mul3A_682 : i32 to vector<16xi32>
      %mul3A_684 = arith.muli %and3A_681, %mul3A_683 : vector<16xi32>
      %add3A_685 = arith.addi %mul3A_684, %add3A_499 : vector<16xi32>
      %gather3A_686 = tpu.vector_load_idx %arg12[%broadcast_in_dim3A, %add3A_685] : memref<128x128xi32, #tpu.memory_space<vmem>>[vector<16xi32>, vector<16xi32>], vector<16xi32>,
      %swap3A_687 = arith.index_cast %while3A_670 : i32 to index
      %swap3A_688 = arith.constant 0 : index
      %swap3A_689 = tpu.vector_load %arg14[%swap3A_687, %swap3A_688] {strides = array<i32>} : memref<64x128xi32, #tpu.memory_space<vmem>>, vector<16xi32>,
      tpu.vector_store %arg14[%swap3A_687, %swap3A_688], %gather3A_686 {strides = array<i32>} : memref<64x128xi32, #tpu.memory_space<vmem>>, vector<16xi32>,
      %add3A_690 = arith.addi %mul3A_684, %add3A_499 : vector<16xi32>
      %gather3A_691 = tpu.vector_load_idx %arg13[%broadcast_in_dim3A, %add3A_690] : memref<128x128xi32, #tpu.memory_space<vmem>>[vector<16xi32>, vector<16xi32>], vector<16xi32>,
      %swap3A_692 = arith.index_cast %while3A_670 : i32 to index
      %swap3A_693 = arith.constant 0 : index
      %swap3A_694 = tpu.vector_load %arg15[%swap3A_692, %swap3A_693] {strides = array<i32>} : memref<64x128xi32, #tpu.memory_space<vmem>>, vector<16xi32>,
      tpu.vector_store %arg15[%swap3A_692, %swap3A_693], %gather3A_691 {strides = array<i32>} : memref<64x128xi32, #tpu.memory_space<vmem>>, vector<16xi32>,
      %add3A_695 = arith.addi %mul3A_684, %add3A_507 : vector<16xi32>
      %gather3A_696 = tpu.vector_load_idx %arg12[%broadcast_in_dim3A, %add3A_695] : memref<128x128xi32, #tpu.memory_space<vmem>>[vector<16xi32>, vector<16xi32>], vector<16xi32>,
      %swap3A_697 = arith.index_cast %while3A_670 : i32 to index
      %swap3A_698 = arith.constant 16 : index
      %swap3A_699 = tpu.vector_load %arg14[%swap3A_697, %swap3A_698] {strides = array<i32>} : memref<64x128xi32, #tpu.memory_space<vmem>>, vector<16xi32>,
      tpu.vector_store %arg14[%swap3A_697, %swap3A_698], %gather3A_696 {strides = array<i32>} : memref<64x128xi32, #tpu.memory_space<vmem>>, vector<16xi32>,
      %add3A_700 = arith.addi %mul3A_684, %add3A_507 : vector<16xi32>
      %gather3A_701 = tpu.vector_load_idx %arg13[%broadcast_in_dim3A, %add3A_700] : memref<128x128xi32, #tpu.memory_space<vmem>>[vector<16xi32>, vector<16xi32>], vector<16xi32>,
      %swap3A_702 = arith.index_cast %while3A_670 : i32 to index
      %swap3A_703 = arith.constant 16 : index
      %swap3A_704 = tpu.vector_load %arg15[%swap3A_702, %swap3A_703] {strides = array<i32>} : memref<64x128xi32, #tpu.memory_space<vmem>>, vector<16xi32>,
      tpu.vector_store %arg15[%swap3A_702, %swap3A_703], %gather3A_701 {strides = array<i32>} : memref<64x128xi32, #tpu.memory_space<vmem>>, vector<16xi32>,
      %add3A_705 = arith.addi %mul3A_684, %add3A_515 : vector<16xi32>
      %gather3A_706 = tpu.vector_load_idx %arg12[%broadcast_in_dim3A, %add3A_705] : memref<128x128xi32, #tpu.memory_space<vmem>>[vector<16xi32>, vector<16xi32>], vector<16xi32>,
      %swap3A_707 = arith.index_cast %while3A_670 : i32 to index
      %swap3A_708 = arith.constant 32 : index
      %swap3A_709 = tpu.vector_load %arg14[%swap3A_707, %swap3A_708] {strides = array<i32>} : memref<64x128xi32, #tpu.memory_space<vmem>>, vector<16xi32>,
      tpu.vector_store %arg14[%swap3A_707, %swap3A_708], %gather3A_706 {strides = array<i32>} : memref<64x128xi32, #tpu.memory_space<vmem>>, vector<16xi32>,
      %add3A_710 = arith.addi %mul3A_684, %add3A_515 : vector<16xi32>
      %gather3A_711 = tpu.vector_load_idx %arg13[%broadcast_in_dim3A, %add3A_710] : memref<128x128xi32, #tpu.memory_space<vmem>>[vector<16xi32>, vector<16xi32>], vector<16xi32>,
      %swap3A_712 = arith.index_cast %while3A_670 : i32 to index
      %swap3A_713 = arith.constant 32 : index
      %swap3A_714 = tpu.vector_load %arg15[%swap3A_712, %swap3A_713] {strides = array<i32>} : memref<64x128xi32, #tpu.memory_space<vmem>>, vector<16xi32>,
      tpu.vector_store %arg15[%swap3A_712, %swap3A_713], %gather3A_711 {strides = array<i32>} : memref<64x128xi32, #tpu.memory_space<vmem>>, vector<16xi32>,
      %add3A_715 = arith.addi %mul3A_684, %add3A_523 : vector<16xi32>
      %gather3A_716 = tpu.vector_load_idx %arg12[%broadcast_in_dim3A, %add3A_715] : memref<128x128xi32, #tpu.memory_space<vmem>>[vector<16xi32>, vector<16xi32>], vector<16xi32>,
      %swap3A_717 = arith.index_cast %while3A_670 : i32 to index
      %swap3A_718 = arith.constant 48 : index
      %swap3A_719 = tpu.vector_load %arg14[%swap3A_717, %swap3A_718] {strides = array<i32>} : memref<64x128xi32, #tpu.memory_space<vmem>>, vector<16xi32>,
      tpu.vector_store %arg14[%swap3A_717, %swap3A_718], %gather3A_716 {strides = array<i32>} : memref<64x128xi32, #tpu.memory_space<vmem>>, vector<16xi32>,
      %add3A_720 = arith.addi %mul3A_684, %add3A_523 : vector<16xi32>
      %gather3A_721 = tpu.vector_load_idx %arg13[%broadcast_in_dim3A, %add3A_720] : memref<128x128xi32, #tpu.memory_space<vmem>>[vector<16xi32>, vector<16xi32>], vector<16xi32>,
      %swap3A_722 = arith.index_cast %while3A_670 : i32 to index
      %swap3A_723 = arith.constant 48 : index
      %swap3A_724 = tpu.vector_load %arg15[%swap3A_722, %swap3A_723] {strides = array<i32>} : memref<64x128xi32, #tpu.memory_space<vmem>>, vector<16xi32>,
      tpu.vector_store %arg15[%swap3A_722, %swap3A_723], %gather3A_721 {strides = array<i32>} : memref<64x128xi32, #tpu.memory_space<vmem>>, vector<16xi32>,
      %mul3A_725 = arith.constant 2 : i32
      %mul3A_726 = arith.muli %while3A_670, %mul3A_725 : i32
      %add3A_727 = arith.constant 1 : i32
      %add3A_728 = arith.addi %mul3A_726, %add3A_727 : i32
      %broadcast_in_dim3A_729 = vector.broadcast %add3A_728 : i32 to vector<16xi32>
      %add3A_730 = arith.constant 256 : i32
      %add3A_731 = vector.broadcast %add3A_730 : i32 to vector<16xi32>
      %add3A_732 = arith.addi %broadcast_in_dim3A_729, %add3A_731 : vector<16xi32>
      %gather3A_733 = tpu.vector_load_idx %arg9[%add3A_732] : memref<512xi32, #tpu.memory_space<vmem>>[vector<16xi32>], vector<16xi32>,
      %and3A_734 = arith.constant 1 : i32
      %and3A_735 = vector.broadcast %and3A_734 : i32 to vector<16xi32>
      %and3A_736 = arith.andi %gather3A_733, %and3A_735 : vector<16xi32>
      %mul3A_737 = arith.constant 64 : i32
      %mul3A_738 = vector.broadcast %mul3A_737 : i32 to vector<16xi32>
      %mul3A_739 = arith.muli %and3A_736, %mul3A_738 : vector<16xi32>
      %add3A_740 = arith.addi %mul3A_739, %add3A_499 : vector<16xi32>
      %gather3A_741 = tpu.vector_load_idx %arg12[%broadcast_in_dim3A_729, %add3A_740] : memref<128x128xi32, #tpu.memory_space<vmem>>[vector<16xi32>, vector<16xi32>], vector<16xi32>,
      %swap3A_742 = arith.index_cast %while3A_670 : i32 to index
      %swap3A_743 = arith.constant 64 : index
      %swap3A_744 = tpu.vector_load %arg14[%swap3A_742, %swap3A_743] {strides = array<i32>} : memref<64x128xi32, #tpu.memory_space<vmem>>, vector<16xi32>,
      tpu.vector_store %arg14[%swap3A_742, %swap3A_743], %gather3A_741 {strides = array<i32>} : memref<64x128xi32, #tpu.memory_space<vmem>>, vector<16xi32>,
      %add3A_745 = arith.addi %mul3A_739, %add3A_499 : vector<16xi32>
      %gather3A_746 = tpu.vector_load_idx %arg13[%broadcast_in_dim3A_729, %add3A_745] : memref<128x128xi32, #tpu.memory_space<vmem>>[vector<16xi32>, vector<16xi32>], vector<16xi32>,
      %swap3A_747 = arith.index_cast %while3A_670 : i32 to index
      %swap3A_748 = arith.constant 64 : index
      %swap3A_749 = tpu.vector_load %arg15[%swap3A_747, %swap3A_748] {strides = array<i32>} : memref<64x128xi32, #tpu.memory_space<vmem>>, vector<16xi32>,
      tpu.vector_store %arg15[%swap3A_747, %swap3A_748], %gather3A_746 {strides = array<i32>} : memref<64x128xi32, #tpu.memory_space<vmem>>, vector<16xi32>,
      %add3A_750 = arith.addi %mul3A_739, %add3A_507 : vector<16xi32>
      %gather3A_751 = tpu.vector_load_idx %arg12[%broadcast_in_dim3A_729, %add3A_750] : memref<128x128xi32, #tpu.memory_space<vmem>>[vector<16xi32>, vector<16xi32>], vector<16xi32>,
      %swap3A_752 = arith.index_cast %while3A_670 : i32 to index
      %swap3A_753 = arith.constant 80 : index
      %swap3A_754 = tpu.vector_load %arg14[%swap3A_752, %swap3A_753] {strides = array<i32>} : memref<64x128xi32, #tpu.memory_space<vmem>>, vector<16xi32>,
      tpu.vector_store %arg14[%swap3A_752, %swap3A_753], %gather3A_751 {strides = array<i32>} : memref<64x128xi32, #tpu.memory_space<vmem>>, vector<16xi32>,
      %add3A_755 = arith.addi %mul3A_739, %add3A_507 : vector<16xi32>
      %gather3A_756 = tpu.vector_load_idx %arg13[%broadcast_in_dim3A_729, %add3A_755] : memref<128x128xi32, #tpu.memory_space<vmem>>[vector<16xi32>, vector<16xi32>], vector<16xi32>,
      %swap3A_757 = arith.index_cast %while3A_670 : i32 to index
      %swap3A_758 = arith.constant 80 : index
      %swap3A_759 = tpu.vector_load %arg15[%swap3A_757, %swap3A_758] {strides = array<i32>} : memref<64x128xi32, #tpu.memory_space<vmem>>, vector<16xi32>,
      tpu.vector_store %arg15[%swap3A_757, %swap3A_758], %gather3A_756 {strides = array<i32>} : memref<64x128xi32, #tpu.memory_space<vmem>>, vector<16xi32>,
      %add3A_760 = arith.addi %mul3A_739, %add3A_515 : vector<16xi32>
      %gather3A_761 = tpu.vector_load_idx %arg12[%broadcast_in_dim3A_729, %add3A_760] : memref<128x128xi32, #tpu.memory_space<vmem>>[vector<16xi32>, vector<16xi32>], vector<16xi32>,
      %swap3A_762 = arith.index_cast %while3A_670 : i32 to index
      %swap3A_763 = arith.constant 96 : index
      %swap3A_764 = tpu.vector_load %arg14[%swap3A_762, %swap3A_763] {strides = array<i32>} : memref<64x128xi32, #tpu.memory_space<vmem>>, vector<16xi32>,
      tpu.vector_store %arg14[%swap3A_762, %swap3A_763], %gather3A_761 {strides = array<i32>} : memref<64x128xi32, #tpu.memory_space<vmem>>, vector<16xi32>,
      %add3A_765 = arith.addi %mul3A_739, %add3A_515 : vector<16xi32>
      %gather3A_766 = tpu.vector_load_idx %arg13[%broadcast_in_dim3A_729, %add3A_765] : memref<128x128xi32, #tpu.memory_space<vmem>>[vector<16xi32>, vector<16xi32>], vector<16xi32>,
      %swap3A_767 = arith.index_cast %while3A_670 : i32 to index
      %swap3A_768 = arith.constant 96 : index
      %swap3A_769 = tpu.vector_load %arg15[%swap3A_767, %swap3A_768] {strides = array<i32>} : memref<64x128xi32, #tpu.memory_space<vmem>>, vector<16xi32>,
      tpu.vector_store %arg15[%swap3A_767, %swap3A_768], %gather3A_766 {strides = array<i32>} : memref<64x128xi32, #tpu.memory_space<vmem>>, vector<16xi32>,
      %add3A_770 = arith.addi %mul3A_739, %add3A_523 : vector<16xi32>
      %gather3A_771 = tpu.vector_load_idx %arg12[%broadcast_in_dim3A_729, %add3A_770] : memref<128x128xi32, #tpu.memory_space<vmem>>[vector<16xi32>, vector<16xi32>], vector<16xi32>,
      %swap3A_772 = arith.index_cast %while3A_670 : i32 to index
      %swap3A_773 = arith.constant 112 : index
      %swap3A_774 = tpu.vector_load %arg14[%swap3A_772, %swap3A_773] {strides = array<i32>} : memref<64x128xi32, #tpu.memory_space<vmem>>, vector<16xi32>,
      tpu.vector_store %arg14[%swap3A_772, %swap3A_773], %gather3A_771 {strides = array<i32>} : memref<64x128xi32, #tpu.memory_space<vmem>>, vector<16xi32>,
      %add3A_775 = arith.addi %mul3A_739, %add3A_523 : vector<16xi32>
      %gather3A_776 = tpu.vector_load_idx %arg13[%broadcast_in_dim3A_729, %add3A_775] : memref<128x128xi32, #tpu.memory_space<vmem>>[vector<16xi32>, vector<16xi32>], vector<16xi32>,
      %swap3A_777 = arith.index_cast %while3A_670 : i32 to index
      %swap3A_778 = arith.constant 112 : index
      %swap3A_779 = tpu.vector_load %arg15[%swap3A_777, %swap3A_778] {strides = array<i32>} : memref<64x128xi32, #tpu.memory_space<vmem>>, vector<16xi32>,
      tpu.vector_store %arg15[%swap3A_777, %swap3A_778], %gather3A_776 {strides = array<i32>} : memref<64x128xi32, #tpu.memory_space<vmem>>, vector<16xi32>,
      %add3A_780 = arith.constant 1 : i32
      %add3A_781 = arith.addi %while3A_670, %add3A_780 : i32
      scf.yield %add3A_781 : i32
    }
    %mul3A_628 = arith.constant 256 : i32
    %mul3A_629 = arith.muli %add3A, %mul3A_628 : i32
    %add3A_630 = arith.constant 128 : i32
    %add3A_631 = arith.addi %mul3A_629, %add3A_630 : i32
    "tpu.region"() ({
      %run_scoped3A = tpu.sem_alloc : memref<!tpu.dma_semaphore, #tpu.memory_space<semaphore_mem>>
      %dma_start3A_669 = arith.constant 0 : i32
      %dma_start3A_670 = tpu.memref_slice %arg6[%add3A_631, %dma_start3A_669] : memref<8192x128xi32, #tpu.memory_space<hbm>> -> memref<64x128xi32, #tpu.memory_space<hbm>>
      %dma_start3A_671 = arith.constant 0 : i32
      %dma_start3A_672 = tpu.memref_slice %arg6[%add3A_631, %dma_start3A_671] : memref<8192x128xi32, #tpu.memory_space<hbm>> -> memref<64x128xi32, #tpu.memory_space<hbm>>
      tpu.enqueue_dma source(%arg14 : memref<64x128xi32, #tpu.memory_space<vmem>>) target(%dma_start3A_672 : memref<64x128xi32, #tpu.memory_space<hbm>>) target_semaphore(%run_scoped3A : memref<!tpu.dma_semaphore, #tpu.memory_space<semaphore_mem>>)
      %dma_wait3A_673 = arith.constant 0 : i32
      %dma_wait3A_674 = tpu.memref_slice %arg6[%add3A_631, %dma_wait3A_673] : memref<8192x128xi32, #tpu.memory_space<hbm>> -> memref<64x128xi32, #tpu.memory_space<hbm>>
      %dma_wait3A_675 = arith.constant 0 : i32
      %dma_wait3A_676 = tpu.memref_slice %arg6[%add3A_631, %dma_wait3A_675] : memref<8192x128xi32, #tpu.memory_space<hbm>> -> memref<64x128xi32, #tpu.memory_space<hbm>>
      tpu.wait_dma2 semaphore(%run_scoped3A : memref<!tpu.dma_semaphore, #tpu.memory_space<semaphore_mem>>) src(%arg14 : memref<64x128xi32, #tpu.memory_space<vmem>>) dst(%dma_wait3A_676 : memref<64x128xi32, #tpu.memory_space<hbm>>)
      tpu.yield
    }) : () -> ()
    "tpu.region"() ({
      %run_scoped3A = tpu.sem_alloc : memref<!tpu.dma_semaphore, #tpu.memory_space<semaphore_mem>>
      %dma_start3A_669 = arith.constant 0 : i32
      %dma_start3A_670 = tpu.memref_slice %arg7[%add3A_631, %dma_start3A_669] : memref<8192x128xi32, #tpu.memory_space<hbm>> -> memref<64x128xi32, #tpu.memory_space<hbm>>
      %dma_start3A_671 = arith.constant 0 : i32
      %dma_start3A_672 = tpu.memref_slice %arg7[%add3A_631, %dma_start3A_671] : memref<8192x128xi32, #tpu.memory_space<hbm>> -> memref<64x128xi32, #tpu.memory_space<hbm>>
      tpu.enqueue_dma source(%arg15 : memref<64x128xi32, #tpu.memory_space<vmem>>) target(%dma_start3A_672 : memref<64x128xi32, #tpu.memory_space<hbm>>) target_semaphore(%run_scoped3A : memref<!tpu.dma_semaphore, #tpu.memory_space<semaphore_mem>>)
      %dma_wait3A_673 = arith.constant 0 : i32
      %dma_wait3A_674 = tpu.memref_slice %arg7[%add3A_631, %dma_wait3A_673] : memref<8192x128xi32, #tpu.memory_space<hbm>> -> memref<64x128xi32, #tpu.memory_space<hbm>>
      %dma_wait3A_675 = arith.constant 0 : i32
      %dma_wait3A_676 = tpu.memref_slice %arg7[%add3A_631, %dma_wait3A_675] : memref<8192x128xi32, #tpu.memory_space<hbm>> -> memref<64x128xi32, #tpu.memory_space<hbm>>
      tpu.wait_dma2 semaphore(%run_scoped3A : memref<!tpu.dma_semaphore, #tpu.memory_space<semaphore_mem>>) src(%arg15 : memref<64x128xi32, #tpu.memory_space<vmem>>) dst(%dma_wait3A_676 : memref<64x128xi32, #tpu.memory_space<hbm>>)
      tpu.yield
    }) : () -> ()
    %dma_start3A_632 = arith.constant 384 : i32
    %dma_start3A_633 = tpu.memref_slice %arg10[%dma_start3A_632] : memref<512xi32, #tpu.memory_space<vmem>> -> memref<128xi32, #tpu.memory_space<vmem>>
    %dma_start3A_634 = arith.constant 0 : i32
    %dma_start3A_635 = arith.constant 0 : i32
    %dma_start3A_636 = tpu.memref_slice %arg3[%dma_start3A_634, %dma_start3A_635] : memref<50000x128xi32, #tpu.memory_space<hbm>> -> memref<50000x128xi32, #tpu.memory_space<hbm>>
    tpu.enqueue_indirect_dma source(%dma_start3A_636 : memref<50000x128xi32, #tpu.memory_space<hbm>>) target(%arg12 : memref<128x128xi32, #tpu.memory_space<vmem>>) offsets(%dma_start3A_633 : memref<128xi32, #tpu.memory_space<vmem>>) semaphore(%arg16 : memref<!tpu.dma_semaphore, #tpu.memory_space<semaphore_mem>>)
    %dma_start3A_637 = arith.constant 384 : i32
    %dma_start3A_638 = tpu.memref_slice %arg10[%dma_start3A_637] : memref<512xi32, #tpu.memory_space<vmem>> -> memref<128xi32, #tpu.memory_space<vmem>>
    %dma_start3A_639 = arith.constant 0 : i32
    %dma_start3A_640 = arith.constant 0 : i32
    %dma_start3A_641 = tpu.memref_slice %arg4[%dma_start3A_639, %dma_start3A_640] : memref<50000x128xi32, #tpu.memory_space<hbm>> -> memref<50000x128xi32, #tpu.memory_space<hbm>>
    tpu.enqueue_indirect_dma source(%dma_start3A_641 : memref<50000x128xi32, #tpu.memory_space<hbm>>) target(%arg13 : memref<128x128xi32, #tpu.memory_space<vmem>>) offsets(%dma_start3A_638 : memref<128xi32, #tpu.memory_space<vmem>>) semaphore(%arg16 : memref<!tpu.dma_semaphore, #tpu.memory_space<semaphore_mem>>)
    %dma_wait3A_642 = arith.constant 384 : i32
    %dma_wait3A_643 = tpu.memref_slice %arg10[%dma_wait3A_642] : memref<512xi32, #tpu.memory_space<vmem>> -> memref<128xi32, #tpu.memory_space<vmem>>
    %dma_wait3A_644 = arith.constant 0 : i32
    %dma_wait3A_645 = arith.constant 0 : i32
    %dma_wait3A_646 = tpu.memref_slice %arg3[%dma_wait3A_644, %dma_wait3A_645] : memref<50000x128xi32, #tpu.memory_space<hbm>> -> memref<50000x128xi32, #tpu.memory_space<hbm>>
    tpu.wait_indirect_dma semaphore(%arg16 : memref<!tpu.dma_semaphore, #tpu.memory_space<semaphore_mem>>) src(%dma_wait3A_646 : memref<50000x128xi32, #tpu.memory_space<hbm>>) dst(%arg12 : memref<128x128xi32, #tpu.memory_space<vmem>>)
    %dma_wait3A_647 = arith.constant 384 : i32
    %dma_wait3A_648 = tpu.memref_slice %arg10[%dma_wait3A_647] : memref<512xi32, #tpu.memory_space<vmem>> -> memref<128xi32, #tpu.memory_space<vmem>>
    %dma_wait3A_649 = arith.constant 0 : i32
    %dma_wait3A_650 = arith.constant 0 : i32
    %dma_wait3A_651 = tpu.memref_slice %arg4[%dma_wait3A_649, %dma_wait3A_650] : memref<50000x128xi32, #tpu.memory_space<hbm>> -> memref<50000x128xi32, #tpu.memory_space<hbm>>
    tpu.wait_indirect_dma semaphore(%arg16 : memref<!tpu.dma_semaphore, #tpu.memory_space<semaphore_mem>>) src(%dma_wait3A_651 : memref<50000x128xi32, #tpu.memory_space<hbm>>) dst(%arg13 : memref<128x128xi32, #tpu.memory_space<vmem>>)
    %while3A_652 = arith.constant 0 : i32
    %while3A_653 = arith.constant 64 : i32
    %while3A_654 = arith.constant 0 : i32
    %while3A_655 = arith.subi %while3A_653, %while3A_652 : i32
    %while3A_656 = arith.addi %while3A_652, %while3A_655 : i32
    %while3A_657 = arith.constant 1 : i32
    %while3A_658 = arith.divsi %while3A_655, %while3A_657 : i32
    %while3A_659 = arith.muli %while3A_658, %while3A_657 : i32
    %while3A_660 = arith.addi %while3A_652, %while3A_659 : i32
    %while3A_661 = arith.constant 1 : i32
    %while3A_662 = scf.for %while3A_669 = %while3A_652 to %while3A_660 step %while3A_661 iter_args(%while3A_670 = %while3A_654) -> (i32)  : i32 {
      %mul3A_671 = arith.constant 2 : i32
      %mul3A_672 = arith.muli %while3A_670, %mul3A_671 : i32
      %add3A_673 = arith.constant 0 : i32
      %add3A_674 = arith.addi %mul3A_672, %add3A_673 : i32
      %broadcast_in_dim3A = vector.broadcast %add3A_674 : i32 to vector<16xi32>
      %add3A_675 = arith.constant 384 : i32
      %add3A_676 = vector.broadcast %add3A_675 : i32 to vector<16xi32>
      %add3A_677 = arith.addi %broadcast_in_dim3A, %add3A_676 : vector<16xi32>
      %gather3A_678 = tpu.vector_load_idx %arg9[%add3A_677] : memref<512xi32, #tpu.memory_space<vmem>>[vector<16xi32>], vector<16xi32>,
      %and3A_679 = arith.constant 1 : i32
      %and3A_680 = vector.broadcast %and3A_679 : i32 to vector<16xi32>
      %and3A_681 = arith.andi %gather3A_678, %and3A_680 : vector<16xi32>
      %mul3A_682 = arith.constant 64 : i32
      %mul3A_683 = vector.broadcast %mul3A_682 : i32 to vector<16xi32>
      %mul3A_684 = arith.muli %and3A_681, %mul3A_683 : vector<16xi32>
      %add3A_685 = arith.addi %mul3A_684, %add3A_499 : vector<16xi32>
      %gather3A_686 = tpu.vector_load_idx %arg12[%broadcast_in_dim3A, %add3A_685] : memref<128x128xi32, #tpu.memory_space<vmem>>[vector<16xi32>, vector<16xi32>], vector<16xi32>,
      %swap3A_687 = arith.index_cast %while3A_670 : i32 to index
      %swap3A_688 = arith.constant 0 : index
      %swap3A_689 = tpu.vector_load %arg14[%swap3A_687, %swap3A_688] {strides = array<i32>} : memref<64x128xi32, #tpu.memory_space<vmem>>, vector<16xi32>,
      tpu.vector_store %arg14[%swap3A_687, %swap3A_688], %gather3A_686 {strides = array<i32>} : memref<64x128xi32, #tpu.memory_space<vmem>>, vector<16xi32>,
      %add3A_690 = arith.addi %mul3A_684, %add3A_499 : vector<16xi32>
      %gather3A_691 = tpu.vector_load_idx %arg13[%broadcast_in_dim3A, %add3A_690] : memref<128x128xi32, #tpu.memory_space<vmem>>[vector<16xi32>, vector<16xi32>], vector<16xi32>,
      %swap3A_692 = arith.index_cast %while3A_670 : i32 to index
      %swap3A_693 = arith.constant 0 : index
      %swap3A_694 = tpu.vector_load %arg15[%swap3A_692, %swap3A_693] {strides = array<i32>} : memref<64x128xi32, #tpu.memory_space<vmem>>, vector<16xi32>,
      tpu.vector_store %arg15[%swap3A_692, %swap3A_693], %gather3A_691 {strides = array<i32>} : memref<64x128xi32, #tpu.memory_space<vmem>>, vector<16xi32>,
      %add3A_695 = arith.addi %mul3A_684, %add3A_507 : vector<16xi32>
      %gather3A_696 = tpu.vector_load_idx %arg12[%broadcast_in_dim3A, %add3A_695] : memref<128x128xi32, #tpu.memory_space<vmem>>[vector<16xi32>, vector<16xi32>], vector<16xi32>,
      %swap3A_697 = arith.index_cast %while3A_670 : i32 to index
      %swap3A_698 = arith.constant 16 : index
      %swap3A_699 = tpu.vector_load %arg14[%swap3A_697, %swap3A_698] {strides = array<i32>} : memref<64x128xi32, #tpu.memory_space<vmem>>, vector<16xi32>,
      tpu.vector_store %arg14[%swap3A_697, %swap3A_698], %gather3A_696 {strides = array<i32>} : memref<64x128xi32, #tpu.memory_space<vmem>>, vector<16xi32>,
      %add3A_700 = arith.addi %mul3A_684, %add3A_507 : vector<16xi32>
      %gather3A_701 = tpu.vector_load_idx %arg13[%broadcast_in_dim3A, %add3A_700] : memref<128x128xi32, #tpu.memory_space<vmem>>[vector<16xi32>, vector<16xi32>], vector<16xi32>,
      %swap3A_702 = arith.index_cast %while3A_670 : i32 to index
      %swap3A_703 = arith.constant 16 : index
      %swap3A_704 = tpu.vector_load %arg15[%swap3A_702, %swap3A_703] {strides = array<i32>} : memref<64x128xi32, #tpu.memory_space<vmem>>, vector<16xi32>,
      tpu.vector_store %arg15[%swap3A_702, %swap3A_703], %gather3A_701 {strides = array<i32>} : memref<64x128xi32, #tpu.memory_space<vmem>>, vector<16xi32>,
      %add3A_705 = arith.addi %mul3A_684, %add3A_515 : vector<16xi32>
      %gather3A_706 = tpu.vector_load_idx %arg12[%broadcast_in_dim3A, %add3A_705] : memref<128x128xi32, #tpu.memory_space<vmem>>[vector<16xi32>, vector<16xi32>], vector<16xi32>,
      %swap3A_707 = arith.index_cast %while3A_670 : i32 to index
      %swap3A_708 = arith.constant 32 : index
      %swap3A_709 = tpu.vector_load %arg14[%swap3A_707, %swap3A_708] {strides = array<i32>} : memref<64x128xi32, #tpu.memory_space<vmem>>, vector<16xi32>,
      tpu.vector_store %arg14[%swap3A_707, %swap3A_708], %gather3A_706 {strides = array<i32>} : memref<64x128xi32, #tpu.memory_space<vmem>>, vector<16xi32>,
      %add3A_710 = arith.addi %mul3A_684, %add3A_515 : vector<16xi32>
      %gather3A_711 = tpu.vector_load_idx %arg13[%broadcast_in_dim3A, %add3A_710] : memref<128x128xi32, #tpu.memory_space<vmem>>[vector<16xi32>, vector<16xi32>], vector<16xi32>,
      %swap3A_712 = arith.index_cast %while3A_670 : i32 to index
      %swap3A_713 = arith.constant 32 : index
      %swap3A_714 = tpu.vector_load %arg15[%swap3A_712, %swap3A_713] {strides = array<i32>} : memref<64x128xi32, #tpu.memory_space<vmem>>, vector<16xi32>,
      tpu.vector_store %arg15[%swap3A_712, %swap3A_713], %gather3A_711 {strides = array<i32>} : memref<64x128xi32, #tpu.memory_space<vmem>>, vector<16xi32>,
      %add3A_715 = arith.addi %mul3A_684, %add3A_523 : vector<16xi32>
      %gather3A_716 = tpu.vector_load_idx %arg12[%broadcast_in_dim3A, %add3A_715] : memref<128x128xi32, #tpu.memory_space<vmem>>[vector<16xi32>, vector<16xi32>], vector<16xi32>,
      %swap3A_717 = arith.index_cast %while3A_670 : i32 to index
      %swap3A_718 = arith.constant 48 : index
      %swap3A_719 = tpu.vector_load %arg14[%swap3A_717, %swap3A_718] {strides = array<i32>} : memref<64x128xi32, #tpu.memory_space<vmem>>, vector<16xi32>,
      tpu.vector_store %arg14[%swap3A_717, %swap3A_718], %gather3A_716 {strides = array<i32>} : memref<64x128xi32, #tpu.memory_space<vmem>>, vector<16xi32>,
      %add3A_720 = arith.addi %mul3A_684, %add3A_523 : vector<16xi32>
      %gather3A_721 = tpu.vector_load_idx %arg13[%broadcast_in_dim3A, %add3A_720] : memref<128x128xi32, #tpu.memory_space<vmem>>[vector<16xi32>, vector<16xi32>], vector<16xi32>,
      %swap3A_722 = arith.index_cast %while3A_670 : i32 to index
      %swap3A_723 = arith.constant 48 : index
      %swap3A_724 = tpu.vector_load %arg15[%swap3A_722, %swap3A_723] {strides = array<i32>} : memref<64x128xi32, #tpu.memory_space<vmem>>, vector<16xi32>,
      tpu.vector_store %arg15[%swap3A_722, %swap3A_723], %gather3A_721 {strides = array<i32>} : memref<64x128xi32, #tpu.memory_space<vmem>>, vector<16xi32>,
      %mul3A_725 = arith.constant 2 : i32
      %mul3A_726 = arith.muli %while3A_670, %mul3A_725 : i32
      %add3A_727 = arith.constant 1 : i32
      %add3A_728 = arith.addi %mul3A_726, %add3A_727 : i32
      %broadcast_in_dim3A_729 = vector.broadcast %add3A_728 : i32 to vector<16xi32>
      %add3A_730 = arith.constant 384 : i32
      %add3A_731 = vector.broadcast %add3A_730 : i32 to vector<16xi32>
      %add3A_732 = arith.addi %broadcast_in_dim3A_729, %add3A_731 : vector<16xi32>
      %gather3A_733 = tpu.vector_load_idx %arg9[%add3A_732] : memref<512xi32, #tpu.memory_space<vmem>>[vector<16xi32>], vector<16xi32>,
      %and3A_734 = arith.constant 1 : i32
      %and3A_735 = vector.broadcast %and3A_734 : i32 to vector<16xi32>
      %and3A_736 = arith.andi %gather3A_733, %and3A_735 : vector<16xi32>
      %mul3A_737 = arith.constant 64 : i32
      %mul3A_738 = vector.broadcast %mul3A_737 : i32 to vector<16xi32>
      %mul3A_739 = arith.muli %and3A_736, %mul3A_738 : vector<16xi32>
      %add3A_740 = arith.addi %mul3A_739, %add3A_499 : vector<16xi32>
      %gather3A_741 = tpu.vector_load_idx %arg12[%broadcast_in_dim3A_729, %add3A_740] : memref<128x128xi32, #tpu.memory_space<vmem>>[vector<16xi32>, vector<16xi32>], vector<16xi32>,
      %swap3A_742 = arith.index_cast %while3A_670 : i32 to index
      %swap3A_743 = arith.constant 64 : index
      %swap3A_744 = tpu.vector_load %arg14[%swap3A_742, %swap3A_743] {strides = array<i32>} : memref<64x128xi32, #tpu.memory_space<vmem>>, vector<16xi32>,
      tpu.vector_store %arg14[%swap3A_742, %swap3A_743], %gather3A_741 {strides = array<i32>} : memref<64x128xi32, #tpu.memory_space<vmem>>, vector<16xi32>,
      %add3A_745 = arith.addi %mul3A_739, %add3A_499 : vector<16xi32>
      %gather3A_746 = tpu.vector_load_idx %arg13[%broadcast_in_dim3A_729, %add3A_745] : memref<128x128xi32, #tpu.memory_space<vmem>>[vector<16xi32>, vector<16xi32>], vector<16xi32>,
      %swap3A_747 = arith.index_cast %while3A_670 : i32 to index
      %swap3A_748 = arith.constant 64 : index
      %swap3A_749 = tpu.vector_load %arg15[%swap3A_747, %swap3A_748] {strides = array<i32>} : memref<64x128xi32, #tpu.memory_space<vmem>>, vector<16xi32>,
      tpu.vector_store %arg15[%swap3A_747, %swap3A_748], %gather3A_746 {strides = array<i32>} : memref<64x128xi32, #tpu.memory_space<vmem>>, vector<16xi32>,
      %add3A_750 = arith.addi %mul3A_739, %add3A_507 : vector<16xi32>
      %gather3A_751 = tpu.vector_load_idx %arg12[%broadcast_in_dim3A_729, %add3A_750] : memref<128x128xi32, #tpu.memory_space<vmem>>[vector<16xi32>, vector<16xi32>], vector<16xi32>,
      %swap3A_752 = arith.index_cast %while3A_670 : i32 to index
      %swap3A_753 = arith.constant 80 : index
      %swap3A_754 = tpu.vector_load %arg14[%swap3A_752, %swap3A_753] {strides = array<i32>} : memref<64x128xi32, #tpu.memory_space<vmem>>, vector<16xi32>,
      tpu.vector_store %arg14[%swap3A_752, %swap3A_753], %gather3A_751 {strides = array<i32>} : memref<64x128xi32, #tpu.memory_space<vmem>>, vector<16xi32>,
      %add3A_755 = arith.addi %mul3A_739, %add3A_507 : vector<16xi32>
      %gather3A_756 = tpu.vector_load_idx %arg13[%broadcast_in_dim3A_729, %add3A_755] : memref<128x128xi32, #tpu.memory_space<vmem>>[vector<16xi32>, vector<16xi32>], vector<16xi32>,
      %swap3A_757 = arith.index_cast %while3A_670 : i32 to index
      %swap3A_758 = arith.constant 80 : index
      %swap3A_759 = tpu.vector_load %arg15[%swap3A_757, %swap3A_758] {strides = array<i32>} : memref<64x128xi32, #tpu.memory_space<vmem>>, vector<16xi32>,
      tpu.vector_store %arg15[%swap3A_757, %swap3A_758], %gather3A_756 {strides = array<i32>} : memref<64x128xi32, #tpu.memory_space<vmem>>, vector<16xi32>,
      %add3A_760 = arith.addi %mul3A_739, %add3A_515 : vector<16xi32>
      %gather3A_761 = tpu.vector_load_idx %arg12[%broadcast_in_dim3A_729, %add3A_760] : memref<128x128xi32, #tpu.memory_space<vmem>>[vector<16xi32>, vector<16xi32>], vector<16xi32>,
      %swap3A_762 = arith.index_cast %while3A_670 : i32 to index
      %swap3A_763 = arith.constant 96 : index
      %swap3A_764 = tpu.vector_load %arg14[%swap3A_762, %swap3A_763] {strides = array<i32>} : memref<64x128xi32, #tpu.memory_space<vmem>>, vector<16xi32>,
      tpu.vector_store %arg14[%swap3A_762, %swap3A_763], %gather3A_761 {strides = array<i32>} : memref<64x128xi32, #tpu.memory_space<vmem>>, vector<16xi32>,
      %add3A_765 = arith.addi %mul3A_739, %add3A_515 : vector<16xi32>
      %gather3A_766 = tpu.vector_load_idx %arg13[%broadcast_in_dim3A_729, %add3A_765] : memref<128x128xi32, #tpu.memory_space<vmem>>[vector<16xi32>, vector<16xi32>], vector<16xi32>,
      %swap3A_767 = arith.index_cast %while3A_670 : i32 to index
      %swap3A_768 = arith.constant 96 : index
      %swap3A_769 = tpu.vector_load %arg15[%swap3A_767, %swap3A_768] {strides = array<i32>} : memref<64x128xi32, #tpu.memory_space<vmem>>, vector<16xi32>,
      tpu.vector_store %arg15[%swap3A_767, %swap3A_768], %gather3A_766 {strides = array<i32>} : memref<64x128xi32, #tpu.memory_space<vmem>>, vector<16xi32>,
      %add3A_770 = arith.addi %mul3A_739, %add3A_523 : vector<16xi32>
      %gather3A_771 = tpu.vector_load_idx %arg12[%broadcast_in_dim3A_729, %add3A_770] : memref<128x128xi32, #tpu.memory_space<vmem>>[vector<16xi32>, vector<16xi32>], vector<16xi32>,
      %swap3A_772 = arith.index_cast %while3A_670 : i32 to index
      %swap3A_773 = arith.constant 112 : index
      %swap3A_774 = tpu.vector_load %arg14[%swap3A_772, %swap3A_773] {strides = array<i32>} : memref<64x128xi32, #tpu.memory_space<vmem>>, vector<16xi32>,
      tpu.vector_store %arg14[%swap3A_772, %swap3A_773], %gather3A_771 {strides = array<i32>} : memref<64x128xi32, #tpu.memory_space<vmem>>, vector<16xi32>,
      %add3A_775 = arith.addi %mul3A_739, %add3A_523 : vector<16xi32>
      %gather3A_776 = tpu.vector_load_idx %arg13[%broadcast_in_dim3A_729, %add3A_775] : memref<128x128xi32, #tpu.memory_space<vmem>>[vector<16xi32>, vector<16xi32>], vector<16xi32>,
      %swap3A_777 = arith.index_cast %while3A_670 : i32 to index
      %swap3A_778 = arith.constant 112 : index
      %swap3A_779 = tpu.vector_load %arg15[%swap3A_777, %swap3A_778] {strides = array<i32>} : memref<64x128xi32, #tpu.memory_space<vmem>>, vector<16xi32>,
      tpu.vector_store %arg15[%swap3A_777, %swap3A_778], %gather3A_776 {strides = array<i32>} : memref<64x128xi32, #tpu.memory_space<vmem>>, vector<16xi32>,
      %add3A_780 = arith.constant 1 : i32
      %add3A_781 = arith.addi %while3A_670, %add3A_780 : i32
      scf.yield %add3A_781 : i32
    }
    %while3A_663 = arith.constant 1 : i32
    %while3A_664 = scf.for %while3A_669 = %while3A_660 to %while3A_656 step %while3A_663 iter_args(%while3A_670 = %while3A_662) -> (i32)  : i32 {
      %mul3A_671 = arith.constant 2 : i32
      %mul3A_672 = arith.muli %while3A_670, %mul3A_671 : i32
      %add3A_673 = arith.constant 0 : i32
      %add3A_674 = arith.addi %mul3A_672, %add3A_673 : i32
      %broadcast_in_dim3A = vector.broadcast %add3A_674 : i32 to vector<16xi32>
      %add3A_675 = arith.constant 384 : i32
      %add3A_676 = vector.broadcast %add3A_675 : i32 to vector<16xi32>
      %add3A_677 = arith.addi %broadcast_in_dim3A, %add3A_676 : vector<16xi32>
      %gather3A_678 = tpu.vector_load_idx %arg9[%add3A_677] : memref<512xi32, #tpu.memory_space<vmem>>[vector<16xi32>], vector<16xi32>,
      %and3A_679 = arith.constant 1 : i32
      %and3A_680 = vector.broadcast %and3A_679 : i32 to vector<16xi32>
      %and3A_681 = arith.andi %gather3A_678, %and3A_680 : vector<16xi32>
      %mul3A_682 = arith.constant 64 : i32
      %mul3A_683 = vector.broadcast %mul3A_682 : i32 to vector<16xi32>
      %mul3A_684 = arith.muli %and3A_681, %mul3A_683 : vector<16xi32>
      %add3A_685 = arith.addi %mul3A_684, %add3A_499 : vector<16xi32>
      %gather3A_686 = tpu.vector_load_idx %arg12[%broadcast_in_dim3A, %add3A_685] : memref<128x128xi32, #tpu.memory_space<vmem>>[vector<16xi32>, vector<16xi32>], vector<16xi32>,
      %swap3A_687 = arith.index_cast %while3A_670 : i32 to index
      %swap3A_688 = arith.constant 0 : index
      %swap3A_689 = tpu.vector_load %arg14[%swap3A_687, %swap3A_688] {strides = array<i32>} : memref<64x128xi32, #tpu.memory_space<vmem>>, vector<16xi32>,
      tpu.vector_store %arg14[%swap3A_687, %swap3A_688], %gather3A_686 {strides = array<i32>} : memref<64x128xi32, #tpu.memory_space<vmem>>, vector<16xi32>,
      %add3A_690 = arith.addi %mul3A_684, %add3A_499 : vector<16xi32>
      %gather3A_691 = tpu.vector_load_idx %arg13[%broadcast_in_dim3A, %add3A_690] : memref<128x128xi32, #tpu.memory_space<vmem>>[vector<16xi32>, vector<16xi32>], vector<16xi32>,
      %swap3A_692 = arith.index_cast %while3A_670 : i32 to index
      %swap3A_693 = arith.constant 0 : index
      %swap3A_694 = tpu.vector_load %arg15[%swap3A_692, %swap3A_693] {strides = array<i32>} : memref<64x128xi32, #tpu.memory_space<vmem>>, vector<16xi32>,
      tpu.vector_store %arg15[%swap3A_692, %swap3A_693], %gather3A_691 {strides = array<i32>} : memref<64x128xi32, #tpu.memory_space<vmem>>, vector<16xi32>,
      %add3A_695 = arith.addi %mul3A_684, %add3A_507 : vector<16xi32>
      %gather3A_696 = tpu.vector_load_idx %arg12[%broadcast_in_dim3A, %add3A_695] : memref<128x128xi32, #tpu.memory_space<vmem>>[vector<16xi32>, vector<16xi32>], vector<16xi32>,
      %swap3A_697 = arith.index_cast %while3A_670 : i32 to index
      %swap3A_698 = arith.constant 16 : index
      %swap3A_699 = tpu.vector_load %arg14[%swap3A_697, %swap3A_698] {strides = array<i32>} : memref<64x128xi32, #tpu.memory_space<vmem>>, vector<16xi32>,
      tpu.vector_store %arg14[%swap3A_697, %swap3A_698], %gather3A_696 {strides = array<i32>} : memref<64x128xi32, #tpu.memory_space<vmem>>, vector<16xi32>,
      %add3A_700 = arith.addi %mul3A_684, %add3A_507 : vector<16xi32>
      %gather3A_701 = tpu.vector_load_idx %arg13[%broadcast_in_dim3A, %add3A_700] : memref<128x128xi32, #tpu.memory_space<vmem>>[vector<16xi32>, vector<16xi32>], vector<16xi32>,
      %swap3A_702 = arith.index_cast %while3A_670 : i32 to index
      %swap3A_703 = arith.constant 16 : index
      %swap3A_704 = tpu.vector_load %arg15[%swap3A_702, %swap3A_703] {strides = array<i32>} : memref<64x128xi32, #tpu.memory_space<vmem>>, vector<16xi32>,
      tpu.vector_store %arg15[%swap3A_702, %swap3A_703], %gather3A_701 {strides = array<i32>} : memref<64x128xi32, #tpu.memory_space<vmem>>, vector<16xi32>,
      %add3A_705 = arith.addi %mul3A_684, %add3A_515 : vector<16xi32>
      %gather3A_706 = tpu.vector_load_idx %arg12[%broadcast_in_dim3A, %add3A_705] : memref<128x128xi32, #tpu.memory_space<vmem>>[vector<16xi32>, vector<16xi32>], vector<16xi32>,
      %swap3A_707 = arith.index_cast %while3A_670 : i32 to index
      %swap3A_708 = arith.constant 32 : index
      %swap3A_709 = tpu.vector_load %arg14[%swap3A_707, %swap3A_708] {strides = array<i32>} : memref<64x128xi32, #tpu.memory_space<vmem>>, vector<16xi32>,
      tpu.vector_store %arg14[%swap3A_707, %swap3A_708], %gather3A_706 {strides = array<i32>} : memref<64x128xi32, #tpu.memory_space<vmem>>, vector<16xi32>,
      %add3A_710 = arith.addi %mul3A_684, %add3A_515 : vector<16xi32>
      %gather3A_711 = tpu.vector_load_idx %arg13[%broadcast_in_dim3A, %add3A_710] : memref<128x128xi32, #tpu.memory_space<vmem>>[vector<16xi32>, vector<16xi32>], vector<16xi32>,
      %swap3A_712 = arith.index_cast %while3A_670 : i32 to index
      %swap3A_713 = arith.constant 32 : index
      %swap3A_714 = tpu.vector_load %arg15[%swap3A_712, %swap3A_713] {strides = array<i32>} : memref<64x128xi32, #tpu.memory_space<vmem>>, vector<16xi32>,
      tpu.vector_store %arg15[%swap3A_712, %swap3A_713], %gather3A_711 {strides = array<i32>} : memref<64x128xi32, #tpu.memory_space<vmem>>, vector<16xi32>,
      %add3A_715 = arith.addi %mul3A_684, %add3A_523 : vector<16xi32>
      %gather3A_716 = tpu.vector_load_idx %arg12[%broadcast_in_dim3A, %add3A_715] : memref<128x128xi32, #tpu.memory_space<vmem>>[vector<16xi32>, vector<16xi32>], vector<16xi32>,
      %swap3A_717 = arith.index_cast %while3A_670 : i32 to index
      %swap3A_718 = arith.constant 48 : index
      %swap3A_719 = tpu.vector_load %arg14[%swap3A_717, %swap3A_718] {strides = array<i32>} : memref<64x128xi32, #tpu.memory_space<vmem>>, vector<16xi32>,
      tpu.vector_store %arg14[%swap3A_717, %swap3A_718], %gather3A_716 {strides = array<i32>} : memref<64x128xi32, #tpu.memory_space<vmem>>, vector<16xi32>,
      %add3A_720 = arith.addi %mul3A_684, %add3A_523 : vector<16xi32>
      %gather3A_721 = tpu.vector_load_idx %arg13[%broadcast_in_dim3A, %add3A_720] : memref<128x128xi32, #tpu.memory_space<vmem>>[vector<16xi32>, vector<16xi32>], vector<16xi32>,
      %swap3A_722 = arith.index_cast %while3A_670 : i32 to index
      %swap3A_723 = arith.constant 48 : index
      %swap3A_724 = tpu.vector_load %arg15[%swap3A_722, %swap3A_723] {strides = array<i32>} : memref<64x128xi32, #tpu.memory_space<vmem>>, vector<16xi32>,
      tpu.vector_store %arg15[%swap3A_722, %swap3A_723], %gather3A_721 {strides = array<i32>} : memref<64x128xi32, #tpu.memory_space<vmem>>, vector<16xi32>,
      %mul3A_725 = arith.constant 2 : i32
      %mul3A_726 = arith.muli %while3A_670, %mul3A_725 : i32
      %add3A_727 = arith.constant 1 : i32
      %add3A_728 = arith.addi %mul3A_726, %add3A_727 : i32
      %broadcast_in_dim3A_729 = vector.broadcast %add3A_728 : i32 to vector<16xi32>
      %add3A_730 = arith.constant 384 : i32
      %add3A_731 = vector.broadcast %add3A_730 : i32 to vector<16xi32>
      %add3A_732 = arith.addi %broadcast_in_dim3A_729, %add3A_731 : vector<16xi32>
      %gather3A_733 = tpu.vector_load_idx %arg9[%add3A_732] : memref<512xi32, #tpu.memory_space<vmem>>[vector<16xi32>], vector<16xi32>,
      %and3A_734 = arith.constant 1 : i32
      %and3A_735 = vector.broadcast %and3A_734 : i32 to vector<16xi32>
      %and3A_736 = arith.andi %gather3A_733, %and3A_735 : vector<16xi32>
      %mul3A_737 = arith.constant 64 : i32
      %mul3A_738 = vector.broadcast %mul3A_737 : i32 to vector<16xi32>
      %mul3A_739 = arith.muli %and3A_736, %mul3A_738 : vector<16xi32>
      %add3A_740 = arith.addi %mul3A_739, %add3A_499 : vector<16xi32>
      %gather3A_741 = tpu.vector_load_idx %arg12[%broadcast_in_dim3A_729, %add3A_740] : memref<128x128xi32, #tpu.memory_space<vmem>>[vector<16xi32>, vector<16xi32>], vector<16xi32>,
      %swap3A_742 = arith.index_cast %while3A_670 : i32 to index
      %swap3A_743 = arith.constant 64 : index
      %swap3A_744 = tpu.vector_load %arg14[%swap3A_742, %swap3A_743] {strides = array<i32>} : memref<64x128xi32, #tpu.memory_space<vmem>>, vector<16xi32>,
      tpu.vector_store %arg14[%swap3A_742, %swap3A_743], %gather3A_741 {strides = array<i32>} : memref<64x128xi32, #tpu.memory_space<vmem>>, vector<16xi32>,
      %add3A_745 = arith.addi %mul3A_739, %add3A_499 : vector<16xi32>
      %gather3A_746 = tpu.vector_load_idx %arg13[%broadcast_in_dim3A_729, %add3A_745] : memref<128x128xi32, #tpu.memory_space<vmem>>[vector<16xi32>, vector<16xi32>], vector<16xi32>,
      %swap3A_747 = arith.index_cast %while3A_670 : i32 to index
      %swap3A_748 = arith.constant 64 : index
      %swap3A_749 = tpu.vector_load %arg15[%swap3A_747, %swap3A_748] {strides = array<i32>} : memref<64x128xi32, #tpu.memory_space<vmem>>, vector<16xi32>,
      tpu.vector_store %arg15[%swap3A_747, %swap3A_748], %gather3A_746 {strides = array<i32>} : memref<64x128xi32, #tpu.memory_space<vmem>>, vector<16xi32>,
      %add3A_750 = arith.addi %mul3A_739, %add3A_507 : vector<16xi32>
      %gather3A_751 = tpu.vector_load_idx %arg12[%broadcast_in_dim3A_729, %add3A_750] : memref<128x128xi32, #tpu.memory_space<vmem>>[vector<16xi32>, vector<16xi32>], vector<16xi32>,
      %swap3A_752 = arith.index_cast %while3A_670 : i32 to index
      %swap3A_753 = arith.constant 80 : index
      %swap3A_754 = tpu.vector_load %arg14[%swap3A_752, %swap3A_753] {strides = array<i32>} : memref<64x128xi32, #tpu.memory_space<vmem>>, vector<16xi32>,
      tpu.vector_store %arg14[%swap3A_752, %swap3A_753], %gather3A_751 {strides = array<i32>} : memref<64x128xi32, #tpu.memory_space<vmem>>, vector<16xi32>,
      %add3A_755 = arith.addi %mul3A_739, %add3A_507 : vector<16xi32>
      %gather3A_756 = tpu.vector_load_idx %arg13[%broadcast_in_dim3A_729, %add3A_755] : memref<128x128xi32, #tpu.memory_space<vmem>>[vector<16xi32>, vector<16xi32>], vector<16xi32>,
      %swap3A_757 = arith.index_cast %while3A_670 : i32 to index
      %swap3A_758 = arith.constant 80 : index
      %swap3A_759 = tpu.vector_load %arg15[%swap3A_757, %swap3A_758] {strides = array<i32>} : memref<64x128xi32, #tpu.memory_space<vmem>>, vector<16xi32>,
      tpu.vector_store %arg15[%swap3A_757, %swap3A_758], %gather3A_756 {strides = array<i32>} : memref<64x128xi32, #tpu.memory_space<vmem>>, vector<16xi32>,
      %add3A_760 = arith.addi %mul3A_739, %add3A_515 : vector<16xi32>
      %gather3A_761 = tpu.vector_load_idx %arg12[%broadcast_in_dim3A_729, %add3A_760] : memref<128x128xi32, #tpu.memory_space<vmem>>[vector<16xi32>, vector<16xi32>], vector<16xi32>,
      %swap3A_762 = arith.index_cast %while3A_670 : i32 to index
      %swap3A_763 = arith.constant 96 : index
      %swap3A_764 = tpu.vector_load %arg14[%swap3A_762, %swap3A_763] {strides = array<i32>} : memref<64x128xi32, #tpu.memory_space<vmem>>, vector<16xi32>,
      tpu.vector_store %arg14[%swap3A_762, %swap3A_763], %gather3A_761 {strides = array<i32>} : memref<64x128xi32, #tpu.memory_space<vmem>>, vector<16xi32>,
      %add3A_765 = arith.addi %mul3A_739, %add3A_515 : vector<16xi32>
      %gather3A_766 = tpu.vector_load_idx %arg13[%broadcast_in_dim3A_729, %add3A_765] : memref<128x128xi32, #tpu.memory_space<vmem>>[vector<16xi32>, vector<16xi32>], vector<16xi32>,
      %swap3A_767 = arith.index_cast %while3A_670 : i32 to index
      %swap3A_768 = arith.constant 96 : index
      %swap3A_769 = tpu.vector_load %arg15[%swap3A_767, %swap3A_768] {strides = array<i32>} : memref<64x128xi32, #tpu.memory_space<vmem>>, vector<16xi32>,
      tpu.vector_store %arg15[%swap3A_767, %swap3A_768], %gather3A_766 {strides = array<i32>} : memref<64x128xi32, #tpu.memory_space<vmem>>, vector<16xi32>,
      %add3A_770 = arith.addi %mul3A_739, %add3A_523 : vector<16xi32>
      %gather3A_771 = tpu.vector_load_idx %arg12[%broadcast_in_dim3A_729, %add3A_770] : memref<128x128xi32, #tpu.memory_space<vmem>>[vector<16xi32>, vector<16xi32>], vector<16xi32>,
      %swap3A_772 = arith.index_cast %while3A_670 : i32 to index
      %swap3A_773 = arith.constant 112 : index
      %swap3A_774 = tpu.vector_load %arg14[%swap3A_772, %swap3A_773] {strides = array<i32>} : memref<64x128xi32, #tpu.memory_space<vmem>>, vector<16xi32>,
      tpu.vector_store %arg14[%swap3A_772, %swap3A_773], %gather3A_771 {strides = array<i32>} : memref<64x128xi32, #tpu.memory_space<vmem>>, vector<16xi32>,
      %add3A_775 = arith.addi %mul3A_739, %add3A_523 : vector<16xi32>
      %gather3A_776 = tpu.vector_load_idx %arg13[%broadcast_in_dim3A_729, %add3A_775] : memref<128x128xi32, #tpu.memory_space<vmem>>[vector<16xi32>, vector<16xi32>], vector<16xi32>,
      %swap3A_777 = arith.index_cast %while3A_670 : i32 to index
      %swap3A_778 = arith.constant 112 : index
      %swap3A_779 = tpu.vector_load %arg15[%swap3A_777, %swap3A_778] {strides = array<i32>} : memref<64x128xi32, #tpu.memory_space<vmem>>, vector<16xi32>,
      tpu.vector_store %arg15[%swap3A_777, %swap3A_778], %gather3A_776 {strides = array<i32>} : memref<64x128xi32, #tpu.memory_space<vmem>>, vector<16xi32>,
      %add3A_780 = arith.constant 1 : i32
      %add3A_781 = arith.addi %while3A_670, %add3A_780 : i32
      scf.yield %add3A_781 : i32
    }
    %mul3A_665 = arith.constant 256 : i32
    %mul3A_666 = arith.muli %add3A, %mul3A_665 : i32
    %add3A_667 = arith.constant 192 : i32
    %add3A_668 = arith.addi %mul3A_666, %add3A_667 : i32
    "tpu.region"() ({
      %run_scoped3A = tpu.sem_alloc : memref<!tpu.dma_semaphore, #tpu.memory_space<semaphore_mem>>
      %dma_start3A_669 = arith.constant 0 : i32
      %dma_start3A_670 = tpu.memref_slice %arg6[%add3A_668, %dma_start3A_669] : memref<8192x128xi32, #tpu.memory_space<hbm>> -> memref<64x128xi32, #tpu.memory_space<hbm>>
      %dma_start3A_671 = arith.constant 0 : i32
      %dma_start3A_672 = tpu.memref_slice %arg6[%add3A_668, %dma_start3A_671] : memref<8192x128xi32, #tpu.memory_space<hbm>> -> memref<64x128xi32, #tpu.memory_space<hbm>>
      tpu.enqueue_dma source(%arg14 : memref<64x128xi32, #tpu.memory_space<vmem>>) target(%dma_start3A_672 : memref<64x128xi32, #tpu.memory_space<hbm>>) target_semaphore(%run_scoped3A : memref<!tpu.dma_semaphore, #tpu.memory_space<semaphore_mem>>)
      %dma_wait3A_673 = arith.constant 0 : i32
      %dma_wait3A_674 = tpu.memref_slice %arg6[%add3A_668, %dma_wait3A_673] : memref<8192x128xi32, #tpu.memory_space<hbm>> -> memref<64x128xi32, #tpu.memory_space<hbm>>
      %dma_wait3A_675 = arith.constant 0 : i32
      %dma_wait3A_676 = tpu.memref_slice %arg6[%add3A_668, %dma_wait3A_675] : memref<8192x128xi32, #tpu.memory_space<hbm>> -> memref<64x128xi32, #tpu.memory_space<hbm>>
      tpu.wait_dma2 semaphore(%run_scoped3A : memref<!tpu.dma_semaphore, #tpu.memory_space<semaphore_mem>>) src(%arg14 : memref<64x128xi32, #tpu.memory_space<vmem>>) dst(%dma_wait3A_676 : memref<64x128xi32, #tpu.memory_space<hbm>>)
      tpu.yield
    }) : () -> ()
    "tpu.region"() ({
      %run_scoped3A = tpu.sem_alloc : memref<!tpu.dma_semaphore, #tpu.memory_space<semaphore_mem>>
      %dma_start3A_669 = arith.constant 0 : i32
      %dma_start3A_670 = tpu.memref_slice %arg7[%add3A_668, %dma_start3A_669] : memref<8192x128xi32, #tpu.memory_space<hbm>> -> memref<64x128xi32, #tpu.memory_space<hbm>>
      %dma_start3A_671 = arith.constant 0 : i32
      %dma_start3A_672 = tpu.memref_slice %arg7[%add3A_668, %dma_start3A_671] : memref<8192x128xi32, #tpu.memory_space<hbm>> -> memref<64x128xi32, #tpu.memory_space<hbm>>
      tpu.enqueue_dma source(%arg15 : memref<64x128xi32, #tpu.memory_space<vmem>>) target(%dma_start3A_672 : memref<64x128xi32, #tpu.memory_space<hbm>>) target_semaphore(%run_scoped3A : memref<!tpu.dma_semaphore, #tpu.memory_space<semaphore_mem>>)
      %dma_wait3A_673 = arith.constant 0 : i32
      %dma_wait3A_674 = tpu.memref_slice %arg7[%add3A_668, %dma_wait3A_673] : memref<8192x128xi32, #tpu.memory_space<hbm>> -> memref<64x128xi32, #tpu.memory_space<hbm>>
      %dma_wait3A_675 = arith.constant 0 : i32
      %dma_wait3A_676 = tpu.memref_slice %arg7[%add3A_668, %dma_wait3A_675] : memref<8192x128xi32, #tpu.memory_space<hbm>> -> memref<64x128xi32, #tpu.memory_space<hbm>>
      tpu.wait_dma2 semaphore(%run_scoped3A : memref<!tpu.dma_semaphore, #tpu.memory_space<semaphore_mem>>) src(%arg15 : memref<64x128xi32, #tpu.memory_space<vmem>>) dst(%dma_wait3A_676 : memref<64x128xi32, #tpu.memory_space<hbm>>)
      tpu.yield
    }) : () -> ()
    return
  }
}

#map = affine_map<(d0, d1) -> (0)>
#map1 = affine_map<(d0, d1) -> (0, 0)>
module attributes {stable_mosaic.version = 14 : i64} {
  func.func @_sc_gather_body(%arg0: i32, %arg1: i32, %arg2: memref<32768xi32, #tpu.memory_space<hbm>>, %arg3: memref<50000x128xi32, #tpu.memory_space<hbm>>, %arg4: memref<100000xf32, #tpu.memory_space<hbm>>, %arg5: memref<4096x128xf32, #tpu.memory_space<hbm>>, %arg6: memref<100000xf32, #tpu.memory_space<vmem>>, %arg7: memref<1024xi32, #tpu.memory_space<vmem>>, %arg8: memref<512xi32, #tpu.memory_space<vmem>>, %arg9: memref<512xi32, #tpu.memory_space<vmem>>, %arg10: memref<128x128xi32, #tpu.memory_space<vmem>>, %arg11: memref<32x128xf32, #tpu.memory_space<vmem>>, %arg12: memref<!tpu.dma_semaphore, #tpu.memory_space<semaphore_mem>>, %arg13: memref<!tpu.dma_semaphore, #tpu.memory_space<semaphore_mem>>) attributes {dimension_semantics = [#tpu.dimension_semantics<core_parallel>, #tpu.dimension_semantics<subcore_parallel>], iteration_bounds = array<i64: 2, 16>, scalar_prefetch = 0 : i64, scratch_operands = 8 : i64, tpu.core_type = #tpu.core_type<sc_vector_subcore>, window_params = [{transform_indices = #map}, {transform_indices = #map1}, {transform_indices = #map}, {transform_indices = #map1}]} {
    %mul3A = arith.constant 2 : i32
    %mul3A_0 = arith.muli %arg1, %mul3A : i32
    %add3A = arith.addi %mul3A_0, %arg0 : i32
    %mul3A_1 = arith.constant 512 : i32
    %mul3A_2 = arith.muli %add3A, %mul3A_1 : i32
    tpu.enqueue_dma source(%arg4 : memref<100000xf32, #tpu.memory_space<hbm>>) target(%arg6 : memref<100000xf32, #tpu.memory_space<vmem>>) target_semaphore(%arg13 : memref<!tpu.dma_semaphore, #tpu.memory_space<semaphore_mem>>)
    %mul3A_3 = arith.constant 2 : i32
    %mul3A_4 = arith.muli %mul3A_2, %mul3A_3 : i32
    "tpu.region"() ({
      %run_scoped3A = tpu.sem_alloc : memref<!tpu.dma_semaphore, #tpu.memory_space<semaphore_mem>>
      %dma_start3A_598 = tpu.memref_slice %arg2[%mul3A_4] : memref<32768xi32, #tpu.memory_space<hbm>> -> memref<1024xi32, #tpu.memory_space<hbm>>
      %dma_start3A_599 = tpu.memref_slice %arg2[%mul3A_4] : memref<32768xi32, #tpu.memory_space<hbm>> -> memref<1024xi32, #tpu.memory_space<hbm>>
      tpu.enqueue_dma source(%dma_start3A_599 : memref<1024xi32, #tpu.memory_space<hbm>>) target(%arg7 : memref<1024xi32, #tpu.memory_space<vmem>>) target_semaphore(%run_scoped3A : memref<!tpu.dma_semaphore, #tpu.memory_space<semaphore_mem>>)
      %dma_wait3A_600 = tpu.memref_slice %arg2[%mul3A_4] : memref<32768xi32, #tpu.memory_space<hbm>> -> memref<1024xi32, #tpu.memory_space<hbm>>
      %dma_wait3A_601 = tpu.memref_slice %arg2[%mul3A_4] : memref<32768xi32, #tpu.memory_space<hbm>> -> memref<1024xi32, #tpu.memory_space<hbm>>
      tpu.wait_dma2 semaphore(%run_scoped3A : memref<!tpu.dma_semaphore, #tpu.memory_space<semaphore_mem>>) src(%dma_wait3A_601 : memref<1024xi32, #tpu.memory_space<hbm>>) dst(%arg7 : memref<1024xi32, #tpu.memory_space<vmem>>)
      tpu.yield
    }) : () -> ()
    %iota3A = tpu.iota {dimensions = array<i32: 0>} : vector<16xi32>
    %mul3A_5 = arith.constant 2 : i32
    %mul3A_6 = vector.broadcast %mul3A_5 : i32 to vector<16xi32>
    %mul3A_7 = arith.muli %iota3A, %mul3A_6 : vector<16xi32>
    %add3A_8 = arith.constant 0 : i32
    %add3A_9 = vector.broadcast %add3A_8 : i32 to vector<16xi32>
    %add3A_10 = arith.addi %mul3A_7, %add3A_9 : vector<16xi32>
    %gather3A = tpu.vector_load_idx %arg7[%add3A_10] : memref<1024xi32, #tpu.memory_space<vmem>>[vector<16xi32>], vector<16xi32>,
    %swap3A = arith.constant 0 : index
    %swap3A_11 = tpu.vector_load %arg8[%swap3A] {strides = array<i32>} : memref<512xi32, #tpu.memory_space<vmem>>, vector<16xi32>,
    tpu.vector_store %arg8[%swap3A], %gather3A {strides = array<i32>} : memref<512xi32, #tpu.memory_space<vmem>>, vector<16xi32>,
    %add3A_12 = arith.constant 32 : i32
    %add3A_13 = vector.broadcast %add3A_12 : i32 to vector<16xi32>
    %add3A_14 = arith.addi %mul3A_7, %add3A_13 : vector<16xi32>
    %gather3A_15 = tpu.vector_load_idx %arg7[%add3A_14] : memref<1024xi32, #tpu.memory_space<vmem>>[vector<16xi32>], vector<16xi32>,
    %swap3A_16 = arith.constant 16 : index
    %swap3A_17 = tpu.vector_load %arg8[%swap3A_16] {strides = array<i32>} : memref<512xi32, #tpu.memory_space<vmem>>, vector<16xi32>,
    tpu.vector_store %arg8[%swap3A_16], %gather3A_15 {strides = array<i32>} : memref<512xi32, #tpu.memory_space<vmem>>, vector<16xi32>,
    %add3A_18 = arith.constant 64 : i32
    %add3A_19 = vector.broadcast %add3A_18 : i32 to vector<16xi32>
    %add3A_20 = arith.addi %mul3A_7, %add3A_19 : vector<16xi32>
    %gather3A_21 = tpu.vector_load_idx %arg7[%add3A_20] : memref<1024xi32, #tpu.memory_space<vmem>>[vector<16xi32>], vector<16xi32>,
    %swap3A_22 = arith.constant 32 : index
    %swap3A_23 = tpu.vector_load %arg8[%swap3A_22] {strides = array<i32>} : memref<512xi32, #tpu.memory_space<vmem>>, vector<16xi32>,
    tpu.vector_store %arg8[%swap3A_22], %gather3A_21 {strides = array<i32>} : memref<512xi32, #tpu.memory_space<vmem>>, vector<16xi32>,
    %add3A_24 = arith.constant 96 : i32
    %add3A_25 = vector.broadcast %add3A_24 : i32 to vector<16xi32>
    %add3A_26 = arith.addi %mul3A_7, %add3A_25 : vector<16xi32>
    %gather3A_27 = tpu.vector_load_idx %arg7[%add3A_26] : memref<1024xi32, #tpu.memory_space<vmem>>[vector<16xi32>], vector<16xi32>,
    %swap3A_28 = arith.constant 48 : index
    %swap3A_29 = tpu.vector_load %arg8[%swap3A_28] {strides = array<i32>} : memref<512xi32, #tpu.memory_space<vmem>>, vector<16xi32>,
    tpu.vector_store %arg8[%swap3A_28], %gather3A_27 {strides = array<i32>} : memref<512xi32, #tpu.memory_space<vmem>>, vector<16xi32>,
    %add3A_30 = arith.constant 128 : i32
    %add3A_31 = vector.broadcast %add3A_30 : i32 to vector<16xi32>
    %add3A_32 = arith.addi %mul3A_7, %add3A_31 : vector<16xi32>
    %gather3A_33 = tpu.vector_load_idx %arg7[%add3A_32] : memref<1024xi32, #tpu.memory_space<vmem>>[vector<16xi32>], vector<16xi32>,
    %swap3A_34 = arith.constant 64 : index
    %swap3A_35 = tpu.vector_load %arg8[%swap3A_34] {strides = array<i32>} : memref<512xi32, #tpu.memory_space<vmem>>, vector<16xi32>,
    tpu.vector_store %arg8[%swap3A_34], %gather3A_33 {strides = array<i32>} : memref<512xi32, #tpu.memory_space<vmem>>, vector<16xi32>,
    %add3A_36 = arith.constant 160 : i32
    %add3A_37 = vector.broadcast %add3A_36 : i32 to vector<16xi32>
    %add3A_38 = arith.addi %mul3A_7, %add3A_37 : vector<16xi32>
    %gather3A_39 = tpu.vector_load_idx %arg7[%add3A_38] : memref<1024xi32, #tpu.memory_space<vmem>>[vector<16xi32>], vector<16xi32>,
    %swap3A_40 = arith.constant 80 : index
    %swap3A_41 = tpu.vector_load %arg8[%swap3A_40] {strides = array<i32>} : memref<512xi32, #tpu.memory_space<vmem>>, vector<16xi32>,
    tpu.vector_store %arg8[%swap3A_40], %gather3A_39 {strides = array<i32>} : memref<512xi32, #tpu.memory_space<vmem>>, vector<16xi32>,
    %add3A_42 = arith.constant 192 : i32
    %add3A_43 = vector.broadcast %add3A_42 : i32 to vector<16xi32>
    %add3A_44 = arith.addi %mul3A_7, %add3A_43 : vector<16xi32>
    %gather3A_45 = tpu.vector_load_idx %arg7[%add3A_44] : memref<1024xi32, #tpu.memory_space<vmem>>[vector<16xi32>], vector<16xi32>,
    %swap3A_46 = arith.constant 96 : index
    %swap3A_47 = tpu.vector_load %arg8[%swap3A_46] {strides = array<i32>} : memref<512xi32, #tpu.memory_space<vmem>>, vector<16xi32>,
    tpu.vector_store %arg8[%swap3A_46], %gather3A_45 {strides = array<i32>} : memref<512xi32, #tpu.memory_space<vmem>>, vector<16xi32>,
    %add3A_48 = arith.constant 224 : i32
    %add3A_49 = vector.broadcast %add3A_48 : i32 to vector<16xi32>
    %add3A_50 = arith.addi %mul3A_7, %add3A_49 : vector<16xi32>
    %gather3A_51 = tpu.vector_load_idx %arg7[%add3A_50] : memref<1024xi32, #tpu.memory_space<vmem>>[vector<16xi32>], vector<16xi32>,
    %swap3A_52 = arith.constant 112 : index
    %swap3A_53 = tpu.vector_load %arg8[%swap3A_52] {strides = array<i32>} : memref<512xi32, #tpu.memory_space<vmem>>, vector<16xi32>,
    tpu.vector_store %arg8[%swap3A_52], %gather3A_51 {strides = array<i32>} : memref<512xi32, #tpu.memory_space<vmem>>, vector<16xi32>,
    %add3A_54 = arith.constant 256 : i32
    %add3A_55 = vector.broadcast %add3A_54 : i32 to vector<16xi32>
    %add3A_56 = arith.addi %mul3A_7, %add3A_55 : vector<16xi32>
    %gather3A_57 = tpu.vector_load_idx %arg7[%add3A_56] : memref<1024xi32, #tpu.memory_space<vmem>>[vector<16xi32>], vector<16xi32>,
    %swap3A_58 = arith.constant 128 : index
    %swap3A_59 = tpu.vector_load %arg8[%swap3A_58] {strides = array<i32>} : memref<512xi32, #tpu.memory_space<vmem>>, vector<16xi32>,
    tpu.vector_store %arg8[%swap3A_58], %gather3A_57 {strides = array<i32>} : memref<512xi32, #tpu.memory_space<vmem>>, vector<16xi32>,
    %add3A_60 = arith.constant 288 : i32
    %add3A_61 = vector.broadcast %add3A_60 : i32 to vector<16xi32>
    %add3A_62 = arith.addi %mul3A_7, %add3A_61 : vector<16xi32>
    %gather3A_63 = tpu.vector_load_idx %arg7[%add3A_62] : memref<1024xi32, #tpu.memory_space<vmem>>[vector<16xi32>], vector<16xi32>,
    %swap3A_64 = arith.constant 144 : index
    %swap3A_65 = tpu.vector_load %arg8[%swap3A_64] {strides = array<i32>} : memref<512xi32, #tpu.memory_space<vmem>>, vector<16xi32>,
    tpu.vector_store %arg8[%swap3A_64], %gather3A_63 {strides = array<i32>} : memref<512xi32, #tpu.memory_space<vmem>>, vector<16xi32>,
    %add3A_66 = arith.constant 320 : i32
    %add3A_67 = vector.broadcast %add3A_66 : i32 to vector<16xi32>
    %add3A_68 = arith.addi %mul3A_7, %add3A_67 : vector<16xi32>
    %gather3A_69 = tpu.vector_load_idx %arg7[%add3A_68] : memref<1024xi32, #tpu.memory_space<vmem>>[vector<16xi32>], vector<16xi32>,
    %swap3A_70 = arith.constant 160 : index
    %swap3A_71 = tpu.vector_load %arg8[%swap3A_70] {strides = array<i32>} : memref<512xi32, #tpu.memory_space<vmem>>, vector<16xi32>,
    tpu.vector_store %arg8[%swap3A_70], %gather3A_69 {strides = array<i32>} : memref<512xi32, #tpu.memory_space<vmem>>, vector<16xi32>,
    %add3A_72 = arith.constant 352 : i32
    %add3A_73 = vector.broadcast %add3A_72 : i32 to vector<16xi32>
    %add3A_74 = arith.addi %mul3A_7, %add3A_73 : vector<16xi32>
    %gather3A_75 = tpu.vector_load_idx %arg7[%add3A_74] : memref<1024xi32, #tpu.memory_space<vmem>>[vector<16xi32>], vector<16xi32>,
    %swap3A_76 = arith.constant 176 : index
    %swap3A_77 = tpu.vector_load %arg8[%swap3A_76] {strides = array<i32>} : memref<512xi32, #tpu.memory_space<vmem>>, vector<16xi32>,
    tpu.vector_store %arg8[%swap3A_76], %gather3A_75 {strides = array<i32>} : memref<512xi32, #tpu.memory_space<vmem>>, vector<16xi32>,
    %add3A_78 = arith.constant 384 : i32
    %add3A_79 = vector.broadcast %add3A_78 : i32 to vector<16xi32>
    %add3A_80 = arith.addi %mul3A_7, %add3A_79 : vector<16xi32>
    %gather3A_81 = tpu.vector_load_idx %arg7[%add3A_80] : memref<1024xi32, #tpu.memory_space<vmem>>[vector<16xi32>], vector<16xi32>,
    %swap3A_82 = arith.constant 192 : index
    %swap3A_83 = tpu.vector_load %arg8[%swap3A_82] {strides = array<i32>} : memref<512xi32, #tpu.memory_space<vmem>>, vector<16xi32>,
    tpu.vector_store %arg8[%swap3A_82], %gather3A_81 {strides = array<i32>} : memref<512xi32, #tpu.memory_space<vmem>>, vector<16xi32>,
    %add3A_84 = arith.constant 416 : i32
    %add3A_85 = vector.broadcast %add3A_84 : i32 to vector<16xi32>
    %add3A_86 = arith.addi %mul3A_7, %add3A_85 : vector<16xi32>
    %gather3A_87 = tpu.vector_load_idx %arg7[%add3A_86] : memref<1024xi32, #tpu.memory_space<vmem>>[vector<16xi32>], vector<16xi32>,
    %swap3A_88 = arith.constant 208 : index
    %swap3A_89 = tpu.vector_load %arg8[%swap3A_88] {strides = array<i32>} : memref<512xi32, #tpu.memory_space<vmem>>, vector<16xi32>,
    tpu.vector_store %arg8[%swap3A_88], %gather3A_87 {strides = array<i32>} : memref<512xi32, #tpu.memory_space<vmem>>, vector<16xi32>,
    %add3A_90 = arith.constant 448 : i32
    %add3A_91 = vector.broadcast %add3A_90 : i32 to vector<16xi32>
    %add3A_92 = arith.addi %mul3A_7, %add3A_91 : vector<16xi32>
    %gather3A_93 = tpu.vector_load_idx %arg7[%add3A_92] : memref<1024xi32, #tpu.memory_space<vmem>>[vector<16xi32>], vector<16xi32>,
    %swap3A_94 = arith.constant 224 : index
    %swap3A_95 = tpu.vector_load %arg8[%swap3A_94] {strides = array<i32>} : memref<512xi32, #tpu.memory_space<vmem>>, vector<16xi32>,
    tpu.vector_store %arg8[%swap3A_94], %gather3A_93 {strides = array<i32>} : memref<512xi32, #tpu.memory_space<vmem>>, vector<16xi32>,
    %add3A_96 = arith.constant 480 : i32
    %add3A_97 = vector.broadcast %add3A_96 : i32 to vector<16xi32>
    %add3A_98 = arith.addi %mul3A_7, %add3A_97 : vector<16xi32>
    %gather3A_99 = tpu.vector_load_idx %arg7[%add3A_98] : memref<1024xi32, #tpu.memory_space<vmem>>[vector<16xi32>], vector<16xi32>,
    %swap3A_100 = arith.constant 240 : index
    %swap3A_101 = tpu.vector_load %arg8[%swap3A_100] {strides = array<i32>} : memref<512xi32, #tpu.memory_space<vmem>>, vector<16xi32>,
    tpu.vector_store %arg8[%swap3A_100], %gather3A_99 {strides = array<i32>} : memref<512xi32, #tpu.memory_space<vmem>>, vector<16xi32>,
    %add3A_102 = arith.constant 512 : i32
    %add3A_103 = vector.broadcast %add3A_102 : i32 to vector<16xi32>
    %add3A_104 = arith.addi %mul3A_7, %add3A_103 : vector<16xi32>
    %gather3A_105 = tpu.vector_load_idx %arg7[%add3A_104] : memref<1024xi32, #tpu.memory_space<vmem>>[vector<16xi32>], vector<16xi32>,
    %swap3A_106 = arith.constant 256 : index
    %swap3A_107 = tpu.vector_load %arg8[%swap3A_106] {strides = array<i32>} : memref<512xi32, #tpu.memory_space<vmem>>, vector<16xi32>,
    tpu.vector_store %arg8[%swap3A_106], %gather3A_105 {strides = array<i32>} : memref<512xi32, #tpu.memory_space<vmem>>, vector<16xi32>,
    %add3A_108 = arith.constant 544 : i32
    %add3A_109 = vector.broadcast %add3A_108 : i32 to vector<16xi32>
    %add3A_110 = arith.addi %mul3A_7, %add3A_109 : vector<16xi32>
    %gather3A_111 = tpu.vector_load_idx %arg7[%add3A_110] : memref<1024xi32, #tpu.memory_space<vmem>>[vector<16xi32>], vector<16xi32>,
    %swap3A_112 = arith.constant 272 : index
    %swap3A_113 = tpu.vector_load %arg8[%swap3A_112] {strides = array<i32>} : memref<512xi32, #tpu.memory_space<vmem>>, vector<16xi32>,
    tpu.vector_store %arg8[%swap3A_112], %gather3A_111 {strides = array<i32>} : memref<512xi32, #tpu.memory_space<vmem>>, vector<16xi32>,
    %add3A_114 = arith.constant 576 : i32
    %add3A_115 = vector.broadcast %add3A_114 : i32 to vector<16xi32>
    %add3A_116 = arith.addi %mul3A_7, %add3A_115 : vector<16xi32>
    %gather3A_117 = tpu.vector_load_idx %arg7[%add3A_116] : memref<1024xi32, #tpu.memory_space<vmem>>[vector<16xi32>], vector<16xi32>,
    %swap3A_118 = arith.constant 288 : index
    %swap3A_119 = tpu.vector_load %arg8[%swap3A_118] {strides = array<i32>} : memref<512xi32, #tpu.memory_space<vmem>>, vector<16xi32>,
    tpu.vector_store %arg8[%swap3A_118], %gather3A_117 {strides = array<i32>} : memref<512xi32, #tpu.memory_space<vmem>>, vector<16xi32>,
    %add3A_120 = arith.constant 608 : i32
    %add3A_121 = vector.broadcast %add3A_120 : i32 to vector<16xi32>
    %add3A_122 = arith.addi %mul3A_7, %add3A_121 : vector<16xi32>
    %gather3A_123 = tpu.vector_load_idx %arg7[%add3A_122] : memref<1024xi32, #tpu.memory_space<vmem>>[vector<16xi32>], vector<16xi32>,
    %swap3A_124 = arith.constant 304 : index
    %swap3A_125 = tpu.vector_load %arg8[%swap3A_124] {strides = array<i32>} : memref<512xi32, #tpu.memory_space<vmem>>, vector<16xi32>,
    tpu.vector_store %arg8[%swap3A_124], %gather3A_123 {strides = array<i32>} : memref<512xi32, #tpu.memory_space<vmem>>, vector<16xi32>,
    %add3A_126 = arith.constant 640 : i32
    %add3A_127 = vector.broadcast %add3A_126 : i32 to vector<16xi32>
    %add3A_128 = arith.addi %mul3A_7, %add3A_127 : vector<16xi32>
    %gather3A_129 = tpu.vector_load_idx %arg7[%add3A_128] : memref<1024xi32, #tpu.memory_space<vmem>>[vector<16xi32>], vector<16xi32>,
    %swap3A_130 = arith.constant 320 : index
    %swap3A_131 = tpu.vector_load %arg8[%swap3A_130] {strides = array<i32>} : memref<512xi32, #tpu.memory_space<vmem>>, vector<16xi32>,
    tpu.vector_store %arg8[%swap3A_130], %gather3A_129 {strides = array<i32>} : memref<512xi32, #tpu.memory_space<vmem>>, vector<16xi32>,
    %add3A_132 = arith.constant 672 : i32
    %add3A_133 = vector.broadcast %add3A_132 : i32 to vector<16xi32>
    %add3A_134 = arith.addi %mul3A_7, %add3A_133 : vector<16xi32>
    %gather3A_135 = tpu.vector_load_idx %arg7[%add3A_134] : memref<1024xi32, #tpu.memory_space<vmem>>[vector<16xi32>], vector<16xi32>,
    %swap3A_136 = arith.constant 336 : index
    %swap3A_137 = tpu.vector_load %arg8[%swap3A_136] {strides = array<i32>} : memref<512xi32, #tpu.memory_space<vmem>>, vector<16xi32>,
    tpu.vector_store %arg8[%swap3A_136], %gather3A_135 {strides = array<i32>} : memref<512xi32, #tpu.memory_space<vmem>>, vector<16xi32>,
    %add3A_138 = arith.constant 704 : i32
    %add3A_139 = vector.broadcast %add3A_138 : i32 to vector<16xi32>
    %add3A_140 = arith.addi %mul3A_7, %add3A_139 : vector<16xi32>
    %gather3A_141 = tpu.vector_load_idx %arg7[%add3A_140] : memref<1024xi32, #tpu.memory_space<vmem>>[vector<16xi32>], vector<16xi32>,
    %swap3A_142 = arith.constant 352 : index
    %swap3A_143 = tpu.vector_load %arg8[%swap3A_142] {strides = array<i32>} : memref<512xi32, #tpu.memory_space<vmem>>, vector<16xi32>,
    tpu.vector_store %arg8[%swap3A_142], %gather3A_141 {strides = array<i32>} : memref<512xi32, #tpu.memory_space<vmem>>, vector<16xi32>,
    %add3A_144 = arith.constant 736 : i32
    %add3A_145 = vector.broadcast %add3A_144 : i32 to vector<16xi32>
    %add3A_146 = arith.addi %mul3A_7, %add3A_145 : vector<16xi32>
    %gather3A_147 = tpu.vector_load_idx %arg7[%add3A_146] : memref<1024xi32, #tpu.memory_space<vmem>>[vector<16xi32>], vector<16xi32>,
    %swap3A_148 = arith.constant 368 : index
    %swap3A_149 = tpu.vector_load %arg8[%swap3A_148] {strides = array<i32>} : memref<512xi32, #tpu.memory_space<vmem>>, vector<16xi32>,
    tpu.vector_store %arg8[%swap3A_148], %gather3A_147 {strides = array<i32>} : memref<512xi32, #tpu.memory_space<vmem>>, vector<16xi32>,
    %add3A_150 = arith.constant 768 : i32
    %add3A_151 = vector.broadcast %add3A_150 : i32 to vector<16xi32>
    %add3A_152 = arith.addi %mul3A_7, %add3A_151 : vector<16xi32>
    %gather3A_153 = tpu.vector_load_idx %arg7[%add3A_152] : memref<1024xi32, #tpu.memory_space<vmem>>[vector<16xi32>], vector<16xi32>,
    %swap3A_154 = arith.constant 384 : index
    %swap3A_155 = tpu.vector_load %arg8[%swap3A_154] {strides = array<i32>} : memref<512xi32, #tpu.memory_space<vmem>>, vector<16xi32>,
    tpu.vector_store %arg8[%swap3A_154], %gather3A_153 {strides = array<i32>} : memref<512xi32, #tpu.memory_space<vmem>>, vector<16xi32>,
    %add3A_156 = arith.constant 800 : i32
    %add3A_157 = vector.broadcast %add3A_156 : i32 to vector<16xi32>
    %add3A_158 = arith.addi %mul3A_7, %add3A_157 : vector<16xi32>
    %gather3A_159 = tpu.vector_load_idx %arg7[%add3A_158] : memref<1024xi32, #tpu.memory_space<vmem>>[vector<16xi32>], vector<16xi32>,
    %swap3A_160 = arith.constant 400 : index
    %swap3A_161 = tpu.vector_load %arg8[%swap3A_160] {strides = array<i32>} : memref<512xi32, #tpu.memory_space<vmem>>, vector<16xi32>,
    tpu.vector_store %arg8[%swap3A_160], %gather3A_159 {strides = array<i32>} : memref<512xi32, #tpu.memory_space<vmem>>, vector<16xi32>,
    %add3A_162 = arith.constant 832 : i32
    %add3A_163 = vector.broadcast %add3A_162 : i32 to vector<16xi32>
    %add3A_164 = arith.addi %mul3A_7, %add3A_163 : vector<16xi32>
    %gather3A_165 = tpu.vector_load_idx %arg7[%add3A_164] : memref<1024xi32, #tpu.memory_space<vmem>>[vector<16xi32>], vector<16xi32>,
    %swap3A_166 = arith.constant 416 : index
    %swap3A_167 = tpu.vector_load %arg8[%swap3A_166] {strides = array<i32>} : memref<512xi32, #tpu.memory_space<vmem>>, vector<16xi32>,
    tpu.vector_store %arg8[%swap3A_166], %gather3A_165 {strides = array<i32>} : memref<512xi32, #tpu.memory_space<vmem>>, vector<16xi32>,
    %add3A_168 = arith.constant 864 : i32
    %add3A_169 = vector.broadcast %add3A_168 : i32 to vector<16xi32>
    %add3A_170 = arith.addi %mul3A_7, %add3A_169 : vector<16xi32>
    %gather3A_171 = tpu.vector_load_idx %arg7[%add3A_170] : memref<1024xi32, #tpu.memory_space<vmem>>[vector<16xi32>], vector<16xi32>,
    %swap3A_172 = arith.constant 432 : index
    %swap3A_173 = tpu.vector_load %arg8[%swap3A_172] {strides = array<i32>} : memref<512xi32, #tpu.memory_space<vmem>>, vector<16xi32>,
    tpu.vector_store %arg8[%swap3A_172], %gather3A_171 {strides = array<i32>} : memref<512xi32, #tpu.memory_space<vmem>>, vector<16xi32>,
    %add3A_174 = arith.constant 896 : i32
    %add3A_175 = vector.broadcast %add3A_174 : i32 to vector<16xi32>
    %add3A_176 = arith.addi %mul3A_7, %add3A_175 : vector<16xi32>
    %gather3A_177 = tpu.vector_load_idx %arg7[%add3A_176] : memref<1024xi32, #tpu.memory_space<vmem>>[vector<16xi32>], vector<16xi32>,
    %swap3A_178 = arith.constant 448 : index
    %swap3A_179 = tpu.vector_load %arg8[%swap3A_178] {strides = array<i32>} : memref<512xi32, #tpu.memory_space<vmem>>, vector<16xi32>,
    tpu.vector_store %arg8[%swap3A_178], %gather3A_177 {strides = array<i32>} : memref<512xi32, #tpu.memory_space<vmem>>, vector<16xi32>,
    %add3A_180 = arith.constant 928 : i32
    %add3A_181 = vector.broadcast %add3A_180 : i32 to vector<16xi32>
    %add3A_182 = arith.addi %mul3A_7, %add3A_181 : vector<16xi32>
    %gather3A_183 = tpu.vector_load_idx %arg7[%add3A_182] : memref<1024xi32, #tpu.memory_space<vmem>>[vector<16xi32>], vector<16xi32>,
    %swap3A_184 = arith.constant 464 : index
    %swap3A_185 = tpu.vector_load %arg8[%swap3A_184] {strides = array<i32>} : memref<512xi32, #tpu.memory_space<vmem>>, vector<16xi32>,
    tpu.vector_store %arg8[%swap3A_184], %gather3A_183 {strides = array<i32>} : memref<512xi32, #tpu.memory_space<vmem>>, vector<16xi32>,
    %add3A_186 = arith.constant 960 : i32
    %add3A_187 = vector.broadcast %add3A_186 : i32 to vector<16xi32>
    %add3A_188 = arith.addi %mul3A_7, %add3A_187 : vector<16xi32>
    %gather3A_189 = tpu.vector_load_idx %arg7[%add3A_188] : memref<1024xi32, #tpu.memory_space<vmem>>[vector<16xi32>], vector<16xi32>,
    %swap3A_190 = arith.constant 480 : index
    %swap3A_191 = tpu.vector_load %arg8[%swap3A_190] {strides = array<i32>} : memref<512xi32, #tpu.memory_space<vmem>>, vector<16xi32>,
    tpu.vector_store %arg8[%swap3A_190], %gather3A_189 {strides = array<i32>} : memref<512xi32, #tpu.memory_space<vmem>>, vector<16xi32>,
    %add3A_192 = arith.constant 992 : i32
    %add3A_193 = vector.broadcast %add3A_192 : i32 to vector<16xi32>
    %add3A_194 = arith.addi %mul3A_7, %add3A_193 : vector<16xi32>
    %gather3A_195 = tpu.vector_load_idx %arg7[%add3A_194] : memref<1024xi32, #tpu.memory_space<vmem>>[vector<16xi32>], vector<16xi32>,
    %swap3A_196 = arith.constant 496 : index
    %swap3A_197 = tpu.vector_load %arg8[%swap3A_196] {strides = array<i32>} : memref<512xi32, #tpu.memory_space<vmem>>, vector<16xi32>,
    tpu.vector_store %arg8[%swap3A_196], %gather3A_195 {strides = array<i32>} : memref<512xi32, #tpu.memory_space<vmem>>, vector<16xi32>,
    %iota3A_198 = tpu.iota {dimensions = array<i32: 0>} : vector<16xi32>
    %add3A_199 = arith.constant 0 : i32
    %add3A_200 = vector.broadcast %add3A_199 : i32 to vector<16xi32>
    %add3A_201 = arith.addi %iota3A_198, %add3A_200 : vector<16xi32>
    %gather3A_202 = tpu.vector_load_idx %arg8[%add3A_201] : memref<512xi32, #tpu.memory_space<vmem>>[vector<16xi32>], vector<16xi32>,
    %shift_right_arithmetic3A = arith.constant 1 : i32
    %shift_right_arithmetic3A_203 = vector.broadcast %shift_right_arithmetic3A : i32 to vector<16xi32>
    %shift_right_arithmetic3A_204 = arith.shrsi %gather3A_202, %shift_right_arithmetic3A_203 : vector<16xi32>
    %swap3A_205 = arith.constant 0 : index
    %swap3A_206 = tpu.vector_load %arg9[%swap3A_205] {strides = array<i32>} : memref<512xi32, #tpu.memory_space<vmem>>, vector<16xi32>,
    tpu.vector_store %arg9[%swap3A_205], %shift_right_arithmetic3A_204 {strides = array<i32>} : memref<512xi32, #tpu.memory_space<vmem>>, vector<16xi32>,
    %add3A_207 = arith.constant 16 : i32
    %add3A_208 = vector.broadcast %add3A_207 : i32 to vector<16xi32>
    %add3A_209 = arith.addi %iota3A_198, %add3A_208 : vector<16xi32>
    %gather3A_210 = tpu.vector_load_idx %arg8[%add3A_209] : memref<512xi32, #tpu.memory_space<vmem>>[vector<16xi32>], vector<16xi32>,
    %shift_right_arithmetic3A_211 = arith.constant 1 : i32
    %shift_right_arithmetic3A_212 = vector.broadcast %shift_right_arithmetic3A_211 : i32 to vector<16xi32>
    %shift_right_arithmetic3A_213 = arith.shrsi %gather3A_210, %shift_right_arithmetic3A_212 : vector<16xi32>
    %swap3A_214 = arith.constant 16 : index
    %swap3A_215 = tpu.vector_load %arg9[%swap3A_214] {strides = array<i32>} : memref<512xi32, #tpu.memory_space<vmem>>, vector<16xi32>,
    tpu.vector_store %arg9[%swap3A_214], %shift_right_arithmetic3A_213 {strides = array<i32>} : memref<512xi32, #tpu.memory_space<vmem>>, vector<16xi32>,
    %add3A_216 = arith.constant 32 : i32
    %add3A_217 = vector.broadcast %add3A_216 : i32 to vector<16xi32>
    %add3A_218 = arith.addi %iota3A_198, %add3A_217 : vector<16xi32>
    %gather3A_219 = tpu.vector_load_idx %arg8[%add3A_218] : memref<512xi32, #tpu.memory_space<vmem>>[vector<16xi32>], vector<16xi32>,
    %shift_right_arithmetic3A_220 = arith.constant 1 : i32
    %shift_right_arithmetic3A_221 = vector.broadcast %shift_right_arithmetic3A_220 : i32 to vector<16xi32>
    %shift_right_arithmetic3A_222 = arith.shrsi %gather3A_219, %shift_right_arithmetic3A_221 : vector<16xi32>
    %swap3A_223 = arith.constant 32 : index
    %swap3A_224 = tpu.vector_load %arg9[%swap3A_223] {strides = array<i32>} : memref<512xi32, #tpu.memory_space<vmem>>, vector<16xi32>,
    tpu.vector_store %arg9[%swap3A_223], %shift_right_arithmetic3A_222 {strides = array<i32>} : memref<512xi32, #tpu.memory_space<vmem>>, vector<16xi32>,
    %add3A_225 = arith.constant 48 : i32
    %add3A_226 = vector.broadcast %add3A_225 : i32 to vector<16xi32>
    %add3A_227 = arith.addi %iota3A_198, %add3A_226 : vector<16xi32>
    %gather3A_228 = tpu.vector_load_idx %arg8[%add3A_227] : memref<512xi32, #tpu.memory_space<vmem>>[vector<16xi32>], vector<16xi32>,
    %shift_right_arithmetic3A_229 = arith.constant 1 : i32
    %shift_right_arithmetic3A_230 = vector.broadcast %shift_right_arithmetic3A_229 : i32 to vector<16xi32>
    %shift_right_arithmetic3A_231 = arith.shrsi %gather3A_228, %shift_right_arithmetic3A_230 : vector<16xi32>
    %swap3A_232 = arith.constant 48 : index
    %swap3A_233 = tpu.vector_load %arg9[%swap3A_232] {strides = array<i32>} : memref<512xi32, #tpu.memory_space<vmem>>, vector<16xi32>,
    tpu.vector_store %arg9[%swap3A_232], %shift_right_arithmetic3A_231 {strides = array<i32>} : memref<512xi32, #tpu.memory_space<vmem>>, vector<16xi32>,
    %add3A_234 = arith.constant 64 : i32
    %add3A_235 = vector.broadcast %add3A_234 : i32 to vector<16xi32>
    %add3A_236 = arith.addi %iota3A_198, %add3A_235 : vector<16xi32>
    %gather3A_237 = tpu.vector_load_idx %arg8[%add3A_236] : memref<512xi32, #tpu.memory_space<vmem>>[vector<16xi32>], vector<16xi32>,
    %shift_right_arithmetic3A_238 = arith.constant 1 : i32
    %shift_right_arithmetic3A_239 = vector.broadcast %shift_right_arithmetic3A_238 : i32 to vector<16xi32>
    %shift_right_arithmetic3A_240 = arith.shrsi %gather3A_237, %shift_right_arithmetic3A_239 : vector<16xi32>
    %swap3A_241 = arith.constant 64 : index
    %swap3A_242 = tpu.vector_load %arg9[%swap3A_241] {strides = array<i32>} : memref<512xi32, #tpu.memory_space<vmem>>, vector<16xi32>,
    tpu.vector_store %arg9[%swap3A_241], %shift_right_arithmetic3A_240 {strides = array<i32>} : memref<512xi32, #tpu.memory_space<vmem>>, vector<16xi32>,
    %add3A_243 = arith.constant 80 : i32
    %add3A_244 = vector.broadcast %add3A_243 : i32 to vector<16xi32>
    %add3A_245 = arith.addi %iota3A_198, %add3A_244 : vector<16xi32>
    %gather3A_246 = tpu.vector_load_idx %arg8[%add3A_245] : memref<512xi32, #tpu.memory_space<vmem>>[vector<16xi32>], vector<16xi32>,
    %shift_right_arithmetic3A_247 = arith.constant 1 : i32
    %shift_right_arithmetic3A_248 = vector.broadcast %shift_right_arithmetic3A_247 : i32 to vector<16xi32>
    %shift_right_arithmetic3A_249 = arith.shrsi %gather3A_246, %shift_right_arithmetic3A_248 : vector<16xi32>
    %swap3A_250 = arith.constant 80 : index
    %swap3A_251 = tpu.vector_load %arg9[%swap3A_250] {strides = array<i32>} : memref<512xi32, #tpu.memory_space<vmem>>, vector<16xi32>,
    tpu.vector_store %arg9[%swap3A_250], %shift_right_arithmetic3A_249 {strides = array<i32>} : memref<512xi32, #tpu.memory_space<vmem>>, vector<16xi32>,
    %add3A_252 = arith.constant 96 : i32
    %add3A_253 = vector.broadcast %add3A_252 : i32 to vector<16xi32>
    %add3A_254 = arith.addi %iota3A_198, %add3A_253 : vector<16xi32>
    %gather3A_255 = tpu.vector_load_idx %arg8[%add3A_254] : memref<512xi32, #tpu.memory_space<vmem>>[vector<16xi32>], vector<16xi32>,
    %shift_right_arithmetic3A_256 = arith.constant 1 : i32
    %shift_right_arithmetic3A_257 = vector.broadcast %shift_right_arithmetic3A_256 : i32 to vector<16xi32>
    %shift_right_arithmetic3A_258 = arith.shrsi %gather3A_255, %shift_right_arithmetic3A_257 : vector<16xi32>
    %swap3A_259 = arith.constant 96 : index
    %swap3A_260 = tpu.vector_load %arg9[%swap3A_259] {strides = array<i32>} : memref<512xi32, #tpu.memory_space<vmem>>, vector<16xi32>,
    tpu.vector_store %arg9[%swap3A_259], %shift_right_arithmetic3A_258 {strides = array<i32>} : memref<512xi32, #tpu.memory_space<vmem>>, vector<16xi32>,
    %add3A_261 = arith.constant 112 : i32
    %add3A_262 = vector.broadcast %add3A_261 : i32 to vector<16xi32>
    %add3A_263 = arith.addi %iota3A_198, %add3A_262 : vector<16xi32>
    %gather3A_264 = tpu.vector_load_idx %arg8[%add3A_263] : memref<512xi32, #tpu.memory_space<vmem>>[vector<16xi32>], vector<16xi32>,
    %shift_right_arithmetic3A_265 = arith.constant 1 : i32
    %shift_right_arithmetic3A_266 = vector.broadcast %shift_right_arithmetic3A_265 : i32 to vector<16xi32>
    %shift_right_arithmetic3A_267 = arith.shrsi %gather3A_264, %shift_right_arithmetic3A_266 : vector<16xi32>
    %swap3A_268 = arith.constant 112 : index
    %swap3A_269 = tpu.vector_load %arg9[%swap3A_268] {strides = array<i32>} : memref<512xi32, #tpu.memory_space<vmem>>, vector<16xi32>,
    tpu.vector_store %arg9[%swap3A_268], %shift_right_arithmetic3A_267 {strides = array<i32>} : memref<512xi32, #tpu.memory_space<vmem>>, vector<16xi32>,
    %add3A_270 = arith.constant 128 : i32
    %add3A_271 = vector.broadcast %add3A_270 : i32 to vector<16xi32>
    %add3A_272 = arith.addi %iota3A_198, %add3A_271 : vector<16xi32>
    %gather3A_273 = tpu.vector_load_idx %arg8[%add3A_272] : memref<512xi32, #tpu.memory_space<vmem>>[vector<16xi32>], vector<16xi32>,
    %shift_right_arithmetic3A_274 = arith.constant 1 : i32
    %shift_right_arithmetic3A_275 = vector.broadcast %shift_right_arithmetic3A_274 : i32 to vector<16xi32>
    %shift_right_arithmetic3A_276 = arith.shrsi %gather3A_273, %shift_right_arithmetic3A_275 : vector<16xi32>
    %swap3A_277 = arith.constant 128 : index
    %swap3A_278 = tpu.vector_load %arg9[%swap3A_277] {strides = array<i32>} : memref<512xi32, #tpu.memory_space<vmem>>, vector<16xi32>,
    tpu.vector_store %arg9[%swap3A_277], %shift_right_arithmetic3A_276 {strides = array<i32>} : memref<512xi32, #tpu.memory_space<vmem>>, vector<16xi32>,
    %add3A_279 = arith.constant 144 : i32
    %add3A_280 = vector.broadcast %add3A_279 : i32 to vector<16xi32>
    %add3A_281 = arith.addi %iota3A_198, %add3A_280 : vector<16xi32>
    %gather3A_282 = tpu.vector_load_idx %arg8[%add3A_281] : memref<512xi32, #tpu.memory_space<vmem>>[vector<16xi32>], vector<16xi32>,
    %shift_right_arithmetic3A_283 = arith.constant 1 : i32
    %shift_right_arithmetic3A_284 = vector.broadcast %shift_right_arithmetic3A_283 : i32 to vector<16xi32>
    %shift_right_arithmetic3A_285 = arith.shrsi %gather3A_282, %shift_right_arithmetic3A_284 : vector<16xi32>
    %swap3A_286 = arith.constant 144 : index
    %swap3A_287 = tpu.vector_load %arg9[%swap3A_286] {strides = array<i32>} : memref<512xi32, #tpu.memory_space<vmem>>, vector<16xi32>,
    tpu.vector_store %arg9[%swap3A_286], %shift_right_arithmetic3A_285 {strides = array<i32>} : memref<512xi32, #tpu.memory_space<vmem>>, vector<16xi32>,
    %add3A_288 = arith.constant 160 : i32
    %add3A_289 = vector.broadcast %add3A_288 : i32 to vector<16xi32>
    %add3A_290 = arith.addi %iota3A_198, %add3A_289 : vector<16xi32>
    %gather3A_291 = tpu.vector_load_idx %arg8[%add3A_290] : memref<512xi32, #tpu.memory_space<vmem>>[vector<16xi32>], vector<16xi32>,
    %shift_right_arithmetic3A_292 = arith.constant 1 : i32
    %shift_right_arithmetic3A_293 = vector.broadcast %shift_right_arithmetic3A_292 : i32 to vector<16xi32>
    %shift_right_arithmetic3A_294 = arith.shrsi %gather3A_291, %shift_right_arithmetic3A_293 : vector<16xi32>
    %swap3A_295 = arith.constant 160 : index
    %swap3A_296 = tpu.vector_load %arg9[%swap3A_295] {strides = array<i32>} : memref<512xi32, #tpu.memory_space<vmem>>, vector<16xi32>,
    tpu.vector_store %arg9[%swap3A_295], %shift_right_arithmetic3A_294 {strides = array<i32>} : memref<512xi32, #tpu.memory_space<vmem>>, vector<16xi32>,
    %add3A_297 = arith.constant 176 : i32
    %add3A_298 = vector.broadcast %add3A_297 : i32 to vector<16xi32>
    %add3A_299 = arith.addi %iota3A_198, %add3A_298 : vector<16xi32>
    %gather3A_300 = tpu.vector_load_idx %arg8[%add3A_299] : memref<512xi32, #tpu.memory_space<vmem>>[vector<16xi32>], vector<16xi32>,
    %shift_right_arithmetic3A_301 = arith.constant 1 : i32
    %shift_right_arithmetic3A_302 = vector.broadcast %shift_right_arithmetic3A_301 : i32 to vector<16xi32>
    %shift_right_arithmetic3A_303 = arith.shrsi %gather3A_300, %shift_right_arithmetic3A_302 : vector<16xi32>
    %swap3A_304 = arith.constant 176 : index
    %swap3A_305 = tpu.vector_load %arg9[%swap3A_304] {strides = array<i32>} : memref<512xi32, #tpu.memory_space<vmem>>, vector<16xi32>,
    tpu.vector_store %arg9[%swap3A_304], %shift_right_arithmetic3A_303 {strides = array<i32>} : memref<512xi32, #tpu.memory_space<vmem>>, vector<16xi32>,
    %add3A_306 = arith.constant 192 : i32
    %add3A_307 = vector.broadcast %add3A_306 : i32 to vector<16xi32>
    %add3A_308 = arith.addi %iota3A_198, %add3A_307 : vector<16xi32>
    %gather3A_309 = tpu.vector_load_idx %arg8[%add3A_308] : memref<512xi32, #tpu.memory_space<vmem>>[vector<16xi32>], vector<16xi32>,
    %shift_right_arithmetic3A_310 = arith.constant 1 : i32
    %shift_right_arithmetic3A_311 = vector.broadcast %shift_right_arithmetic3A_310 : i32 to vector<16xi32>
    %shift_right_arithmetic3A_312 = arith.shrsi %gather3A_309, %shift_right_arithmetic3A_311 : vector<16xi32>
    %swap3A_313 = arith.constant 192 : index
    %swap3A_314 = tpu.vector_load %arg9[%swap3A_313] {strides = array<i32>} : memref<512xi32, #tpu.memory_space<vmem>>, vector<16xi32>,
    tpu.vector_store %arg9[%swap3A_313], %shift_right_arithmetic3A_312 {strides = array<i32>} : memref<512xi32, #tpu.memory_space<vmem>>, vector<16xi32>,
    %add3A_315 = arith.constant 208 : i32
    %add3A_316 = vector.broadcast %add3A_315 : i32 to vector<16xi32>
    %add3A_317 = arith.addi %iota3A_198, %add3A_316 : vector<16xi32>
    %gather3A_318 = tpu.vector_load_idx %arg8[%add3A_317] : memref<512xi32, #tpu.memory_space<vmem>>[vector<16xi32>], vector<16xi32>,
    %shift_right_arithmetic3A_319 = arith.constant 1 : i32
    %shift_right_arithmetic3A_320 = vector.broadcast %shift_right_arithmetic3A_319 : i32 to vector<16xi32>
    %shift_right_arithmetic3A_321 = arith.shrsi %gather3A_318, %shift_right_arithmetic3A_320 : vector<16xi32>
    %swap3A_322 = arith.constant 208 : index
    %swap3A_323 = tpu.vector_load %arg9[%swap3A_322] {strides = array<i32>} : memref<512xi32, #tpu.memory_space<vmem>>, vector<16xi32>,
    tpu.vector_store %arg9[%swap3A_322], %shift_right_arithmetic3A_321 {strides = array<i32>} : memref<512xi32, #tpu.memory_space<vmem>>, vector<16xi32>,
    %add3A_324 = arith.constant 224 : i32
    %add3A_325 = vector.broadcast %add3A_324 : i32 to vector<16xi32>
    %add3A_326 = arith.addi %iota3A_198, %add3A_325 : vector<16xi32>
    %gather3A_327 = tpu.vector_load_idx %arg8[%add3A_326] : memref<512xi32, #tpu.memory_space<vmem>>[vector<16xi32>], vector<16xi32>,
    %shift_right_arithmetic3A_328 = arith.constant 1 : i32
    %shift_right_arithmetic3A_329 = vector.broadcast %shift_right_arithmetic3A_328 : i32 to vector<16xi32>
    %shift_right_arithmetic3A_330 = arith.shrsi %gather3A_327, %shift_right_arithmetic3A_329 : vector<16xi32>
    %swap3A_331 = arith.constant 224 : index
    %swap3A_332 = tpu.vector_load %arg9[%swap3A_331] {strides = array<i32>} : memref<512xi32, #tpu.memory_space<vmem>>, vector<16xi32>,
    tpu.vector_store %arg9[%swap3A_331], %shift_right_arithmetic3A_330 {strides = array<i32>} : memref<512xi32, #tpu.memory_space<vmem>>, vector<16xi32>,
    %add3A_333 = arith.constant 240 : i32
    %add3A_334 = vector.broadcast %add3A_333 : i32 to vector<16xi32>
    %add3A_335 = arith.addi %iota3A_198, %add3A_334 : vector<16xi32>
    %gather3A_336 = tpu.vector_load_idx %arg8[%add3A_335] : memref<512xi32, #tpu.memory_space<vmem>>[vector<16xi32>], vector<16xi32>,
    %shift_right_arithmetic3A_337 = arith.constant 1 : i32
    %shift_right_arithmetic3A_338 = vector.broadcast %shift_right_arithmetic3A_337 : i32 to vector<16xi32>
    %shift_right_arithmetic3A_339 = arith.shrsi %gather3A_336, %shift_right_arithmetic3A_338 : vector<16xi32>
    %swap3A_340 = arith.constant 240 : index
    %swap3A_341 = tpu.vector_load %arg9[%swap3A_340] {strides = array<i32>} : memref<512xi32, #tpu.memory_space<vmem>>, vector<16xi32>,
    tpu.vector_store %arg9[%swap3A_340], %shift_right_arithmetic3A_339 {strides = array<i32>} : memref<512xi32, #tpu.memory_space<vmem>>, vector<16xi32>,
    %add3A_342 = arith.constant 256 : i32
    %add3A_343 = vector.broadcast %add3A_342 : i32 to vector<16xi32>
    %add3A_344 = arith.addi %iota3A_198, %add3A_343 : vector<16xi32>
    %gather3A_345 = tpu.vector_load_idx %arg8[%add3A_344] : memref<512xi32, #tpu.memory_space<vmem>>[vector<16xi32>], vector<16xi32>,
    %shift_right_arithmetic3A_346 = arith.constant 1 : i32
    %shift_right_arithmetic3A_347 = vector.broadcast %shift_right_arithmetic3A_346 : i32 to vector<16xi32>
    %shift_right_arithmetic3A_348 = arith.shrsi %gather3A_345, %shift_right_arithmetic3A_347 : vector<16xi32>
    %swap3A_349 = arith.constant 256 : index
    %swap3A_350 = tpu.vector_load %arg9[%swap3A_349] {strides = array<i32>} : memref<512xi32, #tpu.memory_space<vmem>>, vector<16xi32>,
    tpu.vector_store %arg9[%swap3A_349], %shift_right_arithmetic3A_348 {strides = array<i32>} : memref<512xi32, #tpu.memory_space<vmem>>, vector<16xi32>,
    %add3A_351 = arith.constant 272 : i32
    %add3A_352 = vector.broadcast %add3A_351 : i32 to vector<16xi32>
    %add3A_353 = arith.addi %iota3A_198, %add3A_352 : vector<16xi32>
    %gather3A_354 = tpu.vector_load_idx %arg8[%add3A_353] : memref<512xi32, #tpu.memory_space<vmem>>[vector<16xi32>], vector<16xi32>,
    %shift_right_arithmetic3A_355 = arith.constant 1 : i32
    %shift_right_arithmetic3A_356 = vector.broadcast %shift_right_arithmetic3A_355 : i32 to vector<16xi32>
    %shift_right_arithmetic3A_357 = arith.shrsi %gather3A_354, %shift_right_arithmetic3A_356 : vector<16xi32>
    %swap3A_358 = arith.constant 272 : index
    %swap3A_359 = tpu.vector_load %arg9[%swap3A_358] {strides = array<i32>} : memref<512xi32, #tpu.memory_space<vmem>>, vector<16xi32>,
    tpu.vector_store %arg9[%swap3A_358], %shift_right_arithmetic3A_357 {strides = array<i32>} : memref<512xi32, #tpu.memory_space<vmem>>, vector<16xi32>,
    %add3A_360 = arith.constant 288 : i32
    %add3A_361 = vector.broadcast %add3A_360 : i32 to vector<16xi32>
    %add3A_362 = arith.addi %iota3A_198, %add3A_361 : vector<16xi32>
    %gather3A_363 = tpu.vector_load_idx %arg8[%add3A_362] : memref<512xi32, #tpu.memory_space<vmem>>[vector<16xi32>], vector<16xi32>,
    %shift_right_arithmetic3A_364 = arith.constant 1 : i32
    %shift_right_arithmetic3A_365 = vector.broadcast %shift_right_arithmetic3A_364 : i32 to vector<16xi32>
    %shift_right_arithmetic3A_366 = arith.shrsi %gather3A_363, %shift_right_arithmetic3A_365 : vector<16xi32>
    %swap3A_367 = arith.constant 288 : index
    %swap3A_368 = tpu.vector_load %arg9[%swap3A_367] {strides = array<i32>} : memref<512xi32, #tpu.memory_space<vmem>>, vector<16xi32>,
    tpu.vector_store %arg9[%swap3A_367], %shift_right_arithmetic3A_366 {strides = array<i32>} : memref<512xi32, #tpu.memory_space<vmem>>, vector<16xi32>,
    %add3A_369 = arith.constant 304 : i32
    %add3A_370 = vector.broadcast %add3A_369 : i32 to vector<16xi32>
    %add3A_371 = arith.addi %iota3A_198, %add3A_370 : vector<16xi32>
    %gather3A_372 = tpu.vector_load_idx %arg8[%add3A_371] : memref<512xi32, #tpu.memory_space<vmem>>[vector<16xi32>], vector<16xi32>,
    %shift_right_arithmetic3A_373 = arith.constant 1 : i32
    %shift_right_arithmetic3A_374 = vector.broadcast %shift_right_arithmetic3A_373 : i32 to vector<16xi32>
    %shift_right_arithmetic3A_375 = arith.shrsi %gather3A_372, %shift_right_arithmetic3A_374 : vector<16xi32>
    %swap3A_376 = arith.constant 304 : index
    %swap3A_377 = tpu.vector_load %arg9[%swap3A_376] {strides = array<i32>} : memref<512xi32, #tpu.memory_space<vmem>>, vector<16xi32>,
    tpu.vector_store %arg9[%swap3A_376], %shift_right_arithmetic3A_375 {strides = array<i32>} : memref<512xi32, #tpu.memory_space<vmem>>, vector<16xi32>,
    %add3A_378 = arith.constant 320 : i32
    %add3A_379 = vector.broadcast %add3A_378 : i32 to vector<16xi32>
    %add3A_380 = arith.addi %iota3A_198, %add3A_379 : vector<16xi32>
    %gather3A_381 = tpu.vector_load_idx %arg8[%add3A_380] : memref<512xi32, #tpu.memory_space<vmem>>[vector<16xi32>], vector<16xi32>,
    %shift_right_arithmetic3A_382 = arith.constant 1 : i32
    %shift_right_arithmetic3A_383 = vector.broadcast %shift_right_arithmetic3A_382 : i32 to vector<16xi32>
    %shift_right_arithmetic3A_384 = arith.shrsi %gather3A_381, %shift_right_arithmetic3A_383 : vector<16xi32>
    %swap3A_385 = arith.constant 320 : index
    %swap3A_386 = tpu.vector_load %arg9[%swap3A_385] {strides = array<i32>} : memref<512xi32, #tpu.memory_space<vmem>>, vector<16xi32>,
    tpu.vector_store %arg9[%swap3A_385], %shift_right_arithmetic3A_384 {strides = array<i32>} : memref<512xi32, #tpu.memory_space<vmem>>, vector<16xi32>,
    %add3A_387 = arith.constant 336 : i32
    %add3A_388 = vector.broadcast %add3A_387 : i32 to vector<16xi32>
    %add3A_389 = arith.addi %iota3A_198, %add3A_388 : vector<16xi32>
    %gather3A_390 = tpu.vector_load_idx %arg8[%add3A_389] : memref<512xi32, #tpu.memory_space<vmem>>[vector<16xi32>], vector<16xi32>,
    %shift_right_arithmetic3A_391 = arith.constant 1 : i32
    %shift_right_arithmetic3A_392 = vector.broadcast %shift_right_arithmetic3A_391 : i32 to vector<16xi32>
    %shift_right_arithmetic3A_393 = arith.shrsi %gather3A_390, %shift_right_arithmetic3A_392 : vector<16xi32>
    %swap3A_394 = arith.constant 336 : index
    %swap3A_395 = tpu.vector_load %arg9[%swap3A_394] {strides = array<i32>} : memref<512xi32, #tpu.memory_space<vmem>>, vector<16xi32>,
    tpu.vector_store %arg9[%swap3A_394], %shift_right_arithmetic3A_393 {strides = array<i32>} : memref<512xi32, #tpu.memory_space<vmem>>, vector<16xi32>,
    %add3A_396 = arith.constant 352 : i32
    %add3A_397 = vector.broadcast %add3A_396 : i32 to vector<16xi32>
    %add3A_398 = arith.addi %iota3A_198, %add3A_397 : vector<16xi32>
    %gather3A_399 = tpu.vector_load_idx %arg8[%add3A_398] : memref<512xi32, #tpu.memory_space<vmem>>[vector<16xi32>], vector<16xi32>,
    %shift_right_arithmetic3A_400 = arith.constant 1 : i32
    %shift_right_arithmetic3A_401 = vector.broadcast %shift_right_arithmetic3A_400 : i32 to vector<16xi32>
    %shift_right_arithmetic3A_402 = arith.shrsi %gather3A_399, %shift_right_arithmetic3A_401 : vector<16xi32>
    %swap3A_403 = arith.constant 352 : index
    %swap3A_404 = tpu.vector_load %arg9[%swap3A_403] {strides = array<i32>} : memref<512xi32, #tpu.memory_space<vmem>>, vector<16xi32>,
    tpu.vector_store %arg9[%swap3A_403], %shift_right_arithmetic3A_402 {strides = array<i32>} : memref<512xi32, #tpu.memory_space<vmem>>, vector<16xi32>,
    %add3A_405 = arith.constant 368 : i32
    %add3A_406 = vector.broadcast %add3A_405 : i32 to vector<16xi32>
    %add3A_407 = arith.addi %iota3A_198, %add3A_406 : vector<16xi32>
    %gather3A_408 = tpu.vector_load_idx %arg8[%add3A_407] : memref<512xi32, #tpu.memory_space<vmem>>[vector<16xi32>], vector<16xi32>,
    %shift_right_arithmetic3A_409 = arith.constant 1 : i32
    %shift_right_arithmetic3A_410 = vector.broadcast %shift_right_arithmetic3A_409 : i32 to vector<16xi32>
    %shift_right_arithmetic3A_411 = arith.shrsi %gather3A_408, %shift_right_arithmetic3A_410 : vector<16xi32>
    %swap3A_412 = arith.constant 368 : index
    %swap3A_413 = tpu.vector_load %arg9[%swap3A_412] {strides = array<i32>} : memref<512xi32, #tpu.memory_space<vmem>>, vector<16xi32>,
    tpu.vector_store %arg9[%swap3A_412], %shift_right_arithmetic3A_411 {strides = array<i32>} : memref<512xi32, #tpu.memory_space<vmem>>, vector<16xi32>,
    %add3A_414 = arith.constant 384 : i32
    %add3A_415 = vector.broadcast %add3A_414 : i32 to vector<16xi32>
    %add3A_416 = arith.addi %iota3A_198, %add3A_415 : vector<16xi32>
    %gather3A_417 = tpu.vector_load_idx %arg8[%add3A_416] : memref<512xi32, #tpu.memory_space<vmem>>[vector<16xi32>], vector<16xi32>,
    %shift_right_arithmetic3A_418 = arith.constant 1 : i32
    %shift_right_arithmetic3A_419 = vector.broadcast %shift_right_arithmetic3A_418 : i32 to vector<16xi32>
    %shift_right_arithmetic3A_420 = arith.shrsi %gather3A_417, %shift_right_arithmetic3A_419 : vector<16xi32>
    %swap3A_421 = arith.constant 384 : index
    %swap3A_422 = tpu.vector_load %arg9[%swap3A_421] {strides = array<i32>} : memref<512xi32, #tpu.memory_space<vmem>>, vector<16xi32>,
    tpu.vector_store %arg9[%swap3A_421], %shift_right_arithmetic3A_420 {strides = array<i32>} : memref<512xi32, #tpu.memory_space<vmem>>, vector<16xi32>,
    %add3A_423 = arith.constant 400 : i32
    %add3A_424 = vector.broadcast %add3A_423 : i32 to vector<16xi32>
    %add3A_425 = arith.addi %iota3A_198, %add3A_424 : vector<16xi32>
    %gather3A_426 = tpu.vector_load_idx %arg8[%add3A_425] : memref<512xi32, #tpu.memory_space<vmem>>[vector<16xi32>], vector<16xi32>,
    %shift_right_arithmetic3A_427 = arith.constant 1 : i32
    %shift_right_arithmetic3A_428 = vector.broadcast %shift_right_arithmetic3A_427 : i32 to vector<16xi32>
    %shift_right_arithmetic3A_429 = arith.shrsi %gather3A_426, %shift_right_arithmetic3A_428 : vector<16xi32>
    %swap3A_430 = arith.constant 400 : index
    %swap3A_431 = tpu.vector_load %arg9[%swap3A_430] {strides = array<i32>} : memref<512xi32, #tpu.memory_space<vmem>>, vector<16xi32>,
    tpu.vector_store %arg9[%swap3A_430], %shift_right_arithmetic3A_429 {strides = array<i32>} : memref<512xi32, #tpu.memory_space<vmem>>, vector<16xi32>,
    %add3A_432 = arith.constant 416 : i32
    %add3A_433 = vector.broadcast %add3A_432 : i32 to vector<16xi32>
    %add3A_434 = arith.addi %iota3A_198, %add3A_433 : vector<16xi32>
    %gather3A_435 = tpu.vector_load_idx %arg8[%add3A_434] : memref<512xi32, #tpu.memory_space<vmem>>[vector<16xi32>], vector<16xi32>,
    %shift_right_arithmetic3A_436 = arith.constant 1 : i32
    %shift_right_arithmetic3A_437 = vector.broadcast %shift_right_arithmetic3A_436 : i32 to vector<16xi32>
    %shift_right_arithmetic3A_438 = arith.shrsi %gather3A_435, %shift_right_arithmetic3A_437 : vector<16xi32>
    %swap3A_439 = arith.constant 416 : index
    %swap3A_440 = tpu.vector_load %arg9[%swap3A_439] {strides = array<i32>} : memref<512xi32, #tpu.memory_space<vmem>>, vector<16xi32>,
    tpu.vector_store %arg9[%swap3A_439], %shift_right_arithmetic3A_438 {strides = array<i32>} : memref<512xi32, #tpu.memory_space<vmem>>, vector<16xi32>,
    %add3A_441 = arith.constant 432 : i32
    %add3A_442 = vector.broadcast %add3A_441 : i32 to vector<16xi32>
    %add3A_443 = arith.addi %iota3A_198, %add3A_442 : vector<16xi32>
    %gather3A_444 = tpu.vector_load_idx %arg8[%add3A_443] : memref<512xi32, #tpu.memory_space<vmem>>[vector<16xi32>], vector<16xi32>,
    %shift_right_arithmetic3A_445 = arith.constant 1 : i32
    %shift_right_arithmetic3A_446 = vector.broadcast %shift_right_arithmetic3A_445 : i32 to vector<16xi32>
    %shift_right_arithmetic3A_447 = arith.shrsi %gather3A_444, %shift_right_arithmetic3A_446 : vector<16xi32>
    %swap3A_448 = arith.constant 432 : index
    %swap3A_449 = tpu.vector_load %arg9[%swap3A_448] {strides = array<i32>} : memref<512xi32, #tpu.memory_space<vmem>>, vector<16xi32>,
    tpu.vector_store %arg9[%swap3A_448], %shift_right_arithmetic3A_447 {strides = array<i32>} : memref<512xi32, #tpu.memory_space<vmem>>, vector<16xi32>,
    %add3A_450 = arith.constant 448 : i32
    %add3A_451 = vector.broadcast %add3A_450 : i32 to vector<16xi32>
    %add3A_452 = arith.addi %iota3A_198, %add3A_451 : vector<16xi32>
    %gather3A_453 = tpu.vector_load_idx %arg8[%add3A_452] : memref<512xi32, #tpu.memory_space<vmem>>[vector<16xi32>], vector<16xi32>,
    %shift_right_arithmetic3A_454 = arith.constant 1 : i32
    %shift_right_arithmetic3A_455 = vector.broadcast %shift_right_arithmetic3A_454 : i32 to vector<16xi32>
    %shift_right_arithmetic3A_456 = arith.shrsi %gather3A_453, %shift_right_arithmetic3A_455 : vector<16xi32>
    %swap3A_457 = arith.constant 448 : index
    %swap3A_458 = tpu.vector_load %arg9[%swap3A_457] {strides = array<i32>} : memref<512xi32, #tpu.memory_space<vmem>>, vector<16xi32>,
    tpu.vector_store %arg9[%swap3A_457], %shift_right_arithmetic3A_456 {strides = array<i32>} : memref<512xi32, #tpu.memory_space<vmem>>, vector<16xi32>,
    %add3A_459 = arith.constant 464 : i32
    %add3A_460 = vector.broadcast %add3A_459 : i32 to vector<16xi32>
    %add3A_461 = arith.addi %iota3A_198, %add3A_460 : vector<16xi32>
    %gather3A_462 = tpu.vector_load_idx %arg8[%add3A_461] : memref<512xi32, #tpu.memory_space<vmem>>[vector<16xi32>], vector<16xi32>,
    %shift_right_arithmetic3A_463 = arith.constant 1 : i32
    %shift_right_arithmetic3A_464 = vector.broadcast %shift_right_arithmetic3A_463 : i32 to vector<16xi32>
    %shift_right_arithmetic3A_465 = arith.shrsi %gather3A_462, %shift_right_arithmetic3A_464 : vector<16xi32>
    %swap3A_466 = arith.constant 464 : index
    %swap3A_467 = tpu.vector_load %arg9[%swap3A_466] {strides = array<i32>} : memref<512xi32, #tpu.memory_space<vmem>>, vector<16xi32>,
    tpu.vector_store %arg9[%swap3A_466], %shift_right_arithmetic3A_465 {strides = array<i32>} : memref<512xi32, #tpu.memory_space<vmem>>, vector<16xi32>,
    %add3A_468 = arith.constant 480 : i32
    %add3A_469 = vector.broadcast %add3A_468 : i32 to vector<16xi32>
    %add3A_470 = arith.addi %iota3A_198, %add3A_469 : vector<16xi32>
    %gather3A_471 = tpu.vector_load_idx %arg8[%add3A_470] : memref<512xi32, #tpu.memory_space<vmem>>[vector<16xi32>], vector<16xi32>,
    %shift_right_arithmetic3A_472 = arith.constant 1 : i32
    %shift_right_arithmetic3A_473 = vector.broadcast %shift_right_arithmetic3A_472 : i32 to vector<16xi32>
    %shift_right_arithmetic3A_474 = arith.shrsi %gather3A_471, %shift_right_arithmetic3A_473 : vector<16xi32>
    %swap3A_475 = arith.constant 480 : index
    %swap3A_476 = tpu.vector_load %arg9[%swap3A_475] {strides = array<i32>} : memref<512xi32, #tpu.memory_space<vmem>>, vector<16xi32>,
    tpu.vector_store %arg9[%swap3A_475], %shift_right_arithmetic3A_474 {strides = array<i32>} : memref<512xi32, #tpu.memory_space<vmem>>, vector<16xi32>,
    %add3A_477 = arith.constant 496 : i32
    %add3A_478 = vector.broadcast %add3A_477 : i32 to vector<16xi32>
    %add3A_479 = arith.addi %iota3A_198, %add3A_478 : vector<16xi32>
    %gather3A_480 = tpu.vector_load_idx %arg8[%add3A_479] : memref<512xi32, #tpu.memory_space<vmem>>[vector<16xi32>], vector<16xi32>,
    %shift_right_arithmetic3A_481 = arith.constant 1 : i32
    %shift_right_arithmetic3A_482 = vector.broadcast %shift_right_arithmetic3A_481 : i32 to vector<16xi32>
    %shift_right_arithmetic3A_483 = arith.shrsi %gather3A_480, %shift_right_arithmetic3A_482 : vector<16xi32>
    %swap3A_484 = arith.constant 496 : index
    %swap3A_485 = tpu.vector_load %arg9[%swap3A_484] {strides = array<i32>} : memref<512xi32, #tpu.memory_space<vmem>>, vector<16xi32>,
    tpu.vector_store %arg9[%swap3A_484], %shift_right_arithmetic3A_483 {strides = array<i32>} : memref<512xi32, #tpu.memory_space<vmem>>, vector<16xi32>,
    %iota3A_486 = tpu.iota {dimensions = array<i32: 0>} : vector<16xi32>
    %mul3A_487 = arith.constant 2 : i32
    %mul3A_488 = vector.broadcast %mul3A_487 : i32 to vector<16xi32>
    %mul3A_489 = arith.muli %iota3A_486, %mul3A_488 : vector<16xi32>
    %add3A_490 = arith.constant 32 : i32
    %add3A_491 = vector.broadcast %add3A_490 : i32 to vector<16xi32>
    %add3A_492 = arith.addi %mul3A_489, %add3A_491 : vector<16xi32>
    tpu.wait_dma2 semaphore(%arg13 : memref<!tpu.dma_semaphore, #tpu.memory_space<semaphore_mem>>) src(%arg4 : memref<100000xf32, #tpu.memory_space<hbm>>) dst(%arg6 : memref<100000xf32, #tpu.memory_space<vmem>>)
    %dma_start3A = arith.constant 0 : i32
    %dma_start3A_493 = tpu.memref_slice %arg9[%dma_start3A] : memref<512xi32, #tpu.memory_space<vmem>> -> memref<128xi32, #tpu.memory_space<vmem>>
    %dma_start3A_494 = arith.constant 0 : i32
    %dma_start3A_495 = arith.constant 0 : i32
    %dma_start3A_496 = tpu.memref_slice %arg3[%dma_start3A_494, %dma_start3A_495] : memref<50000x128xi32, #tpu.memory_space<hbm>> -> memref<50000x128xi32, #tpu.memory_space<hbm>>
    tpu.enqueue_indirect_dma source(%dma_start3A_496 : memref<50000x128xi32, #tpu.memory_space<hbm>>) target(%arg10 : memref<128x128xi32, #tpu.memory_space<vmem>>) offsets(%dma_start3A_493 : memref<128xi32, #tpu.memory_space<vmem>>) semaphore(%arg12 : memref<!tpu.dma_semaphore, #tpu.memory_space<semaphore_mem>>)
    %dma_wait3A = arith.constant 0 : i32
    %dma_wait3A_497 = tpu.memref_slice %arg9[%dma_wait3A] : memref<512xi32, #tpu.memory_space<vmem>> -> memref<128xi32, #tpu.memory_space<vmem>>
    %dma_wait3A_498 = arith.constant 0 : i32
    %dma_wait3A_499 = arith.constant 0 : i32
    %dma_wait3A_500 = tpu.memref_slice %arg3[%dma_wait3A_498, %dma_wait3A_499] : memref<50000x128xi32, #tpu.memory_space<hbm>> -> memref<50000x128xi32, #tpu.memory_space<hbm>>
    tpu.wait_indirect_dma semaphore(%arg12 : memref<!tpu.dma_semaphore, #tpu.memory_space<semaphore_mem>>) src(%dma_wait3A_500 : memref<50000x128xi32, #tpu.memory_space<hbm>>) dst(%arg10 : memref<128x128xi32, #tpu.memory_space<vmem>>)
    %while3A = arith.constant 0 : i32
    %while3A_501 = arith.constant 32 : i32
    %while3A_502 = arith.constant 0 : i32
    %while3A_503 = arith.subi %while3A_501, %while3A : i32
    %while3A_504 = arith.addi %while3A, %while3A_503 : i32
    %while3A_505 = arith.constant 1 : i32
    %while3A_506 = arith.divsi %while3A_503, %while3A_505 : i32
    %while3A_507 = arith.muli %while3A_506, %while3A_505 : i32
    %while3A_508 = arith.addi %while3A, %while3A_507 : i32
    %while3A_509 = arith.constant 1 : i32
    %while3A_510 = scf.for %while3A_598 = %while3A to %while3A_508 step %while3A_509 iter_args(%while3A_599 = %while3A_502) -> (i32)  : i32 {
      %mul3A_600 = arith.constant 4 : i32
      %mul3A_601 = arith.muli %while3A_599, %mul3A_600 : i32
      %add3A_602 = arith.constant 0 : i32
      %add3A_603 = arith.addi %mul3A_601, %add3A_602 : i32
      %broadcast_in_dim3A = vector.broadcast %add3A_603 : i32 to vector<16xi32>
      %add3A_604 = arith.constant 0 : i32
      %add3A_605 = vector.broadcast %add3A_604 : i32 to vector<16xi32>
      %add3A_606 = arith.addi %broadcast_in_dim3A, %add3A_605 : vector<16xi32>
      %gather3A_607 = tpu.vector_load_idx %arg8[%add3A_606] : memref<512xi32, #tpu.memory_space<vmem>>[vector<16xi32>], vector<16xi32>,
      %and3A = arith.constant 1 : i32
      %and3A_608 = vector.broadcast %and3A : i32 to vector<16xi32>
      %and3A_609 = arith.andi %gather3A_607, %and3A_608 : vector<16xi32>
      %mul3A_610 = arith.constant 64 : i32
      %mul3A_611 = vector.broadcast %mul3A_610 : i32 to vector<16xi32>
      %mul3A_612 = arith.muli %and3A_609, %mul3A_611 : vector<16xi32>
      %add3A_613 = arith.addi %mul3A_612, %mul3A_489 : vector<16xi32>
      %gather3A_614 = tpu.vector_load_idx %arg10[%broadcast_in_dim3A, %add3A_613] : memref<128x128xi32, #tpu.memory_space<vmem>>[vector<16xi32>, vector<16xi32>], vector<16xi32>,
      %gather3A_615 = tpu.vector_load_idx %arg6[%gather3A_614] : memref<100000xf32, #tpu.memory_space<vmem>>[vector<16xi32>], vector<16xf32>,
      %swap3A_616 = arith.index_cast %while3A_599 : i32 to index
      %swap3A_617 = arith.constant 0 : index
      %swap3A_618 = tpu.vector_load %arg11[%swap3A_616, %swap3A_617] {strides = array<i32>} : memref<32x128xf32, #tpu.memory_space<vmem>>, vector<16xf32>,
      tpu.vector_store %arg11[%swap3A_616, %swap3A_617], %gather3A_615 {strides = array<i32>} : memref<32x128xf32, #tpu.memory_space<vmem>>, vector<16xf32>,
      %add3A_619 = arith.addi %mul3A_612, %add3A_492 : vector<16xi32>
      %gather3A_620 = tpu.vector_load_idx %arg10[%broadcast_in_dim3A, %add3A_619] : memref<128x128xi32, #tpu.memory_space<vmem>>[vector<16xi32>, vector<16xi32>], vector<16xi32>,
      %gather3A_621 = tpu.vector_load_idx %arg6[%gather3A_620] : memref<100000xf32, #tpu.memory_space<vmem>>[vector<16xi32>], vector<16xf32>,
      %swap3A_622 = arith.index_cast %while3A_599 : i32 to index
      %swap3A_623 = arith.constant 16 : index
      %swap3A_624 = tpu.vector_load %arg11[%swap3A_622, %swap3A_623] {strides = array<i32>} : memref<32x128xf32, #tpu.memory_space<vmem>>, vector<16xf32>,
      tpu.vector_store %arg11[%swap3A_622, %swap3A_623], %gather3A_621 {strides = array<i32>} : memref<32x128xf32, #tpu.memory_space<vmem>>, vector<16xf32>,
      %mul3A_625 = arith.constant 4 : i32
      %mul3A_626 = arith.muli %while3A_599, %mul3A_625 : i32
      %add3A_627 = arith.constant 1 : i32
      %add3A_628 = arith.addi %mul3A_626, %add3A_627 : i32
      %broadcast_in_dim3A_629 = vector.broadcast %add3A_628 : i32 to vector<16xi32>
      %add3A_630 = arith.constant 0 : i32
      %add3A_631 = vector.broadcast %add3A_630 : i32 to vector<16xi32>
      %add3A_632 = arith.addi %broadcast_in_dim3A_629, %add3A_631 : vector<16xi32>
      %gather3A_633 = tpu.vector_load_idx %arg8[%add3A_632] : memref<512xi32, #tpu.memory_space<vmem>>[vector<16xi32>], vector<16xi32>,
      %and3A_634 = arith.constant 1 : i32
      %and3A_635 = vector.broadcast %and3A_634 : i32 to vector<16xi32>
      %and3A_636 = arith.andi %gather3A_633, %and3A_635 : vector<16xi32>
      %mul3A_637 = arith.constant 64 : i32
      %mul3A_638 = vector.broadcast %mul3A_637 : i32 to vector<16xi32>
      %mul3A_639 = arith.muli %and3A_636, %mul3A_638 : vector<16xi32>
      %add3A_640 = arith.addi %mul3A_639, %mul3A_489 : vector<16xi32>
      %gather3A_641 = tpu.vector_load_idx %arg10[%broadcast_in_dim3A_629, %add3A_640] : memref<128x128xi32, #tpu.memory_space<vmem>>[vector<16xi32>, vector<16xi32>], vector<16xi32>,
      %gather3A_642 = tpu.vector_load_idx %arg6[%gather3A_641] : memref<100000xf32, #tpu.memory_space<vmem>>[vector<16xi32>], vector<16xf32>,
      %swap3A_643 = arith.index_cast %while3A_599 : i32 to index
      %swap3A_644 = arith.constant 32 : index
      %swap3A_645 = tpu.vector_load %arg11[%swap3A_643, %swap3A_644] {strides = array<i32>} : memref<32x128xf32, #tpu.memory_space<vmem>>, vector<16xf32>,
      tpu.vector_store %arg11[%swap3A_643, %swap3A_644], %gather3A_642 {strides = array<i32>} : memref<32x128xf32, #tpu.memory_space<vmem>>, vector<16xf32>,
      %add3A_646 = arith.addi %mul3A_639, %add3A_492 : vector<16xi32>
      %gather3A_647 = tpu.vector_load_idx %arg10[%broadcast_in_dim3A_629, %add3A_646] : memref<128x128xi32, #tpu.memory_space<vmem>>[vector<16xi32>, vector<16xi32>], vector<16xi32>,
      %gather3A_648 = tpu.vector_load_idx %arg6[%gather3A_647] : memref<100000xf32, #tpu.memory_space<vmem>>[vector<16xi32>], vector<16xf32>,
      %swap3A_649 = arith.index_cast %while3A_599 : i32 to index
      %swap3A_650 = arith.constant 48 : index
      %swap3A_651 = tpu.vector_load %arg11[%swap3A_649, %swap3A_650] {strides = array<i32>} : memref<32x128xf32, #tpu.memory_space<vmem>>, vector<16xf32>,
      tpu.vector_store %arg11[%swap3A_649, %swap3A_650], %gather3A_648 {strides = array<i32>} : memref<32x128xf32, #tpu.memory_space<vmem>>, vector<16xf32>,
      %mul3A_652 = arith.constant 4 : i32
      %mul3A_653 = arith.muli %while3A_599, %mul3A_652 : i32
      %add3A_654 = arith.constant 2 : i32
      %add3A_655 = arith.addi %mul3A_653, %add3A_654 : i32
      %broadcast_in_dim3A_656 = vector.broadcast %add3A_655 : i32 to vector<16xi32>
      %add3A_657 = arith.constant 0 : i32
      %add3A_658 = vector.broadcast %add3A_657 : i32 to vector<16xi32>
      %add3A_659 = arith.addi %broadcast_in_dim3A_656, %add3A_658 : vector<16xi32>
      %gather3A_660 = tpu.vector_load_idx %arg8[%add3A_659] : memref<512xi32, #tpu.memory_space<vmem>>[vector<16xi32>], vector<16xi32>,
      %and3A_661 = arith.constant 1 : i32
      %and3A_662 = vector.broadcast %and3A_661 : i32 to vector<16xi32>
      %and3A_663 = arith.andi %gather3A_660, %and3A_662 : vector<16xi32>
      %mul3A_664 = arith.constant 64 : i32
      %mul3A_665 = vector.broadcast %mul3A_664 : i32 to vector<16xi32>
      %mul3A_666 = arith.muli %and3A_663, %mul3A_665 : vector<16xi32>
      %add3A_667 = arith.addi %mul3A_666, %mul3A_489 : vector<16xi32>
      %gather3A_668 = tpu.vector_load_idx %arg10[%broadcast_in_dim3A_656, %add3A_667] : memref<128x128xi32, #tpu.memory_space<vmem>>[vector<16xi32>, vector<16xi32>], vector<16xi32>,
      %gather3A_669 = tpu.vector_load_idx %arg6[%gather3A_668] : memref<100000xf32, #tpu.memory_space<vmem>>[vector<16xi32>], vector<16xf32>,
      %swap3A_670 = arith.index_cast %while3A_599 : i32 to index
      %swap3A_671 = arith.constant 64 : index
      %swap3A_672 = tpu.vector_load %arg11[%swap3A_670, %swap3A_671] {strides = array<i32>} : memref<32x128xf32, #tpu.memory_space<vmem>>, vector<16xf32>,
      tpu.vector_store %arg11[%swap3A_670, %swap3A_671], %gather3A_669 {strides = array<i32>} : memref<32x128xf32, #tpu.memory_space<vmem>>, vector<16xf32>,
      %add3A_673 = arith.addi %mul3A_666, %add3A_492 : vector<16xi32>
      %gather3A_674 = tpu.vector_load_idx %arg10[%broadcast_in_dim3A_656, %add3A_673] : memref<128x128xi32, #tpu.memory_space<vmem>>[vector<16xi32>, vector<16xi32>], vector<16xi32>,
      %gather3A_675 = tpu.vector_load_idx %arg6[%gather3A_674] : memref<100000xf32, #tpu.memory_space<vmem>>[vector<16xi32>], vector<16xf32>,
      %swap3A_676 = arith.index_cast %while3A_599 : i32 to index
      %swap3A_677 = arith.constant 80 : index
      %swap3A_678 = tpu.vector_load %arg11[%swap3A_676, %swap3A_677] {strides = array<i32>} : memref<32x128xf32, #tpu.memory_space<vmem>>, vector<16xf32>,
      tpu.vector_store %arg11[%swap3A_676, %swap3A_677], %gather3A_675 {strides = array<i32>} : memref<32x128xf32, #tpu.memory_space<vmem>>, vector<16xf32>,
      %mul3A_679 = arith.constant 4 : i32
      %mul3A_680 = arith.muli %while3A_599, %mul3A_679 : i32
      %add3A_681 = arith.constant 3 : i32
      %add3A_682 = arith.addi %mul3A_680, %add3A_681 : i32
      %broadcast_in_dim3A_683 = vector.broadcast %add3A_682 : i32 to vector<16xi32>
      %add3A_684 = arith.constant 0 : i32
      %add3A_685 = vector.broadcast %add3A_684 : i32 to vector<16xi32>
      %add3A_686 = arith.addi %broadcast_in_dim3A_683, %add3A_685 : vector<16xi32>
      %gather3A_687 = tpu.vector_load_idx %arg8[%add3A_686] : memref<512xi32, #tpu.memory_space<vmem>>[vector<16xi32>], vector<16xi32>,
      %and3A_688 = arith.constant 1 : i32
      %and3A_689 = vector.broadcast %and3A_688 : i32 to vector<16xi32>
      %and3A_690 = arith.andi %gather3A_687, %and3A_689 : vector<16xi32>
      %mul3A_691 = arith.constant 64 : i32
      %mul3A_692 = vector.broadcast %mul3A_691 : i32 to vector<16xi32>
      %mul3A_693 = arith.muli %and3A_690, %mul3A_692 : vector<16xi32>
      %add3A_694 = arith.addi %mul3A_693, %mul3A_489 : vector<16xi32>
      %gather3A_695 = tpu.vector_load_idx %arg10[%broadcast_in_dim3A_683, %add3A_694] : memref<128x128xi32, #tpu.memory_space<vmem>>[vector<16xi32>, vector<16xi32>], vector<16xi32>,
      %gather3A_696 = tpu.vector_load_idx %arg6[%gather3A_695] : memref<100000xf32, #tpu.memory_space<vmem>>[vector<16xi32>], vector<16xf32>,
      %swap3A_697 = arith.index_cast %while3A_599 : i32 to index
      %swap3A_698 = arith.constant 96 : index
      %swap3A_699 = tpu.vector_load %arg11[%swap3A_697, %swap3A_698] {strides = array<i32>} : memref<32x128xf32, #tpu.memory_space<vmem>>, vector<16xf32>,
      tpu.vector_store %arg11[%swap3A_697, %swap3A_698], %gather3A_696 {strides = array<i32>} : memref<32x128xf32, #tpu.memory_space<vmem>>, vector<16xf32>,
      %add3A_700 = arith.addi %mul3A_693, %add3A_492 : vector<16xi32>
      %gather3A_701 = tpu.vector_load_idx %arg10[%broadcast_in_dim3A_683, %add3A_700] : memref<128x128xi32, #tpu.memory_space<vmem>>[vector<16xi32>, vector<16xi32>], vector<16xi32>,
      %gather3A_702 = tpu.vector_load_idx %arg6[%gather3A_701] : memref<100000xf32, #tpu.memory_space<vmem>>[vector<16xi32>], vector<16xf32>,
      %swap3A_703 = arith.index_cast %while3A_599 : i32 to index
      %swap3A_704 = arith.constant 112 : index
      %swap3A_705 = tpu.vector_load %arg11[%swap3A_703, %swap3A_704] {strides = array<i32>} : memref<32x128xf32, #tpu.memory_space<vmem>>, vector<16xf32>,
      tpu.vector_store %arg11[%swap3A_703, %swap3A_704], %gather3A_702 {strides = array<i32>} : memref<32x128xf32, #tpu.memory_space<vmem>>, vector<16xf32>,
      %add3A_706 = arith.constant 1 : i32
      %add3A_707 = arith.addi %while3A_599, %add3A_706 : i32
      scf.yield %add3A_707 : i32
    }
    %while3A_511 = arith.constant 1 : i32
    %while3A_512 = scf.for %while3A_598 = %while3A_508 to %while3A_504 step %while3A_511 iter_args(%while3A_599 = %while3A_510) -> (i32)  : i32 {
      %mul3A_600 = arith.constant 4 : i32
      %mul3A_601 = arith.muli %while3A_599, %mul3A_600 : i32
      %add3A_602 = arith.constant 0 : i32
      %add3A_603 = arith.addi %mul3A_601, %add3A_602 : i32
      %broadcast_in_dim3A = vector.broadcast %add3A_603 : i32 to vector<16xi32>
      %add3A_604 = arith.constant 0 : i32
      %add3A_605 = vector.broadcast %add3A_604 : i32 to vector<16xi32>
      %add3A_606 = arith.addi %broadcast_in_dim3A, %add3A_605 : vector<16xi32>
      %gather3A_607 = tpu.vector_load_idx %arg8[%add3A_606] : memref<512xi32, #tpu.memory_space<vmem>>[vector<16xi32>], vector<16xi32>,
      %and3A = arith.constant 1 : i32
      %and3A_608 = vector.broadcast %and3A : i32 to vector<16xi32>
      %and3A_609 = arith.andi %gather3A_607, %and3A_608 : vector<16xi32>
      %mul3A_610 = arith.constant 64 : i32
      %mul3A_611 = vector.broadcast %mul3A_610 : i32 to vector<16xi32>
      %mul3A_612 = arith.muli %and3A_609, %mul3A_611 : vector<16xi32>
      %add3A_613 = arith.addi %mul3A_612, %mul3A_489 : vector<16xi32>
      %gather3A_614 = tpu.vector_load_idx %arg10[%broadcast_in_dim3A, %add3A_613] : memref<128x128xi32, #tpu.memory_space<vmem>>[vector<16xi32>, vector<16xi32>], vector<16xi32>,
      %gather3A_615 = tpu.vector_load_idx %arg6[%gather3A_614] : memref<100000xf32, #tpu.memory_space<vmem>>[vector<16xi32>], vector<16xf32>,
      %swap3A_616 = arith.index_cast %while3A_599 : i32 to index
      %swap3A_617 = arith.constant 0 : index
      %swap3A_618 = tpu.vector_load %arg11[%swap3A_616, %swap3A_617] {strides = array<i32>} : memref<32x128xf32, #tpu.memory_space<vmem>>, vector<16xf32>,
      tpu.vector_store %arg11[%swap3A_616, %swap3A_617], %gather3A_615 {strides = array<i32>} : memref<32x128xf32, #tpu.memory_space<vmem>>, vector<16xf32>,
      %add3A_619 = arith.addi %mul3A_612, %add3A_492 : vector<16xi32>
      %gather3A_620 = tpu.vector_load_idx %arg10[%broadcast_in_dim3A, %add3A_619] : memref<128x128xi32, #tpu.memory_space<vmem>>[vector<16xi32>, vector<16xi32>], vector<16xi32>,
      %gather3A_621 = tpu.vector_load_idx %arg6[%gather3A_620] : memref<100000xf32, #tpu.memory_space<vmem>>[vector<16xi32>], vector<16xf32>,
      %swap3A_622 = arith.index_cast %while3A_599 : i32 to index
      %swap3A_623 = arith.constant 16 : index
      %swap3A_624 = tpu.vector_load %arg11[%swap3A_622, %swap3A_623] {strides = array<i32>} : memref<32x128xf32, #tpu.memory_space<vmem>>, vector<16xf32>,
      tpu.vector_store %arg11[%swap3A_622, %swap3A_623], %gather3A_621 {strides = array<i32>} : memref<32x128xf32, #tpu.memory_space<vmem>>, vector<16xf32>,
      %mul3A_625 = arith.constant 4 : i32
      %mul3A_626 = arith.muli %while3A_599, %mul3A_625 : i32
      %add3A_627 = arith.constant 1 : i32
      %add3A_628 = arith.addi %mul3A_626, %add3A_627 : i32
      %broadcast_in_dim3A_629 = vector.broadcast %add3A_628 : i32 to vector<16xi32>
      %add3A_630 = arith.constant 0 : i32
      %add3A_631 = vector.broadcast %add3A_630 : i32 to vector<16xi32>
      %add3A_632 = arith.addi %broadcast_in_dim3A_629, %add3A_631 : vector<16xi32>
      %gather3A_633 = tpu.vector_load_idx %arg8[%add3A_632] : memref<512xi32, #tpu.memory_space<vmem>>[vector<16xi32>], vector<16xi32>,
      %and3A_634 = arith.constant 1 : i32
      %and3A_635 = vector.broadcast %and3A_634 : i32 to vector<16xi32>
      %and3A_636 = arith.andi %gather3A_633, %and3A_635 : vector<16xi32>
      %mul3A_637 = arith.constant 64 : i32
      %mul3A_638 = vector.broadcast %mul3A_637 : i32 to vector<16xi32>
      %mul3A_639 = arith.muli %and3A_636, %mul3A_638 : vector<16xi32>
      %add3A_640 = arith.addi %mul3A_639, %mul3A_489 : vector<16xi32>
      %gather3A_641 = tpu.vector_load_idx %arg10[%broadcast_in_dim3A_629, %add3A_640] : memref<128x128xi32, #tpu.memory_space<vmem>>[vector<16xi32>, vector<16xi32>], vector<16xi32>,
      %gather3A_642 = tpu.vector_load_idx %arg6[%gather3A_641] : memref<100000xf32, #tpu.memory_space<vmem>>[vector<16xi32>], vector<16xf32>,
      %swap3A_643 = arith.index_cast %while3A_599 : i32 to index
      %swap3A_644 = arith.constant 32 : index
      %swap3A_645 = tpu.vector_load %arg11[%swap3A_643, %swap3A_644] {strides = array<i32>} : memref<32x128xf32, #tpu.memory_space<vmem>>, vector<16xf32>,
      tpu.vector_store %arg11[%swap3A_643, %swap3A_644], %gather3A_642 {strides = array<i32>} : memref<32x128xf32, #tpu.memory_space<vmem>>, vector<16xf32>,
      %add3A_646 = arith.addi %mul3A_639, %add3A_492 : vector<16xi32>
      %gather3A_647 = tpu.vector_load_idx %arg10[%broadcast_in_dim3A_629, %add3A_646] : memref<128x128xi32, #tpu.memory_space<vmem>>[vector<16xi32>, vector<16xi32>], vector<16xi32>,
      %gather3A_648 = tpu.vector_load_idx %arg6[%gather3A_647] : memref<100000xf32, #tpu.memory_space<vmem>>[vector<16xi32>], vector<16xf32>,
      %swap3A_649 = arith.index_cast %while3A_599 : i32 to index
      %swap3A_650 = arith.constant 48 : index
      %swap3A_651 = tpu.vector_load %arg11[%swap3A_649, %swap3A_650] {strides = array<i32>} : memref<32x128xf32, #tpu.memory_space<vmem>>, vector<16xf32>,
      tpu.vector_store %arg11[%swap3A_649, %swap3A_650], %gather3A_648 {strides = array<i32>} : memref<32x128xf32, #tpu.memory_space<vmem>>, vector<16xf32>,
      %mul3A_652 = arith.constant 4 : i32
      %mul3A_653 = arith.muli %while3A_599, %mul3A_652 : i32
      %add3A_654 = arith.constant 2 : i32
      %add3A_655 = arith.addi %mul3A_653, %add3A_654 : i32
      %broadcast_in_dim3A_656 = vector.broadcast %add3A_655 : i32 to vector<16xi32>
      %add3A_657 = arith.constant 0 : i32
      %add3A_658 = vector.broadcast %add3A_657 : i32 to vector<16xi32>
      %add3A_659 = arith.addi %broadcast_in_dim3A_656, %add3A_658 : vector<16xi32>
      %gather3A_660 = tpu.vector_load_idx %arg8[%add3A_659] : memref<512xi32, #tpu.memory_space<vmem>>[vector<16xi32>], vector<16xi32>,
      %and3A_661 = arith.constant 1 : i32
      %and3A_662 = vector.broadcast %and3A_661 : i32 to vector<16xi32>
      %and3A_663 = arith.andi %gather3A_660, %and3A_662 : vector<16xi32>
      %mul3A_664 = arith.constant 64 : i32
      %mul3A_665 = vector.broadcast %mul3A_664 : i32 to vector<16xi32>
      %mul3A_666 = arith.muli %and3A_663, %mul3A_665 : vector<16xi32>
      %add3A_667 = arith.addi %mul3A_666, %mul3A_489 : vector<16xi32>
      %gather3A_668 = tpu.vector_load_idx %arg10[%broadcast_in_dim3A_656, %add3A_667] : memref<128x128xi32, #tpu.memory_space<vmem>>[vector<16xi32>, vector<16xi32>], vector<16xi32>,
      %gather3A_669 = tpu.vector_load_idx %arg6[%gather3A_668] : memref<100000xf32, #tpu.memory_space<vmem>>[vector<16xi32>], vector<16xf32>,
      %swap3A_670 = arith.index_cast %while3A_599 : i32 to index
      %swap3A_671 = arith.constant 64 : index
      %swap3A_672 = tpu.vector_load %arg11[%swap3A_670, %swap3A_671] {strides = array<i32>} : memref<32x128xf32, #tpu.memory_space<vmem>>, vector<16xf32>,
      tpu.vector_store %arg11[%swap3A_670, %swap3A_671], %gather3A_669 {strides = array<i32>} : memref<32x128xf32, #tpu.memory_space<vmem>>, vector<16xf32>,
      %add3A_673 = arith.addi %mul3A_666, %add3A_492 : vector<16xi32>
      %gather3A_674 = tpu.vector_load_idx %arg10[%broadcast_in_dim3A_656, %add3A_673] : memref<128x128xi32, #tpu.memory_space<vmem>>[vector<16xi32>, vector<16xi32>], vector<16xi32>,
      %gather3A_675 = tpu.vector_load_idx %arg6[%gather3A_674] : memref<100000xf32, #tpu.memory_space<vmem>>[vector<16xi32>], vector<16xf32>,
      %swap3A_676 = arith.index_cast %while3A_599 : i32 to index
      %swap3A_677 = arith.constant 80 : index
      %swap3A_678 = tpu.vector_load %arg11[%swap3A_676, %swap3A_677] {strides = array<i32>} : memref<32x128xf32, #tpu.memory_space<vmem>>, vector<16xf32>,
      tpu.vector_store %arg11[%swap3A_676, %swap3A_677], %gather3A_675 {strides = array<i32>} : memref<32x128xf32, #tpu.memory_space<vmem>>, vector<16xf32>,
      %mul3A_679 = arith.constant 4 : i32
      %mul3A_680 = arith.muli %while3A_599, %mul3A_679 : i32
      %add3A_681 = arith.constant 3 : i32
      %add3A_682 = arith.addi %mul3A_680, %add3A_681 : i32
      %broadcast_in_dim3A_683 = vector.broadcast %add3A_682 : i32 to vector<16xi32>
      %add3A_684 = arith.constant 0 : i32
      %add3A_685 = vector.broadcast %add3A_684 : i32 to vector<16xi32>
      %add3A_686 = arith.addi %broadcast_in_dim3A_683, %add3A_685 : vector<16xi32>
      %gather3A_687 = tpu.vector_load_idx %arg8[%add3A_686] : memref<512xi32, #tpu.memory_space<vmem>>[vector<16xi32>], vector<16xi32>,
      %and3A_688 = arith.constant 1 : i32
      %and3A_689 = vector.broadcast %and3A_688 : i32 to vector<16xi32>
      %and3A_690 = arith.andi %gather3A_687, %and3A_689 : vector<16xi32>
      %mul3A_691 = arith.constant 64 : i32
      %mul3A_692 = vector.broadcast %mul3A_691 : i32 to vector<16xi32>
      %mul3A_693 = arith.muli %and3A_690, %mul3A_692 : vector<16xi32>
      %add3A_694 = arith.addi %mul3A_693, %mul3A_489 : vector<16xi32>
      %gather3A_695 = tpu.vector_load_idx %arg10[%broadcast_in_dim3A_683, %add3A_694] : memref<128x128xi32, #tpu.memory_space<vmem>>[vector<16xi32>, vector<16xi32>], vector<16xi32>,
      %gather3A_696 = tpu.vector_load_idx %arg6[%gather3A_695] : memref<100000xf32, #tpu.memory_space<vmem>>[vector<16xi32>], vector<16xf32>,
      %swap3A_697 = arith.index_cast %while3A_599 : i32 to index
      %swap3A_698 = arith.constant 96 : index
      %swap3A_699 = tpu.vector_load %arg11[%swap3A_697, %swap3A_698] {strides = array<i32>} : memref<32x128xf32, #tpu.memory_space<vmem>>, vector<16xf32>,
      tpu.vector_store %arg11[%swap3A_697, %swap3A_698], %gather3A_696 {strides = array<i32>} : memref<32x128xf32, #tpu.memory_space<vmem>>, vector<16xf32>,
      %add3A_700 = arith.addi %mul3A_693, %add3A_492 : vector<16xi32>
      %gather3A_701 = tpu.vector_load_idx %arg10[%broadcast_in_dim3A_683, %add3A_700] : memref<128x128xi32, #tpu.memory_space<vmem>>[vector<16xi32>, vector<16xi32>], vector<16xi32>,
      %gather3A_702 = tpu.vector_load_idx %arg6[%gather3A_701] : memref<100000xf32, #tpu.memory_space<vmem>>[vector<16xi32>], vector<16xf32>,
      %swap3A_703 = arith.index_cast %while3A_599 : i32 to index
      %swap3A_704 = arith.constant 112 : index
      %swap3A_705 = tpu.vector_load %arg11[%swap3A_703, %swap3A_704] {strides = array<i32>} : memref<32x128xf32, #tpu.memory_space<vmem>>, vector<16xf32>,
      tpu.vector_store %arg11[%swap3A_703, %swap3A_704], %gather3A_702 {strides = array<i32>} : memref<32x128xf32, #tpu.memory_space<vmem>>, vector<16xf32>,
      %add3A_706 = arith.constant 1 : i32
      %add3A_707 = arith.addi %while3A_599, %add3A_706 : i32
      scf.yield %add3A_707 : i32
    }
    %mul3A_513 = arith.constant 128 : i32
    %mul3A_514 = arith.muli %add3A, %mul3A_513 : i32
    %add3A_515 = arith.constant 0 : i32
    %add3A_516 = arith.addi %mul3A_514, %add3A_515 : i32
    "tpu.region"() ({
      %run_scoped3A = tpu.sem_alloc : memref<!tpu.dma_semaphore, #tpu.memory_space<semaphore_mem>>
      %dma_start3A_598 = arith.constant 0 : i32
      %dma_start3A_599 = tpu.memref_slice %arg5[%add3A_516, %dma_start3A_598] : memref<4096x128xf32, #tpu.memory_space<hbm>> -> memref<32x128xf32, #tpu.memory_space<hbm>>
      %dma_start3A_600 = arith.constant 0 : i32
      %dma_start3A_601 = tpu.memref_slice %arg5[%add3A_516, %dma_start3A_600] : memref<4096x128xf32, #tpu.memory_space<hbm>> -> memref<32x128xf32, #tpu.memory_space<hbm>>
      tpu.enqueue_dma source(%arg11 : memref<32x128xf32, #tpu.memory_space<vmem>>) target(%dma_start3A_601 : memref<32x128xf32, #tpu.memory_space<hbm>>) target_semaphore(%run_scoped3A : memref<!tpu.dma_semaphore, #tpu.memory_space<semaphore_mem>>)
      %dma_wait3A_602 = arith.constant 0 : i32
      %dma_wait3A_603 = tpu.memref_slice %arg5[%add3A_516, %dma_wait3A_602] : memref<4096x128xf32, #tpu.memory_space<hbm>> -> memref<32x128xf32, #tpu.memory_space<hbm>>
      %dma_wait3A_604 = arith.constant 0 : i32
      %dma_wait3A_605 = tpu.memref_slice %arg5[%add3A_516, %dma_wait3A_604] : memref<4096x128xf32, #tpu.memory_space<hbm>> -> memref<32x128xf32, #tpu.memory_space<hbm>>
      tpu.wait_dma2 semaphore(%run_scoped3A : memref<!tpu.dma_semaphore, #tpu.memory_space<semaphore_mem>>) src(%arg11 : memref<32x128xf32, #tpu.memory_space<vmem>>) dst(%dma_wait3A_605 : memref<32x128xf32, #tpu.memory_space<hbm>>)
      tpu.yield
    }) : () -> ()
    %dma_start3A_517 = arith.constant 128 : i32
    %dma_start3A_518 = tpu.memref_slice %arg9[%dma_start3A_517] : memref<512xi32, #tpu.memory_space<vmem>> -> memref<128xi32, #tpu.memory_space<vmem>>
    %dma_start3A_519 = arith.constant 0 : i32
    %dma_start3A_520 = arith.constant 0 : i32
    %dma_start3A_521 = tpu.memref_slice %arg3[%dma_start3A_519, %dma_start3A_520] : memref<50000x128xi32, #tpu.memory_space<hbm>> -> memref<50000x128xi32, #tpu.memory_space<hbm>>
    tpu.enqueue_indirect_dma source(%dma_start3A_521 : memref<50000x128xi32, #tpu.memory_space<hbm>>) target(%arg10 : memref<128x128xi32, #tpu.memory_space<vmem>>) offsets(%dma_start3A_518 : memref<128xi32, #tpu.memory_space<vmem>>) semaphore(%arg12 : memref<!tpu.dma_semaphore, #tpu.memory_space<semaphore_mem>>)
    %dma_wait3A_522 = arith.constant 128 : i32
    %dma_wait3A_523 = tpu.memref_slice %arg9[%dma_wait3A_522] : memref<512xi32, #tpu.memory_space<vmem>> -> memref<128xi32, #tpu.memory_space<vmem>>
    %dma_wait3A_524 = arith.constant 0 : i32
    %dma_wait3A_525 = arith.constant 0 : i32
    %dma_wait3A_526 = tpu.memref_slice %arg3[%dma_wait3A_524, %dma_wait3A_525] : memref<50000x128xi32, #tpu.memory_space<hbm>> -> memref<50000x128xi32, #tpu.memory_space<hbm>>
    tpu.wait_indirect_dma semaphore(%arg12 : memref<!tpu.dma_semaphore, #tpu.memory_space<semaphore_mem>>) src(%dma_wait3A_526 : memref<50000x128xi32, #tpu.memory_space<hbm>>) dst(%arg10 : memref<128x128xi32, #tpu.memory_space<vmem>>)
    %while3A_527 = arith.constant 0 : i32
    %while3A_528 = arith.constant 32 : i32
    %while3A_529 = arith.constant 0 : i32
    %while3A_530 = arith.subi %while3A_528, %while3A_527 : i32
    %while3A_531 = arith.addi %while3A_527, %while3A_530 : i32
    %while3A_532 = arith.constant 1 : i32
    %while3A_533 = arith.divsi %while3A_530, %while3A_532 : i32
    %while3A_534 = arith.muli %while3A_533, %while3A_532 : i32
    %while3A_535 = arith.addi %while3A_527, %while3A_534 : i32
    %while3A_536 = arith.constant 1 : i32
    %while3A_537 = scf.for %while3A_598 = %while3A_527 to %while3A_535 step %while3A_536 iter_args(%while3A_599 = %while3A_529) -> (i32)  : i32 {
      %mul3A_600 = arith.constant 4 : i32
      %mul3A_601 = arith.muli %while3A_599, %mul3A_600 : i32
      %add3A_602 = arith.constant 0 : i32
      %add3A_603 = arith.addi %mul3A_601, %add3A_602 : i32
      %broadcast_in_dim3A = vector.broadcast %add3A_603 : i32 to vector<16xi32>
      %add3A_604 = arith.constant 128 : i32
      %add3A_605 = vector.broadcast %add3A_604 : i32 to vector<16xi32>
      %add3A_606 = arith.addi %broadcast_in_dim3A, %add3A_605 : vector<16xi32>
      %gather3A_607 = tpu.vector_load_idx %arg8[%add3A_606] : memref<512xi32, #tpu.memory_space<vmem>>[vector<16xi32>], vector<16xi32>,
      %and3A = arith.constant 1 : i32
      %and3A_608 = vector.broadcast %and3A : i32 to vector<16xi32>
      %and3A_609 = arith.andi %gather3A_607, %and3A_608 : vector<16xi32>
      %mul3A_610 = arith.constant 64 : i32
      %mul3A_611 = vector.broadcast %mul3A_610 : i32 to vector<16xi32>
      %mul3A_612 = arith.muli %and3A_609, %mul3A_611 : vector<16xi32>
      %add3A_613 = arith.addi %mul3A_612, %mul3A_489 : vector<16xi32>
      %gather3A_614 = tpu.vector_load_idx %arg10[%broadcast_in_dim3A, %add3A_613] : memref<128x128xi32, #tpu.memory_space<vmem>>[vector<16xi32>, vector<16xi32>], vector<16xi32>,
      %gather3A_615 = tpu.vector_load_idx %arg6[%gather3A_614] : memref<100000xf32, #tpu.memory_space<vmem>>[vector<16xi32>], vector<16xf32>,
      %swap3A_616 = arith.index_cast %while3A_599 : i32 to index
      %swap3A_617 = arith.constant 0 : index
      %swap3A_618 = tpu.vector_load %arg11[%swap3A_616, %swap3A_617] {strides = array<i32>} : memref<32x128xf32, #tpu.memory_space<vmem>>, vector<16xf32>,
      tpu.vector_store %arg11[%swap3A_616, %swap3A_617], %gather3A_615 {strides = array<i32>} : memref<32x128xf32, #tpu.memory_space<vmem>>, vector<16xf32>,
      %add3A_619 = arith.addi %mul3A_612, %add3A_492 : vector<16xi32>
      %gather3A_620 = tpu.vector_load_idx %arg10[%broadcast_in_dim3A, %add3A_619] : memref<128x128xi32, #tpu.memory_space<vmem>>[vector<16xi32>, vector<16xi32>], vector<16xi32>,
      %gather3A_621 = tpu.vector_load_idx %arg6[%gather3A_620] : memref<100000xf32, #tpu.memory_space<vmem>>[vector<16xi32>], vector<16xf32>,
      %swap3A_622 = arith.index_cast %while3A_599 : i32 to index
      %swap3A_623 = arith.constant 16 : index
      %swap3A_624 = tpu.vector_load %arg11[%swap3A_622, %swap3A_623] {strides = array<i32>} : memref<32x128xf32, #tpu.memory_space<vmem>>, vector<16xf32>,
      tpu.vector_store %arg11[%swap3A_622, %swap3A_623], %gather3A_621 {strides = array<i32>} : memref<32x128xf32, #tpu.memory_space<vmem>>, vector<16xf32>,
      %mul3A_625 = arith.constant 4 : i32
      %mul3A_626 = arith.muli %while3A_599, %mul3A_625 : i32
      %add3A_627 = arith.constant 1 : i32
      %add3A_628 = arith.addi %mul3A_626, %add3A_627 : i32
      %broadcast_in_dim3A_629 = vector.broadcast %add3A_628 : i32 to vector<16xi32>
      %add3A_630 = arith.constant 128 : i32
      %add3A_631 = vector.broadcast %add3A_630 : i32 to vector<16xi32>
      %add3A_632 = arith.addi %broadcast_in_dim3A_629, %add3A_631 : vector<16xi32>
      %gather3A_633 = tpu.vector_load_idx %arg8[%add3A_632] : memref<512xi32, #tpu.memory_space<vmem>>[vector<16xi32>], vector<16xi32>,
      %and3A_634 = arith.constant 1 : i32
      %and3A_635 = vector.broadcast %and3A_634 : i32 to vector<16xi32>
      %and3A_636 = arith.andi %gather3A_633, %and3A_635 : vector<16xi32>
      %mul3A_637 = arith.constant 64 : i32
      %mul3A_638 = vector.broadcast %mul3A_637 : i32 to vector<16xi32>
      %mul3A_639 = arith.muli %and3A_636, %mul3A_638 : vector<16xi32>
      %add3A_640 = arith.addi %mul3A_639, %mul3A_489 : vector<16xi32>
      %gather3A_641 = tpu.vector_load_idx %arg10[%broadcast_in_dim3A_629, %add3A_640] : memref<128x128xi32, #tpu.memory_space<vmem>>[vector<16xi32>, vector<16xi32>], vector<16xi32>,
      %gather3A_642 = tpu.vector_load_idx %arg6[%gather3A_641] : memref<100000xf32, #tpu.memory_space<vmem>>[vector<16xi32>], vector<16xf32>,
      %swap3A_643 = arith.index_cast %while3A_599 : i32 to index
      %swap3A_644 = arith.constant 32 : index
      %swap3A_645 = tpu.vector_load %arg11[%swap3A_643, %swap3A_644] {strides = array<i32>} : memref<32x128xf32, #tpu.memory_space<vmem>>, vector<16xf32>,
      tpu.vector_store %arg11[%swap3A_643, %swap3A_644], %gather3A_642 {strides = array<i32>} : memref<32x128xf32, #tpu.memory_space<vmem>>, vector<16xf32>,
      %add3A_646 = arith.addi %mul3A_639, %add3A_492 : vector<16xi32>
      %gather3A_647 = tpu.vector_load_idx %arg10[%broadcast_in_dim3A_629, %add3A_646] : memref<128x128xi32, #tpu.memory_space<vmem>>[vector<16xi32>, vector<16xi32>], vector<16xi32>,
      %gather3A_648 = tpu.vector_load_idx %arg6[%gather3A_647] : memref<100000xf32, #tpu.memory_space<vmem>>[vector<16xi32>], vector<16xf32>,
      %swap3A_649 = arith.index_cast %while3A_599 : i32 to index
      %swap3A_650 = arith.constant 48 : index
      %swap3A_651 = tpu.vector_load %arg11[%swap3A_649, %swap3A_650] {strides = array<i32>} : memref<32x128xf32, #tpu.memory_space<vmem>>, vector<16xf32>,
      tpu.vector_store %arg11[%swap3A_649, %swap3A_650], %gather3A_648 {strides = array<i32>} : memref<32x128xf32, #tpu.memory_space<vmem>>, vector<16xf32>,
      %mul3A_652 = arith.constant 4 : i32
      %mul3A_653 = arith.muli %while3A_599, %mul3A_652 : i32
      %add3A_654 = arith.constant 2 : i32
      %add3A_655 = arith.addi %mul3A_653, %add3A_654 : i32
      %broadcast_in_dim3A_656 = vector.broadcast %add3A_655 : i32 to vector<16xi32>
      %add3A_657 = arith.constant 128 : i32
      %add3A_658 = vector.broadcast %add3A_657 : i32 to vector<16xi32>
      %add3A_659 = arith.addi %broadcast_in_dim3A_656, %add3A_658 : vector<16xi32>
      %gather3A_660 = tpu.vector_load_idx %arg8[%add3A_659] : memref<512xi32, #tpu.memory_space<vmem>>[vector<16xi32>], vector<16xi32>,
      %and3A_661 = arith.constant 1 : i32
      %and3A_662 = vector.broadcast %and3A_661 : i32 to vector<16xi32>
      %and3A_663 = arith.andi %gather3A_660, %and3A_662 : vector<16xi32>
      %mul3A_664 = arith.constant 64 : i32
      %mul3A_665 = vector.broadcast %mul3A_664 : i32 to vector<16xi32>
      %mul3A_666 = arith.muli %and3A_663, %mul3A_665 : vector<16xi32>
      %add3A_667 = arith.addi %mul3A_666, %mul3A_489 : vector<16xi32>
      %gather3A_668 = tpu.vector_load_idx %arg10[%broadcast_in_dim3A_656, %add3A_667] : memref<128x128xi32, #tpu.memory_space<vmem>>[vector<16xi32>, vector<16xi32>], vector<16xi32>,
      %gather3A_669 = tpu.vector_load_idx %arg6[%gather3A_668] : memref<100000xf32, #tpu.memory_space<vmem>>[vector<16xi32>], vector<16xf32>,
      %swap3A_670 = arith.index_cast %while3A_599 : i32 to index
      %swap3A_671 = arith.constant 64 : index
      %swap3A_672 = tpu.vector_load %arg11[%swap3A_670, %swap3A_671] {strides = array<i32>} : memref<32x128xf32, #tpu.memory_space<vmem>>, vector<16xf32>,
      tpu.vector_store %arg11[%swap3A_670, %swap3A_671], %gather3A_669 {strides = array<i32>} : memref<32x128xf32, #tpu.memory_space<vmem>>, vector<16xf32>,
      %add3A_673 = arith.addi %mul3A_666, %add3A_492 : vector<16xi32>
      %gather3A_674 = tpu.vector_load_idx %arg10[%broadcast_in_dim3A_656, %add3A_673] : memref<128x128xi32, #tpu.memory_space<vmem>>[vector<16xi32>, vector<16xi32>], vector<16xi32>,
      %gather3A_675 = tpu.vector_load_idx %arg6[%gather3A_674] : memref<100000xf32, #tpu.memory_space<vmem>>[vector<16xi32>], vector<16xf32>,
      %swap3A_676 = arith.index_cast %while3A_599 : i32 to index
      %swap3A_677 = arith.constant 80 : index
      %swap3A_678 = tpu.vector_load %arg11[%swap3A_676, %swap3A_677] {strides = array<i32>} : memref<32x128xf32, #tpu.memory_space<vmem>>, vector<16xf32>,
      tpu.vector_store %arg11[%swap3A_676, %swap3A_677], %gather3A_675 {strides = array<i32>} : memref<32x128xf32, #tpu.memory_space<vmem>>, vector<16xf32>,
      %mul3A_679 = arith.constant 4 : i32
      %mul3A_680 = arith.muli %while3A_599, %mul3A_679 : i32
      %add3A_681 = arith.constant 3 : i32
      %add3A_682 = arith.addi %mul3A_680, %add3A_681 : i32
      %broadcast_in_dim3A_683 = vector.broadcast %add3A_682 : i32 to vector<16xi32>
      %add3A_684 = arith.constant 128 : i32
      %add3A_685 = vector.broadcast %add3A_684 : i32 to vector<16xi32>
      %add3A_686 = arith.addi %broadcast_in_dim3A_683, %add3A_685 : vector<16xi32>
      %gather3A_687 = tpu.vector_load_idx %arg8[%add3A_686] : memref<512xi32, #tpu.memory_space<vmem>>[vector<16xi32>], vector<16xi32>,
      %and3A_688 = arith.constant 1 : i32
      %and3A_689 = vector.broadcast %and3A_688 : i32 to vector<16xi32>
      %and3A_690 = arith.andi %gather3A_687, %and3A_689 : vector<16xi32>
      %mul3A_691 = arith.constant 64 : i32
      %mul3A_692 = vector.broadcast %mul3A_691 : i32 to vector<16xi32>
      %mul3A_693 = arith.muli %and3A_690, %mul3A_692 : vector<16xi32>
      %add3A_694 = arith.addi %mul3A_693, %mul3A_489 : vector<16xi32>
      %gather3A_695 = tpu.vector_load_idx %arg10[%broadcast_in_dim3A_683, %add3A_694] : memref<128x128xi32, #tpu.memory_space<vmem>>[vector<16xi32>, vector<16xi32>], vector<16xi32>,
      %gather3A_696 = tpu.vector_load_idx %arg6[%gather3A_695] : memref<100000xf32, #tpu.memory_space<vmem>>[vector<16xi32>], vector<16xf32>,
      %swap3A_697 = arith.index_cast %while3A_599 : i32 to index
      %swap3A_698 = arith.constant 96 : index
      %swap3A_699 = tpu.vector_load %arg11[%swap3A_697, %swap3A_698] {strides = array<i32>} : memref<32x128xf32, #tpu.memory_space<vmem>>, vector<16xf32>,
      tpu.vector_store %arg11[%swap3A_697, %swap3A_698], %gather3A_696 {strides = array<i32>} : memref<32x128xf32, #tpu.memory_space<vmem>>, vector<16xf32>,
      %add3A_700 = arith.addi %mul3A_693, %add3A_492 : vector<16xi32>
      %gather3A_701 = tpu.vector_load_idx %arg10[%broadcast_in_dim3A_683, %add3A_700] : memref<128x128xi32, #tpu.memory_space<vmem>>[vector<16xi32>, vector<16xi32>], vector<16xi32>,
      %gather3A_702 = tpu.vector_load_idx %arg6[%gather3A_701] : memref<100000xf32, #tpu.memory_space<vmem>>[vector<16xi32>], vector<16xf32>,
      %swap3A_703 = arith.index_cast %while3A_599 : i32 to index
      %swap3A_704 = arith.constant 112 : index
      %swap3A_705 = tpu.vector_load %arg11[%swap3A_703, %swap3A_704] {strides = array<i32>} : memref<32x128xf32, #tpu.memory_space<vmem>>, vector<16xf32>,
      tpu.vector_store %arg11[%swap3A_703, %swap3A_704], %gather3A_702 {strides = array<i32>} : memref<32x128xf32, #tpu.memory_space<vmem>>, vector<16xf32>,
      %add3A_706 = arith.constant 1 : i32
      %add3A_707 = arith.addi %while3A_599, %add3A_706 : i32
      scf.yield %add3A_707 : i32
    }
    %while3A_538 = arith.constant 1 : i32
    %while3A_539 = scf.for %while3A_598 = %while3A_535 to %while3A_531 step %while3A_538 iter_args(%while3A_599 = %while3A_537) -> (i32)  : i32 {
      %mul3A_600 = arith.constant 4 : i32
      %mul3A_601 = arith.muli %while3A_599, %mul3A_600 : i32
      %add3A_602 = arith.constant 0 : i32
      %add3A_603 = arith.addi %mul3A_601, %add3A_602 : i32
      %broadcast_in_dim3A = vector.broadcast %add3A_603 : i32 to vector<16xi32>
      %add3A_604 = arith.constant 128 : i32
      %add3A_605 = vector.broadcast %add3A_604 : i32 to vector<16xi32>
      %add3A_606 = arith.addi %broadcast_in_dim3A, %add3A_605 : vector<16xi32>
      %gather3A_607 = tpu.vector_load_idx %arg8[%add3A_606] : memref<512xi32, #tpu.memory_space<vmem>>[vector<16xi32>], vector<16xi32>,
      %and3A = arith.constant 1 : i32
      %and3A_608 = vector.broadcast %and3A : i32 to vector<16xi32>
      %and3A_609 = arith.andi %gather3A_607, %and3A_608 : vector<16xi32>
      %mul3A_610 = arith.constant 64 : i32
      %mul3A_611 = vector.broadcast %mul3A_610 : i32 to vector<16xi32>
      %mul3A_612 = arith.muli %and3A_609, %mul3A_611 : vector<16xi32>
      %add3A_613 = arith.addi %mul3A_612, %mul3A_489 : vector<16xi32>
      %gather3A_614 = tpu.vector_load_idx %arg10[%broadcast_in_dim3A, %add3A_613] : memref<128x128xi32, #tpu.memory_space<vmem>>[vector<16xi32>, vector<16xi32>], vector<16xi32>,
      %gather3A_615 = tpu.vector_load_idx %arg6[%gather3A_614] : memref<100000xf32, #tpu.memory_space<vmem>>[vector<16xi32>], vector<16xf32>,
      %swap3A_616 = arith.index_cast %while3A_599 : i32 to index
      %swap3A_617 = arith.constant 0 : index
      %swap3A_618 = tpu.vector_load %arg11[%swap3A_616, %swap3A_617] {strides = array<i32>} : memref<32x128xf32, #tpu.memory_space<vmem>>, vector<16xf32>,
      tpu.vector_store %arg11[%swap3A_616, %swap3A_617], %gather3A_615 {strides = array<i32>} : memref<32x128xf32, #tpu.memory_space<vmem>>, vector<16xf32>,
      %add3A_619 = arith.addi %mul3A_612, %add3A_492 : vector<16xi32>
      %gather3A_620 = tpu.vector_load_idx %arg10[%broadcast_in_dim3A, %add3A_619] : memref<128x128xi32, #tpu.memory_space<vmem>>[vector<16xi32>, vector<16xi32>], vector<16xi32>,
      %gather3A_621 = tpu.vector_load_idx %arg6[%gather3A_620] : memref<100000xf32, #tpu.memory_space<vmem>>[vector<16xi32>], vector<16xf32>,
      %swap3A_622 = arith.index_cast %while3A_599 : i32 to index
      %swap3A_623 = arith.constant 16 : index
      %swap3A_624 = tpu.vector_load %arg11[%swap3A_622, %swap3A_623] {strides = array<i32>} : memref<32x128xf32, #tpu.memory_space<vmem>>, vector<16xf32>,
      tpu.vector_store %arg11[%swap3A_622, %swap3A_623], %gather3A_621 {strides = array<i32>} : memref<32x128xf32, #tpu.memory_space<vmem>>, vector<16xf32>,
      %mul3A_625 = arith.constant 4 : i32
      %mul3A_626 = arith.muli %while3A_599, %mul3A_625 : i32
      %add3A_627 = arith.constant 1 : i32
      %add3A_628 = arith.addi %mul3A_626, %add3A_627 : i32
      %broadcast_in_dim3A_629 = vector.broadcast %add3A_628 : i32 to vector<16xi32>
      %add3A_630 = arith.constant 128 : i32
      %add3A_631 = vector.broadcast %add3A_630 : i32 to vector<16xi32>
      %add3A_632 = arith.addi %broadcast_in_dim3A_629, %add3A_631 : vector<16xi32>
      %gather3A_633 = tpu.vector_load_idx %arg8[%add3A_632] : memref<512xi32, #tpu.memory_space<vmem>>[vector<16xi32>], vector<16xi32>,
      %and3A_634 = arith.constant 1 : i32
      %and3A_635 = vector.broadcast %and3A_634 : i32 to vector<16xi32>
      %and3A_636 = arith.andi %gather3A_633, %and3A_635 : vector<16xi32>
      %mul3A_637 = arith.constant 64 : i32
      %mul3A_638 = vector.broadcast %mul3A_637 : i32 to vector<16xi32>
      %mul3A_639 = arith.muli %and3A_636, %mul3A_638 : vector<16xi32>
      %add3A_640 = arith.addi %mul3A_639, %mul3A_489 : vector<16xi32>
      %gather3A_641 = tpu.vector_load_idx %arg10[%broadcast_in_dim3A_629, %add3A_640] : memref<128x128xi32, #tpu.memory_space<vmem>>[vector<16xi32>, vector<16xi32>], vector<16xi32>,
      %gather3A_642 = tpu.vector_load_idx %arg6[%gather3A_641] : memref<100000xf32, #tpu.memory_space<vmem>>[vector<16xi32>], vector<16xf32>,
      %swap3A_643 = arith.index_cast %while3A_599 : i32 to index
      %swap3A_644 = arith.constant 32 : index
      %swap3A_645 = tpu.vector_load %arg11[%swap3A_643, %swap3A_644] {strides = array<i32>} : memref<32x128xf32, #tpu.memory_space<vmem>>, vector<16xf32>,
      tpu.vector_store %arg11[%swap3A_643, %swap3A_644], %gather3A_642 {strides = array<i32>} : memref<32x128xf32, #tpu.memory_space<vmem>>, vector<16xf32>,
      %add3A_646 = arith.addi %mul3A_639, %add3A_492 : vector<16xi32>
      %gather3A_647 = tpu.vector_load_idx %arg10[%broadcast_in_dim3A_629, %add3A_646] : memref<128x128xi32, #tpu.memory_space<vmem>>[vector<16xi32>, vector<16xi32>], vector<16xi32>,
      %gather3A_648 = tpu.vector_load_idx %arg6[%gather3A_647] : memref<100000xf32, #tpu.memory_space<vmem>>[vector<16xi32>], vector<16xf32>,
      %swap3A_649 = arith.index_cast %while3A_599 : i32 to index
      %swap3A_650 = arith.constant 48 : index
      %swap3A_651 = tpu.vector_load %arg11[%swap3A_649, %swap3A_650] {strides = array<i32>} : memref<32x128xf32, #tpu.memory_space<vmem>>, vector<16xf32>,
      tpu.vector_store %arg11[%swap3A_649, %swap3A_650], %gather3A_648 {strides = array<i32>} : memref<32x128xf32, #tpu.memory_space<vmem>>, vector<16xf32>,
      %mul3A_652 = arith.constant 4 : i32
      %mul3A_653 = arith.muli %while3A_599, %mul3A_652 : i32
      %add3A_654 = arith.constant 2 : i32
      %add3A_655 = arith.addi %mul3A_653, %add3A_654 : i32
      %broadcast_in_dim3A_656 = vector.broadcast %add3A_655 : i32 to vector<16xi32>
      %add3A_657 = arith.constant 128 : i32
      %add3A_658 = vector.broadcast %add3A_657 : i32 to vector<16xi32>
      %add3A_659 = arith.addi %broadcast_in_dim3A_656, %add3A_658 : vector<16xi32>
      %gather3A_660 = tpu.vector_load_idx %arg8[%add3A_659] : memref<512xi32, #tpu.memory_space<vmem>>[vector<16xi32>], vector<16xi32>,
      %and3A_661 = arith.constant 1 : i32
      %and3A_662 = vector.broadcast %and3A_661 : i32 to vector<16xi32>
      %and3A_663 = arith.andi %gather3A_660, %and3A_662 : vector<16xi32>
      %mul3A_664 = arith.constant 64 : i32
      %mul3A_665 = vector.broadcast %mul3A_664 : i32 to vector<16xi32>
      %mul3A_666 = arith.muli %and3A_663, %mul3A_665 : vector<16xi32>
      %add3A_667 = arith.addi %mul3A_666, %mul3A_489 : vector<16xi32>
      %gather3A_668 = tpu.vector_load_idx %arg10[%broadcast_in_dim3A_656, %add3A_667] : memref<128x128xi32, #tpu.memory_space<vmem>>[vector<16xi32>, vector<16xi32>], vector<16xi32>,
      %gather3A_669 = tpu.vector_load_idx %arg6[%gather3A_668] : memref<100000xf32, #tpu.memory_space<vmem>>[vector<16xi32>], vector<16xf32>,
      %swap3A_670 = arith.index_cast %while3A_599 : i32 to index
      %swap3A_671 = arith.constant 64 : index
      %swap3A_672 = tpu.vector_load %arg11[%swap3A_670, %swap3A_671] {strides = array<i32>} : memref<32x128xf32, #tpu.memory_space<vmem>>, vector<16xf32>,
      tpu.vector_store %arg11[%swap3A_670, %swap3A_671], %gather3A_669 {strides = array<i32>} : memref<32x128xf32, #tpu.memory_space<vmem>>, vector<16xf32>,
      %add3A_673 = arith.addi %mul3A_666, %add3A_492 : vector<16xi32>
      %gather3A_674 = tpu.vector_load_idx %arg10[%broadcast_in_dim3A_656, %add3A_673] : memref<128x128xi32, #tpu.memory_space<vmem>>[vector<16xi32>, vector<16xi32>], vector<16xi32>,
      %gather3A_675 = tpu.vector_load_idx %arg6[%gather3A_674] : memref<100000xf32, #tpu.memory_space<vmem>>[vector<16xi32>], vector<16xf32>,
      %swap3A_676 = arith.index_cast %while3A_599 : i32 to index
      %swap3A_677 = arith.constant 80 : index
      %swap3A_678 = tpu.vector_load %arg11[%swap3A_676, %swap3A_677] {strides = array<i32>} : memref<32x128xf32, #tpu.memory_space<vmem>>, vector<16xf32>,
      tpu.vector_store %arg11[%swap3A_676, %swap3A_677], %gather3A_675 {strides = array<i32>} : memref<32x128xf32, #tpu.memory_space<vmem>>, vector<16xf32>,
      %mul3A_679 = arith.constant 4 : i32
      %mul3A_680 = arith.muli %while3A_599, %mul3A_679 : i32
      %add3A_681 = arith.constant 3 : i32
      %add3A_682 = arith.addi %mul3A_680, %add3A_681 : i32
      %broadcast_in_dim3A_683 = vector.broadcast %add3A_682 : i32 to vector<16xi32>
      %add3A_684 = arith.constant 128 : i32
      %add3A_685 = vector.broadcast %add3A_684 : i32 to vector<16xi32>
      %add3A_686 = arith.addi %broadcast_in_dim3A_683, %add3A_685 : vector<16xi32>
      %gather3A_687 = tpu.vector_load_idx %arg8[%add3A_686] : memref<512xi32, #tpu.memory_space<vmem>>[vector<16xi32>], vector<16xi32>,
      %and3A_688 = arith.constant 1 : i32
      %and3A_689 = vector.broadcast %and3A_688 : i32 to vector<16xi32>
      %and3A_690 = arith.andi %gather3A_687, %and3A_689 : vector<16xi32>
      %mul3A_691 = arith.constant 64 : i32
      %mul3A_692 = vector.broadcast %mul3A_691 : i32 to vector<16xi32>
      %mul3A_693 = arith.muli %and3A_690, %mul3A_692 : vector<16xi32>
      %add3A_694 = arith.addi %mul3A_693, %mul3A_489 : vector<16xi32>
      %gather3A_695 = tpu.vector_load_idx %arg10[%broadcast_in_dim3A_683, %add3A_694] : memref<128x128xi32, #tpu.memory_space<vmem>>[vector<16xi32>, vector<16xi32>], vector<16xi32>,
      %gather3A_696 = tpu.vector_load_idx %arg6[%gather3A_695] : memref<100000xf32, #tpu.memory_space<vmem>>[vector<16xi32>], vector<16xf32>,
      %swap3A_697 = arith.index_cast %while3A_599 : i32 to index
      %swap3A_698 = arith.constant 96 : index
      %swap3A_699 = tpu.vector_load %arg11[%swap3A_697, %swap3A_698] {strides = array<i32>} : memref<32x128xf32, #tpu.memory_space<vmem>>, vector<16xf32>,
      tpu.vector_store %arg11[%swap3A_697, %swap3A_698], %gather3A_696 {strides = array<i32>} : memref<32x128xf32, #tpu.memory_space<vmem>>, vector<16xf32>,
      %add3A_700 = arith.addi %mul3A_693, %add3A_492 : vector<16xi32>
      %gather3A_701 = tpu.vector_load_idx %arg10[%broadcast_in_dim3A_683, %add3A_700] : memref<128x128xi32, #tpu.memory_space<vmem>>[vector<16xi32>, vector<16xi32>], vector<16xi32>,
      %gather3A_702 = tpu.vector_load_idx %arg6[%gather3A_701] : memref<100000xf32, #tpu.memory_space<vmem>>[vector<16xi32>], vector<16xf32>,
      %swap3A_703 = arith.index_cast %while3A_599 : i32 to index
      %swap3A_704 = arith.constant 112 : index
      %swap3A_705 = tpu.vector_load %arg11[%swap3A_703, %swap3A_704] {strides = array<i32>} : memref<32x128xf32, #tpu.memory_space<vmem>>, vector<16xf32>,
      tpu.vector_store %arg11[%swap3A_703, %swap3A_704], %gather3A_702 {strides = array<i32>} : memref<32x128xf32, #tpu.memory_space<vmem>>, vector<16xf32>,
      %add3A_706 = arith.constant 1 : i32
      %add3A_707 = arith.addi %while3A_599, %add3A_706 : i32
      scf.yield %add3A_707 : i32
    }
    %mul3A_540 = arith.constant 128 : i32
    %mul3A_541 = arith.muli %add3A, %mul3A_540 : i32
    %add3A_542 = arith.constant 32 : i32
    %add3A_543 = arith.addi %mul3A_541, %add3A_542 : i32
    "tpu.region"() ({
      %run_scoped3A = tpu.sem_alloc : memref<!tpu.dma_semaphore, #tpu.memory_space<semaphore_mem>>
      %dma_start3A_598 = arith.constant 0 : i32
      %dma_start3A_599 = tpu.memref_slice %arg5[%add3A_543, %dma_start3A_598] : memref<4096x128xf32, #tpu.memory_space<hbm>> -> memref<32x128xf32, #tpu.memory_space<hbm>>
      %dma_start3A_600 = arith.constant 0 : i32
      %dma_start3A_601 = tpu.memref_slice %arg5[%add3A_543, %dma_start3A_600] : memref<4096x128xf32, #tpu.memory_space<hbm>> -> memref<32x128xf32, #tpu.memory_space<hbm>>
      tpu.enqueue_dma source(%arg11 : memref<32x128xf32, #tpu.memory_space<vmem>>) target(%dma_start3A_601 : memref<32x128xf32, #tpu.memory_space<hbm>>) target_semaphore(%run_scoped3A : memref<!tpu.dma_semaphore, #tpu.memory_space<semaphore_mem>>)
      %dma_wait3A_602 = arith.constant 0 : i32
      %dma_wait3A_603 = tpu.memref_slice %arg5[%add3A_543, %dma_wait3A_602] : memref<4096x128xf32, #tpu.memory_space<hbm>> -> memref<32x128xf32, #tpu.memory_space<hbm>>
      %dma_wait3A_604 = arith.constant 0 : i32
      %dma_wait3A_605 = tpu.memref_slice %arg5[%add3A_543, %dma_wait3A_604] : memref<4096x128xf32, #tpu.memory_space<hbm>> -> memref<32x128xf32, #tpu.memory_space<hbm>>
      tpu.wait_dma2 semaphore(%run_scoped3A : memref<!tpu.dma_semaphore, #tpu.memory_space<semaphore_mem>>) src(%arg11 : memref<32x128xf32, #tpu.memory_space<vmem>>) dst(%dma_wait3A_605 : memref<32x128xf32, #tpu.memory_space<hbm>>)
      tpu.yield
    }) : () -> ()
    %dma_start3A_544 = arith.constant 256 : i32
    %dma_start3A_545 = tpu.memref_slice %arg9[%dma_start3A_544] : memref<512xi32, #tpu.memory_space<vmem>> -> memref<128xi32, #tpu.memory_space<vmem>>
    %dma_start3A_546 = arith.constant 0 : i32
    %dma_start3A_547 = arith.constant 0 : i32
    %dma_start3A_548 = tpu.memref_slice %arg3[%dma_start3A_546, %dma_start3A_547] : memref<50000x128xi32, #tpu.memory_space<hbm>> -> memref<50000x128xi32, #tpu.memory_space<hbm>>
    tpu.enqueue_indirect_dma source(%dma_start3A_548 : memref<50000x128xi32, #tpu.memory_space<hbm>>) target(%arg10 : memref<128x128xi32, #tpu.memory_space<vmem>>) offsets(%dma_start3A_545 : memref<128xi32, #tpu.memory_space<vmem>>) semaphore(%arg12 : memref<!tpu.dma_semaphore, #tpu.memory_space<semaphore_mem>>)
    %dma_wait3A_549 = arith.constant 256 : i32
    %dma_wait3A_550 = tpu.memref_slice %arg9[%dma_wait3A_549] : memref<512xi32, #tpu.memory_space<vmem>> -> memref<128xi32, #tpu.memory_space<vmem>>
    %dma_wait3A_551 = arith.constant 0 : i32
    %dma_wait3A_552 = arith.constant 0 : i32
    %dma_wait3A_553 = tpu.memref_slice %arg3[%dma_wait3A_551, %dma_wait3A_552] : memref<50000x128xi32, #tpu.memory_space<hbm>> -> memref<50000x128xi32, #tpu.memory_space<hbm>>
    tpu.wait_indirect_dma semaphore(%arg12 : memref<!tpu.dma_semaphore, #tpu.memory_space<semaphore_mem>>) src(%dma_wait3A_553 : memref<50000x128xi32, #tpu.memory_space<hbm>>) dst(%arg10 : memref<128x128xi32, #tpu.memory_space<vmem>>)
    %while3A_554 = arith.constant 0 : i32
    %while3A_555 = arith.constant 32 : i32
    %while3A_556 = arith.constant 0 : i32
    %while3A_557 = arith.subi %while3A_555, %while3A_554 : i32
    %while3A_558 = arith.addi %while3A_554, %while3A_557 : i32
    %while3A_559 = arith.constant 1 : i32
    %while3A_560 = arith.divsi %while3A_557, %while3A_559 : i32
    %while3A_561 = arith.muli %while3A_560, %while3A_559 : i32
    %while3A_562 = arith.addi %while3A_554, %while3A_561 : i32
    %while3A_563 = arith.constant 1 : i32
    %while3A_564 = scf.for %while3A_598 = %while3A_554 to %while3A_562 step %while3A_563 iter_args(%while3A_599 = %while3A_556) -> (i32)  : i32 {
      %mul3A_600 = arith.constant 4 : i32
      %mul3A_601 = arith.muli %while3A_599, %mul3A_600 : i32
      %add3A_602 = arith.constant 0 : i32
      %add3A_603 = arith.addi %mul3A_601, %add3A_602 : i32
      %broadcast_in_dim3A = vector.broadcast %add3A_603 : i32 to vector<16xi32>
      %add3A_604 = arith.constant 256 : i32
      %add3A_605 = vector.broadcast %add3A_604 : i32 to vector<16xi32>
      %add3A_606 = arith.addi %broadcast_in_dim3A, %add3A_605 : vector<16xi32>
      %gather3A_607 = tpu.vector_load_idx %arg8[%add3A_606] : memref<512xi32, #tpu.memory_space<vmem>>[vector<16xi32>], vector<16xi32>,
      %and3A = arith.constant 1 : i32
      %and3A_608 = vector.broadcast %and3A : i32 to vector<16xi32>
      %and3A_609 = arith.andi %gather3A_607, %and3A_608 : vector<16xi32>
      %mul3A_610 = arith.constant 64 : i32
      %mul3A_611 = vector.broadcast %mul3A_610 : i32 to vector<16xi32>
      %mul3A_612 = arith.muli %and3A_609, %mul3A_611 : vector<16xi32>
      %add3A_613 = arith.addi %mul3A_612, %mul3A_489 : vector<16xi32>
      %gather3A_614 = tpu.vector_load_idx %arg10[%broadcast_in_dim3A, %add3A_613] : memref<128x128xi32, #tpu.memory_space<vmem>>[vector<16xi32>, vector<16xi32>], vector<16xi32>,
      %gather3A_615 = tpu.vector_load_idx %arg6[%gather3A_614] : memref<100000xf32, #tpu.memory_space<vmem>>[vector<16xi32>], vector<16xf32>,
      %swap3A_616 = arith.index_cast %while3A_599 : i32 to index
      %swap3A_617 = arith.constant 0 : index
      %swap3A_618 = tpu.vector_load %arg11[%swap3A_616, %swap3A_617] {strides = array<i32>} : memref<32x128xf32, #tpu.memory_space<vmem>>, vector<16xf32>,
      tpu.vector_store %arg11[%swap3A_616, %swap3A_617], %gather3A_615 {strides = array<i32>} : memref<32x128xf32, #tpu.memory_space<vmem>>, vector<16xf32>,
      %add3A_619 = arith.addi %mul3A_612, %add3A_492 : vector<16xi32>
      %gather3A_620 = tpu.vector_load_idx %arg10[%broadcast_in_dim3A, %add3A_619] : memref<128x128xi32, #tpu.memory_space<vmem>>[vector<16xi32>, vector<16xi32>], vector<16xi32>,
      %gather3A_621 = tpu.vector_load_idx %arg6[%gather3A_620] : memref<100000xf32, #tpu.memory_space<vmem>>[vector<16xi32>], vector<16xf32>,
      %swap3A_622 = arith.index_cast %while3A_599 : i32 to index
      %swap3A_623 = arith.constant 16 : index
      %swap3A_624 = tpu.vector_load %arg11[%swap3A_622, %swap3A_623] {strides = array<i32>} : memref<32x128xf32, #tpu.memory_space<vmem>>, vector<16xf32>,
      tpu.vector_store %arg11[%swap3A_622, %swap3A_623], %gather3A_621 {strides = array<i32>} : memref<32x128xf32, #tpu.memory_space<vmem>>, vector<16xf32>,
      %mul3A_625 = arith.constant 4 : i32
      %mul3A_626 = arith.muli %while3A_599, %mul3A_625 : i32
      %add3A_627 = arith.constant 1 : i32
      %add3A_628 = arith.addi %mul3A_626, %add3A_627 : i32
      %broadcast_in_dim3A_629 = vector.broadcast %add3A_628 : i32 to vector<16xi32>
      %add3A_630 = arith.constant 256 : i32
      %add3A_631 = vector.broadcast %add3A_630 : i32 to vector<16xi32>
      %add3A_632 = arith.addi %broadcast_in_dim3A_629, %add3A_631 : vector<16xi32>
      %gather3A_633 = tpu.vector_load_idx %arg8[%add3A_632] : memref<512xi32, #tpu.memory_space<vmem>>[vector<16xi32>], vector<16xi32>,
      %and3A_634 = arith.constant 1 : i32
      %and3A_635 = vector.broadcast %and3A_634 : i32 to vector<16xi32>
      %and3A_636 = arith.andi %gather3A_633, %and3A_635 : vector<16xi32>
      %mul3A_637 = arith.constant 64 : i32
      %mul3A_638 = vector.broadcast %mul3A_637 : i32 to vector<16xi32>
      %mul3A_639 = arith.muli %and3A_636, %mul3A_638 : vector<16xi32>
      %add3A_640 = arith.addi %mul3A_639, %mul3A_489 : vector<16xi32>
      %gather3A_641 = tpu.vector_load_idx %arg10[%broadcast_in_dim3A_629, %add3A_640] : memref<128x128xi32, #tpu.memory_space<vmem>>[vector<16xi32>, vector<16xi32>], vector<16xi32>,
      %gather3A_642 = tpu.vector_load_idx %arg6[%gather3A_641] : memref<100000xf32, #tpu.memory_space<vmem>>[vector<16xi32>], vector<16xf32>,
      %swap3A_643 = arith.index_cast %while3A_599 : i32 to index
      %swap3A_644 = arith.constant 32 : index
      %swap3A_645 = tpu.vector_load %arg11[%swap3A_643, %swap3A_644] {strides = array<i32>} : memref<32x128xf32, #tpu.memory_space<vmem>>, vector<16xf32>,
      tpu.vector_store %arg11[%swap3A_643, %swap3A_644], %gather3A_642 {strides = array<i32>} : memref<32x128xf32, #tpu.memory_space<vmem>>, vector<16xf32>,
      %add3A_646 = arith.addi %mul3A_639, %add3A_492 : vector<16xi32>
      %gather3A_647 = tpu.vector_load_idx %arg10[%broadcast_in_dim3A_629, %add3A_646] : memref<128x128xi32, #tpu.memory_space<vmem>>[vector<16xi32>, vector<16xi32>], vector<16xi32>,
      %gather3A_648 = tpu.vector_load_idx %arg6[%gather3A_647] : memref<100000xf32, #tpu.memory_space<vmem>>[vector<16xi32>], vector<16xf32>,
      %swap3A_649 = arith.index_cast %while3A_599 : i32 to index
      %swap3A_650 = arith.constant 48 : index
      %swap3A_651 = tpu.vector_load %arg11[%swap3A_649, %swap3A_650] {strides = array<i32>} : memref<32x128xf32, #tpu.memory_space<vmem>>, vector<16xf32>,
      tpu.vector_store %arg11[%swap3A_649, %swap3A_650], %gather3A_648 {strides = array<i32>} : memref<32x128xf32, #tpu.memory_space<vmem>>, vector<16xf32>,
      %mul3A_652 = arith.constant 4 : i32
      %mul3A_653 = arith.muli %while3A_599, %mul3A_652 : i32
      %add3A_654 = arith.constant 2 : i32
      %add3A_655 = arith.addi %mul3A_653, %add3A_654 : i32
      %broadcast_in_dim3A_656 = vector.broadcast %add3A_655 : i32 to vector<16xi32>
      %add3A_657 = arith.constant 256 : i32
      %add3A_658 = vector.broadcast %add3A_657 : i32 to vector<16xi32>
      %add3A_659 = arith.addi %broadcast_in_dim3A_656, %add3A_658 : vector<16xi32>
      %gather3A_660 = tpu.vector_load_idx %arg8[%add3A_659] : memref<512xi32, #tpu.memory_space<vmem>>[vector<16xi32>], vector<16xi32>,
      %and3A_661 = arith.constant 1 : i32
      %and3A_662 = vector.broadcast %and3A_661 : i32 to vector<16xi32>
      %and3A_663 = arith.andi %gather3A_660, %and3A_662 : vector<16xi32>
      %mul3A_664 = arith.constant 64 : i32
      %mul3A_665 = vector.broadcast %mul3A_664 : i32 to vector<16xi32>
      %mul3A_666 = arith.muli %and3A_663, %mul3A_665 : vector<16xi32>
      %add3A_667 = arith.addi %mul3A_666, %mul3A_489 : vector<16xi32>
      %gather3A_668 = tpu.vector_load_idx %arg10[%broadcast_in_dim3A_656, %add3A_667] : memref<128x128xi32, #tpu.memory_space<vmem>>[vector<16xi32>, vector<16xi32>], vector<16xi32>,
      %gather3A_669 = tpu.vector_load_idx %arg6[%gather3A_668] : memref<100000xf32, #tpu.memory_space<vmem>>[vector<16xi32>], vector<16xf32>,
      %swap3A_670 = arith.index_cast %while3A_599 : i32 to index
      %swap3A_671 = arith.constant 64 : index
      %swap3A_672 = tpu.vector_load %arg11[%swap3A_670, %swap3A_671] {strides = array<i32>} : memref<32x128xf32, #tpu.memory_space<vmem>>, vector<16xf32>,
      tpu.vector_store %arg11[%swap3A_670, %swap3A_671], %gather3A_669 {strides = array<i32>} : memref<32x128xf32, #tpu.memory_space<vmem>>, vector<16xf32>,
      %add3A_673 = arith.addi %mul3A_666, %add3A_492 : vector<16xi32>
      %gather3A_674 = tpu.vector_load_idx %arg10[%broadcast_in_dim3A_656, %add3A_673] : memref<128x128xi32, #tpu.memory_space<vmem>>[vector<16xi32>, vector<16xi32>], vector<16xi32>,
      %gather3A_675 = tpu.vector_load_idx %arg6[%gather3A_674] : memref<100000xf32, #tpu.memory_space<vmem>>[vector<16xi32>], vector<16xf32>,
      %swap3A_676 = arith.index_cast %while3A_599 : i32 to index
      %swap3A_677 = arith.constant 80 : index
      %swap3A_678 = tpu.vector_load %arg11[%swap3A_676, %swap3A_677] {strides = array<i32>} : memref<32x128xf32, #tpu.memory_space<vmem>>, vector<16xf32>,
      tpu.vector_store %arg11[%swap3A_676, %swap3A_677], %gather3A_675 {strides = array<i32>} : memref<32x128xf32, #tpu.memory_space<vmem>>, vector<16xf32>,
      %mul3A_679 = arith.constant 4 : i32
      %mul3A_680 = arith.muli %while3A_599, %mul3A_679 : i32
      %add3A_681 = arith.constant 3 : i32
      %add3A_682 = arith.addi %mul3A_680, %add3A_681 : i32
      %broadcast_in_dim3A_683 = vector.broadcast %add3A_682 : i32 to vector<16xi32>
      %add3A_684 = arith.constant 256 : i32
      %add3A_685 = vector.broadcast %add3A_684 : i32 to vector<16xi32>
      %add3A_686 = arith.addi %broadcast_in_dim3A_683, %add3A_685 : vector<16xi32>
      %gather3A_687 = tpu.vector_load_idx %arg8[%add3A_686] : memref<512xi32, #tpu.memory_space<vmem>>[vector<16xi32>], vector<16xi32>,
      %and3A_688 = arith.constant 1 : i32
      %and3A_689 = vector.broadcast %and3A_688 : i32 to vector<16xi32>
      %and3A_690 = arith.andi %gather3A_687, %and3A_689 : vector<16xi32>
      %mul3A_691 = arith.constant 64 : i32
      %mul3A_692 = vector.broadcast %mul3A_691 : i32 to vector<16xi32>
      %mul3A_693 = arith.muli %and3A_690, %mul3A_692 : vector<16xi32>
      %add3A_694 = arith.addi %mul3A_693, %mul3A_489 : vector<16xi32>
      %gather3A_695 = tpu.vector_load_idx %arg10[%broadcast_in_dim3A_683, %add3A_694] : memref<128x128xi32, #tpu.memory_space<vmem>>[vector<16xi32>, vector<16xi32>], vector<16xi32>,
      %gather3A_696 = tpu.vector_load_idx %arg6[%gather3A_695] : memref<100000xf32, #tpu.memory_space<vmem>>[vector<16xi32>], vector<16xf32>,
      %swap3A_697 = arith.index_cast %while3A_599 : i32 to index
      %swap3A_698 = arith.constant 96 : index
      %swap3A_699 = tpu.vector_load %arg11[%swap3A_697, %swap3A_698] {strides = array<i32>} : memref<32x128xf32, #tpu.memory_space<vmem>>, vector<16xf32>,
      tpu.vector_store %arg11[%swap3A_697, %swap3A_698], %gather3A_696 {strides = array<i32>} : memref<32x128xf32, #tpu.memory_space<vmem>>, vector<16xf32>,
      %add3A_700 = arith.addi %mul3A_693, %add3A_492 : vector<16xi32>
      %gather3A_701 = tpu.vector_load_idx %arg10[%broadcast_in_dim3A_683, %add3A_700] : memref<128x128xi32, #tpu.memory_space<vmem>>[vector<16xi32>, vector<16xi32>], vector<16xi32>,
      %gather3A_702 = tpu.vector_load_idx %arg6[%gather3A_701] : memref<100000xf32, #tpu.memory_space<vmem>>[vector<16xi32>], vector<16xf32>,
      %swap3A_703 = arith.index_cast %while3A_599 : i32 to index
      %swap3A_704 = arith.constant 112 : index
      %swap3A_705 = tpu.vector_load %arg11[%swap3A_703, %swap3A_704] {strides = array<i32>} : memref<32x128xf32, #tpu.memory_space<vmem>>, vector<16xf32>,
      tpu.vector_store %arg11[%swap3A_703, %swap3A_704], %gather3A_702 {strides = array<i32>} : memref<32x128xf32, #tpu.memory_space<vmem>>, vector<16xf32>,
      %add3A_706 = arith.constant 1 : i32
      %add3A_707 = arith.addi %while3A_599, %add3A_706 : i32
      scf.yield %add3A_707 : i32
    }
    %while3A_565 = arith.constant 1 : i32
    %while3A_566 = scf.for %while3A_598 = %while3A_562 to %while3A_558 step %while3A_565 iter_args(%while3A_599 = %while3A_564) -> (i32)  : i32 {
      %mul3A_600 = arith.constant 4 : i32
      %mul3A_601 = arith.muli %while3A_599, %mul3A_600 : i32
      %add3A_602 = arith.constant 0 : i32
      %add3A_603 = arith.addi %mul3A_601, %add3A_602 : i32
      %broadcast_in_dim3A = vector.broadcast %add3A_603 : i32 to vector<16xi32>
      %add3A_604 = arith.constant 256 : i32
      %add3A_605 = vector.broadcast %add3A_604 : i32 to vector<16xi32>
      %add3A_606 = arith.addi %broadcast_in_dim3A, %add3A_605 : vector<16xi32>
      %gather3A_607 = tpu.vector_load_idx %arg8[%add3A_606] : memref<512xi32, #tpu.memory_space<vmem>>[vector<16xi32>], vector<16xi32>,
      %and3A = arith.constant 1 : i32
      %and3A_608 = vector.broadcast %and3A : i32 to vector<16xi32>
      %and3A_609 = arith.andi %gather3A_607, %and3A_608 : vector<16xi32>
      %mul3A_610 = arith.constant 64 : i32
      %mul3A_611 = vector.broadcast %mul3A_610 : i32 to vector<16xi32>
      %mul3A_612 = arith.muli %and3A_609, %mul3A_611 : vector<16xi32>
      %add3A_613 = arith.addi %mul3A_612, %mul3A_489 : vector<16xi32>
      %gather3A_614 = tpu.vector_load_idx %arg10[%broadcast_in_dim3A, %add3A_613] : memref<128x128xi32, #tpu.memory_space<vmem>>[vector<16xi32>, vector<16xi32>], vector<16xi32>,
      %gather3A_615 = tpu.vector_load_idx %arg6[%gather3A_614] : memref<100000xf32, #tpu.memory_space<vmem>>[vector<16xi32>], vector<16xf32>,
      %swap3A_616 = arith.index_cast %while3A_599 : i32 to index
      %swap3A_617 = arith.constant 0 : index
      %swap3A_618 = tpu.vector_load %arg11[%swap3A_616, %swap3A_617] {strides = array<i32>} : memref<32x128xf32, #tpu.memory_space<vmem>>, vector<16xf32>,
      tpu.vector_store %arg11[%swap3A_616, %swap3A_617], %gather3A_615 {strides = array<i32>} : memref<32x128xf32, #tpu.memory_space<vmem>>, vector<16xf32>,
      %add3A_619 = arith.addi %mul3A_612, %add3A_492 : vector<16xi32>
      %gather3A_620 = tpu.vector_load_idx %arg10[%broadcast_in_dim3A, %add3A_619] : memref<128x128xi32, #tpu.memory_space<vmem>>[vector<16xi32>, vector<16xi32>], vector<16xi32>,
      %gather3A_621 = tpu.vector_load_idx %arg6[%gather3A_620] : memref<100000xf32, #tpu.memory_space<vmem>>[vector<16xi32>], vector<16xf32>,
      %swap3A_622 = arith.index_cast %while3A_599 : i32 to index
      %swap3A_623 = arith.constant 16 : index
      %swap3A_624 = tpu.vector_load %arg11[%swap3A_622, %swap3A_623] {strides = array<i32>} : memref<32x128xf32, #tpu.memory_space<vmem>>, vector<16xf32>,
      tpu.vector_store %arg11[%swap3A_622, %swap3A_623], %gather3A_621 {strides = array<i32>} : memref<32x128xf32, #tpu.memory_space<vmem>>, vector<16xf32>,
      %mul3A_625 = arith.constant 4 : i32
      %mul3A_626 = arith.muli %while3A_599, %mul3A_625 : i32
      %add3A_627 = arith.constant 1 : i32
      %add3A_628 = arith.addi %mul3A_626, %add3A_627 : i32
      %broadcast_in_dim3A_629 = vector.broadcast %add3A_628 : i32 to vector<16xi32>
      %add3A_630 = arith.constant 256 : i32
      %add3A_631 = vector.broadcast %add3A_630 : i32 to vector<16xi32>
      %add3A_632 = arith.addi %broadcast_in_dim3A_629, %add3A_631 : vector<16xi32>
      %gather3A_633 = tpu.vector_load_idx %arg8[%add3A_632] : memref<512xi32, #tpu.memory_space<vmem>>[vector<16xi32>], vector<16xi32>,
      %and3A_634 = arith.constant 1 : i32
      %and3A_635 = vector.broadcast %and3A_634 : i32 to vector<16xi32>
      %and3A_636 = arith.andi %gather3A_633, %and3A_635 : vector<16xi32>
      %mul3A_637 = arith.constant 64 : i32
      %mul3A_638 = vector.broadcast %mul3A_637 : i32 to vector<16xi32>
      %mul3A_639 = arith.muli %and3A_636, %mul3A_638 : vector<16xi32>
      %add3A_640 = arith.addi %mul3A_639, %mul3A_489 : vector<16xi32>
      %gather3A_641 = tpu.vector_load_idx %arg10[%broadcast_in_dim3A_629, %add3A_640] : memref<128x128xi32, #tpu.memory_space<vmem>>[vector<16xi32>, vector<16xi32>], vector<16xi32>,
      %gather3A_642 = tpu.vector_load_idx %arg6[%gather3A_641] : memref<100000xf32, #tpu.memory_space<vmem>>[vector<16xi32>], vector<16xf32>,
      %swap3A_643 = arith.index_cast %while3A_599 : i32 to index
      %swap3A_644 = arith.constant 32 : index
      %swap3A_645 = tpu.vector_load %arg11[%swap3A_643, %swap3A_644] {strides = array<i32>} : memref<32x128xf32, #tpu.memory_space<vmem>>, vector<16xf32>,
      tpu.vector_store %arg11[%swap3A_643, %swap3A_644], %gather3A_642 {strides = array<i32>} : memref<32x128xf32, #tpu.memory_space<vmem>>, vector<16xf32>,
      %add3A_646 = arith.addi %mul3A_639, %add3A_492 : vector<16xi32>
      %gather3A_647 = tpu.vector_load_idx %arg10[%broadcast_in_dim3A_629, %add3A_646] : memref<128x128xi32, #tpu.memory_space<vmem>>[vector<16xi32>, vector<16xi32>], vector<16xi32>,
      %gather3A_648 = tpu.vector_load_idx %arg6[%gather3A_647] : memref<100000xf32, #tpu.memory_space<vmem>>[vector<16xi32>], vector<16xf32>,
      %swap3A_649 = arith.index_cast %while3A_599 : i32 to index
      %swap3A_650 = arith.constant 48 : index
      %swap3A_651 = tpu.vector_load %arg11[%swap3A_649, %swap3A_650] {strides = array<i32>} : memref<32x128xf32, #tpu.memory_space<vmem>>, vector<16xf32>,
      tpu.vector_store %arg11[%swap3A_649, %swap3A_650], %gather3A_648 {strides = array<i32>} : memref<32x128xf32, #tpu.memory_space<vmem>>, vector<16xf32>,
      %mul3A_652 = arith.constant 4 : i32
      %mul3A_653 = arith.muli %while3A_599, %mul3A_652 : i32
      %add3A_654 = arith.constant 2 : i32
      %add3A_655 = arith.addi %mul3A_653, %add3A_654 : i32
      %broadcast_in_dim3A_656 = vector.broadcast %add3A_655 : i32 to vector<16xi32>
      %add3A_657 = arith.constant 256 : i32
      %add3A_658 = vector.broadcast %add3A_657 : i32 to vector<16xi32>
      %add3A_659 = arith.addi %broadcast_in_dim3A_656, %add3A_658 : vector<16xi32>
      %gather3A_660 = tpu.vector_load_idx %arg8[%add3A_659] : memref<512xi32, #tpu.memory_space<vmem>>[vector<16xi32>], vector<16xi32>,
      %and3A_661 = arith.constant 1 : i32
      %and3A_662 = vector.broadcast %and3A_661 : i32 to vector<16xi32>
      %and3A_663 = arith.andi %gather3A_660, %and3A_662 : vector<16xi32>
      %mul3A_664 = arith.constant 64 : i32
      %mul3A_665 = vector.broadcast %mul3A_664 : i32 to vector<16xi32>
      %mul3A_666 = arith.muli %and3A_663, %mul3A_665 : vector<16xi32>
      %add3A_667 = arith.addi %mul3A_666, %mul3A_489 : vector<16xi32>
      %gather3A_668 = tpu.vector_load_idx %arg10[%broadcast_in_dim3A_656, %add3A_667] : memref<128x128xi32, #tpu.memory_space<vmem>>[vector<16xi32>, vector<16xi32>], vector<16xi32>,
      %gather3A_669 = tpu.vector_load_idx %arg6[%gather3A_668] : memref<100000xf32, #tpu.memory_space<vmem>>[vector<16xi32>], vector<16xf32>,
      %swap3A_670 = arith.index_cast %while3A_599 : i32 to index
      %swap3A_671 = arith.constant 64 : index
      %swap3A_672 = tpu.vector_load %arg11[%swap3A_670, %swap3A_671] {strides = array<i32>} : memref<32x128xf32, #tpu.memory_space<vmem>>, vector<16xf32>,
      tpu.vector_store %arg11[%swap3A_670, %swap3A_671], %gather3A_669 {strides = array<i32>} : memref<32x128xf32, #tpu.memory_space<vmem>>, vector<16xf32>,
      %add3A_673 = arith.addi %mul3A_666, %add3A_492 : vector<16xi32>
      %gather3A_674 = tpu.vector_load_idx %arg10[%broadcast_in_dim3A_656, %add3A_673] : memref<128x128xi32, #tpu.memory_space<vmem>>[vector<16xi32>, vector<16xi32>], vector<16xi32>,
      %gather3A_675 = tpu.vector_load_idx %arg6[%gather3A_674] : memref<100000xf32, #tpu.memory_space<vmem>>[vector<16xi32>], vector<16xf32>,
      %swap3A_676 = arith.index_cast %while3A_599 : i32 to index
      %swap3A_677 = arith.constant 80 : index
      %swap3A_678 = tpu.vector_load %arg11[%swap3A_676, %swap3A_677] {strides = array<i32>} : memref<32x128xf32, #tpu.memory_space<vmem>>, vector<16xf32>,
      tpu.vector_store %arg11[%swap3A_676, %swap3A_677], %gather3A_675 {strides = array<i32>} : memref<32x128xf32, #tpu.memory_space<vmem>>, vector<16xf32>,
      %mul3A_679 = arith.constant 4 : i32
      %mul3A_680 = arith.muli %while3A_599, %mul3A_679 : i32
      %add3A_681 = arith.constant 3 : i32
      %add3A_682 = arith.addi %mul3A_680, %add3A_681 : i32
      %broadcast_in_dim3A_683 = vector.broadcast %add3A_682 : i32 to vector<16xi32>
      %add3A_684 = arith.constant 256 : i32
      %add3A_685 = vector.broadcast %add3A_684 : i32 to vector<16xi32>
      %add3A_686 = arith.addi %broadcast_in_dim3A_683, %add3A_685 : vector<16xi32>
      %gather3A_687 = tpu.vector_load_idx %arg8[%add3A_686] : memref<512xi32, #tpu.memory_space<vmem>>[vector<16xi32>], vector<16xi32>,
      %and3A_688 = arith.constant 1 : i32
      %and3A_689 = vector.broadcast %and3A_688 : i32 to vector<16xi32>
      %and3A_690 = arith.andi %gather3A_687, %and3A_689 : vector<16xi32>
      %mul3A_691 = arith.constant 64 : i32
      %mul3A_692 = vector.broadcast %mul3A_691 : i32 to vector<16xi32>
      %mul3A_693 = arith.muli %and3A_690, %mul3A_692 : vector<16xi32>
      %add3A_694 = arith.addi %mul3A_693, %mul3A_489 : vector<16xi32>
      %gather3A_695 = tpu.vector_load_idx %arg10[%broadcast_in_dim3A_683, %add3A_694] : memref<128x128xi32, #tpu.memory_space<vmem>>[vector<16xi32>, vector<16xi32>], vector<16xi32>,
      %gather3A_696 = tpu.vector_load_idx %arg6[%gather3A_695] : memref<100000xf32, #tpu.memory_space<vmem>>[vector<16xi32>], vector<16xf32>,
      %swap3A_697 = arith.index_cast %while3A_599 : i32 to index
      %swap3A_698 = arith.constant 96 : index
      %swap3A_699 = tpu.vector_load %arg11[%swap3A_697, %swap3A_698] {strides = array<i32>} : memref<32x128xf32, #tpu.memory_space<vmem>>, vector<16xf32>,
      tpu.vector_store %arg11[%swap3A_697, %swap3A_698], %gather3A_696 {strides = array<i32>} : memref<32x128xf32, #tpu.memory_space<vmem>>, vector<16xf32>,
      %add3A_700 = arith.addi %mul3A_693, %add3A_492 : vector<16xi32>
      %gather3A_701 = tpu.vector_load_idx %arg10[%broadcast_in_dim3A_683, %add3A_700] : memref<128x128xi32, #tpu.memory_space<vmem>>[vector<16xi32>, vector<16xi32>], vector<16xi32>,
      %gather3A_702 = tpu.vector_load_idx %arg6[%gather3A_701] : memref<100000xf32, #tpu.memory_space<vmem>>[vector<16xi32>], vector<16xf32>,
      %swap3A_703 = arith.index_cast %while3A_599 : i32 to index
      %swap3A_704 = arith.constant 112 : index
      %swap3A_705 = tpu.vector_load %arg11[%swap3A_703, %swap3A_704] {strides = array<i32>} : memref<32x128xf32, #tpu.memory_space<vmem>>, vector<16xf32>,
      tpu.vector_store %arg11[%swap3A_703, %swap3A_704], %gather3A_702 {strides = array<i32>} : memref<32x128xf32, #tpu.memory_space<vmem>>, vector<16xf32>,
      %add3A_706 = arith.constant 1 : i32
      %add3A_707 = arith.addi %while3A_599, %add3A_706 : i32
      scf.yield %add3A_707 : i32
    }
    %mul3A_567 = arith.constant 128 : i32
    %mul3A_568 = arith.muli %add3A, %mul3A_567 : i32
    %add3A_569 = arith.constant 64 : i32
    %add3A_570 = arith.addi %mul3A_568, %add3A_569 : i32
    "tpu.region"() ({
      %run_scoped3A = tpu.sem_alloc : memref<!tpu.dma_semaphore, #tpu.memory_space<semaphore_mem>>
      %dma_start3A_598 = arith.constant 0 : i32
      %dma_start3A_599 = tpu.memref_slice %arg5[%add3A_570, %dma_start3A_598] : memref<4096x128xf32, #tpu.memory_space<hbm>> -> memref<32x128xf32, #tpu.memory_space<hbm>>
      %dma_start3A_600 = arith.constant 0 : i32
      %dma_start3A_601 = tpu.memref_slice %arg5[%add3A_570, %dma_start3A_600] : memref<4096x128xf32, #tpu.memory_space<hbm>> -> memref<32x128xf32, #tpu.memory_space<hbm>>
      tpu.enqueue_dma source(%arg11 : memref<32x128xf32, #tpu.memory_space<vmem>>) target(%dma_start3A_601 : memref<32x128xf32, #tpu.memory_space<hbm>>) target_semaphore(%run_scoped3A : memref<!tpu.dma_semaphore, #tpu.memory_space<semaphore_mem>>)
      %dma_wait3A_602 = arith.constant 0 : i32
      %dma_wait3A_603 = tpu.memref_slice %arg5[%add3A_570, %dma_wait3A_602] : memref<4096x128xf32, #tpu.memory_space<hbm>> -> memref<32x128xf32, #tpu.memory_space<hbm>>
      %dma_wait3A_604 = arith.constant 0 : i32
      %dma_wait3A_605 = tpu.memref_slice %arg5[%add3A_570, %dma_wait3A_604] : memref<4096x128xf32, #tpu.memory_space<hbm>> -> memref<32x128xf32, #tpu.memory_space<hbm>>
      tpu.wait_dma2 semaphore(%run_scoped3A : memref<!tpu.dma_semaphore, #tpu.memory_space<semaphore_mem>>) src(%arg11 : memref<32x128xf32, #tpu.memory_space<vmem>>) dst(%dma_wait3A_605 : memref<32x128xf32, #tpu.memory_space<hbm>>)
      tpu.yield
    }) : () -> ()
    %dma_start3A_571 = arith.constant 384 : i32
    %dma_start3A_572 = tpu.memref_slice %arg9[%dma_start3A_571] : memref<512xi32, #tpu.memory_space<vmem>> -> memref<128xi32, #tpu.memory_space<vmem>>
    %dma_start3A_573 = arith.constant 0 : i32
    %dma_start3A_574 = arith.constant 0 : i32
    %dma_start3A_575 = tpu.memref_slice %arg3[%dma_start3A_573, %dma_start3A_574] : memref<50000x128xi32, #tpu.memory_space<hbm>> -> memref<50000x128xi32, #tpu.memory_space<hbm>>
    tpu.enqueue_indirect_dma source(%dma_start3A_575 : memref<50000x128xi32, #tpu.memory_space<hbm>>) target(%arg10 : memref<128x128xi32, #tpu.memory_space<vmem>>) offsets(%dma_start3A_572 : memref<128xi32, #tpu.memory_space<vmem>>) semaphore(%arg12 : memref<!tpu.dma_semaphore, #tpu.memory_space<semaphore_mem>>)
    %dma_wait3A_576 = arith.constant 384 : i32
    %dma_wait3A_577 = tpu.memref_slice %arg9[%dma_wait3A_576] : memref<512xi32, #tpu.memory_space<vmem>> -> memref<128xi32, #tpu.memory_space<vmem>>
    %dma_wait3A_578 = arith.constant 0 : i32
    %dma_wait3A_579 = arith.constant 0 : i32
    %dma_wait3A_580 = tpu.memref_slice %arg3[%dma_wait3A_578, %dma_wait3A_579] : memref<50000x128xi32, #tpu.memory_space<hbm>> -> memref<50000x128xi32, #tpu.memory_space<hbm>>
    tpu.wait_indirect_dma semaphore(%arg12 : memref<!tpu.dma_semaphore, #tpu.memory_space<semaphore_mem>>) src(%dma_wait3A_580 : memref<50000x128xi32, #tpu.memory_space<hbm>>) dst(%arg10 : memref<128x128xi32, #tpu.memory_space<vmem>>)
    %while3A_581 = arith.constant 0 : i32
    %while3A_582 = arith.constant 32 : i32
    %while3A_583 = arith.constant 0 : i32
    %while3A_584 = arith.subi %while3A_582, %while3A_581 : i32
    %while3A_585 = arith.addi %while3A_581, %while3A_584 : i32
    %while3A_586 = arith.constant 1 : i32
    %while3A_587 = arith.divsi %while3A_584, %while3A_586 : i32
    %while3A_588 = arith.muli %while3A_587, %while3A_586 : i32
    %while3A_589 = arith.addi %while3A_581, %while3A_588 : i32
    %while3A_590 = arith.constant 1 : i32
    %while3A_591 = scf.for %while3A_598 = %while3A_581 to %while3A_589 step %while3A_590 iter_args(%while3A_599 = %while3A_583) -> (i32)  : i32 {
      %mul3A_600 = arith.constant 4 : i32
      %mul3A_601 = arith.muli %while3A_599, %mul3A_600 : i32
      %add3A_602 = arith.constant 0 : i32
      %add3A_603 = arith.addi %mul3A_601, %add3A_602 : i32
      %broadcast_in_dim3A = vector.broadcast %add3A_603 : i32 to vector<16xi32>
      %add3A_604 = arith.constant 384 : i32
      %add3A_605 = vector.broadcast %add3A_604 : i32 to vector<16xi32>
      %add3A_606 = arith.addi %broadcast_in_dim3A, %add3A_605 : vector<16xi32>
      %gather3A_607 = tpu.vector_load_idx %arg8[%add3A_606] : memref<512xi32, #tpu.memory_space<vmem>>[vector<16xi32>], vector<16xi32>,
      %and3A = arith.constant 1 : i32
      %and3A_608 = vector.broadcast %and3A : i32 to vector<16xi32>
      %and3A_609 = arith.andi %gather3A_607, %and3A_608 : vector<16xi32>
      %mul3A_610 = arith.constant 64 : i32
      %mul3A_611 = vector.broadcast %mul3A_610 : i32 to vector<16xi32>
      %mul3A_612 = arith.muli %and3A_609, %mul3A_611 : vector<16xi32>
      %add3A_613 = arith.addi %mul3A_612, %mul3A_489 : vector<16xi32>
      %gather3A_614 = tpu.vector_load_idx %arg10[%broadcast_in_dim3A, %add3A_613] : memref<128x128xi32, #tpu.memory_space<vmem>>[vector<16xi32>, vector<16xi32>], vector<16xi32>,
      %gather3A_615 = tpu.vector_load_idx %arg6[%gather3A_614] : memref<100000xf32, #tpu.memory_space<vmem>>[vector<16xi32>], vector<16xf32>,
      %swap3A_616 = arith.index_cast %while3A_599 : i32 to index
      %swap3A_617 = arith.constant 0 : index
      %swap3A_618 = tpu.vector_load %arg11[%swap3A_616, %swap3A_617] {strides = array<i32>} : memref<32x128xf32, #tpu.memory_space<vmem>>, vector<16xf32>,
      tpu.vector_store %arg11[%swap3A_616, %swap3A_617], %gather3A_615 {strides = array<i32>} : memref<32x128xf32, #tpu.memory_space<vmem>>, vector<16xf32>,
      %add3A_619 = arith.addi %mul3A_612, %add3A_492 : vector<16xi32>
      %gather3A_620 = tpu.vector_load_idx %arg10[%broadcast_in_dim3A, %add3A_619] : memref<128x128xi32, #tpu.memory_space<vmem>>[vector<16xi32>, vector<16xi32>], vector<16xi32>,
      %gather3A_621 = tpu.vector_load_idx %arg6[%gather3A_620] : memref<100000xf32, #tpu.memory_space<vmem>>[vector<16xi32>], vector<16xf32>,
      %swap3A_622 = arith.index_cast %while3A_599 : i32 to index
      %swap3A_623 = arith.constant 16 : index
      %swap3A_624 = tpu.vector_load %arg11[%swap3A_622, %swap3A_623] {strides = array<i32>} : memref<32x128xf32, #tpu.memory_space<vmem>>, vector<16xf32>,
      tpu.vector_store %arg11[%swap3A_622, %swap3A_623], %gather3A_621 {strides = array<i32>} : memref<32x128xf32, #tpu.memory_space<vmem>>, vector<16xf32>,
      %mul3A_625 = arith.constant 4 : i32
      %mul3A_626 = arith.muli %while3A_599, %mul3A_625 : i32
      %add3A_627 = arith.constant 1 : i32
      %add3A_628 = arith.addi %mul3A_626, %add3A_627 : i32
      %broadcast_in_dim3A_629 = vector.broadcast %add3A_628 : i32 to vector<16xi32>
      %add3A_630 = arith.constant 384 : i32
      %add3A_631 = vector.broadcast %add3A_630 : i32 to vector<16xi32>
      %add3A_632 = arith.addi %broadcast_in_dim3A_629, %add3A_631 : vector<16xi32>
      %gather3A_633 = tpu.vector_load_idx %arg8[%add3A_632] : memref<512xi32, #tpu.memory_space<vmem>>[vector<16xi32>], vector<16xi32>,
      %and3A_634 = arith.constant 1 : i32
      %and3A_635 = vector.broadcast %and3A_634 : i32 to vector<16xi32>
      %and3A_636 = arith.andi %gather3A_633, %and3A_635 : vector<16xi32>
      %mul3A_637 = arith.constant 64 : i32
      %mul3A_638 = vector.broadcast %mul3A_637 : i32 to vector<16xi32>
      %mul3A_639 = arith.muli %and3A_636, %mul3A_638 : vector<16xi32>
      %add3A_640 = arith.addi %mul3A_639, %mul3A_489 : vector<16xi32>
      %gather3A_641 = tpu.vector_load_idx %arg10[%broadcast_in_dim3A_629, %add3A_640] : memref<128x128xi32, #tpu.memory_space<vmem>>[vector<16xi32>, vector<16xi32>], vector<16xi32>,
      %gather3A_642 = tpu.vector_load_idx %arg6[%gather3A_641] : memref<100000xf32, #tpu.memory_space<vmem>>[vector<16xi32>], vector<16xf32>,
      %swap3A_643 = arith.index_cast %while3A_599 : i32 to index
      %swap3A_644 = arith.constant 32 : index
      %swap3A_645 = tpu.vector_load %arg11[%swap3A_643, %swap3A_644] {strides = array<i32>} : memref<32x128xf32, #tpu.memory_space<vmem>>, vector<16xf32>,
      tpu.vector_store %arg11[%swap3A_643, %swap3A_644], %gather3A_642 {strides = array<i32>} : memref<32x128xf32, #tpu.memory_space<vmem>>, vector<16xf32>,
      %add3A_646 = arith.addi %mul3A_639, %add3A_492 : vector<16xi32>
      %gather3A_647 = tpu.vector_load_idx %arg10[%broadcast_in_dim3A_629, %add3A_646] : memref<128x128xi32, #tpu.memory_space<vmem>>[vector<16xi32>, vector<16xi32>], vector<16xi32>,
      %gather3A_648 = tpu.vector_load_idx %arg6[%gather3A_647] : memref<100000xf32, #tpu.memory_space<vmem>>[vector<16xi32>], vector<16xf32>,
      %swap3A_649 = arith.index_cast %while3A_599 : i32 to index
      %swap3A_650 = arith.constant 48 : index
      %swap3A_651 = tpu.vector_load %arg11[%swap3A_649, %swap3A_650] {strides = array<i32>} : memref<32x128xf32, #tpu.memory_space<vmem>>, vector<16xf32>,
      tpu.vector_store %arg11[%swap3A_649, %swap3A_650], %gather3A_648 {strides = array<i32>} : memref<32x128xf32, #tpu.memory_space<vmem>>, vector<16xf32>,
      %mul3A_652 = arith.constant 4 : i32
      %mul3A_653 = arith.muli %while3A_599, %mul3A_652 : i32
      %add3A_654 = arith.constant 2 : i32
      %add3A_655 = arith.addi %mul3A_653, %add3A_654 : i32
      %broadcast_in_dim3A_656 = vector.broadcast %add3A_655 : i32 to vector<16xi32>
      %add3A_657 = arith.constant 384 : i32
      %add3A_658 = vector.broadcast %add3A_657 : i32 to vector<16xi32>
      %add3A_659 = arith.addi %broadcast_in_dim3A_656, %add3A_658 : vector<16xi32>
      %gather3A_660 = tpu.vector_load_idx %arg8[%add3A_659] : memref<512xi32, #tpu.memory_space<vmem>>[vector<16xi32>], vector<16xi32>,
      %and3A_661 = arith.constant 1 : i32
      %and3A_662 = vector.broadcast %and3A_661 : i32 to vector<16xi32>
      %and3A_663 = arith.andi %gather3A_660, %and3A_662 : vector<16xi32>
      %mul3A_664 = arith.constant 64 : i32
      %mul3A_665 = vector.broadcast %mul3A_664 : i32 to vector<16xi32>
      %mul3A_666 = arith.muli %and3A_663, %mul3A_665 : vector<16xi32>
      %add3A_667 = arith.addi %mul3A_666, %mul3A_489 : vector<16xi32>
      %gather3A_668 = tpu.vector_load_idx %arg10[%broadcast_in_dim3A_656, %add3A_667] : memref<128x128xi32, #tpu.memory_space<vmem>>[vector<16xi32>, vector<16xi32>], vector<16xi32>,
      %gather3A_669 = tpu.vector_load_idx %arg6[%gather3A_668] : memref<100000xf32, #tpu.memory_space<vmem>>[vector<16xi32>], vector<16xf32>,
      %swap3A_670 = arith.index_cast %while3A_599 : i32 to index
      %swap3A_671 = arith.constant 64 : index
      %swap3A_672 = tpu.vector_load %arg11[%swap3A_670, %swap3A_671] {strides = array<i32>} : memref<32x128xf32, #tpu.memory_space<vmem>>, vector<16xf32>,
      tpu.vector_store %arg11[%swap3A_670, %swap3A_671], %gather3A_669 {strides = array<i32>} : memref<32x128xf32, #tpu.memory_space<vmem>>, vector<16xf32>,
      %add3A_673 = arith.addi %mul3A_666, %add3A_492 : vector<16xi32>
      %gather3A_674 = tpu.vector_load_idx %arg10[%broadcast_in_dim3A_656, %add3A_673] : memref<128x128xi32, #tpu.memory_space<vmem>>[vector<16xi32>, vector<16xi32>], vector<16xi32>,
      %gather3A_675 = tpu.vector_load_idx %arg6[%gather3A_674] : memref<100000xf32, #tpu.memory_space<vmem>>[vector<16xi32>], vector<16xf32>,
      %swap3A_676 = arith.index_cast %while3A_599 : i32 to index
      %swap3A_677 = arith.constant 80 : index
      %swap3A_678 = tpu.vector_load %arg11[%swap3A_676, %swap3A_677] {strides = array<i32>} : memref<32x128xf32, #tpu.memory_space<vmem>>, vector<16xf32>,
      tpu.vector_store %arg11[%swap3A_676, %swap3A_677], %gather3A_675 {strides = array<i32>} : memref<32x128xf32, #tpu.memory_space<vmem>>, vector<16xf32>,
      %mul3A_679 = arith.constant 4 : i32
      %mul3A_680 = arith.muli %while3A_599, %mul3A_679 : i32
      %add3A_681 = arith.constant 3 : i32
      %add3A_682 = arith.addi %mul3A_680, %add3A_681 : i32
      %broadcast_in_dim3A_683 = vector.broadcast %add3A_682 : i32 to vector<16xi32>
      %add3A_684 = arith.constant 384 : i32
      %add3A_685 = vector.broadcast %add3A_684 : i32 to vector<16xi32>
      %add3A_686 = arith.addi %broadcast_in_dim3A_683, %add3A_685 : vector<16xi32>
      %gather3A_687 = tpu.vector_load_idx %arg8[%add3A_686] : memref<512xi32, #tpu.memory_space<vmem>>[vector<16xi32>], vector<16xi32>,
      %and3A_688 = arith.constant 1 : i32
      %and3A_689 = vector.broadcast %and3A_688 : i32 to vector<16xi32>
      %and3A_690 = arith.andi %gather3A_687, %and3A_689 : vector<16xi32>
      %mul3A_691 = arith.constant 64 : i32
      %mul3A_692 = vector.broadcast %mul3A_691 : i32 to vector<16xi32>
      %mul3A_693 = arith.muli %and3A_690, %mul3A_692 : vector<16xi32>
      %add3A_694 = arith.addi %mul3A_693, %mul3A_489 : vector<16xi32>
      %gather3A_695 = tpu.vector_load_idx %arg10[%broadcast_in_dim3A_683, %add3A_694] : memref<128x128xi32, #tpu.memory_space<vmem>>[vector<16xi32>, vector<16xi32>], vector<16xi32>,
      %gather3A_696 = tpu.vector_load_idx %arg6[%gather3A_695] : memref<100000xf32, #tpu.memory_space<vmem>>[vector<16xi32>], vector<16xf32>,
      %swap3A_697 = arith.index_cast %while3A_599 : i32 to index
      %swap3A_698 = arith.constant 96 : index
      %swap3A_699 = tpu.vector_load %arg11[%swap3A_697, %swap3A_698] {strides = array<i32>} : memref<32x128xf32, #tpu.memory_space<vmem>>, vector<16xf32>,
      tpu.vector_store %arg11[%swap3A_697, %swap3A_698], %gather3A_696 {strides = array<i32>} : memref<32x128xf32, #tpu.memory_space<vmem>>, vector<16xf32>,
      %add3A_700 = arith.addi %mul3A_693, %add3A_492 : vector<16xi32>
      %gather3A_701 = tpu.vector_load_idx %arg10[%broadcast_in_dim3A_683, %add3A_700] : memref<128x128xi32, #tpu.memory_space<vmem>>[vector<16xi32>, vector<16xi32>], vector<16xi32>,
      %gather3A_702 = tpu.vector_load_idx %arg6[%gather3A_701] : memref<100000xf32, #tpu.memory_space<vmem>>[vector<16xi32>], vector<16xf32>,
      %swap3A_703 = arith.index_cast %while3A_599 : i32 to index
      %swap3A_704 = arith.constant 112 : index
      %swap3A_705 = tpu.vector_load %arg11[%swap3A_703, %swap3A_704] {strides = array<i32>} : memref<32x128xf32, #tpu.memory_space<vmem>>, vector<16xf32>,
      tpu.vector_store %arg11[%swap3A_703, %swap3A_704], %gather3A_702 {strides = array<i32>} : memref<32x128xf32, #tpu.memory_space<vmem>>, vector<16xf32>,
      %add3A_706 = arith.constant 1 : i32
      %add3A_707 = arith.addi %while3A_599, %add3A_706 : i32
      scf.yield %add3A_707 : i32
    }
    %while3A_592 = arith.constant 1 : i32
    %while3A_593 = scf.for %while3A_598 = %while3A_589 to %while3A_585 step %while3A_592 iter_args(%while3A_599 = %while3A_591) -> (i32)  : i32 {
      %mul3A_600 = arith.constant 4 : i32
      %mul3A_601 = arith.muli %while3A_599, %mul3A_600 : i32
      %add3A_602 = arith.constant 0 : i32
      %add3A_603 = arith.addi %mul3A_601, %add3A_602 : i32
      %broadcast_in_dim3A = vector.broadcast %add3A_603 : i32 to vector<16xi32>
      %add3A_604 = arith.constant 384 : i32
      %add3A_605 = vector.broadcast %add3A_604 : i32 to vector<16xi32>
      %add3A_606 = arith.addi %broadcast_in_dim3A, %add3A_605 : vector<16xi32>
      %gather3A_607 = tpu.vector_load_idx %arg8[%add3A_606] : memref<512xi32, #tpu.memory_space<vmem>>[vector<16xi32>], vector<16xi32>,
      %and3A = arith.constant 1 : i32
      %and3A_608 = vector.broadcast %and3A : i32 to vector<16xi32>
      %and3A_609 = arith.andi %gather3A_607, %and3A_608 : vector<16xi32>
      %mul3A_610 = arith.constant 64 : i32
      %mul3A_611 = vector.broadcast %mul3A_610 : i32 to vector<16xi32>
      %mul3A_612 = arith.muli %and3A_609, %mul3A_611 : vector<16xi32>
      %add3A_613 = arith.addi %mul3A_612, %mul3A_489 : vector<16xi32>
      %gather3A_614 = tpu.vector_load_idx %arg10[%broadcast_in_dim3A, %add3A_613] : memref<128x128xi32, #tpu.memory_space<vmem>>[vector<16xi32>, vector<16xi32>], vector<16xi32>,
      %gather3A_615 = tpu.vector_load_idx %arg6[%gather3A_614] : memref<100000xf32, #tpu.memory_space<vmem>>[vector<16xi32>], vector<16xf32>,
      %swap3A_616 = arith.index_cast %while3A_599 : i32 to index
      %swap3A_617 = arith.constant 0 : index
      %swap3A_618 = tpu.vector_load %arg11[%swap3A_616, %swap3A_617] {strides = array<i32>} : memref<32x128xf32, #tpu.memory_space<vmem>>, vector<16xf32>,
      tpu.vector_store %arg11[%swap3A_616, %swap3A_617], %gather3A_615 {strides = array<i32>} : memref<32x128xf32, #tpu.memory_space<vmem>>, vector<16xf32>,
      %add3A_619 = arith.addi %mul3A_612, %add3A_492 : vector<16xi32>
      %gather3A_620 = tpu.vector_load_idx %arg10[%broadcast_in_dim3A, %add3A_619] : memref<128x128xi32, #tpu.memory_space<vmem>>[vector<16xi32>, vector<16xi32>], vector<16xi32>,
      %gather3A_621 = tpu.vector_load_idx %arg6[%gather3A_620] : memref<100000xf32, #tpu.memory_space<vmem>>[vector<16xi32>], vector<16xf32>,
      %swap3A_622 = arith.index_cast %while3A_599 : i32 to index
      %swap3A_623 = arith.constant 16 : index
      %swap3A_624 = tpu.vector_load %arg11[%swap3A_622, %swap3A_623] {strides = array<i32>} : memref<32x128xf32, #tpu.memory_space<vmem>>, vector<16xf32>,
      tpu.vector_store %arg11[%swap3A_622, %swap3A_623], %gather3A_621 {strides = array<i32>} : memref<32x128xf32, #tpu.memory_space<vmem>>, vector<16xf32>,
      %mul3A_625 = arith.constant 4 : i32
      %mul3A_626 = arith.muli %while3A_599, %mul3A_625 : i32
      %add3A_627 = arith.constant 1 : i32
      %add3A_628 = arith.addi %mul3A_626, %add3A_627 : i32
      %broadcast_in_dim3A_629 = vector.broadcast %add3A_628 : i32 to vector<16xi32>
      %add3A_630 = arith.constant 384 : i32
      %add3A_631 = vector.broadcast %add3A_630 : i32 to vector<16xi32>
      %add3A_632 = arith.addi %broadcast_in_dim3A_629, %add3A_631 : vector<16xi32>
      %gather3A_633 = tpu.vector_load_idx %arg8[%add3A_632] : memref<512xi32, #tpu.memory_space<vmem>>[vector<16xi32>], vector<16xi32>,
      %and3A_634 = arith.constant 1 : i32
      %and3A_635 = vector.broadcast %and3A_634 : i32 to vector<16xi32>
      %and3A_636 = arith.andi %gather3A_633, %and3A_635 : vector<16xi32>
      %mul3A_637 = arith.constant 64 : i32
      %mul3A_638 = vector.broadcast %mul3A_637 : i32 to vector<16xi32>
      %mul3A_639 = arith.muli %and3A_636, %mul3A_638 : vector<16xi32>
      %add3A_640 = arith.addi %mul3A_639, %mul3A_489 : vector<16xi32>
      %gather3A_641 = tpu.vector_load_idx %arg10[%broadcast_in_dim3A_629, %add3A_640] : memref<128x128xi32, #tpu.memory_space<vmem>>[vector<16xi32>, vector<16xi32>], vector<16xi32>,
      %gather3A_642 = tpu.vector_load_idx %arg6[%gather3A_641] : memref<100000xf32, #tpu.memory_space<vmem>>[vector<16xi32>], vector<16xf32>,
      %swap3A_643 = arith.index_cast %while3A_599 : i32 to index
      %swap3A_644 = arith.constant 32 : index
      %swap3A_645 = tpu.vector_load %arg11[%swap3A_643, %swap3A_644] {strides = array<i32>} : memref<32x128xf32, #tpu.memory_space<vmem>>, vector<16xf32>,
      tpu.vector_store %arg11[%swap3A_643, %swap3A_644], %gather3A_642 {strides = array<i32>} : memref<32x128xf32, #tpu.memory_space<vmem>>, vector<16xf32>,
      %add3A_646 = arith.addi %mul3A_639, %add3A_492 : vector<16xi32>
      %gather3A_647 = tpu.vector_load_idx %arg10[%broadcast_in_dim3A_629, %add3A_646] : memref<128x128xi32, #tpu.memory_space<vmem>>[vector<16xi32>, vector<16xi32>], vector<16xi32>,
      %gather3A_648 = tpu.vector_load_idx %arg6[%gather3A_647] : memref<100000xf32, #tpu.memory_space<vmem>>[vector<16xi32>], vector<16xf32>,
      %swap3A_649 = arith.index_cast %while3A_599 : i32 to index
      %swap3A_650 = arith.constant 48 : index
      %swap3A_651 = tpu.vector_load %arg11[%swap3A_649, %swap3A_650] {strides = array<i32>} : memref<32x128xf32, #tpu.memory_space<vmem>>, vector<16xf32>,
      tpu.vector_store %arg11[%swap3A_649, %swap3A_650], %gather3A_648 {strides = array<i32>} : memref<32x128xf32, #tpu.memory_space<vmem>>, vector<16xf32>,
      %mul3A_652 = arith.constant 4 : i32
      %mul3A_653 = arith.muli %while3A_599, %mul3A_652 : i32
      %add3A_654 = arith.constant 2 : i32
      %add3A_655 = arith.addi %mul3A_653, %add3A_654 : i32
      %broadcast_in_dim3A_656 = vector.broadcast %add3A_655 : i32 to vector<16xi32>
      %add3A_657 = arith.constant 384 : i32
      %add3A_658 = vector.broadcast %add3A_657 : i32 to vector<16xi32>
      %add3A_659 = arith.addi %broadcast_in_dim3A_656, %add3A_658 : vector<16xi32>
      %gather3A_660 = tpu.vector_load_idx %arg8[%add3A_659] : memref<512xi32, #tpu.memory_space<vmem>>[vector<16xi32>], vector<16xi32>,
      %and3A_661 = arith.constant 1 : i32
      %and3A_662 = vector.broadcast %and3A_661 : i32 to vector<16xi32>
      %and3A_663 = arith.andi %gather3A_660, %and3A_662 : vector<16xi32>
      %mul3A_664 = arith.constant 64 : i32
      %mul3A_665 = vector.broadcast %mul3A_664 : i32 to vector<16xi32>
      %mul3A_666 = arith.muli %and3A_663, %mul3A_665 : vector<16xi32>
      %add3A_667 = arith.addi %mul3A_666, %mul3A_489 : vector<16xi32>
      %gather3A_668 = tpu.vector_load_idx %arg10[%broadcast_in_dim3A_656, %add3A_667] : memref<128x128xi32, #tpu.memory_space<vmem>>[vector<16xi32>, vector<16xi32>], vector<16xi32>,
      %gather3A_669 = tpu.vector_load_idx %arg6[%gather3A_668] : memref<100000xf32, #tpu.memory_space<vmem>>[vector<16xi32>], vector<16xf32>,
      %swap3A_670 = arith.index_cast %while3A_599 : i32 to index
      %swap3A_671 = arith.constant 64 : index
      %swap3A_672 = tpu.vector_load %arg11[%swap3A_670, %swap3A_671] {strides = array<i32>} : memref<32x128xf32, #tpu.memory_space<vmem>>, vector<16xf32>,
      tpu.vector_store %arg11[%swap3A_670, %swap3A_671], %gather3A_669 {strides = array<i32>} : memref<32x128xf32, #tpu.memory_space<vmem>>, vector<16xf32>,
      %add3A_673 = arith.addi %mul3A_666, %add3A_492 : vector<16xi32>
      %gather3A_674 = tpu.vector_load_idx %arg10[%broadcast_in_dim3A_656, %add3A_673] : memref<128x128xi32, #tpu.memory_space<vmem>>[vector<16xi32>, vector<16xi32>], vector<16xi32>,
      %gather3A_675 = tpu.vector_load_idx %arg6[%gather3A_674] : memref<100000xf32, #tpu.memory_space<vmem>>[vector<16xi32>], vector<16xf32>,
      %swap3A_676 = arith.index_cast %while3A_599 : i32 to index
      %swap3A_677 = arith.constant 80 : index
      %swap3A_678 = tpu.vector_load %arg11[%swap3A_676, %swap3A_677] {strides = array<i32>} : memref<32x128xf32, #tpu.memory_space<vmem>>, vector<16xf32>,
      tpu.vector_store %arg11[%swap3A_676, %swap3A_677], %gather3A_675 {strides = array<i32>} : memref<32x128xf32, #tpu.memory_space<vmem>>, vector<16xf32>,
      %mul3A_679 = arith.constant 4 : i32
      %mul3A_680 = arith.muli %while3A_599, %mul3A_679 : i32
      %add3A_681 = arith.constant 3 : i32
      %add3A_682 = arith.addi %mul3A_680, %add3A_681 : i32
      %broadcast_in_dim3A_683 = vector.broadcast %add3A_682 : i32 to vector<16xi32>
      %add3A_684 = arith.constant 384 : i32
      %add3A_685 = vector.broadcast %add3A_684 : i32 to vector<16xi32>
      %add3A_686 = arith.addi %broadcast_in_dim3A_683, %add3A_685 : vector<16xi32>
      %gather3A_687 = tpu.vector_load_idx %arg8[%add3A_686] : memref<512xi32, #tpu.memory_space<vmem>>[vector<16xi32>], vector<16xi32>,
      %and3A_688 = arith.constant 1 : i32
      %and3A_689 = vector.broadcast %and3A_688 : i32 to vector<16xi32>
      %and3A_690 = arith.andi %gather3A_687, %and3A_689 : vector<16xi32>
      %mul3A_691 = arith.constant 64 : i32
      %mul3A_692 = vector.broadcast %mul3A_691 : i32 to vector<16xi32>
      %mul3A_693 = arith.muli %and3A_690, %mul3A_692 : vector<16xi32>
      %add3A_694 = arith.addi %mul3A_693, %mul3A_489 : vector<16xi32>
      %gather3A_695 = tpu.vector_load_idx %arg10[%broadcast_in_dim3A_683, %add3A_694] : memref<128x128xi32, #tpu.memory_space<vmem>>[vector<16xi32>, vector<16xi32>], vector<16xi32>,
      %gather3A_696 = tpu.vector_load_idx %arg6[%gather3A_695] : memref<100000xf32, #tpu.memory_space<vmem>>[vector<16xi32>], vector<16xf32>,
      %swap3A_697 = arith.index_cast %while3A_599 : i32 to index
      %swap3A_698 = arith.constant 96 : index
      %swap3A_699 = tpu.vector_load %arg11[%swap3A_697, %swap3A_698] {strides = array<i32>} : memref<32x128xf32, #tpu.memory_space<vmem>>, vector<16xf32>,
      tpu.vector_store %arg11[%swap3A_697, %swap3A_698], %gather3A_696 {strides = array<i32>} : memref<32x128xf32, #tpu.memory_space<vmem>>, vector<16xf32>,
      %add3A_700 = arith.addi %mul3A_693, %add3A_492 : vector<16xi32>
      %gather3A_701 = tpu.vector_load_idx %arg10[%broadcast_in_dim3A_683, %add3A_700] : memref<128x128xi32, #tpu.memory_space<vmem>>[vector<16xi32>, vector<16xi32>], vector<16xi32>,
      %gather3A_702 = tpu.vector_load_idx %arg6[%gather3A_701] : memref<100000xf32, #tpu.memory_space<vmem>>[vector<16xi32>], vector<16xf32>,
      %swap3A_703 = arith.index_cast %while3A_599 : i32 to index
      %swap3A_704 = arith.constant 112 : index
      %swap3A_705 = tpu.vector_load %arg11[%swap3A_703, %swap3A_704] {strides = array<i32>} : memref<32x128xf32, #tpu.memory_space<vmem>>, vector<16xf32>,
      tpu.vector_store %arg11[%swap3A_703, %swap3A_704], %gather3A_702 {strides = array<i32>} : memref<32x128xf32, #tpu.memory_space<vmem>>, vector<16xf32>,
      %add3A_706 = arith.constant 1 : i32
      %add3A_707 = arith.addi %while3A_599, %add3A_706 : i32
      scf.yield %add3A_707 : i32
    }
    %mul3A_594 = arith.constant 128 : i32
    %mul3A_595 = arith.muli %add3A, %mul3A_594 : i32
    %add3A_596 = arith.constant 96 : i32
    %add3A_597 = arith.addi %mul3A_595, %add3A_596 : i32
    "tpu.region"() ({
      %run_scoped3A = tpu.sem_alloc : memref<!tpu.dma_semaphore, #tpu.memory_space<semaphore_mem>>
      %dma_start3A_598 = arith.constant 0 : i32
      %dma_start3A_599 = tpu.memref_slice %arg5[%add3A_597, %dma_start3A_598] : memref<4096x128xf32, #tpu.memory_space<hbm>> -> memref<32x128xf32, #tpu.memory_space<hbm>>
      %dma_start3A_600 = arith.constant 0 : i32
      %dma_start3A_601 = tpu.memref_slice %arg5[%add3A_597, %dma_start3A_600] : memref<4096x128xf32, #tpu.memory_space<hbm>> -> memref<32x128xf32, #tpu.memory_space<hbm>>
      tpu.enqueue_dma source(%arg11 : memref<32x128xf32, #tpu.memory_space<vmem>>) target(%dma_start3A_601 : memref<32x128xf32, #tpu.memory_space<hbm>>) target_semaphore(%run_scoped3A : memref<!tpu.dma_semaphore, #tpu.memory_space<semaphore_mem>>)
      %dma_wait3A_602 = arith.constant 0 : i32
      %dma_wait3A_603 = tpu.memref_slice %arg5[%add3A_597, %dma_wait3A_602] : memref<4096x128xf32, #tpu.memory_space<hbm>> -> memref<32x128xf32, #tpu.memory_space<hbm>>
      %dma_wait3A_604 = arith.constant 0 : i32
      %dma_wait3A_605 = tpu.memref_slice %arg5[%add3A_597, %dma_wait3A_604] : memref<4096x128xf32, #tpu.memory_space<hbm>> -> memref<32x128xf32, #tpu.memory_space<hbm>>
      tpu.wait_dma2 semaphore(%run_scoped3A : memref<!tpu.dma_semaphore, #tpu.memory_space<semaphore_mem>>) src(%arg11 : memref<32x128xf32, #tpu.memory_space<vmem>>) dst(%dma_wait3A_605 : memref<32x128xf32, #tpu.memory_space<hbm>>)
      tpu.yield
    }) : () -> ()
    return
  }
}

module attributes {stable_mosaic.version = 14 : i64} {
  func.func @_tc_sample_body(%arg0: i32, %arg1: memref<1xi32, #tpu.memory_space<smem>>, %arg2: memref<4096x128xf32, #tpu.memory_space<vmem>>, %arg3: memref<32xi32, #tpu.memory_space<smem>>, %arg4: memref<32xi32, #tpu.memory_space<smem>>, %arg5: memref<4096x128xf32, #tpu.memory_space<vmem>>) attributes {dimension_semantics = [#tpu.dimension_semantics<arbitrary>], iteration_bounds = array<i64: 32>, scalar_prefetch = 0 : i64, scratch_operands = 1 : i64, tpu.core_type = #tpu.core_type<tc>, window_params = [{transform_indices = @transform_0, window_bounds = array<i64: 1>}, {pipeline_mode = #tpu.pipeline_mode<synchronous>, transform_indices = @transform_1, window_bounds = array<i64: 4096, 128>}, {transform_indices = @transform_2, window_bounds = array<i64: 32>}, {transform_indices = @transform_3, window_bounds = array<i64: 32>}]} {
    %eq3A = arith.constant 0 : i32
    %eq3A_0 = arith.cmpi eq, %arg0, %eq3A : i32
    %convert_element_type3A = arith.extui %eq3A_0 : i1 to i32
    %cond3A = arith.constant 0 : i32
    %cond3A_1 = arith.cmpi ne, %convert_element_type3A, %cond3A : i32
    scf.if %cond3A_1 {
      %get3A_21 = arith.constant 0 : index
      %get3A_22 = arith.constant 0 : index
      %get3A_23 = vector.load %arg2[%get3A_21, %get3A_22] : memref<4096x128xf32, #tpu.memory_space<vmem>>, vector<4096x128xf32>
      %log3A = math.log %get3A_23 : vector<4096x128xf32>
      %swap3A_24 = arith.constant 0 : index
      %swap3A_25 = arith.constant 0 : index
      %swap3A_26 = vector.load %arg5[%swap3A_24, %swap3A_25] : memref<4096x128xf32, #tpu.memory_space<vmem>>, vector<4096x128xf32>
      tpu.vector_store %arg5[%swap3A_24, %swap3A_25], %log3A {strides = array<i32>} : memref<4096x128xf32, #tpu.memory_space<vmem>>, vector<4096x128xf32>,
    } else {
    }
    %get3A = arith.constant 0 : index
    %get3A_2 = memref.load %arg1[%get3A] : memref<1xi32, #tpu.memory_space<smem>>
    %sub3A = arith.constant 25 : i32
    %sub3A_3 = arith.subi %get3A_2, %sub3A : i32
    %jit3A = arith.constant 0 : i32
    %jit3A_4 = arith.constant 31 : i32
    %max3A = arith.maxsi %jit3A, %sub3A_3 : i32
    %min3A = arith.minsi %jit3A_4, %max3A : i32
    %sub3A_5 = arith.constant 1 : i32
    %sub3A_6 = arith.subi %get3A_2, %sub3A_5 : i32
    %jit3A_7 = arith.constant 0 : i32
    %jit3A_8 = arith.constant 31 : i32
    %max3A_9 = arith.maxsi %jit3A_7, %sub3A_6 : i32
    %min3A_10 = arith.minsi %jit3A_8, %max3A_9 : i32
    %swap3A = arith.constant 0 : i32
    %swap3A_11 = arith.index_cast %arg0 : i32 to index
    %swap3A_12 = memref.load %arg3[%swap3A_11] : memref<32xi32, #tpu.memory_space<smem>>
    memref.store %swap3A, %arg3[%swap3A_11] : memref<32xi32, #tpu.memory_space<smem>>
    %ge3A = arith.cmpi sge, %arg0, %min3A : i32
    %le3A = arith.cmpi sle, %arg0, %min3A_10 : i32
    %and3A = arith.andi %ge3A, %le3A : i1
    %convert_element_type3A_13 = arith.extui %and3A : i1 to i32
    %cond3A_14 = arith.constant 0 : i32
    %cond3A_15 = arith.cmpi ne, %convert_element_type3A_13, %cond3A_14 : i32
    scf.if %cond3A_15 {
      %iota3A = tpu.iota {dimensions = array<i32: 0>} : vector<64x128xi32>
      %mul3A = arith.constant 128 : i32
      %mul3A_21 = vector.broadcast %mul3A : i32 to vector<64x128xi32>
      %mul3A_22 = arith.muli %iota3A, %mul3A_21 : vector<64x128xi32>
      %iota3A_23 = tpu.iota {dimensions = array<i32: 1>} : vector<64x128xi32>
      %add3A = arith.addi %mul3A_22, %iota3A_23 : vector<64x128xi32>
      %broadcast_in_dim3A = arith.constant 0xFF800000 : f32
      %broadcast_in_dim3A_24 = vector.broadcast %broadcast_in_dim3A : f32 to vector<64x128xf32>
      %broadcast_in_dim3A_25 = arith.constant 0 : i32
      %broadcast_in_dim3A_26 = vector.broadcast %broadcast_in_dim3A_25 : i32 to vector<64x128xi32>
      %while3A = arith.constant 0 : i32
      %while3A_27 = arith.constant 64 : i32
      %while3A_28 = arith.constant 0 : i32
      %while3A_29 = arith.subi %while3A_27, %while3A : i32
      %while3A_30 = arith.addi %while3A, %while3A_29 : i32
      %while3A_31 = arith.constant 1 : i32
      %while3A_32 = arith.divsi %while3A_29, %while3A_31 : i32
      %while3A_33 = arith.muli %while3A_32, %while3A_31 : i32
      %while3A_34 = arith.addi %while3A, %while3A_33 : i32
      %while3A_35 = arith.constant 1 : i32
      %while3A_36:3 = scf.for %while3A_55 = %while3A to %while3A_34 step %while3A_35 iter_args(%while3A_56 = %while3A_28, %while3A_57 = %broadcast_in_dim3A_24, %while3A_58 = %broadcast_in_dim3A_26) -> (i32, vector<64x128xf32>, vector<64x128xi32>)  : i32 {
        %mul3A_59 = arith.constant 8192 : i32
        %mul3A_60 = arith.muli %while3A_56, %mul3A_59 : i32
        %add3A_61 = vector.broadcast %mul3A_60 : i32 to vector<64x128xi32>
        %add3A_62 = arith.addi %add3A_61, %add3A : vector<64x128xi32>
        %mul3A_63 = arith.constant 524288 : i32
        %mul3A_64 = arith.muli %arg0, %mul3A_63 : i32
        %add3A_65 = vector.broadcast %mul3A_64 : i32 to vector<64x128xi32>
        %add3A_66 = arith.addi %add3A_65, %add3A_62 : vector<64x128xi32>
        %broadcast_in_dim3A_67 = arith.constant -2047452283 : i32
        %broadcast_in_dim3A_68 = vector.broadcast %broadcast_in_dim3A_67 : i32 to vector<64x128xi32>
        %add3A_69 = arith.constant -1749498911 : i32
        %add3A_70 = vector.broadcast %add3A_69 : i32 to vector<64x128xi32>
        %add3A_71 = arith.addi %add3A_66, %add3A_70 : vector<64x128xi32>
        %add3A_72 = arith.addi %broadcast_in_dim3A_68, %add3A_71 : vector<64x128xi32>
        %shift_left3A = arith.constant 13 : i32
        %shift_left3A_73 = vector.broadcast %shift_left3A : i32 to vector<64x128xi32>
        %shift_left3A_74 = arith.shli %add3A_71, %shift_left3A_73 : vector<64x128xi32>
        %shift_right_logical3A = arith.constant 19 : i32
        %shift_right_logical3A_75 = vector.broadcast %shift_right_logical3A : i32 to vector<64x128xi32>
        %shift_right_logical3A_76 = arith.shrui %add3A_71, %shift_right_logical3A_75 : vector<64x128xi32>
        %or3A = arith.ori %shift_left3A_74, %shift_right_logical3A_76 : vector<64x128xi32>
        %xor3A = arith.xori %add3A_72, %or3A : vector<64x128xi32>
        %add3A_77 = arith.addi %add3A_72, %xor3A : vector<64x128xi32>
        %shift_left3A_78 = arith.constant 15 : i32
        %shift_left3A_79 = vector.broadcast %shift_left3A_78 : i32 to vector<64x128xi32>
        %shift_left3A_80 = arith.shli %xor3A, %shift_left3A_79 : vector<64x128xi32>
        %shift_right_logical3A_81 = arith.constant 17 : i32
        %shift_right_logical3A_82 = vector.broadcast %shift_right_logical3A_81 : i32 to vector<64x128xi32>
        %shift_right_logical3A_83 = arith.shrui %xor3A, %shift_right_logical3A_82 : vector<64x128xi32>
        %or3A_84 = arith.ori %shift_left3A_80, %shift_right_logical3A_83 : vector<64x128xi32>
        %xor3A_85 = arith.xori %add3A_77, %or3A_84 : vector<64x128xi32>
        %add3A_86 = arith.addi %add3A_77, %xor3A_85 : vector<64x128xi32>
        %shift_left3A_87 = arith.constant 26 : i32
        %shift_left3A_88 = vector.broadcast %shift_left3A_87 : i32 to vector<64x128xi32>
        %shift_left3A_89 = arith.shli %xor3A_85, %shift_left3A_88 : vector<64x128xi32>
        %shift_right_logical3A_90 = arith.constant 6 : i32
        %shift_right_logical3A_91 = vector.broadcast %shift_right_logical3A_90 : i32 to vector<64x128xi32>
        %shift_right_logical3A_92 = arith.shrui %xor3A_85, %shift_right_logical3A_91 : vector<64x128xi32>
        %or3A_93 = arith.ori %shift_left3A_89, %shift_right_logical3A_92 : vector<64x128xi32>
        %xor3A_94 = arith.xori %add3A_86, %or3A_93 : vector<64x128xi32>
        %add3A_95 = arith.addi %add3A_86, %xor3A_94 : vector<64x128xi32>
        %shift_left3A_96 = arith.constant 6 : i32
        %shift_left3A_97 = vector.broadcast %shift_left3A_96 : i32 to vector<64x128xi32>
        %shift_left3A_98 = arith.shli %xor3A_94, %shift_left3A_97 : vector<64x128xi32>
        %shift_right_logical3A_99 = arith.constant 26 : i32
        %shift_right_logical3A_100 = vector.broadcast %shift_right_logical3A_99 : i32 to vector<64x128xi32>
        %shift_right_logical3A_101 = arith.shrui %xor3A_94, %shift_right_logical3A_100 : vector<64x128xi32>
        %or3A_102 = arith.ori %shift_left3A_98, %shift_right_logical3A_101 : vector<64x128xi32>
        %xor3A_103 = arith.xori %add3A_95, %or3A_102 : vector<64x128xi32>
        %add3A_104 = arith.constant -1749498911 : i32
        %add3A_105 = vector.broadcast %add3A_104 : i32 to vector<64x128xi32>
        %add3A_106 = arith.addi %add3A_95, %add3A_105 : vector<64x128xi32>
        %add3A_107 = arith.constant 161448895 : i32
        %add3A_108 = vector.broadcast %add3A_107 : i32 to vector<64x128xi32>
        %add3A_109 = arith.addi %xor3A_103, %add3A_108 : vector<64x128xi32>
        %add3A_110 = arith.addi %add3A_106, %add3A_109 : vector<64x128xi32>
        %shift_left3A_111 = arith.constant 17 : i32
        %shift_left3A_112 = vector.broadcast %shift_left3A_111 : i32 to vector<64x128xi32>
        %shift_left3A_113 = arith.shli %add3A_109, %shift_left3A_112 : vector<64x128xi32>
        %shift_right_logical3A_114 = arith.constant 15 : i32
        %shift_right_logical3A_115 = vector.broadcast %shift_right_logical3A_114 : i32 to vector<64x128xi32>
        %shift_right_logical3A_116 = arith.shrui %add3A_109, %shift_right_logical3A_115 : vector<64x128xi32>
        %or3A_117 = arith.ori %shift_left3A_113, %shift_right_logical3A_116 : vector<64x128xi32>
        %xor3A_118 = arith.xori %add3A_110, %or3A_117 : vector<64x128xi32>
        %add3A_119 = arith.addi %add3A_110, %xor3A_118 : vector<64x128xi32>
        %shift_left3A_120 = arith.constant 29 : i32
        %shift_left3A_121 = vector.broadcast %shift_left3A_120 : i32 to vector<64x128xi32>
        %shift_left3A_122 = arith.shli %xor3A_118, %shift_left3A_121 : vector<64x128xi32>
        %shift_right_logical3A_123 = arith.constant 3 : i32
        %shift_right_logical3A_124 = vector.broadcast %shift_right_logical3A_123 : i32 to vector<64x128xi32>
        %shift_right_logical3A_125 = arith.shrui %xor3A_118, %shift_right_logical3A_124 : vector<64x128xi32>
        %or3A_126 = arith.ori %shift_left3A_122, %shift_right_logical3A_125 : vector<64x128xi32>
        %xor3A_127 = arith.xori %add3A_119, %or3A_126 : vector<64x128xi32>
        %add3A_128 = arith.addi %add3A_119, %xor3A_127 : vector<64x128xi32>
        %shift_left3A_129 = arith.constant 16 : i32
        %shift_left3A_130 = vector.broadcast %shift_left3A_129 : i32 to vector<64x128xi32>
        %shift_left3A_131 = arith.shli %xor3A_127, %shift_left3A_130 : vector<64x128xi32>
        %shift_right_logical3A_132 = arith.constant 16 : i32
        %shift_right_logical3A_133 = vector.broadcast %shift_right_logical3A_132 : i32 to vector<64x128xi32>
        %shift_right_logical3A_134 = arith.shrui %xor3A_127, %shift_right_logical3A_133 : vector<64x128xi32>
        %or3A_135 = arith.ori %shift_left3A_131, %shift_right_logical3A_134 : vector<64x128xi32>
        %xor3A_136 = arith.xori %add3A_128, %or3A_135 : vector<64x128xi32>
        %add3A_137 = arith.addi %add3A_128, %xor3A_136 : vector<64x128xi32>
        %shift_left3A_138 = arith.constant 24 : i32
        %shift_left3A_139 = vector.broadcast %shift_left3A_138 : i32 to vector<64x128xi32>
        %shift_left3A_140 = arith.shli %xor3A_136, %shift_left3A_139 : vector<64x128xi32>
        %shift_right_logical3A_141 = arith.constant 8 : i32
        %shift_right_logical3A_142 = vector.broadcast %shift_right_logical3A_141 : i32 to vector<64x128xi32>
        %shift_right_logical3A_143 = arith.shrui %xor3A_136, %shift_right_logical3A_142 : vector<64x128xi32>
        %or3A_144 = arith.ori %shift_left3A_140, %shift_right_logical3A_143 : vector<64x128xi32>
        %xor3A_145 = arith.xori %add3A_137, %or3A_144 : vector<64x128xi32>
        %add3A_146 = arith.constant 161448894 : i32
        %add3A_147 = vector.broadcast %add3A_146 : i32 to vector<64x128xi32>
        %add3A_148 = arith.addi %add3A_137, %add3A_147 : vector<64x128xi32>
        %add3A_149 = arith.constant -2047452281 : i32
        %add3A_150 = vector.broadcast %add3A_149 : i32 to vector<64x128xi32>
        %add3A_151 = arith.addi %xor3A_145, %add3A_150 : vector<64x128xi32>
        %add3A_152 = arith.addi %add3A_148, %add3A_151 : vector<64x128xi32>
        %shift_left3A_153 = arith.constant 13 : i32
        %shift_left3A_154 = vector.broadcast %shift_left3A_153 : i32 to vector<64x128xi32>
        %shift_left3A_155 = arith.shli %add3A_151, %shift_left3A_154 : vector<64x128xi32>
        %shift_right_logical3A_156 = arith.constant 19 : i32
        %shift_right_logical3A_157 = vector.broadcast %shift_right_logical3A_156 : i32 to vector<64x128xi32>
        %shift_right_logical3A_158 = arith.shrui %add3A_151, %shift_right_logical3A_157 : vector<64x128xi32>
        %or3A_159 = arith.ori %shift_left3A_155, %shift_right_logical3A_158 : vector<64x128xi32>
        %xor3A_160 = arith.xori %add3A_152, %or3A_159 : vector<64x128xi32>
        %add3A_161 = arith.addi %add3A_152, %xor3A_160 : vector<64x128xi32>
        %shift_left3A_162 = arith.constant 15 : i32
        %shift_left3A_163 = vector.broadcast %shift_left3A_162 : i32 to vector<64x128xi32>
        %shift_left3A_164 = arith.shli %xor3A_160, %shift_left3A_163 : vector<64x128xi32>
        %shift_right_logical3A_165 = arith.constant 17 : i32
        %shift_right_logical3A_166 = vector.broadcast %shift_right_logical3A_165 : i32 to vector<64x128xi32>
        %shift_right_logical3A_167 = arith.shrui %xor3A_160, %shift_right_logical3A_166 : vector<64x128xi32>
        %or3A_168 = arith.ori %shift_left3A_164, %shift_right_logical3A_167 : vector<64x128xi32>
        %xor3A_169 = arith.xori %add3A_161, %or3A_168 : vector<64x128xi32>
        %add3A_170 = arith.addi %add3A_161, %xor3A_169 : vector<64x128xi32>
        %shift_left3A_171 = arith.constant 26 : i32
        %shift_left3A_172 = vector.broadcast %shift_left3A_171 : i32 to vector<64x128xi32>
        %shift_left3A_173 = arith.shli %xor3A_169, %shift_left3A_172 : vector<64x128xi32>
        %shift_right_logical3A_174 = arith.constant 6 : i32
        %shift_right_logical3A_175 = vector.broadcast %shift_right_logical3A_174 : i32 to vector<64x128xi32>
        %shift_right_logical3A_176 = arith.shrui %xor3A_169, %shift_right_logical3A_175 : vector<64x128xi32>
        %or3A_177 = arith.ori %shift_left3A_173, %shift_right_logical3A_176 : vector<64x128xi32>
        %xor3A_178 = arith.xori %add3A_170, %or3A_177 : vector<64x128xi32>
        %add3A_179 = arith.addi %add3A_170, %xor3A_178 : vector<64x128xi32>
        %shift_left3A_180 = arith.constant 6 : i32
        %shift_left3A_181 = vector.broadcast %shift_left3A_180 : i32 to vector<64x128xi32>
        %shift_left3A_182 = arith.shli %xor3A_178, %shift_left3A_181 : vector<64x128xi32>
        %shift_right_logical3A_183 = arith.constant 26 : i32
        %shift_right_logical3A_184 = vector.broadcast %shift_right_logical3A_183 : i32 to vector<64x128xi32>
        %shift_right_logical3A_185 = arith.shrui %xor3A_178, %shift_right_logical3A_184 : vector<64x128xi32>
        %or3A_186 = arith.ori %shift_left3A_182, %shift_right_logical3A_185 : vector<64x128xi32>
        %xor3A_187 = arith.xori %add3A_179, %or3A_186 : vector<64x128xi32>
        %add3A_188 = arith.constant -2047452283 : i32
        %add3A_189 = vector.broadcast %add3A_188 : i32 to vector<64x128xi32>
        %add3A_190 = arith.addi %add3A_179, %add3A_189 : vector<64x128xi32>
        %add3A_191 = arith.constant -1749498908 : i32
        %add3A_192 = vector.broadcast %add3A_191 : i32 to vector<64x128xi32>
        %add3A_193 = arith.addi %xor3A_187, %add3A_192 : vector<64x128xi32>
        %add3A_194 = arith.addi %add3A_190, %add3A_193 : vector<64x128xi32>
        %shift_left3A_195 = arith.constant 17 : i32
        %shift_left3A_196 = vector.broadcast %shift_left3A_195 : i32 to vector<64x128xi32>
        %shift_left3A_197 = arith.shli %add3A_193, %shift_left3A_196 : vector<64x128xi32>
        %shift_right_logical3A_198 = arith.constant 15 : i32
        %shift_right_logical3A_199 = vector.broadcast %shift_right_logical3A_198 : i32 to vector<64x128xi32>
        %shift_right_logical3A_200 = arith.shrui %add3A_193, %shift_right_logical3A_199 : vector<64x128xi32>
        %or3A_201 = arith.ori %shift_left3A_197, %shift_right_logical3A_200 : vector<64x128xi32>
        %xor3A_202 = arith.xori %add3A_194, %or3A_201 : vector<64x128xi32>
        %add3A_203 = arith.addi %add3A_194, %xor3A_202 : vector<64x128xi32>
        %shift_left3A_204 = arith.constant 29 : i32
        %shift_left3A_205 = vector.broadcast %shift_left3A_204 : i32 to vector<64x128xi32>
        %shift_left3A_206 = arith.shli %xor3A_202, %shift_left3A_205 : vector<64x128xi32>
        %shift_right_logical3A_207 = arith.constant 3 : i32
        %shift_right_logical3A_208 = vector.broadcast %shift_right_logical3A_207 : i32 to vector<64x128xi32>
        %shift_right_logical3A_209 = arith.shrui %xor3A_202, %shift_right_logical3A_208 : vector<64x128xi32>
        %or3A_210 = arith.ori %shift_left3A_206, %shift_right_logical3A_209 : vector<64x128xi32>
        %xor3A_211 = arith.xori %add3A_203, %or3A_210 : vector<64x128xi32>
        %add3A_212 = arith.addi %add3A_203, %xor3A_211 : vector<64x128xi32>
        %shift_left3A_213 = arith.constant 16 : i32
        %shift_left3A_214 = vector.broadcast %shift_left3A_213 : i32 to vector<64x128xi32>
        %shift_left3A_215 = arith.shli %xor3A_211, %shift_left3A_214 : vector<64x128xi32>
        %shift_right_logical3A_216 = arith.constant 16 : i32
        %shift_right_logical3A_217 = vector.broadcast %shift_right_logical3A_216 : i32 to vector<64x128xi32>
        %shift_right_logical3A_218 = arith.shrui %xor3A_211, %shift_right_logical3A_217 : vector<64x128xi32>
        %or3A_219 = arith.ori %shift_left3A_215, %shift_right_logical3A_218 : vector<64x128xi32>
        %xor3A_220 = arith.xori %add3A_212, %or3A_219 : vector<64x128xi32>
        %add3A_221 = arith.addi %add3A_212, %xor3A_220 : vector<64x128xi32>
        %shift_left3A_222 = arith.constant 24 : i32
        %shift_left3A_223 = vector.broadcast %shift_left3A_222 : i32 to vector<64x128xi32>
        %shift_left3A_224 = arith.shli %xor3A_220, %shift_left3A_223 : vector<64x128xi32>
        %shift_right_logical3A_225 = arith.constant 8 : i32
        %shift_right_logical3A_226 = vector.broadcast %shift_right_logical3A_225 : i32 to vector<64x128xi32>
        %shift_right_logical3A_227 = arith.shrui %xor3A_220, %shift_right_logical3A_226 : vector<64x128xi32>
        %or3A_228 = arith.ori %shift_left3A_224, %shift_right_logical3A_227 : vector<64x128xi32>
        %xor3A_229 = arith.xori %add3A_221, %or3A_228 : vector<64x128xi32>
        %add3A_230 = arith.constant -1749498911 : i32
        %add3A_231 = vector.broadcast %add3A_230 : i32 to vector<64x128xi32>
        %add3A_232 = arith.addi %add3A_221, %add3A_231 : vector<64x128xi32>
        %add3A_233 = arith.constant 161448898 : i32
        %add3A_234 = vector.broadcast %add3A_233 : i32 to vector<64x128xi32>
        %add3A_235 = arith.addi %xor3A_229, %add3A_234 : vector<64x128xi32>
        %add3A_236 = arith.addi %add3A_232, %add3A_235 : vector<64x128xi32>
        %shift_left3A_237 = arith.constant 13 : i32
        %shift_left3A_238 = vector.broadcast %shift_left3A_237 : i32 to vector<64x128xi32>
        %shift_left3A_239 = arith.shli %add3A_235, %shift_left3A_238 : vector<64x128xi32>
        %shift_right_logical3A_240 = arith.constant 19 : i32
        %shift_right_logical3A_241 = vector.broadcast %shift_right_logical3A_240 : i32 to vector<64x128xi32>
        %shift_right_logical3A_242 = arith.shrui %add3A_235, %shift_right_logical3A_241 : vector<64x128xi32>
        %or3A_243 = arith.ori %shift_left3A_239, %shift_right_logical3A_242 : vector<64x128xi32>
        %xor3A_244 = arith.xori %add3A_236, %or3A_243 : vector<64x128xi32>
        %add3A_245 = arith.addi %add3A_236, %xor3A_244 : vector<64x128xi32>
        %shift_left3A_246 = arith.constant 15 : i32
        %shift_left3A_247 = vector.broadcast %shift_left3A_246 : i32 to vector<64x128xi32>
        %shift_left3A_248 = arith.shli %xor3A_244, %shift_left3A_247 : vector<64x128xi32>
        %shift_right_logical3A_249 = arith.constant 17 : i32
        %shift_right_logical3A_250 = vector.broadcast %shift_right_logical3A_249 : i32 to vector<64x128xi32>
        %shift_right_logical3A_251 = arith.shrui %xor3A_244, %shift_right_logical3A_250 : vector<64x128xi32>
        %or3A_252 = arith.ori %shift_left3A_248, %shift_right_logical3A_251 : vector<64x128xi32>
        %xor3A_253 = arith.xori %add3A_245, %or3A_252 : vector<64x128xi32>
        %add3A_254 = arith.addi %add3A_245, %xor3A_253 : vector<64x128xi32>
        %shift_left3A_255 = arith.constant 26 : i32
        %shift_left3A_256 = vector.broadcast %shift_left3A_255 : i32 to vector<64x128xi32>
        %shift_left3A_257 = arith.shli %xor3A_253, %shift_left3A_256 : vector<64x128xi32>
        %shift_right_logical3A_258 = arith.constant 6 : i32
        %shift_right_logical3A_259 = vector.broadcast %shift_right_logical3A_258 : i32 to vector<64x128xi32>
        %shift_right_logical3A_260 = arith.shrui %xor3A_253, %shift_right_logical3A_259 : vector<64x128xi32>
        %or3A_261 = arith.ori %shift_left3A_257, %shift_right_logical3A_260 : vector<64x128xi32>
        %xor3A_262 = arith.xori %add3A_254, %or3A_261 : vector<64x128xi32>
        %add3A_263 = arith.addi %add3A_254, %xor3A_262 : vector<64x128xi32>
        %shift_left3A_264 = arith.constant 6 : i32
        %shift_left3A_265 = vector.broadcast %shift_left3A_264 : i32 to vector<64x128xi32>
        %shift_left3A_266 = arith.shli %xor3A_262, %shift_left3A_265 : vector<64x128xi32>
        %shift_right_logical3A_267 = arith.constant 26 : i32
        %shift_right_logical3A_268 = vector.broadcast %shift_right_logical3A_267 : i32 to vector<64x128xi32>
        %shift_right_logical3A_269 = arith.shrui %xor3A_262, %shift_right_logical3A_268 : vector<64x128xi32>
        %or3A_270 = arith.ori %shift_left3A_266, %shift_right_logical3A_269 : vector<64x128xi32>
        %xor3A_271 = arith.xori %add3A_263, %or3A_270 : vector<64x128xi32>
        %add3A_272 = arith.constant 161448894 : i32
        %add3A_273 = vector.broadcast %add3A_272 : i32 to vector<64x128xi32>
        %add3A_274 = arith.addi %add3A_263, %add3A_273 : vector<64x128xi32>
        %add3A_275 = arith.constant -2047452278 : i32
        %add3A_276 = vector.broadcast %add3A_275 : i32 to vector<64x128xi32>
        %add3A_277 = arith.addi %xor3A_271, %add3A_276 : vector<64x128xi32>
        %xor3A_278 = arith.xori %add3A_274, %add3A_277 : vector<64x128xi32>
        %shift_right_logical3A_279 = arith.constant 9 : i32
        %shift_right_logical3A_280 = vector.broadcast %shift_right_logical3A_279 : i32 to vector<64x128xi32>
        %shift_right_logical3A_281 = arith.shrui %xor3A_278, %shift_right_logical3A_280 : vector<64x128xi32>
        %or3A_282 = arith.constant 1065353216 : i32
        %or3A_283 = vector.broadcast %or3A_282 : i32 to vector<64x128xi32>
        %or3A_284 = arith.ori %shift_right_logical3A_281, %or3A_283 : vector<64x128xi32>
        %bitcast_convert_type3A = tpu.bitcast %or3A_284 : vector<64x128xi32> -> vector<64x128xf32>
        %sub3A_285 = arith.constant 1.000000e+00 : f32
        %sub3A_286 = vector.broadcast %sub3A_285 : f32 to vector<64x128xf32>
        %sub3A_287 = arith.subf %bitcast_convert_type3A, %sub3A_286 : vector<64x128xf32>
        %add3A_288 = arith.constant 1.17549435E-38 : f32
        %add3A_289 = vector.broadcast %add3A_288 : f32 to vector<64x128xf32>
        %add3A_290 = arith.addf %sub3A_287, %add3A_289 : vector<64x128xf32>
        %mul3A_291 = arith.constant 64 : i32
        %mul3A_292 = arith.muli %while3A_56, %mul3A_291 : i32
        %get3A_293 = arith.index_cast %mul3A_292 : i32 to index
        %get3A_294 = arith.constant 0 : index
        %get3A_295 = vector.load %arg5[%get3A_293, %get3A_294] : memref<4096x128xf32, #tpu.memory_space<vmem>>, vector<64x128xf32>
        %log3A = math.log %add3A_290 : vector<64x128xf32>
        %neg3A = arith.constant 0.000000e+00 : f32
        %neg3A_296 = vector.broadcast %neg3A : f32 to vector<64x128xf32>
        %neg3A_297 = arith.subf %neg3A_296, %log3A : vector<64x128xf32>
        %log3A_298 = math.log %neg3A_297 : vector<64x128xf32>
        %sub3A_299 = arith.subf %get3A_295, %log3A_298 : vector<64x128xf32>
        %gt3A = arith.cmpf ogt, %sub3A_299, %while3A_57 : vector<64x128xf32>
        %add3A_300 = arith.constant 1 : i32
        %add3A_301 = arith.addi %while3A_56, %add3A_300 : i32
        %select_n3A_302 = arith.select %gt3A, %sub3A_299, %while3A_57 : vector<64x128xi1>, vector<64x128xf32>
        %select_n3A_303 = arith.select %gt3A, %add3A_62, %while3A_58 : vector<64x128xi1>, vector<64x128xi32>
        scf.yield %add3A_301, %select_n3A_302, %select_n3A_303 : i32, vector<64x128xf32>, vector<64x128xi32>
      }
      %while3A_37 = arith.constant 1 : i32
      %while3A_38:3 = scf.for %while3A_55 = %while3A_34 to %while3A_30 step %while3A_37 iter_args(%while3A_56 = %while3A_36#0, %while3A_57 = %while3A_36#1, %while3A_58 = %while3A_36#2) -> (i32, vector<64x128xf32>, vector<64x128xi32>)  : i32 {
        %mul3A_59 = arith.constant 8192 : i32
        %mul3A_60 = arith.muli %while3A_56, %mul3A_59 : i32
        %add3A_61 = vector.broadcast %mul3A_60 : i32 to vector<64x128xi32>
        %add3A_62 = arith.addi %add3A_61, %add3A : vector<64x128xi32>
        %mul3A_63 = arith.constant 524288 : i32
        %mul3A_64 = arith.muli %arg0, %mul3A_63 : i32
        %add3A_65 = vector.broadcast %mul3A_64 : i32 to vector<64x128xi32>
        %add3A_66 = arith.addi %add3A_65, %add3A_62 : vector<64x128xi32>
        %broadcast_in_dim3A_67 = arith.constant -2047452283 : i32
        %broadcast_in_dim3A_68 = vector.broadcast %broadcast_in_dim3A_67 : i32 to vector<64x128xi32>
        %add3A_69 = arith.constant -1749498911 : i32
        %add3A_70 = vector.broadcast %add3A_69 : i32 to vector<64x128xi32>
        %add3A_71 = arith.addi %add3A_66, %add3A_70 : vector<64x128xi32>
        %add3A_72 = arith.addi %broadcast_in_dim3A_68, %add3A_71 : vector<64x128xi32>
        %shift_left3A = arith.constant 13 : i32
        %shift_left3A_73 = vector.broadcast %shift_left3A : i32 to vector<64x128xi32>
        %shift_left3A_74 = arith.shli %add3A_71, %shift_left3A_73 : vector<64x128xi32>
        %shift_right_logical3A = arith.constant 19 : i32
        %shift_right_logical3A_75 = vector.broadcast %shift_right_logical3A : i32 to vector<64x128xi32>
        %shift_right_logical3A_76 = arith.shrui %add3A_71, %shift_right_logical3A_75 : vector<64x128xi32>
        %or3A = arith.ori %shift_left3A_74, %shift_right_logical3A_76 : vector<64x128xi32>
        %xor3A = arith.xori %add3A_72, %or3A : vector<64x128xi32>
        %add3A_77 = arith.addi %add3A_72, %xor3A : vector<64x128xi32>
        %shift_left3A_78 = arith.constant 15 : i32
        %shift_left3A_79 = vector.broadcast %shift_left3A_78 : i32 to vector<64x128xi32>
        %shift_left3A_80 = arith.shli %xor3A, %shift_left3A_79 : vector<64x128xi32>
        %shift_right_logical3A_81 = arith.constant 17 : i32
        %shift_right_logical3A_82 = vector.broadcast %shift_right_logical3A_81 : i32 to vector<64x128xi32>
        %shift_right_logical3A_83 = arith.shrui %xor3A, %shift_right_logical3A_82 : vector<64x128xi32>
        %or3A_84 = arith.ori %shift_left3A_80, %shift_right_logical3A_83 : vector<64x128xi32>
        %xor3A_85 = arith.xori %add3A_77, %or3A_84 : vector<64x128xi32>
        %add3A_86 = arith.addi %add3A_77, %xor3A_85 : vector<64x128xi32>
        %shift_left3A_87 = arith.constant 26 : i32
        %shift_left3A_88 = vector.broadcast %shift_left3A_87 : i32 to vector<64x128xi32>
        %shift_left3A_89 = arith.shli %xor3A_85, %shift_left3A_88 : vector<64x128xi32>
        %shift_right_logical3A_90 = arith.constant 6 : i32
        %shift_right_logical3A_91 = vector.broadcast %shift_right_logical3A_90 : i32 to vector<64x128xi32>
        %shift_right_logical3A_92 = arith.shrui %xor3A_85, %shift_right_logical3A_91 : vector<64x128xi32>
        %or3A_93 = arith.ori %shift_left3A_89, %shift_right_logical3A_92 : vector<64x128xi32>
        %xor3A_94 = arith.xori %add3A_86, %or3A_93 : vector<64x128xi32>
        %add3A_95 = arith.addi %add3A_86, %xor3A_94 : vector<64x128xi32>
        %shift_left3A_96 = arith.constant 6 : i32
        %shift_left3A_97 = vector.broadcast %shift_left3A_96 : i32 to vector<64x128xi32>
        %shift_left3A_98 = arith.shli %xor3A_94, %shift_left3A_97 : vector<64x128xi32>
        %shift_right_logical3A_99 = arith.constant 26 : i32
        %shift_right_logical3A_100 = vector.broadcast %shift_right_logical3A_99 : i32 to vector<64x128xi32>
        %shift_right_logical3A_101 = arith.shrui %xor3A_94, %shift_right_logical3A_100 : vector<64x128xi32>
        %or3A_102 = arith.ori %shift_left3A_98, %shift_right_logical3A_101 : vector<64x128xi32>
        %xor3A_103 = arith.xori %add3A_95, %or3A_102 : vector<64x128xi32>
        %add3A_104 = arith.constant -1749498911 : i32
        %add3A_105 = vector.broadcast %add3A_104 : i32 to vector<64x128xi32>
        %add3A_106 = arith.addi %add3A_95, %add3A_105 : vector<64x128xi32>
        %add3A_107 = arith.constant 161448895 : i32
        %add3A_108 = vector.broadcast %add3A_107 : i32 to vector<64x128xi32>
        %add3A_109 = arith.addi %xor3A_103, %add3A_108 : vector<64x128xi32>
        %add3A_110 = arith.addi %add3A_106, %add3A_109 : vector<64x128xi32>
        %shift_left3A_111 = arith.constant 17 : i32
        %shift_left3A_112 = vector.broadcast %shift_left3A_111 : i32 to vector<64x128xi32>
        %shift_left3A_113 = arith.shli %add3A_109, %shift_left3A_112 : vector<64x128xi32>
        %shift_right_logical3A_114 = arith.constant 15 : i32
        %shift_right_logical3A_115 = vector.broadcast %shift_right_logical3A_114 : i32 to vector<64x128xi32>
        %shift_right_logical3A_116 = arith.shrui %add3A_109, %shift_right_logical3A_115 : vector<64x128xi32>
        %or3A_117 = arith.ori %shift_left3A_113, %shift_right_logical3A_116 : vector<64x128xi32>
        %xor3A_118 = arith.xori %add3A_110, %or3A_117 : vector<64x128xi32>
        %add3A_119 = arith.addi %add3A_110, %xor3A_118 : vector<64x128xi32>
        %shift_left3A_120 = arith.constant 29 : i32
        %shift_left3A_121 = vector.broadcast %shift_left3A_120 : i32 to vector<64x128xi32>
        %shift_left3A_122 = arith.shli %xor3A_118, %shift_left3A_121 : vector<64x128xi32>
        %shift_right_logical3A_123 = arith.constant 3 : i32
        %shift_right_logical3A_124 = vector.broadcast %shift_right_logical3A_123 : i32 to vector<64x128xi32>
        %shift_right_logical3A_125 = arith.shrui %xor3A_118, %shift_right_logical3A_124 : vector<64x128xi32>
        %or3A_126 = arith.ori %shift_left3A_122, %shift_right_logical3A_125 : vector<64x128xi32>
        %xor3A_127 = arith.xori %add3A_119, %or3A_126 : vector<64x128xi32>
        %add3A_128 = arith.addi %add3A_119, %xor3A_127 : vector<64x128xi32>
        %shift_left3A_129 = arith.constant 16 : i32
        %shift_left3A_130 = vector.broadcast %shift_left3A_129 : i32 to vector<64x128xi32>
        %shift_left3A_131 = arith.shli %xor3A_127, %shift_left3A_130 : vector<64x128xi32>
        %shift_right_logical3A_132 = arith.constant 16 : i32
        %shift_right_logical3A_133 = vector.broadcast %shift_right_logical3A_132 : i32 to vector<64x128xi32>
        %shift_right_logical3A_134 = arith.shrui %xor3A_127, %shift_right_logical3A_133 : vector<64x128xi32>
        %or3A_135 = arith.ori %shift_left3A_131, %shift_right_logical3A_134 : vector<64x128xi32>
        %xor3A_136 = arith.xori %add3A_128, %or3A_135 : vector<64x128xi32>
        %add3A_137 = arith.addi %add3A_128, %xor3A_136 : vector<64x128xi32>
        %shift_left3A_138 = arith.constant 24 : i32
        %shift_left3A_139 = vector.broadcast %shift_left3A_138 : i32 to vector<64x128xi32>
        %shift_left3A_140 = arith.shli %xor3A_136, %shift_left3A_139 : vector<64x128xi32>
        %shift_right_logical3A_141 = arith.constant 8 : i32
        %shift_right_logical3A_142 = vector.broadcast %shift_right_logical3A_141 : i32 to vector<64x128xi32>
        %shift_right_logical3A_143 = arith.shrui %xor3A_136, %shift_right_logical3A_142 : vector<64x128xi32>
        %or3A_144 = arith.ori %shift_left3A_140, %shift_right_logical3A_143 : vector<64x128xi32>
        %xor3A_145 = arith.xori %add3A_137, %or3A_144 : vector<64x128xi32>
        %add3A_146 = arith.constant 161448894 : i32
        %add3A_147 = vector.broadcast %add3A_146 : i32 to vector<64x128xi32>
        %add3A_148 = arith.addi %add3A_137, %add3A_147 : vector<64x128xi32>
        %add3A_149 = arith.constant -2047452281 : i32
        %add3A_150 = vector.broadcast %add3A_149 : i32 to vector<64x128xi32>
        %add3A_151 = arith.addi %xor3A_145, %add3A_150 : vector<64x128xi32>
        %add3A_152 = arith.addi %add3A_148, %add3A_151 : vector<64x128xi32>
        %shift_left3A_153 = arith.constant 13 : i32
        %shift_left3A_154 = vector.broadcast %shift_left3A_153 : i32 to vector<64x128xi32>
        %shift_left3A_155 = arith.shli %add3A_151, %shift_left3A_154 : vector<64x128xi32>
        %shift_right_logical3A_156 = arith.constant 19 : i32
        %shift_right_logical3A_157 = vector.broadcast %shift_right_logical3A_156 : i32 to vector<64x128xi32>
        %shift_right_logical3A_158 = arith.shrui %add3A_151, %shift_right_logical3A_157 : vector<64x128xi32>
        %or3A_159 = arith.ori %shift_left3A_155, %shift_right_logical3A_158 : vector<64x128xi32>
        %xor3A_160 = arith.xori %add3A_152, %or3A_159 : vector<64x128xi32>
        %add3A_161 = arith.addi %add3A_152, %xor3A_160 : vector<64x128xi32>
        %shift_left3A_162 = arith.constant 15 : i32
        %shift_left3A_163 = vector.broadcast %shift_left3A_162 : i32 to vector<64x128xi32>
        %shift_left3A_164 = arith.shli %xor3A_160, %shift_left3A_163 : vector<64x128xi32>
        %shift_right_logical3A_165 = arith.constant 17 : i32
        %shift_right_logical3A_166 = vector.broadcast %shift_right_logical3A_165 : i32 to vector<64x128xi32>
        %shift_right_logical3A_167 = arith.shrui %xor3A_160, %shift_right_logical3A_166 : vector<64x128xi32>
        %or3A_168 = arith.ori %shift_left3A_164, %shift_right_logical3A_167 : vector<64x128xi32>
        %xor3A_169 = arith.xori %add3A_161, %or3A_168 : vector<64x128xi32>
        %add3A_170 = arith.addi %add3A_161, %xor3A_169 : vector<64x128xi32>
        %shift_left3A_171 = arith.constant 26 : i32
        %shift_left3A_172 = vector.broadcast %shift_left3A_171 : i32 to vector<64x128xi32>
        %shift_left3A_173 = arith.shli %xor3A_169, %shift_left3A_172 : vector<64x128xi32>
        %shift_right_logical3A_174 = arith.constant 6 : i32
        %shift_right_logical3A_175 = vector.broadcast %shift_right_logical3A_174 : i32 to vector<64x128xi32>
        %shift_right_logical3A_176 = arith.shrui %xor3A_169, %shift_right_logical3A_175 : vector<64x128xi32>
        %or3A_177 = arith.ori %shift_left3A_173, %shift_right_logical3A_176 : vector<64x128xi32>
        %xor3A_178 = arith.xori %add3A_170, %or3A_177 : vector<64x128xi32>
        %add3A_179 = arith.addi %add3A_170, %xor3A_178 : vector<64x128xi32>
        %shift_left3A_180 = arith.constant 6 : i32
        %shift_left3A_181 = vector.broadcast %shift_left3A_180 : i32 to vector<64x128xi32>
        %shift_left3A_182 = arith.shli %xor3A_178, %shift_left3A_181 : vector<64x128xi32>
        %shift_right_logical3A_183 = arith.constant 26 : i32
        %shift_right_logical3A_184 = vector.broadcast %shift_right_logical3A_183 : i32 to vector<64x128xi32>
        %shift_right_logical3A_185 = arith.shrui %xor3A_178, %shift_right_logical3A_184 : vector<64x128xi32>
        %or3A_186 = arith.ori %shift_left3A_182, %shift_right_logical3A_185 : vector<64x128xi32>
        %xor3A_187 = arith.xori %add3A_179, %or3A_186 : vector<64x128xi32>
        %add3A_188 = arith.constant -2047452283 : i32
        %add3A_189 = vector.broadcast %add3A_188 : i32 to vector<64x128xi32>
        %add3A_190 = arith.addi %add3A_179, %add3A_189 : vector<64x128xi32>
        %add3A_191 = arith.constant -1749498908 : i32
        %add3A_192 = vector.broadcast %add3A_191 : i32 to vector<64x128xi32>
        %add3A_193 = arith.addi %xor3A_187, %add3A_192 : vector<64x128xi32>
        %add3A_194 = arith.addi %add3A_190, %add3A_193 : vector<64x128xi32>
        %shift_left3A_195 = arith.constant 17 : i32
        %shift_left3A_196 = vector.broadcast %shift_left3A_195 : i32 to vector<64x128xi32>
        %shift_left3A_197 = arith.shli %add3A_193, %shift_left3A_196 : vector<64x128xi32>
        %shift_right_logical3A_198 = arith.constant 15 : i32
        %shift_right_logical3A_199 = vector.broadcast %shift_right_logical3A_198 : i32 to vector<64x128xi32>
        %shift_right_logical3A_200 = arith.shrui %add3A_193, %shift_right_logical3A_199 : vector<64x128xi32>
        %or3A_201 = arith.ori %shift_left3A_197, %shift_right_logical3A_200 : vector<64x128xi32>
        %xor3A_202 = arith.xori %add3A_194, %or3A_201 : vector<64x128xi32>
        %add3A_203 = arith.addi %add3A_194, %xor3A_202 : vector<64x128xi32>
        %shift_left3A_204 = arith.constant 29 : i32
        %shift_left3A_205 = vector.broadcast %shift_left3A_204 : i32 to vector<64x128xi32>
        %shift_left3A_206 = arith.shli %xor3A_202, %shift_left3A_205 : vector<64x128xi32>
        %shift_right_logical3A_207 = arith.constant 3 : i32
        %shift_right_logical3A_208 = vector.broadcast %shift_right_logical3A_207 : i32 to vector<64x128xi32>
        %shift_right_logical3A_209 = arith.shrui %xor3A_202, %shift_right_logical3A_208 : vector<64x128xi32>
        %or3A_210 = arith.ori %shift_left3A_206, %shift_right_logical3A_209 : vector<64x128xi32>
        %xor3A_211 = arith.xori %add3A_203, %or3A_210 : vector<64x128xi32>
        %add3A_212 = arith.addi %add3A_203, %xor3A_211 : vector<64x128xi32>
        %shift_left3A_213 = arith.constant 16 : i32
        %shift_left3A_214 = vector.broadcast %shift_left3A_213 : i32 to vector<64x128xi32>
        %shift_left3A_215 = arith.shli %xor3A_211, %shift_left3A_214 : vector<64x128xi32>
        %shift_right_logical3A_216 = arith.constant 16 : i32
        %shift_right_logical3A_217 = vector.broadcast %shift_right_logical3A_216 : i32 to vector<64x128xi32>
        %shift_right_logical3A_218 = arith.shrui %xor3A_211, %shift_right_logical3A_217 : vector<64x128xi32>
        %or3A_219 = arith.ori %shift_left3A_215, %shift_right_logical3A_218 : vector<64x128xi32>
        %xor3A_220 = arith.xori %add3A_212, %or3A_219 : vector<64x128xi32>
        %add3A_221 = arith.addi %add3A_212, %xor3A_220 : vector<64x128xi32>
        %shift_left3A_222 = arith.constant 24 : i32
        %shift_left3A_223 = vector.broadcast %shift_left3A_222 : i32 to vector<64x128xi32>
        %shift_left3A_224 = arith.shli %xor3A_220, %shift_left3A_223 : vector<64x128xi32>
        %shift_right_logical3A_225 = arith.constant 8 : i32
        %shift_right_logical3A_226 = vector.broadcast %shift_right_logical3A_225 : i32 to vector<64x128xi32>
        %shift_right_logical3A_227 = arith.shrui %xor3A_220, %shift_right_logical3A_226 : vector<64x128xi32>
        %or3A_228 = arith.ori %shift_left3A_224, %shift_right_logical3A_227 : vector<64x128xi32>
        %xor3A_229 = arith.xori %add3A_221, %or3A_228 : vector<64x128xi32>
        %add3A_230 = arith.constant -1749498911 : i32
        %add3A_231 = vector.broadcast %add3A_230 : i32 to vector<64x128xi32>
        %add3A_232 = arith.addi %add3A_221, %add3A_231 : vector<64x128xi32>
        %add3A_233 = arith.constant 161448898 : i32
        %add3A_234 = vector.broadcast %add3A_233 : i32 to vector<64x128xi32>
        %add3A_235 = arith.addi %xor3A_229, %add3A_234 : vector<64x128xi32>
        %add3A_236 = arith.addi %add3A_232, %add3A_235 : vector<64x128xi32>
        %shift_left3A_237 = arith.constant 13 : i32
        %shift_left3A_238 = vector.broadcast %shift_left3A_237 : i32 to vector<64x128xi32>
        %shift_left3A_239 = arith.shli %add3A_235, %shift_left3A_238 : vector<64x128xi32>
        %shift_right_logical3A_240 = arith.constant 19 : i32
        %shift_right_logical3A_241 = vector.broadcast %shift_right_logical3A_240 : i32 to vector<64x128xi32>
        %shift_right_logical3A_242 = arith.shrui %add3A_235, %shift_right_logical3A_241 : vector<64x128xi32>
        %or3A_243 = arith.ori %shift_left3A_239, %shift_right_logical3A_242 : vector<64x128xi32>
        %xor3A_244 = arith.xori %add3A_236, %or3A_243 : vector<64x128xi32>
        %add3A_245 = arith.addi %add3A_236, %xor3A_244 : vector<64x128xi32>
        %shift_left3A_246 = arith.constant 15 : i32
        %shift_left3A_247 = vector.broadcast %shift_left3A_246 : i32 to vector<64x128xi32>
        %shift_left3A_248 = arith.shli %xor3A_244, %shift_left3A_247 : vector<64x128xi32>
        %shift_right_logical3A_249 = arith.constant 17 : i32
        %shift_right_logical3A_250 = vector.broadcast %shift_right_logical3A_249 : i32 to vector<64x128xi32>
        %shift_right_logical3A_251 = arith.shrui %xor3A_244, %shift_right_logical3A_250 : vector<64x128xi32>
        %or3A_252 = arith.ori %shift_left3A_248, %shift_right_logical3A_251 : vector<64x128xi32>
        %xor3A_253 = arith.xori %add3A_245, %or3A_252 : vector<64x128xi32>
        %add3A_254 = arith.addi %add3A_245, %xor3A_253 : vector<64x128xi32>
        %shift_left3A_255 = arith.constant 26 : i32
        %shift_left3A_256 = vector.broadcast %shift_left3A_255 : i32 to vector<64x128xi32>
        %shift_left3A_257 = arith.shli %xor3A_253, %shift_left3A_256 : vector<64x128xi32>
        %shift_right_logical3A_258 = arith.constant 6 : i32
        %shift_right_logical3A_259 = vector.broadcast %shift_right_logical3A_258 : i32 to vector<64x128xi32>
        %shift_right_logical3A_260 = arith.shrui %xor3A_253, %shift_right_logical3A_259 : vector<64x128xi32>
        %or3A_261 = arith.ori %shift_left3A_257, %shift_right_logical3A_260 : vector<64x128xi32>
        %xor3A_262 = arith.xori %add3A_254, %or3A_261 : vector<64x128xi32>
        %add3A_263 = arith.addi %add3A_254, %xor3A_262 : vector<64x128xi32>
        %shift_left3A_264 = arith.constant 6 : i32
        %shift_left3A_265 = vector.broadcast %shift_left3A_264 : i32 to vector<64x128xi32>
        %shift_left3A_266 = arith.shli %xor3A_262, %shift_left3A_265 : vector<64x128xi32>
        %shift_right_logical3A_267 = arith.constant 26 : i32
        %shift_right_logical3A_268 = vector.broadcast %shift_right_logical3A_267 : i32 to vector<64x128xi32>
        %shift_right_logical3A_269 = arith.shrui %xor3A_262, %shift_right_logical3A_268 : vector<64x128xi32>
        %or3A_270 = arith.ori %shift_left3A_266, %shift_right_logical3A_269 : vector<64x128xi32>
        %xor3A_271 = arith.xori %add3A_263, %or3A_270 : vector<64x128xi32>
        %add3A_272 = arith.constant 161448894 : i32
        %add3A_273 = vector.broadcast %add3A_272 : i32 to vector<64x128xi32>
        %add3A_274 = arith.addi %add3A_263, %add3A_273 : vector<64x128xi32>
        %add3A_275 = arith.constant -2047452278 : i32
        %add3A_276 = vector.broadcast %add3A_275 : i32 to vector<64x128xi32>
        %add3A_277 = arith.addi %xor3A_271, %add3A_276 : vector<64x128xi32>
        %xor3A_278 = arith.xori %add3A_274, %add3A_277 : vector<64x128xi32>
        %shift_right_logical3A_279 = arith.constant 9 : i32
        %shift_right_logical3A_280 = vector.broadcast %shift_right_logical3A_279 : i32 to vector<64x128xi32>
        %shift_right_logical3A_281 = arith.shrui %xor3A_278, %shift_right_logical3A_280 : vector<64x128xi32>
        %or3A_282 = arith.constant 1065353216 : i32
        %or3A_283 = vector.broadcast %or3A_282 : i32 to vector<64x128xi32>
        %or3A_284 = arith.ori %shift_right_logical3A_281, %or3A_283 : vector<64x128xi32>
        %bitcast_convert_type3A = tpu.bitcast %or3A_284 : vector<64x128xi32> -> vector<64x128xf32>
        %sub3A_285 = arith.constant 1.000000e+00 : f32
        %sub3A_286 = vector.broadcast %sub3A_285 : f32 to vector<64x128xf32>
        %sub3A_287 = arith.subf %bitcast_convert_type3A, %sub3A_286 : vector<64x128xf32>
        %add3A_288 = arith.constant 1.17549435E-38 : f32
        %add3A_289 = vector.broadcast %add3A_288 : f32 to vector<64x128xf32>
        %add3A_290 = arith.addf %sub3A_287, %add3A_289 : vector<64x128xf32>
        %mul3A_291 = arith.constant 64 : i32
        %mul3A_292 = arith.muli %while3A_56, %mul3A_291 : i32
        %get3A_293 = arith.index_cast %mul3A_292 : i32 to index
        %get3A_294 = arith.constant 0 : index
        %get3A_295 = vector.load %arg5[%get3A_293, %get3A_294] : memref<4096x128xf32, #tpu.memory_space<vmem>>, vector<64x128xf32>
        %log3A = math.log %add3A_290 : vector<64x128xf32>
        %neg3A = arith.constant 0.000000e+00 : f32
        %neg3A_296 = vector.broadcast %neg3A : f32 to vector<64x128xf32>
        %neg3A_297 = arith.subf %neg3A_296, %log3A : vector<64x128xf32>
        %log3A_298 = math.log %neg3A_297 : vector<64x128xf32>
        %sub3A_299 = arith.subf %get3A_295, %log3A_298 : vector<64x128xf32>
        %gt3A = arith.cmpf ogt, %sub3A_299, %while3A_57 : vector<64x128xf32>
        %add3A_300 = arith.constant 1 : i32
        %add3A_301 = arith.addi %while3A_56, %add3A_300 : i32
        %select_n3A_302 = arith.select %gt3A, %sub3A_299, %while3A_57 : vector<64x128xi1>, vector<64x128xf32>
        %select_n3A_303 = arith.select %gt3A, %add3A_62, %while3A_58 : vector<64x128xi1>, vector<64x128xi32>
        scf.yield %add3A_301, %select_n3A_302, %select_n3A_303 : i32, vector<64x128xf32>, vector<64x128xi32>
      }
      %reduce_max3A = vector.shape_cast %while3A_38#1 : vector<64x128xf32> to vector<1x64x128xf32>
      %reduce_max3A_39 = arith.constant dense<0xFF800000> : vector<1xf32>
      %reduce_max3A_40 = vector.multi_reduction <maximumf>, %reduce_max3A, %reduce_max3A_39 [1, 2] : vector<1x64x128xf32> to vector<1xf32>
      %reduce_max3A_41 = vector.shape_cast %reduce_max3A_40 : vector<1xf32> to vector<1x1x1xf32>
      %reduce_max3A_42 = vector.extract %reduce_max3A_41[0, 0, 0] : f32 from vector<1x1x1xf32>
      %eq3A_43 = vector.broadcast %reduce_max3A_42 : f32 to vector<64x128xf32>
      %eq3A_44 = arith.cmpf oeq, %while3A_38#1, %eq3A_43 : vector<64x128xf32>
      %jit3A_45 = arith.constant 524288 : i32
      %broadcast_in_dim3A_46 = vector.broadcast %jit3A_45 : i32 to vector<64x128xi32>
      %select_n3A = arith.select %eq3A_44, %while3A_38#2, %broadcast_in_dim3A_46 : vector<64x128xi1>, vector<64x128xi32>
      %reduce_min3A = vector.shape_cast %select_n3A : vector<64x128xi32> to vector<1x64x128xi32>
      %reduce_min3A_47 = arith.constant dense<2147483647> : vector<1xi32>
      %reduce_min3A_48 = vector.multi_reduction <minsi>, %reduce_min3A, %reduce_min3A_47 [1, 2] : vector<1x64x128xi32> to vector<1xi32>
      %reduce_min3A_49 = vector.shape_cast %reduce_min3A_48 : vector<1xi32> to vector<1x1x1xi32>
      %reduce_min3A_50 = vector.extract %reduce_min3A_49[0, 0, 0] : i32 from vector<1x1x1xi32>
      %min3A_51 = arith.constant 31 : i32
      %min3A_52 = arith.minsi %reduce_min3A_50, %min3A_51 : i32
      %swap3A_53 = arith.index_cast %arg0 : i32 to index
      %swap3A_54 = memref.load %arg3[%swap3A_53] : memref<32xi32, #tpu.memory_space<smem>>
      memref.store %min3A_52, %arg3[%swap3A_53] : memref<32xi32, #tpu.memory_space<smem>>
    } else {
    }
    %eq3A_16 = arith.constant 31 : i32
    %eq3A_17 = arith.cmpi eq, %arg0, %eq3A_16 : i32
    %convert_element_type3A_18 = arith.extui %eq3A_17 : i1 to i32
    %cond3A_19 = arith.constant 0 : i32
    %cond3A_20 = arith.cmpi ne, %convert_element_type3A_18, %cond3A_19 : i32
    scf.if %cond3A_20 {
      %add3A = arith.constant 0 : i32
      %add3A_21 = arith.addi %add3A, %get3A_2 : i32
      %sub3A_22 = arith.constant 25 : i32
      %sub3A_23 = arith.subi %add3A_21, %sub3A_22 : i32
      %jit3A_24 = arith.constant 0 : i32
      %jit3A_25 = arith.constant 31 : i32
      %max3A_26 = arith.maxsi %jit3A_24, %sub3A_23 : i32
      %min3A_27 = arith.minsi %jit3A_25, %max3A_26 : i32
      %get3A_28 = arith.index_cast %min3A_27 : i32 to index
      %get3A_29 = memref.load %arg3[%get3A_28] : memref<32xi32, #tpu.memory_space<smem>>
      %swap3A_30 = arith.constant 0 : index
      %swap3A_31 = memref.load %arg4[%swap3A_30] : memref<32xi32, #tpu.memory_space<smem>>
      memref.store %get3A_29, %arg4[%swap3A_30] : memref<32xi32, #tpu.memory_space<smem>>
      %add3A_32 = arith.constant 1 : i32
      %add3A_33 = arith.addi %add3A_32, %get3A_2 : i32
      %sub3A_34 = arith.constant 25 : i32
      %sub3A_35 = arith.subi %add3A_33, %sub3A_34 : i32
      %jit3A_36 = arith.constant 0 : i32
      %jit3A_37 = arith.constant 31 : i32
      %max3A_38 = arith.maxsi %jit3A_36, %sub3A_35 : i32
      %min3A_39 = arith.minsi %jit3A_37, %max3A_38 : i32
      %get3A_40 = arith.index_cast %min3A_39 : i32 to index
      %get3A_41 = memref.load %arg3[%get3A_40] : memref<32xi32, #tpu.memory_space<smem>>
      %swap3A_42 = arith.constant 1 : index
      %swap3A_43 = memref.load %arg4[%swap3A_42] : memref<32xi32, #tpu.memory_space<smem>>
      memref.store %get3A_41, %arg4[%swap3A_42] : memref<32xi32, #tpu.memory_space<smem>>
      %add3A_44 = arith.constant 2 : i32
      %add3A_45 = arith.addi %add3A_44, %get3A_2 : i32
      %sub3A_46 = arith.constant 25 : i32
      %sub3A_47 = arith.subi %add3A_45, %sub3A_46 : i32
      %jit3A_48 = arith.constant 0 : i32
      %jit3A_49 = arith.constant 31 : i32
      %max3A_50 = arith.maxsi %jit3A_48, %sub3A_47 : i32
      %min3A_51 = arith.minsi %jit3A_49, %max3A_50 : i32
      %get3A_52 = arith.index_cast %min3A_51 : i32 to index
      %get3A_53 = memref.load %arg3[%get3A_52] : memref<32xi32, #tpu.memory_space<smem>>
      %swap3A_54 = arith.constant 2 : index
      %swap3A_55 = memref.load %arg4[%swap3A_54] : memref<32xi32, #tpu.memory_space<smem>>
      memref.store %get3A_53, %arg4[%swap3A_54] : memref<32xi32, #tpu.memory_space<smem>>
      %add3A_56 = arith.constant 3 : i32
      %add3A_57 = arith.addi %add3A_56, %get3A_2 : i32
      %sub3A_58 = arith.constant 25 : i32
      %sub3A_59 = arith.subi %add3A_57, %sub3A_58 : i32
      %jit3A_60 = arith.constant 0 : i32
      %jit3A_61 = arith.constant 31 : i32
      %max3A_62 = arith.maxsi %jit3A_60, %sub3A_59 : i32
      %min3A_63 = arith.minsi %jit3A_61, %max3A_62 : i32
      %get3A_64 = arith.index_cast %min3A_63 : i32 to index
      %get3A_65 = memref.load %arg3[%get3A_64] : memref<32xi32, #tpu.memory_space<smem>>
      %swap3A_66 = arith.constant 3 : index
      %swap3A_67 = memref.load %arg4[%swap3A_66] : memref<32xi32, #tpu.memory_space<smem>>
      memref.store %get3A_65, %arg4[%swap3A_66] : memref<32xi32, #tpu.memory_space<smem>>
      %add3A_68 = arith.constant 4 : i32
      %add3A_69 = arith.addi %add3A_68, %get3A_2 : i32
      %sub3A_70 = arith.constant 25 : i32
      %sub3A_71 = arith.subi %add3A_69, %sub3A_70 : i32
      %jit3A_72 = arith.constant 0 : i32
      %jit3A_73 = arith.constant 31 : i32
      %max3A_74 = arith.maxsi %jit3A_72, %sub3A_71 : i32
      %min3A_75 = arith.minsi %jit3A_73, %max3A_74 : i32
      %get3A_76 = arith.index_cast %min3A_75 : i32 to index
      %get3A_77 = memref.load %arg3[%get3A_76] : memref<32xi32, #tpu.memory_space<smem>>
      %swap3A_78 = arith.constant 4 : index
      %swap3A_79 = memref.load %arg4[%swap3A_78] : memref<32xi32, #tpu.memory_space<smem>>
      memref.store %get3A_77, %arg4[%swap3A_78] : memref<32xi32, #tpu.memory_space<smem>>
      %add3A_80 = arith.constant 5 : i32
      %add3A_81 = arith.addi %add3A_80, %get3A_2 : i32
      %sub3A_82 = arith.constant 25 : i32
      %sub3A_83 = arith.subi %add3A_81, %sub3A_82 : i32
      %jit3A_84 = arith.constant 0 : i32
      %jit3A_85 = arith.constant 31 : i32
      %max3A_86 = arith.maxsi %jit3A_84, %sub3A_83 : i32
      %min3A_87 = arith.minsi %jit3A_85, %max3A_86 : i32
      %get3A_88 = arith.index_cast %min3A_87 : i32 to index
      %get3A_89 = memref.load %arg3[%get3A_88] : memref<32xi32, #tpu.memory_space<smem>>
      %swap3A_90 = arith.constant 5 : index
      %swap3A_91 = memref.load %arg4[%swap3A_90] : memref<32xi32, #tpu.memory_space<smem>>
      memref.store %get3A_89, %arg4[%swap3A_90] : memref<32xi32, #tpu.memory_space<smem>>
      %add3A_92 = arith.constant 6 : i32
      %add3A_93 = arith.addi %add3A_92, %get3A_2 : i32
      %sub3A_94 = arith.constant 25 : i32
      %sub3A_95 = arith.subi %add3A_93, %sub3A_94 : i32
      %jit3A_96 = arith.constant 0 : i32
      %jit3A_97 = arith.constant 31 : i32
      %max3A_98 = arith.maxsi %jit3A_96, %sub3A_95 : i32
      %min3A_99 = arith.minsi %jit3A_97, %max3A_98 : i32
      %get3A_100 = arith.index_cast %min3A_99 : i32 to index
      %get3A_101 = memref.load %arg3[%get3A_100] : memref<32xi32, #tpu.memory_space<smem>>
      %swap3A_102 = arith.constant 6 : index
      %swap3A_103 = memref.load %arg4[%swap3A_102] : memref<32xi32, #tpu.memory_space<smem>>
      memref.store %get3A_101, %arg4[%swap3A_102] : memref<32xi32, #tpu.memory_space<smem>>
      %add3A_104 = arith.constant 7 : i32
      %add3A_105 = arith.addi %add3A_104, %get3A_2 : i32
      %sub3A_106 = arith.constant 25 : i32
      %sub3A_107 = arith.subi %add3A_105, %sub3A_106 : i32
      %jit3A_108 = arith.constant 0 : i32
      %jit3A_109 = arith.constant 31 : i32
      %max3A_110 = arith.maxsi %jit3A_108, %sub3A_107 : i32
      %min3A_111 = arith.minsi %jit3A_109, %max3A_110 : i32
      %get3A_112 = arith.index_cast %min3A_111 : i32 to index
      %get3A_113 = memref.load %arg3[%get3A_112] : memref<32xi32, #tpu.memory_space<smem>>
      %swap3A_114 = arith.constant 7 : index
      %swap3A_115 = memref.load %arg4[%swap3A_114] : memref<32xi32, #tpu.memory_space<smem>>
      memref.store %get3A_113, %arg4[%swap3A_114] : memref<32xi32, #tpu.memory_space<smem>>
      %add3A_116 = arith.constant 8 : i32
      %add3A_117 = arith.addi %add3A_116, %get3A_2 : i32
      %sub3A_118 = arith.constant 25 : i32
      %sub3A_119 = arith.subi %add3A_117, %sub3A_118 : i32
      %jit3A_120 = arith.constant 0 : i32
      %jit3A_121 = arith.constant 31 : i32
      %max3A_122 = arith.maxsi %jit3A_120, %sub3A_119 : i32
      %min3A_123 = arith.minsi %jit3A_121, %max3A_122 : i32
      %get3A_124 = arith.index_cast %min3A_123 : i32 to index
      %get3A_125 = memref.load %arg3[%get3A_124] : memref<32xi32, #tpu.memory_space<smem>>
      %swap3A_126 = arith.constant 8 : index
      %swap3A_127 = memref.load %arg4[%swap3A_126] : memref<32xi32, #tpu.memory_space<smem>>
      memref.store %get3A_125, %arg4[%swap3A_126] : memref<32xi32, #tpu.memory_space<smem>>
      %add3A_128 = arith.constant 9 : i32
      %add3A_129 = arith.addi %add3A_128, %get3A_2 : i32
      %sub3A_130 = arith.constant 25 : i32
      %sub3A_131 = arith.subi %add3A_129, %sub3A_130 : i32
      %jit3A_132 = arith.constant 0 : i32
      %jit3A_133 = arith.constant 31 : i32
      %max3A_134 = arith.maxsi %jit3A_132, %sub3A_131 : i32
      %min3A_135 = arith.minsi %jit3A_133, %max3A_134 : i32
      %get3A_136 = arith.index_cast %min3A_135 : i32 to index
      %get3A_137 = memref.load %arg3[%get3A_136] : memref<32xi32, #tpu.memory_space<smem>>
      %swap3A_138 = arith.constant 9 : index
      %swap3A_139 = memref.load %arg4[%swap3A_138] : memref<32xi32, #tpu.memory_space<smem>>
      memref.store %get3A_137, %arg4[%swap3A_138] : memref<32xi32, #tpu.memory_space<smem>>
      %add3A_140 = arith.constant 10 : i32
      %add3A_141 = arith.addi %add3A_140, %get3A_2 : i32
      %sub3A_142 = arith.constant 25 : i32
      %sub3A_143 = arith.subi %add3A_141, %sub3A_142 : i32
      %jit3A_144 = arith.constant 0 : i32
      %jit3A_145 = arith.constant 31 : i32
      %max3A_146 = arith.maxsi %jit3A_144, %sub3A_143 : i32
      %min3A_147 = arith.minsi %jit3A_145, %max3A_146 : i32
      %get3A_148 = arith.index_cast %min3A_147 : i32 to index
      %get3A_149 = memref.load %arg3[%get3A_148] : memref<32xi32, #tpu.memory_space<smem>>
      %swap3A_150 = arith.constant 10 : index
      %swap3A_151 = memref.load %arg4[%swap3A_150] : memref<32xi32, #tpu.memory_space<smem>>
      memref.store %get3A_149, %arg4[%swap3A_150] : memref<32xi32, #tpu.memory_space<smem>>
      %add3A_152 = arith.constant 11 : i32
      %add3A_153 = arith.addi %add3A_152, %get3A_2 : i32
      %sub3A_154 = arith.constant 25 : i32
      %sub3A_155 = arith.subi %add3A_153, %sub3A_154 : i32
      %jit3A_156 = arith.constant 0 : i32
      %jit3A_157 = arith.constant 31 : i32
      %max3A_158 = arith.maxsi %jit3A_156, %sub3A_155 : i32
      %min3A_159 = arith.minsi %jit3A_157, %max3A_158 : i32
      %get3A_160 = arith.index_cast %min3A_159 : i32 to index
      %get3A_161 = memref.load %arg3[%get3A_160] : memref<32xi32, #tpu.memory_space<smem>>
      %swap3A_162 = arith.constant 11 : index
      %swap3A_163 = memref.load %arg4[%swap3A_162] : memref<32xi32, #tpu.memory_space<smem>>
      memref.store %get3A_161, %arg4[%swap3A_162] : memref<32xi32, #tpu.memory_space<smem>>
      %add3A_164 = arith.constant 12 : i32
      %add3A_165 = arith.addi %add3A_164, %get3A_2 : i32
      %sub3A_166 = arith.constant 25 : i32
      %sub3A_167 = arith.subi %add3A_165, %sub3A_166 : i32
      %jit3A_168 = arith.constant 0 : i32
      %jit3A_169 = arith.constant 31 : i32
      %max3A_170 = arith.maxsi %jit3A_168, %sub3A_167 : i32
      %min3A_171 = arith.minsi %jit3A_169, %max3A_170 : i32
      %get3A_172 = arith.index_cast %min3A_171 : i32 to index
      %get3A_173 = memref.load %arg3[%get3A_172] : memref<32xi32, #tpu.memory_space<smem>>
      %swap3A_174 = arith.constant 12 : index
      %swap3A_175 = memref.load %arg4[%swap3A_174] : memref<32xi32, #tpu.memory_space<smem>>
      memref.store %get3A_173, %arg4[%swap3A_174] : memref<32xi32, #tpu.memory_space<smem>>
      %add3A_176 = arith.constant 13 : i32
      %add3A_177 = arith.addi %add3A_176, %get3A_2 : i32
      %sub3A_178 = arith.constant 25 : i32
      %sub3A_179 = arith.subi %add3A_177, %sub3A_178 : i32
      %jit3A_180 = arith.constant 0 : i32
      %jit3A_181 = arith.constant 31 : i32
      %max3A_182 = arith.maxsi %jit3A_180, %sub3A_179 : i32
      %min3A_183 = arith.minsi %jit3A_181, %max3A_182 : i32
      %get3A_184 = arith.index_cast %min3A_183 : i32 to index
      %get3A_185 = memref.load %arg3[%get3A_184] : memref<32xi32, #tpu.memory_space<smem>>
      %swap3A_186 = arith.constant 13 : index
      %swap3A_187 = memref.load %arg4[%swap3A_186] : memref<32xi32, #tpu.memory_space<smem>>
      memref.store %get3A_185, %arg4[%swap3A_186] : memref<32xi32, #tpu.memory_space<smem>>
      %add3A_188 = arith.constant 14 : i32
      %add3A_189 = arith.addi %add3A_188, %get3A_2 : i32
      %sub3A_190 = arith.constant 25 : i32
      %sub3A_191 = arith.subi %add3A_189, %sub3A_190 : i32
      %jit3A_192 = arith.constant 0 : i32
      %jit3A_193 = arith.constant 31 : i32
      %max3A_194 = arith.maxsi %jit3A_192, %sub3A_191 : i32
      %min3A_195 = arith.minsi %jit3A_193, %max3A_194 : i32
      %get3A_196 = arith.index_cast %min3A_195 : i32 to index
      %get3A_197 = memref.load %arg3[%get3A_196] : memref<32xi32, #tpu.memory_space<smem>>
      %swap3A_198 = arith.constant 14 : index
      %swap3A_199 = memref.load %arg4[%swap3A_198] : memref<32xi32, #tpu.memory_space<smem>>
      memref.store %get3A_197, %arg4[%swap3A_198] : memref<32xi32, #tpu.memory_space<smem>>
      %add3A_200 = arith.constant 15 : i32
      %add3A_201 = arith.addi %add3A_200, %get3A_2 : i32
      %sub3A_202 = arith.constant 25 : i32
      %sub3A_203 = arith.subi %add3A_201, %sub3A_202 : i32
      %jit3A_204 = arith.constant 0 : i32
      %jit3A_205 = arith.constant 31 : i32
      %max3A_206 = arith.maxsi %jit3A_204, %sub3A_203 : i32
      %min3A_207 = arith.minsi %jit3A_205, %max3A_206 : i32
      %get3A_208 = arith.index_cast %min3A_207 : i32 to index
      %get3A_209 = memref.load %arg3[%get3A_208] : memref<32xi32, #tpu.memory_space<smem>>
      %swap3A_210 = arith.constant 15 : index
      %swap3A_211 = memref.load %arg4[%swap3A_210] : memref<32xi32, #tpu.memory_space<smem>>
      memref.store %get3A_209, %arg4[%swap3A_210] : memref<32xi32, #tpu.memory_space<smem>>
      %add3A_212 = arith.constant 16 : i32
      %add3A_213 = arith.addi %add3A_212, %get3A_2 : i32
      %sub3A_214 = arith.constant 25 : i32
      %sub3A_215 = arith.subi %add3A_213, %sub3A_214 : i32
      %jit3A_216 = arith.constant 0 : i32
      %jit3A_217 = arith.constant 31 : i32
      %max3A_218 = arith.maxsi %jit3A_216, %sub3A_215 : i32
      %min3A_219 = arith.minsi %jit3A_217, %max3A_218 : i32
      %get3A_220 = arith.index_cast %min3A_219 : i32 to index
      %get3A_221 = memref.load %arg3[%get3A_220] : memref<32xi32, #tpu.memory_space<smem>>
      %swap3A_222 = arith.constant 16 : index
      %swap3A_223 = memref.load %arg4[%swap3A_222] : memref<32xi32, #tpu.memory_space<smem>>
      memref.store %get3A_221, %arg4[%swap3A_222] : memref<32xi32, #tpu.memory_space<smem>>
      %add3A_224 = arith.constant 17 : i32
      %add3A_225 = arith.addi %add3A_224, %get3A_2 : i32
      %sub3A_226 = arith.constant 25 : i32
      %sub3A_227 = arith.subi %add3A_225, %sub3A_226 : i32
      %jit3A_228 = arith.constant 0 : i32
      %jit3A_229 = arith.constant 31 : i32
      %max3A_230 = arith.maxsi %jit3A_228, %sub3A_227 : i32
      %min3A_231 = arith.minsi %jit3A_229, %max3A_230 : i32
      %get3A_232 = arith.index_cast %min3A_231 : i32 to index
      %get3A_233 = memref.load %arg3[%get3A_232] : memref<32xi32, #tpu.memory_space<smem>>
      %swap3A_234 = arith.constant 17 : index
      %swap3A_235 = memref.load %arg4[%swap3A_234] : memref<32xi32, #tpu.memory_space<smem>>
      memref.store %get3A_233, %arg4[%swap3A_234] : memref<32xi32, #tpu.memory_space<smem>>
      %add3A_236 = arith.constant 18 : i32
      %add3A_237 = arith.addi %add3A_236, %get3A_2 : i32
      %sub3A_238 = arith.constant 25 : i32
      %sub3A_239 = arith.subi %add3A_237, %sub3A_238 : i32
      %jit3A_240 = arith.constant 0 : i32
      %jit3A_241 = arith.constant 31 : i32
      %max3A_242 = arith.maxsi %jit3A_240, %sub3A_239 : i32
      %min3A_243 = arith.minsi %jit3A_241, %max3A_242 : i32
      %get3A_244 = arith.index_cast %min3A_243 : i32 to index
      %get3A_245 = memref.load %arg3[%get3A_244] : memref<32xi32, #tpu.memory_space<smem>>
      %swap3A_246 = arith.constant 18 : index
      %swap3A_247 = memref.load %arg4[%swap3A_246] : memref<32xi32, #tpu.memory_space<smem>>
      memref.store %get3A_245, %arg4[%swap3A_246] : memref<32xi32, #tpu.memory_space<smem>>
      %add3A_248 = arith.constant 19 : i32
      %add3A_249 = arith.addi %add3A_248, %get3A_2 : i32
      %sub3A_250 = arith.constant 25 : i32
      %sub3A_251 = arith.subi %add3A_249, %sub3A_250 : i32
      %jit3A_252 = arith.constant 0 : i32
      %jit3A_253 = arith.constant 31 : i32
      %max3A_254 = arith.maxsi %jit3A_252, %sub3A_251 : i32
      %min3A_255 = arith.minsi %jit3A_253, %max3A_254 : i32
      %get3A_256 = arith.index_cast %min3A_255 : i32 to index
      %get3A_257 = memref.load %arg3[%get3A_256] : memref<32xi32, #tpu.memory_space<smem>>
      %swap3A_258 = arith.constant 19 : index
      %swap3A_259 = memref.load %arg4[%swap3A_258] : memref<32xi32, #tpu.memory_space<smem>>
      memref.store %get3A_257, %arg4[%swap3A_258] : memref<32xi32, #tpu.memory_space<smem>>
      %add3A_260 = arith.constant 20 : i32
      %add3A_261 = arith.addi %add3A_260, %get3A_2 : i32
      %sub3A_262 = arith.constant 25 : i32
      %sub3A_263 = arith.subi %add3A_261, %sub3A_262 : i32
      %jit3A_264 = arith.constant 0 : i32
      %jit3A_265 = arith.constant 31 : i32
      %max3A_266 = arith.maxsi %jit3A_264, %sub3A_263 : i32
      %min3A_267 = arith.minsi %jit3A_265, %max3A_266 : i32
      %get3A_268 = arith.index_cast %min3A_267 : i32 to index
      %get3A_269 = memref.load %arg3[%get3A_268] : memref<32xi32, #tpu.memory_space<smem>>
      %swap3A_270 = arith.constant 20 : index
      %swap3A_271 = memref.load %arg4[%swap3A_270] : memref<32xi32, #tpu.memory_space<smem>>
      memref.store %get3A_269, %arg4[%swap3A_270] : memref<32xi32, #tpu.memory_space<smem>>
      %add3A_272 = arith.constant 21 : i32
      %add3A_273 = arith.addi %add3A_272, %get3A_2 : i32
      %sub3A_274 = arith.constant 25 : i32
      %sub3A_275 = arith.subi %add3A_273, %sub3A_274 : i32
      %jit3A_276 = arith.constant 0 : i32
      %jit3A_277 = arith.constant 31 : i32
      %max3A_278 = arith.maxsi %jit3A_276, %sub3A_275 : i32
      %min3A_279 = arith.minsi %jit3A_277, %max3A_278 : i32
      %get3A_280 = arith.index_cast %min3A_279 : i32 to index
      %get3A_281 = memref.load %arg3[%get3A_280] : memref<32xi32, #tpu.memory_space<smem>>
      %swap3A_282 = arith.constant 21 : index
      %swap3A_283 = memref.load %arg4[%swap3A_282] : memref<32xi32, #tpu.memory_space<smem>>
      memref.store %get3A_281, %arg4[%swap3A_282] : memref<32xi32, #tpu.memory_space<smem>>
      %add3A_284 = arith.constant 22 : i32
      %add3A_285 = arith.addi %add3A_284, %get3A_2 : i32
      %sub3A_286 = arith.constant 25 : i32
      %sub3A_287 = arith.subi %add3A_285, %sub3A_286 : i32
      %jit3A_288 = arith.constant 0 : i32
      %jit3A_289 = arith.constant 31 : i32
      %max3A_290 = arith.maxsi %jit3A_288, %sub3A_287 : i32
      %min3A_291 = arith.minsi %jit3A_289, %max3A_290 : i32
      %get3A_292 = arith.index_cast %min3A_291 : i32 to index
      %get3A_293 = memref.load %arg3[%get3A_292] : memref<32xi32, #tpu.memory_space<smem>>
      %swap3A_294 = arith.constant 22 : index
      %swap3A_295 = memref.load %arg4[%swap3A_294] : memref<32xi32, #tpu.memory_space<smem>>
      memref.store %get3A_293, %arg4[%swap3A_294] : memref<32xi32, #tpu.memory_space<smem>>
      %add3A_296 = arith.constant 23 : i32
      %add3A_297 = arith.addi %add3A_296, %get3A_2 : i32
      %sub3A_298 = arith.constant 25 : i32
      %sub3A_299 = arith.subi %add3A_297, %sub3A_298 : i32
      %jit3A_300 = arith.constant 0 : i32
      %jit3A_301 = arith.constant 31 : i32
      %max3A_302 = arith.maxsi %jit3A_300, %sub3A_299 : i32
      %min3A_303 = arith.minsi %jit3A_301, %max3A_302 : i32
      %get3A_304 = arith.index_cast %min3A_303 : i32 to index
      %get3A_305 = memref.load %arg3[%get3A_304] : memref<32xi32, #tpu.memory_space<smem>>
      %swap3A_306 = arith.constant 23 : index
      %swap3A_307 = memref.load %arg4[%swap3A_306] : memref<32xi32, #tpu.memory_space<smem>>
      memref.store %get3A_305, %arg4[%swap3A_306] : memref<32xi32, #tpu.memory_space<smem>>
      %add3A_308 = arith.constant 24 : i32
      %add3A_309 = arith.addi %add3A_308, %get3A_2 : i32
      %sub3A_310 = arith.constant 25 : i32
      %sub3A_311 = arith.subi %add3A_309, %sub3A_310 : i32
      %jit3A_312 = arith.constant 0 : i32
      %jit3A_313 = arith.constant 31 : i32
      %max3A_314 = arith.maxsi %jit3A_312, %sub3A_311 : i32
      %min3A_315 = arith.minsi %jit3A_313, %max3A_314 : i32
      %get3A_316 = arith.index_cast %min3A_315 : i32 to index
      %get3A_317 = memref.load %arg3[%get3A_316] : memref<32xi32, #tpu.memory_space<smem>>
      %swap3A_318 = arith.constant 24 : index
      %swap3A_319 = memref.load %arg4[%swap3A_318] : memref<32xi32, #tpu.memory_space<smem>>
      memref.store %get3A_317, %arg4[%swap3A_318] : memref<32xi32, #tpu.memory_space<smem>>
      %swap3A_320 = arith.constant 0 : i32
      %swap3A_321 = arith.constant 25 : index
      %swap3A_322 = memref.load %arg4[%swap3A_321] : memref<32xi32, #tpu.memory_space<smem>>
      memref.store %swap3A_320, %arg4[%swap3A_321] : memref<32xi32, #tpu.memory_space<smem>>
      %swap3A_323 = arith.constant 0 : i32
      %swap3A_324 = arith.constant 26 : index
      %swap3A_325 = memref.load %arg4[%swap3A_324] : memref<32xi32, #tpu.memory_space<smem>>
      memref.store %swap3A_323, %arg4[%swap3A_324] : memref<32xi32, #tpu.memory_space<smem>>
      %swap3A_326 = arith.constant 0 : i32
      %swap3A_327 = arith.constant 27 : index
      %swap3A_328 = memref.load %arg4[%swap3A_327] : memref<32xi32, #tpu.memory_space<smem>>
      memref.store %swap3A_326, %arg4[%swap3A_327] : memref<32xi32, #tpu.memory_space<smem>>
      %swap3A_329 = arith.constant 0 : i32
      %swap3A_330 = arith.constant 28 : index
      %swap3A_331 = memref.load %arg4[%swap3A_330] : memref<32xi32, #tpu.memory_space<smem>>
      memref.store %swap3A_329, %arg4[%swap3A_330] : memref<32xi32, #tpu.memory_space<smem>>
      %swap3A_332 = arith.constant 0 : i32
      %swap3A_333 = arith.constant 29 : index
      %swap3A_334 = memref.load %arg4[%swap3A_333] : memref<32xi32, #tpu.memory_space<smem>>
      memref.store %swap3A_332, %arg4[%swap3A_333] : memref<32xi32, #tpu.memory_space<smem>>
      %swap3A_335 = arith.constant 0 : i32
      %swap3A_336 = arith.constant 30 : index
      %swap3A_337 = memref.load %arg4[%swap3A_336] : memref<32xi32, #tpu.memory_space<smem>>
      memref.store %swap3A_335, %arg4[%swap3A_336] : memref<32xi32, #tpu.memory_space<smem>>
      %swap3A_338 = arith.constant 0 : i32
      %swap3A_339 = arith.constant 31 : index
      %swap3A_340 = memref.load %arg4[%swap3A_339] : memref<32xi32, #tpu.memory_space<smem>>
      memref.store %swap3A_338, %arg4[%swap3A_339] : memref<32xi32, #tpu.memory_space<smem>>
    } else {
    }
    return
  }
  func.func @transform_0(%arg0: i32) -> i32 {
    %c0_i32 = arith.constant 0 : i32
    %c0_i32_0 = arith.constant 0 : i32
    return %c0_i32 : i32
  }
  func.func @transform_1(%arg0: i32) -> (i32, i32) {
    %c0_i32 = arith.constant 0 : i32
    %c0_i32_0 = arith.constant 0 : i32
    %c0_i32_1 = arith.constant 0 : i32
    return %c0_i32, %c0_i32_0 : i32, i32
  }
  func.func @transform_2(%arg0: i32) -> i32 {
    %c0_i32 = arith.constant 0 : i32
    %c0_i32_0 = arith.constant 0 : i32
    return %c0_i32 : i32
  }
  func.func @transform_3(%arg0: i32) -> i32 {
    %c0_i32 = arith.constant 0 : i32
    %c0_i32_0 = arith.constant 0 : i32
    return %c0_i32 : i32
  }
}

</mosaic_0001>

<sc_bundles>
// kernel: kernel.5.cloned.1.call-start
scs
__scs_entry_jumppad:
0x0: {  	(pc) =	sbr.rel $0x88, $3  }
0x1: {  	(tag) =	ssettag $0x0;
	lr =	simm.s32 $0x1  }
0x2: {  	[smem:$0x3F9C] =	sst lr;
	_ =	strace $0xD0000000  }
0x3: {  	_ = 	snop  }
0x4: {  	_ = 	snop  }
0x5: {  	_ = 	snop  }
0x6: {  	_ = 	snop  }
0x7: {  	_ = 	snop  }
__scs_overlays_trampoline_lowered:
0x8: {  	[smem:$0x3FAB] =	sst s0  }
0x9: {  	[smem:$0x3FAC] =	sst s1  }
0xa: {  	[smem:$0x3FAD] =	sst s2  }
0xb: {  	[smem:$0x3FAE] =	sst s3  }
0xc: {  	[smem:$0x3FAF] =	sst s4  }
0xd: {  	[smem:$0x3FB0] =	sst s5  }
0xe: {  	[smem:$0x3FB1] =	sst s6  }
0xf: {  	[smem:$0x3FB2] =	sst s7  }
0x10: {  	[smem:$0x3FB3] =	sst s8  }
0x11: {  	[smem:$0x3FB4] =	sst s9;
	s0 =	simm.s32 @!p0 $0x0  }
0x12: {  	s1 =	sld [smem:$0x3F9A];
	s0 =	simm.s32 @p0 $0x1  }
0x13: {  	[smem:$0x3FB5] =	sst s0;
	s0 =	simm.s32 @!p1 $0x0  }
0x14: {  	s2 =	sld [smem:$0x3F99];
	s0 =	simm.s32 @p1 $0x1  }
0x15: {  	[smem:$0x3FB6] =	sst s0;
	s0 =	simm.s32 @!p2 $0x0  }
0x16: {  	s3 =	sld [smem:$0x3FDB];
	s0 =	simm.s32 @p2 $0x1  }
0x17: {  	s4 =	simm.s32 $0x1BF5;
	[smem:$0x3FB8] =	sst s0  }
0x18: {  	s0 =	sld [smem:$0x3F9B];
	_ =	swait.ge [sflag:s4], $0x0  }
0x19: {  	s7 =	sld [smem:$0x3F9C]  }
0x1a: {  	s8 =	sadd.s32 $0xFFFFE003, lr  }
0x1b: {  	s9 =	sadd.s32 $0xFFFFFEF7, lr;
	s5 =	simm.s32 $0xFFFFFFFF;
	p2 =	slt.u32 s8, $0xFFFFF086  }
0x1c: {  	p1 =	slt.u32 s9, $0xF7A;
	s5 =	simm.s32 @!p2 $0x0  }
0x1d: {  	s5 =	simm.s32 @p1 $0x1;
	p0 =	seq.s32 s7, s2  }
0x1e: {  	s7 =	smul.u32 @!p0 $0xF7A, s2;
	p2 =	seq.s32 @!p0 s5, $0x0  }
0x1f: {  	s9 =	smul.u32 $0xF7A, s1;
	s8 =	simm.s32 @!p0 $0x1BF5;
	p2 =	por !p2, p0  }
0x20: {  	[sflag:s8] =	ssyncset.s32 @!p0 $0xFFFFF086;
	s6 =	sadd.s32 @!p0 s3, s7;
	s7 =	simm.s32 @!p0 $0x108  }
0x21: {  	s3 =	sadd.s32 s3, s9;
	s6 =	sadd.s32 @!p0 $0x88, s6;
	s7 =	simm.s32 @p2 $0x1082  }
0x22: {  	[simem:s7], [sflag:s8] =	dma.local @!p0 [hbm:s6], $0xF7A  }
0x23: {  	s9 =	sor.u32 $0xD0000000, s2;
	s6 =	simm.s32 $0x108;
	_ =	swait.ge @!p0 [sflag:s8], $0x0  }
0x24: {  	s3 =	sadd.s32 $0x88, s3;
	s6 =	simm.s32 @!p1 $0x1082;
	[sflag:s4] =	ssyncset.s32 $0xFFFFF086  }
0x25: {  	[simem:s6], [sflag:s4] =	dma.local [hbm:s3], $0xF7A  }
0x26: {  	[smem:$0x3F9C] =	sst s1;
	(tag) =	ssettag s2;
	_ =	strace s9  }
0x27: {  	s1 =	sld [smem:$0x3FAC]  }
0x28: {  	s2 =	sld [smem:$0x3FAD]  }
0x29: {  	s4 =	sld [smem:$0x3FAF]  }
0x2a: {  	p0 =	seq.s32 s5, $0x0;
	s5 =	sld [smem:$0x3FB0]  }
0x2b: {  	s6 =	sld [smem:$0x3FB1]  }
0x2c: {  	s7 =	sld [smem:$0x3FB2]  }
0x2d: {  	s3 =	simm.s32 $0x108;
	s8 =	sld [smem:$0x3FB3]  }
0x2e: {  	s3 =	simm.s32 @!p0 $0x1082;
	s9 =	sld [smem:$0x3FB4]  }
0x2f: {  	lr =	sadd.s32 s0, s3;
	s0 =	sld [smem:$0x3FAB]  }
0x30: {  	s3 =	sld [smem:$0x3FAE]  }
0x31: {  	[smem:$0x3FB7] =	sst s10  }
0x32: {  	s10 =	sld [smem:$0x3FB5];
	_ =	sdelay $0x3  }
0x33: {  	p0 =	seq.s32 s10, $0x1;
	s10 =	sld [smem:$0x3FB7];
	_ =	sdelay $0x3  }
0x34: {  	[smem:$0x3FB7] =	sst s10  }
0x35: {  	s10 =	sld [smem:$0x3FB6];
	_ =	sdelay $0x3  }
0x36: {  	p1 =	seq.s32 s10, $0x1;
	s10 =	sld [smem:$0x3FB7];
	_ =	sdelay $0x3  }
0x37: {  	[smem:$0x3FB7] =	sst s10  }
0x38: {  	s10 =	sld [smem:$0x3FB8]  }
0x39: {  	_ = 	snop;
	(pc) =	sbr.ind lr, $3  }
0x3a: {  	_ = 	snop  }
0x3b: {  	_ = 	snop  }
0x3c: {  	p2 =	seq.s32 s10, $0x1;
	s10 =	sld [smem:$0x3FB7]  }
0x3d: {  	_ =	shalt  }
0x3e: {  	_ =	shalt  }
0x3f: {  	_ =	shalt  }
0x40: {  	_ =	shalt  }
0x41: {  	_ =	shalt  }
0x42: {  	_ =	shalt  }
0x43: {  	_ =	shalt  }
0x44: {  	_ =	shalt  }
0x45: {  	_ =	shalt  }
0x46: {  	_ =	shalt  }
0x47: {  	_ =	shalt  }
0x48: {  	_ =	shalt  }
0x49: {  	_ =	shalt  }
0x4a: {  	_ =	shalt  }
0x4b: {  	_ =	shalt  }
0x4c: {  	_ =	shalt  }
0x4d: {  	_ =	shalt  }
0x4e: {  	_ =	shalt  }
0x4f: {  	_ =	shalt  }
0x50: {  	_ =	shalt  }
0x51: {  	_ =	shalt  }
0x52: {  	_ =	shalt  }
0x53: {  	_ =	shalt  }
0x54: {  	_ =	shalt  }
0x55: {  	_ =	shalt  }
0x56: {  	_ =	shalt  }
0x57: {  	_ =	shalt  }
0x58: {  	_ =	shalt  }
0x59: {  	_ =	shalt  }
0x5a: {  	_ =	shalt  }
0x5b: {  	_ =	shalt  }
0x5c: {  	_ =	shalt  }
0x5d: {  	_ =	shalt  }
0x5e: {  	_ =	shalt  }
0x5f: {  	_ =	shalt  }
0x60: {  	_ =	shalt  }
0x61: {  	_ =	shalt  }
0x62: {  	_ =	shalt  }
0x63: {  	_ =	shalt  }
0x64: {  	_ =	shalt  }
0x65: {  	_ =	shalt  }
0x66: {  	_ =	shalt  }
0x67: {  	_ =	shalt  }
0x68: {  	_ =	shalt  }
0x69: {  	_ =	shalt  }
0x6a: {  	_ =	shalt  }
0x6b: {  	_ =	shalt  }
0x6c: {  	_ =	shalt  }
0x6d: {  	_ =	shalt  }
0x6e: {  	_ =	shalt  }
0x6f: {  	_ =	shalt  }
0x70: {  	_ =	shalt  }
0x71: {  	_ =	shalt  }
0x72: {  	_ =	shalt  }
0x73: {  	_ =	shalt  }
0x74: {  	_ =	shalt  }
0x75: {  	_ =	shalt  }
0x76: {  	_ =	shalt  }
0x77: {  	_ =	shalt  }
0x78: {  	_ =	shalt  }
0x79: {  	_ =	shalt  }
0x7a: {  	_ =	shalt  }
0x7b: {  	_ =	shalt  }
0x7c: {  	_ =	shalt  }
0x7d: {  	_ =	shalt  }
0x7e: {  	_ =	shalt  }
0x7f: {  	_ =	shalt  }
0x80: {  	_ =	shalt  }
0x81: {  	_ =	shalt  }
0x82: {  	_ =	shalt  }
0x83: {  	_ =	shalt  }
0x84: {  	_ =	shalt  }
0x85: {  	_ =	shalt  }
0x86: {  	_ =	shalt  }
0x87: {  	_ =	shalt  }
.Lfunc_end0:
.L_simem_size_0:
called_computation_lowered:
.L_overlay_start_0:
0x88: {  	s2 =	sld [smem:$0x3FD9]  }
0x89: {  	s3 =	sld [smem:$0x3FFE];
	_ =	sdelay $0x1  }
0x8a: {  	s1 =	srdreg.scid  }
0x8b: {  	s0 =	sand.u32 $0x1, s1  }
0x8c: {  	s14 =	sshll.u32 s0, $0xA;
	s2 =	sadd.s32 s3, s2  }
0x8d: {  	s2 =	sadd.s32 s2, s14  }
0x8e: {  	[smem:$0x3FC3] =	sst s2  }
0x8f: {  	_ = 	snop  }
0x90: {  	s2 =	sld [smem:$0x3FD0];
	_ =	sdelay $0x2  }
0x91: {  	s4 =	simm.s32 $0xA;
	s5 =	simm.s32 $0x10;
	s15 =	sld [smem:$0x3FC5]  }
0x92: {  	[smem:s5], [sflag:s4] =	dma.local [hbm:s2], $0x1  }
0x93: {  	_ =	swait.eq [sflag:s4], $0x1  }
0x94: {  	[sflag:s4] =	ssyncset.done $0x0  }
0x95: {  	[sflag:s4] =	ssyncadd.s32 $0xFFFFFFFF  }
0x96: {  	s16 =	sld [smem:$0x11];
	(tm) =	ssettm $0x1  }
0x97: {  	s17 =	sld [smem:$0x3FFB];
	_ =	sdelay $0x3  }
0x98: {  	_ =	strace s17  }
0x99: {  	s4 =	sld [smem:$0x3FFC];
	_ =	sdelay $0x3  }
0x9a: {  	_ =	strace s4  }
0x9b: {  	s4 =	sld [smem:$0x3FFD];
	_ =	sdelay $0x3  }
0x9c: {  	_ =	strace s4  }
0x9d: {  	_ =	strace $0x8FFFFFFF  }
0x9e: {  	s18 =	sld [smem:$0x3FDB];
	_ =	sdelay $0x1  }
0x9f: {  	s19 =	simm.s32 $_scs_section_size  }
0xa0: {  	s6 =	simm.s32 $_size__tile_overlayer_lowered;
	s7 =	simm.s32 $_tile_overlayer_lowered  }
0xa1: {  	s22 =	simm.s32 $0x1BFF;
	s21 =	sshll.u32 s7, $0x1;
	s4 =	sadd.s32 s19, s18  }
0xa2: {  	s8 =	simm.s32 $0x0;
	s20 =	sshll.u32 s6, $0x1;
	s6 =	sadd.s32 s21, s4  }
0xa3: {  	[timem:s8], [sflag:s22] =	dma.local [hbm:s6], s20  }
0xa4: {  	_ =	swait.ge [sflag:s22], s20  }
0xa5: {  	s5 =	ssub.s32 $0x0, s20;
	[sflag:s22] =	ssyncset.done $0x0  }
0xa6: {  	[sflag:s22] =	ssyncadd.s32 s5;
	_ =	sdelay $0x1  }
0xa7: {  	s23 =	simm.s32 $0x1B8B  }
0xa8: {  	_ =	swait.ge [sflag:s23], $0x1  }
0xa9: {  	[sflag:s23] =	ssyncset.done $0x0  }
0xaa: {  	s25 =	simm.s32 $0x1B8E;
	s24 =	sld [smem:$0x3FFE];
	[sflag:s23] =	ssyncadd.s32 $0xFFFFFFFF  }
0xab: {  	s26 =	simm.s32 $execute0_lowered;
	[smem:$0x3FD2] =	sst s25  }
0xac: {  	s6 =	sshll.u32 s26, $0x1;
	_ =	strace $0x80000046;
	[dreg:$0x1] =	wrdreg $0xFFFFFFFF  }
0xad: {  	s28 =	simm.s32 $_size_execute0_lowered;
	s4 =	sadd.s32 s4, s6;
	[dreg:$0x0] =	wrdreg $0x0  }
0xae: {  	s6 =	sshll.u32 s28, $0x1;
	[dreg:$0x2] =	wrdreg s4  }
0xaf: {  	[dreg:$0x3] =	wrdreg s6  }
0xb0: {  	[dreg:$0x4] =	wrdreg $0xC0  }
0xb1: {  	_ =	task [dreg:s8], $0x5FFFF  }
0xb2: {  	[dreg:$0x1] =	wrdreg $0xFFFFFFFF  }
0xb3: {  	[dreg:$0x0] =	wrdreg $0x60  }
0xb4: {  	[dreg:$0x2] =	wrdreg s24  }
0xb5: {  	[dreg:$0x3] =	wrdreg s15  }
0xb6: {  	[dreg:$0x4] =	wrdreg s16  }
0xb7: {  	[dreg:$0x5] =	wrdreg $0x9  }
0xb8: {  	_ =	task.clear_ibuf [dreg:s8], $0x6FFFF;
	_ =	strace $0x90000046  }
0xb9: {  	s29 =	simm.s32 $0x9;
	_ =	strace $0x80000048  }
0xba: {  	_ =	swait.ge [sflag:s29], $0x1  }
0xbb: {  	[sflag:s29] =	ssyncadd.s32 $0xFFFFFFFF  }
0xbc: {  	_ =	strace $0x90000048  }
0xbd: {  	_ =	sfence  }
0xbe: {  	s30 =	sld [smem:$0x0];
	_ =	sdelay $0x2  }
0xbf: {  	s31 =	sshll.u32 s1, $0xD;
	s1 =	sshrl.u32 s1, $0x2  }
0xc0: {  	s3 =	sand.u32 $0x4000, s31;
	s1 =	sadd.s32 s1, s30  }
0xc1: {  	s0 =	sor.u32 s3, s0;
	s1 =	sshll.u32 s1, $0x11  }
0xc2: {  	s0 =	sor.u32 s1, s0  }
0xc3: {  	s0 =	sadd.s32 $0x8F2B, s0  }
0xc4: {  	[sflag:s0] =	ssyncadd.remote.s32 $0x1  }
0xc5: {  	_ =	sfence.sel $0xFFFF  }
0xc6: {  	[dreg:$0x0] =	wrdreg $0xFFFFFFFF;
	(pc) =	sbr.abs _section_cstart, $3  }
0xc7: {  	[dreg:$0x1] =	wrdreg $0xFFFFFFFF  }
0xc8: {  	_ =	task.clear_ibuf [dreg:s8], $0x2FFFF;
	_ =	strace $0x9FFFFFFF  }
0xc9: {  	(tm) =	ssettm $0x7FFFFFFF  }
tec
execute0_lowered:
.L_overlay_start_1:
0x0: {  	(tag) =	ssettag $0x1  }
0x1: {  	v0 =	vlaneseq.u32  }
0x2: {  	v1 =	vmul.u32 $0x2, v0;
	v33 =	vor.u32 $0x10, v0;
	v34 =	vor.u32 $0x20, v0  }
0x3: {  	v35 =	vor.u32 $0x30, v0;
	v36 =	vor.u32 $0x40, v0;
	v37 =	vor.u32 $0x50, v0  }
0x4: {  	v38 =	vor.u32 $0x60, v0;
	v39 =	vor.u32 $0x70, v0;
	v40 =	vor.u32 $0x80, v0  }
0x5: {  	v41 =	vor.u32 $0x90, v0;
	v42 =	vor.u32 $0xA0, v0;
	v43 =	vor.u32 $0xB0, v0  }
0x6: {  	v44 =	vor.u32 $0xC0, v0;
	v45 =	vor.u32 $0xD0, v0;
	v46 =	vor.u32 $0xE0, v0  }
0x7: {  	v47 =	vor.u32 $0xF0, v0;
	v48 =	vor.u32 $0x100, v0;
	v49 =	vor.u32 $0x110, v0  }
0x8: {  	s0 =	rddreg [dreg:$0x0];
	v50 =	vor.u32 $0x120, v0;
	v51 =	vor.u32 $0x130, v0;
	v52 =	vor.u32 $0x140, v0  }
0x9: {  	s1 =	rddreg [dreg:$0x1];
	v53 =	vor.u32 $0x150, v0;
	v54 =	vor.u32 $0x160, v0;
	v55 =	vor.u32 $0x170, v0  }
0xa: {  	s5 =	rddreg [dreg:$0x2];
	v56 =	vor.u32 $0x180, v0;
	v57 =	vor.u32 $0x190, v0;
	v58 =	vor.u32 $0x1A0, v0  }
0xb: {  	s2 =	rddreg [dreg:$0x3];
	v59 =	vor.u32 $0x1B0, v0;
	v60 =	vor.u32 $0x1C0, v0;
	v61 =	vor.u32 $0x1D0, v0  }
0xc: {  	s4 =	simm.s32 $0x0;
	s6 =	srdreg.scid;
	s3 =	stileid.u32;
	v62 =	vor.u32 $0x1E0, v0;
	v63 =	vor.u32 $0x1F0, v0;
	v2 =	vor.u32 $0x20, v1  }
0xd: {  	s11 =	simm.s32 $0x18700;
	s12 =	simm.s32 $0x3;
	s13 =	simm.s32 $0x18B00;
	v3 =	vor.u32 $0x40, v1;
	v5 =	vor.u32 $0x80, v1;
	v6 =	vor.u32 $0xA0, v1  }
0xe: {  	s14 =	simm.s32 $0x2;
	s15 =	simm.s32 $0x80;
	s16 =	simm.s32 $0x18D00;
	v7 =	vor.u32 $0xC0, v1;
	v8 =	vor.u32 $0xE0, v1;
	v9 =	vor.u32 $0x100, v1  }
0xf: {  	s17 =	simm.s32 $0x18F00;
	s18 =	simm.s32 $0x1;
	s19 =	simm.s32 $0x1CF00;
	v10 =	vor.u32 $0x120, v1;
	v11 =	vor.u32 $0x140, v1;
	v12 =	vor.u32 $0x160, v1  }
0x10: {  	s20 =	simm.s32 $0x18D80;
	s21 =	simm.s32 $0x18E00;
	s22 =	simm.s32 $0x18E80;
	v13 =	vor.u32 $0x180, v1;
	v14 =	vor.u32 $0x1A0, v1;
	v15 =	vor.u32 $0x1C0, v1  }
0x11: {  	s23 =	simm.s32 $0x0;
	s6 =	sand.u32 $0x1, s6;
	s7 =	sshll.u32 s3, $0x1;
	v16 =	vor.u32 $0x1E0, v1;
	v18 =	vor.u32 $0x220, v1;
	v19 =	vor.u32 $0x240, v1  }
0x12: {  	[smem:$0x7FF] =	sst s4;
	s7 =	sor.u32 s6, s7;
	s6 =	ssub.s32 $0x2, s6;
	v20 =	vor.u32 $0x260, v1;
	v21 =	vor.u32 $0x280, v1;
	v22 =	vor.u32 $0x2A0, v1  }
0x13: {  	v23 =	vor.u32 $0x2C0, v1;
	v24 =	vor.u32 $0x2E0, v1;
	v25 =	vor.u32 $0x300, v1;
	s8 =	sshll.u32 s7, $0x7;
	s9 =	sshrl.u32 s6, $0x1;
	s7 =	sshll.u32 s7, $0xB  }
0x14: {  	v26 =	vor.u32 $0x320, v1;
	v27 =	vor.u32 $0x340, v1;
	[tilespmem:$0x1FFE0] =	vst v3;
	v3 =	vor.u32 $0x60, v1;
	s8 =	sadd.s32 s8, s0;
	s10 =	ssub.s32 s6, s9;
	s5 =	sadd.s32 s5, s7  }
0x15: {  	v17 =	vor.u32 $0x200, v1;
	v28 =	vor.u32 $0x360, v1;
	v29 =	vor.u32 $0x380, v1;
	[tilespmem:$0x1FFF0] =	vst v3;
	s6 =	sadd.s32 $0xC3800, s8;
	s7 =	sadd.s32 $0x200, s5;
	s8 =	sadd.s32 $0x400, s5  }
0x16: {  	v30 =	vor.u32 $0x3A0, v1;
	v31 =	vor.u32 $0x3C0, v1;
	v32 =	vor.u32 $0x3E0, v1;
	s9 =	sadd.s32 $0x600, s5;
	s10 =	smax.u32 s10, $0x1;
	_ =	strace $0x80000047  }
.LBB2_1:
0x17: {  	[tilespmem:s4], [sflag:$0x2] =	stream.linear.gather [hbm4b:s1+s4], $0x18700, $0x38;
	[tilespmem:$0x1DF00] =	vst v63  }
0x18: {  	_ = 	snop  }
0x19: {  	[tilespmem:s11], [sflag:$0x3] =	stream.linear.gather [hbm4b:s6+s4], $0x400, $0x38;
	[tilespmem:$0x1DF00] =	vst v63  }
0x1a: {  	_ =	swait.ge [sflag:s12], $0x400  }
0x1b: {  	[sflag:s12] =	ssyncset.done $0x0  }
0x1c: {  	[sflag:s12] =	ssyncadd.s32 $0xFFFFFC00  }
0x1d: {  	v0 =	vld.idx.msk [tilespmem:v1+s11+$0x0], $0xffff;
	_ =	sdelay $0x4  }
0x1e: {  	[tilespmem:$0x18B00] =	vst v0  }
0x1f: {  	v0 =	vld.idx.msk [tilespmem:v2+s11+$0x0], $0xffff;
	_ =	sdelay $0x4  }
0x20: {  	[tilespmem:$0x18B10] =	vst v0;
	v0 =	vld [tilespmem:$0x1FFE0];
	_ =	sdelay $0x7  }
0x21: {  	v0 =	vld.idx.msk [tilespmem:v0+s11+$0x0], $0xffff;
	_ =	sdelay $0x4  }
0x22: {  	[tilespmem:$0x18B20] =	vst v0;
	v0 =	vld [tilespmem:$0x1FFF0];
	_ =	sdelay $0x7  }
0x23: {  	v0 =	vld.idx.msk [tilespmem:v0+s11+$0x0], $0xffff;
	_ =	sdelay $0x4  }
0x24: {  	[tilespmem:$0x18B30] =	vst v0  }
0x25: {  	v0 =	vld.idx.msk [tilespmem:v5+s11+$0x0], $0xffff;
	_ =	sdelay $0x4  }
0x26: {  	[tilespmem:$0x18B40] =	vst v0  }
0x27: {  	v0 =	vld.idx.msk [tilespmem:v6+s11+$0x0], $0xffff;
	_ =	sdelay $0x4  }
0x28: {  	[tilespmem:$0x18B50] =	vst v0  }
0x29: {  	v0 =	vld.idx.msk [tilespmem:v7+s11+$0x0], $0xffff;
	_ =	sdelay $0x4  }
0x2a: {  	[tilespmem:$0x18B60] =	vst v0  }
0x2b: {  	v0 =	vld.idx.msk [tilespmem:v8+s11+$0x0], $0xffff;
	_ =	sdelay $0x4  }
0x2c: {  	[tilespmem:$0x18B70] =	vst v0  }
0x2d: {  	v0 =	vld.idx.msk [tilespmem:v9+s11+$0x0], $0xffff;
	_ =	sdelay $0x4  }
0x2e: {  	[tilespmem:$0x18B80] =	vst v0  }
0x2f: {  	v0 =	vld.idx.msk [tilespmem:v10+s11+$0x0], $0xffff;
	_ =	sdelay $0x4  }
0x30: {  	[tilespmem:$0x18B90] =	vst v0  }
0x31: {  	v0 =	vld.idx.msk [tilespmem:v11+s11+$0x0], $0xffff;
	_ =	sdelay $0x4  }
0x32: {  	[tilespmem:$0x18BA0] =	vst v0  }
0x33: {  	v0 =	vld.idx.msk [tilespmem:v12+s11+$0x0], $0xffff;
	_ =	sdelay $0x4  }
0x34: {  	[tilespmem:$0x18BB0] =	vst v0  }
0x35: {  	v0 =	vld.idx.msk [tilespmem:v13+s11+$0x0], $0xffff;
	_ =	sdelay $0x4  }
0x36: {  	[tilespmem:$0x18BC0] =	vst v0  }
0x37: {  	v0 =	vld.idx.msk [tilespmem:v14+s11+$0x0], $0xffff;
	_ =	sdelay $0x4  }
0x38: {  	[tilespmem:$0x18BD0] =	vst v0  }
0x39: {  	v0 =	vld.idx.msk [tilespmem:v15+s11+$0x0], $0xffff;
	_ =	sdelay $0x4  }
0x3a: {  	[tilespmem:$0x18BE0] =	vst v0  }
0x3b: {  	v0 =	vld.idx.msk [tilespmem:v16+s11+$0x0], $0xffff;
	_ =	sdelay $0x4  }
0x3c: {  	[tilespmem:$0x18BF0] =	vst v0  }
0x3d: {  	v0 =	vld.idx.msk [tilespmem:v17+s11+$0x0], $0xffff;
	_ =	sdelay $0x4  }
0x3e: {  	[tilespmem:$0x18C00] =	vst v0  }
0x3f: {  	v0 =	vld.idx.msk [tilespmem:v18+s11+$0x0], $0xffff;
	_ =	sdelay $0x4  }
0x40: {  	[tilespmem:$0x18C10] =	vst v0  }
0x41: {  	v0 =	vld.idx.msk [tilespmem:v19+s11+$0x0], $0xffff;
	_ =	sdelay $0x4  }
0x42: {  	[tilespmem:$0x18C20] =	vst v0  }
0x43: {  	v0 =	vld.idx.msk [tilespmem:v20+s11+$0x0], $0xffff;
	_ =	sdelay $0x4  }
0x44: {  	[tilespmem:$0x18C30] =	vst v0  }
0x45: {  	v0 =	vld.idx.msk [tilespmem:v21+s11+$0x0], $0xffff;
	_ =	sdelay $0x4  }
0x46: {  	[tilespmem:$0x18C40] =	vst v0  }
0x47: {  	v0 =	vld.idx.msk [tilespmem:v22+s11+$0x0], $0xffff;
	_ =	sdelay $0x4  }
0x48: {  	[tilespmem:$0x18C50] =	vst v0  }
0x49: {  	v0 =	vld.idx.msk [tilespmem:v23+s11+$0x0], $0xffff;
	_ =	sdelay $0x4  }
0x4a: {  	[tilespmem:$0x18C60] =	vst v0  }
0x4b: {  	v0 =	vld.idx.msk [tilespmem:v24+s11+$0x0], $0xffff;
	_ =	sdelay $0x4  }
0x4c: {  	[tilespmem:$0x18C70] =	vst v0  }
0x4d: {  	v0 =	vld.idx.msk [tilespmem:v25+s11+$0x0], $0xffff;
	_ =	sdelay $0x4  }
0x4e: {  	[tilespmem:$0x18C80] =	vst v0  }
0x4f: {  	v0 =	vld.idx.msk [tilespmem:v26+s11+$0x0], $0xffff;
	_ =	sdelay $0x4  }
0x50: {  	[tilespmem:$0x18C90] =	vst v0  }
0x51: {  	v0 =	vld.idx.msk [tilespmem:v27+s11+$0x0], $0xffff;
	_ =	sdelay $0x4  }
0x52: {  	[tilespmem:$0x18CA0] =	vst v0  }
0x53: {  	v0 =	vld.idx.msk [tilespmem:v28+s11+$0x0], $0xffff;
	_ =	sdelay $0x4  }
0x54: {  	[tilespmem:$0x18CB0] =	vst v0  }
0x55: {  	v0 =	vld.idx.msk [tilespmem:v29+s11+$0x0], $0xffff;
	_ =	sdelay $0x4  }
0x56: {  	[tilespmem:$0x18CC0] =	vst v0  }
0x57: {  	v0 =	vld.idx.msk [tilespmem:v30+s11+$0x0], $0xffff;
	_ =	sdelay $0x4  }
0x58: {  	[tilespmem:$0x18CD0] =	vst v0  }
0x59: {  	v0 =	vld.idx.msk [tilespmem:v31+s11+$0x0], $0xffff;
	_ =	sdelay $0x4  }
0x5a: {  	[tilespmem:$0x18CE0] =	vst v0  }
0x5b: {  	v0 =	vld.idx.msk [tilespmem:v32+s11+$0x0], $0xffff;
	_ =	sdelay $0x4  }
0x5c: {  	[tilespmem:$0x18CF0] =	vst v0;
	v0 =	vlaneseq.u32;
	_ =	sdelay $0x4  }
0x5d: {  	v0 =	vld.idx.msk [tilespmem:v0+s13+$0x0], $0xffff;
	_ =	sdelay $0x4  }
0x5e: {  	v0 =	vshra.s32 v0, $0x1  }
0x5f: {  	[tilespmem:$0x18D00] =	vst v0  }
0x60: {  	v0 =	vld.idx.msk [tilespmem:v33+s13+$0x0], $0xffff;
	_ =	sdelay $0x4  }
0x61: {  	v0 =	vshra.s32 v0, $0x1  }
0x62: {  	[tilespmem:$0x18D10] =	vst v0  }
0x63: {  	v0 =	vld.idx.msk [tilespmem:v34+s13+$0x0], $0xffff;
	_ =	sdelay $0x4  }
0x64: {  	v0 =	vshra.s32 v0, $0x1  }
0x65: {  	[tilespmem:$0x18D20] =	vst v0  }
0x66: {  	v0 =	vld.idx.msk [tilespmem:v35+s13+$0x0], $0xffff;
	_ =	sdelay $0x4  }
0x67: {  	v0 =	vshra.s32 v0, $0x1  }
0x68: {  	[tilespmem:$0x18D30] =	vst v0  }
0x69: {  	v0 =	vld.idx.msk [tilespmem:v36+s13+$0x0], $0xffff;
	_ =	sdelay $0x4  }
0x6a: {  	v0 =	vshra.s32 v0, $0x1  }
0x6b: {  	[tilespmem:$0x18D40] =	vst v0  }
0x6c: {  	v0 =	vld.idx.msk [tilespmem:v37+s13+$0x0], $0xffff;
	_ =	sdelay $0x4  }
0x6d: {  	v0 =	vshra.s32 v0, $0x1  }
0x6e: {  	[tilespmem:$0x18D50] =	vst v0  }
0x6f: {  	v0 =	vld.idx.msk [tilespmem:v38+s13+$0x0], $0xffff;
	_ =	sdelay $0x4  }
0x70: {  	v0 =	vshra.s32 v0, $0x1  }
0x71: {  	[tilespmem:$0x18D60] =	vst v0  }
0x72: {  	v0 =	vld.idx.msk [tilespmem:v39+s13+$0x0], $0xffff;
	_ =	sdelay $0x4  }
0x73: {  	v0 =	vshra.s32 v0, $0x1  }
0x74: {  	[tilespmem:$0x18D70] =	vst v0  }
0x75: {  	v0 =	vld.idx.msk [tilespmem:v40+s13+$0x0], $0xffff;
	_ =	sdelay $0x4  }
0x76: {  	v0 =	vshra.s32 v0, $0x1  }
0x77: {  	[tilespmem:$0x18D80] =	vst v0  }
0x78: {  	v0 =	vld.idx.msk [tilespmem:v41+s13+$0x0], $0xffff;
	_ =	sdelay $0x4  }
0x79: {  	v0 =	vshra.s32 v0, $0x1  }
0x7a: {  	[tilespmem:$0x18D90] =	vst v0  }
0x7b: {  	v0 =	vld.idx.msk [tilespmem:v42+s13+$0x0], $0xffff;
	_ =	sdelay $0x4  }
0x7c: {  	v0 =	vshra.s32 v0, $0x1  }
0x7d: {  	[tilespmem:$0x18DA0] =	vst v0  }
0x7e: {  	v0 =	vld.idx.msk [tilespmem:v43+s13+$0x0], $0xffff;
	_ =	sdelay $0x4  }
0x7f: {  	v0 =	vshra.s32 v0, $0x1  }
0x80: {  	[tilespmem:$0x18DB0] =	vst v0  }
0x81: {  	v0 =	vld.idx.msk [tilespmem:v44+s13+$0x0], $0xffff;
	_ =	sdelay $0x4  }
0x82: {  	v0 =	vshra.s32 v0, $0x1  }
0x83: {  	[tilespmem:$0x18DC0] =	vst v0  }
0x84: {  	v0 =	vld.idx.msk [tilespmem:v45+s13+$0x0], $0xffff;
	_ =	sdelay $0x4  }
0x85: {  	v0 =	vshra.s32 v0, $0x1  }
0x86: {  	[tilespmem:$0x18DD0] =	vst v0  }
0x87: {  	v0 =	vld.idx.msk [tilespmem:v46+s13+$0x0], $0xffff;
	_ =	sdelay $0x4  }
0x88: {  	v0 =	vshra.s32 v0, $0x1  }
0x89: {  	[tilespmem:$0x18DE0] =	vst v0  }
0x8a: {  	v0 =	vld.idx.msk [tilespmem:v47+s13+$0x0], $0xffff;
	_ =	sdelay $0x4  }
0x8b: {  	v0 =	vshra.s32 v0, $0x1  }
0x8c: {  	[tilespmem:$0x18DF0] =	vst v0  }
0x8d: {  	v0 =	vld.idx.msk [tilespmem:v48+s13+$0x0], $0xffff;
	_ =	sdelay $0x4  }
0x8e: {  	v0 =	vshra.s32 v0, $0x1  }
0x8f: {  	[tilespmem:$0x18E00] =	vst v0  }
0x90: {  	v0 =	vld.idx.msk [tilespmem:v49+s13+$0x0], $0xffff;
	_ =	sdelay $0x4  }
0x91: {  	v0 =	vshra.s32 v0, $0x1  }
0x92: {  	[tilespmem:$0x18E10] =	vst v0  }
0x93: {  	v0 =	vld.idx.msk [tilespmem:v50+s13+$0x0], $0xffff;
	_ =	sdelay $0x4  }
0x94: {  	v0 =	vshra.s32 v0, $0x1  }
0x95: {  	[tilespmem:$0x18E20] =	vst v0  }
0x96: {  	v0 =	vld.idx.msk [tilespmem:v51+s13+$0x0], $0xffff;
	_ =	sdelay $0x4  }
0x97: {  	v0 =	vshra.s32 v0, $0x1  }
0x98: {  	[tilespmem:$0x18E30] =	vst v0  }
0x99: {  	v0 =	vld.idx.msk [tilespmem:v52+s13+$0x0], $0xffff;
	_ =	sdelay $0x4  }
0x9a: {  	v0 =	vshra.s32 v0, $0x1  }
0x9b: {  	[tilespmem:$0x18E40] =	vst v0  }
0x9c: {  	v0 =	vld.idx.msk [tilespmem:v53+s13+$0x0], $0xffff;
	_ =	sdelay $0x4  }
0x9d: {  	v0 =	vshra.s32 v0, $0x1  }
0x9e: {  	[tilespmem:$0x18E50] =	vst v0  }
0x9f: {  	v0 =	vld.idx.msk [tilespmem:v54+s13+$0x0], $0xffff;
	_ =	sdelay $0x4  }
0xa0: {  	v0 =	vshra.s32 v0, $0x1  }
0xa1: {  	[tilespmem:$0x18E60] =	vst v0  }
0xa2: {  	v0 =	vld.idx.msk [tilespmem:v55+s13+$0x0], $0xffff;
	_ =	sdelay $0x4  }
0xa3: {  	v0 =	vshra.s32 v0, $0x1  }
0xa4: {  	[tilespmem:$0x18E70] =	vst v0  }
0xa5: {  	v0 =	vld.idx.msk [tilespmem:v56+s13+$0x0], $0xffff;
	_ =	sdelay $0x4  }
0xa6: {  	v0 =	vshra.s32 v0, $0x1  }
0xa7: {  	[tilespmem:$0x18E80] =	vst v0  }
0xa8: {  	v0 =	vld.idx.msk [tilespmem:v57+s13+$0x0], $0xffff;
	_ =	sdelay $0x4  }
0xa9: {  	v0 =	vshra.s32 v0, $0x1  }
0xaa: {  	[tilespmem:$0x18E90] =	vst v0  }
0xab: {  	v0 =	vld.idx.msk [tilespmem:v58+s13+$0x0], $0xffff;
	_ =	sdelay $0x4  }
0xac: {  	v0 =	vshra.s32 v0, $0x1  }
0xad: {  	[tilespmem:$0x18EA0] =	vst v0  }
0xae: {  	v0 =	vld.idx.msk [tilespmem:v59+s13+$0x0], $0xffff;
	_ =	sdelay $0x4  }
0xaf: {  	v0 =	vshra.s32 v0, $0x1  }
0xb0: {  	[tilespmem:$0x18EB0] =	vst v0  }
0xb1: {  	v0 =	vld.idx.msk [tilespmem:v60+s13+$0x0], $0xffff;
	_ =	sdelay $0x4  }
0xb2: {  	v0 =	vshra.s32 v0, $0x1  }
0xb3: {  	[tilespmem:$0x18EC0] =	vst v0  }
0xb4: {  	v0 =	vld.idx.msk [tilespmem:v61+s13+$0x0], $0xffff;
	_ =	sdelay $0x4  }
0xb5: {  	v0 =	vshra.s32 v0, $0x1  }
0xb6: {  	[tilespmem:$0x18ED0] =	vst v0  }
0xb7: {  	v0 =	vld.idx.msk [tilespmem:v62+s13+$0x0], $0xffff;
	_ =	sdelay $0x4  }
0xb8: {  	v0 =	vshra.s32 v0, $0x1  }
0xb9: {  	[tilespmem:$0x18EE0] =	vst v0  }
0xba: {  	v0 =	vld.idx.msk [tilespmem:v63+s13+$0x0], $0xffff;
	_ =	sdelay $0x4  }
0xbb: {  	v0 =	vshra.s32 v0, $0x1  }
0xbc: {  	[tilespmem:$0x18EF0] =	vst v0  }
0xbd: {  	_ =	swait.ge [sflag:s14], $0x18700  }
0xbe: {  	[sflag:s14] =	ssyncset.done $0x0  }
0xbf: {  	[sflag:s14] =	ssyncadd.s32 $0xFFFE7900  }
0xc0: {  	[tilespmem:s17], [sflag:$0x1] =	stream.indirect.gather [hbm4b:s0+s15], $0x80, s16, s15, $0xb8;
	[tilespmem:$0x1DF00] =	vst v63  }
0xc1: {  	_ =	swait.ge [sflag:s18], $0x4000  }
0xc2: {  	[sflag:s18] =	ssyncset.done $0x0  }
0xc3: {  	s24 =	simm.s32 $0x1CF40;
	s25 =	simm.s32 $0x0;
	[sflag:s18] =	ssyncadd.s32 $0xFFFFC000  }
.LBB2_2:
0xc4: {  	v0 =	vmov s25;
	_ =	sdelay $0x4  }
0xc5: {  	v3 =	vld.idx.msk [tilespmem:v0+s13+$0x0], $0xffff;
	_ =	sdelay $0x4  }
0xc6: {  	v3 =	vshll.u32 v3, $0x6  }
0xc7: {  	v0 =	vshll.u32 v0, $0x7;
	v3 =	vand.u32 $0x40, v3  }
0xc8: {  	v0 =	vor.u32 v0, v3  }
0xc9: {  	v3 =	vor.u32 v1, v0;
	_ =	sdelay $0x4  }
0xca: {  	v3 =	vld.idx.msk [tilespmem:v3+s17+$0x0], $0xffff;
	_ =	sdelay $0x7  }
0xcb: {  	v3 =	vld.idx.msk [tilespmem:v3+s4+$0x0], $0xffff  }
0xcc: {  	v0 =	vor.u32 v2, v0;
	_ =	sdelay $0x3  }
0xcd: {  	[tilespmem:s24+$0xFFFFFFC0] =	vst v3  }
0xce: {  	v0 =	vld.idx.msk [tilespmem:v0+s17+$0x0], $0xffff;
	_ =	sdelay $0x7  }
0xcf: {  	s26 =	sadd.s32 $0x1, s25;
	v0 =	vld.idx.msk [tilespmem:v0+s4+$0x0], $0xffff  }
0xd0: {  	v3 =	vmov s26;
	_ =	sdelay $0x3  }
0xd1: {  	[tilespmem:s24+$0xFFFFFFD0] =	vst v0  }
0xd2: {  	v0 =	vld.idx.msk [tilespmem:v3+s13+$0x0], $0xffff;
	_ =	sdelay $0x4  }
0xd3: {  	v0 =	vshll.u32 v0, $0x6  }
0xd4: {  	v3 =	vshll.u32 v3, $0x7;
	v0 =	vand.u32 $0x40, v0  }
0xd5: {  	v0 =	vor.u32 v3, v0  }
0xd6: {  	v3 =	vor.u32 v1, v0;
	_ =	sdelay $0x4  }
0xd7: {  	v3 =	vld.idx.msk [tilespmem:v3+s17+$0x0], $0xffff;
	_ =	sdelay $0x7  }
0xd8: {  	v3 =	vld.idx.msk [tilespmem:v3+s4+$0x0], $0xffff  }
0xd9: {  	v0 =	vor.u32 v2, v0;
	_ =	sdelay $0x3  }
0xda: {  	[tilespmem:s24+$0xFFFFFFE0] =	vst v3  }
0xdb: {  	v0 =	vld.idx.msk [tilespmem:v0+s17+$0x0], $0xffff;
	_ =	sdelay $0x7  }
0xdc: {  	s30 =	sadd.s32 $0x2, s25;
	v0 =	vld.idx.msk [tilespmem:v0+s4+$0x0], $0xffff  }
0xdd: {  	v3 =	vmov s30;
	_ =	sdelay $0x3  }
0xde: {  	[tilespmem:s24+$0xFFFFFFF0] =	vst v0  }
0xdf: {  	v0 =	vld.idx.msk [tilespmem:v3+s13+$0x0], $0xffff;
	_ =	sdelay $0x4  }
0xe0: {  	v0 =	vshll.u32 v0, $0x6  }
0xe1: {  	v3 =	vshll.u32 v3, $0x7;
	v0 =	vand.u32 $0x40, v0  }
0xe2: {  	v0 =	vor.u32 v3, v0  }
0xe3: {  	v3 =	vor.u32 v1, v0;
	_ =	sdelay $0x4  }
0xe4: {  	v3 =	vld.idx.msk [tilespmem:v3+s17+$0x0], $0xffff;
	_ =	sdelay $0x7  }
0xe5: {  	v3 =	vld.idx.msk [tilespmem:v3+s4+$0x0], $0xffff  }
0xe6: {  	v0 =	vor.u32 v2, v0;
	_ =	sdelay $0x3  }
0xe7: {  	[tilespmem:s24+$0x0] =	vst v3  }
0xe8: {  	v0 =	vld.idx.msk [tilespmem:v0+s17+$0x0], $0xffff;
	_ =	sdelay $0x7  }
0xe9: {  	s31 =	sadd.s32 $0x3, s25;
	v0 =	vld.idx.msk [tilespmem:v0+s4+$0x0], $0xffff  }
0xea: {  	v3 =	vmov s31;
	_ =	sdelay $0x3  }
0xeb: {  	[tilespmem:s24+$0x10] =	vst v0  }
0xec: {  	v0 =	vld.idx.msk [tilespmem:v3+s13+$0x0], $0xffff;
	_ =	sdelay $0x4  }
0xed: {  	v0 =	vshll.u32 v0, $0x6  }
0xee: {  	v3 =	vshll.u32 v3, $0x7;
	v0 =	vand.u32 $0x40, v0  }
0xef: {  	v0 =	vor.u32 v3, v0  }
0xf0: {  	v3 =	vor.u32 v1, v0;
	_ =	sdelay $0x4  }
0xf1: {  	v3 =	vld.idx.msk [tilespmem:v3+s17+$0x0], $0xffff;
	_ =	sdelay $0x7  }
0xf2: {  	v3 =	vld.idx.msk [tilespmem:v3+s4+$0x0], $0xffff  }
0xf3: {  	v0 =	vor.u32 v2, v0;
	_ =	sdelay $0x3  }
0xf4: {  	[tilespmem:s24+$0x20] =	vst v3  }
0xf5: {  	v0 =	vld.idx.msk [tilespmem:v0+s17+$0x0], $0xffff;
	_ =	sdelay $0x7  }
0xf6: {  	p0 =	sne.s32 s25, $0x7C;
	v0 =	vld.idx.msk [tilespmem:v0+s4+$0x0], $0xffff  }
.Ltmp0:
0xf7: {  	_ = 	snop;
	(pc) =	sbr.rel @p0 .LBB2_2-.Ltmp0, $2  }
0xf8: {  	_ =	sdelay $0x2  }
0xf9: {  	s25 =	sadd.s32 $0x4, s25;
	[tilespmem:s24+$0x30] =	vst v0;
	s24 =	sadd.s32 $0x80, s24  }
0xfa: {  	s24 =	simm.s32 $0x0  }
0xfb: {  	[hbm4b:s5+s24] =	stream.linear.scatter [tilespmem:s19], [sflag:$0x3], $0x1000, $0x38;
	[tilespmem:$0x1DF00] =	vst v63  }
0xfc: {  	_ =	swait.ge [sflag:s12], $0x1000  }
0xfd: {  	[sflag:s12] =	ssyncset.done $0x0  }
0xfe: {  	[sflag:s12] =	ssyncadd.s32 $0xFFFFF000  }
0xff: {  	[tilespmem:s17], [sflag:$0x1] =	stream.indirect.gather [hbm4b:s0+s15], $0x80, s20, s15, $0xb8;
	[tilespmem:$0x1DF00] =	vst v63  }
0x100: {  	_ =	swait.ge [sflag:s18], $0x4000  }
0x101: {  	[sflag:s18] =	ssyncset.done $0x0  }
0x102: {  	s25 =	simm.s32 $0x1CF40;
	[sflag:s18] =	ssyncadd.s32 $0xFFFFC000  }
.LBB2_4:
0x103: {  	v0 =	vmov s24  }
0x104: {  	v3 =	vand.u32 $0xFFFFFFFC, v0  }
0x105: {  	v3 =	vadd.s32 $0x80, v3;
	_ =	sdelay $0x4  }
0x106: {  	v3 =	vld.idx.msk [tilespmem:v3+s13+$0x0], $0xffff;
	_ =	sdelay $0x4  }
0x107: {  	v3 =	vshll.u32 v3, $0x6  }
0x108: {  	v0 =	vshll.u32 v0, $0x7;
	v3 =	vand.u32 $0x40, v3  }
0x109: {  	v0 =	vor.u32 v0, v3  }
0x10a: {  	v3 =	vor.u32 v1, v0;
	_ =	sdelay $0x4  }
0x10b: {  	v3 =	vld.idx.msk [tilespmem:v3+s17+$0x0], $0xffff;
	_ =	sdelay $0x7  }
0x10c: {  	v3 =	vld.idx.msk [tilespmem:v3+s4+$0x0], $0xffff  }
0x10d: {  	v0 =	vor.u32 v2, v0;
	_ =	sdelay $0x3  }
0x10e: {  	[tilespmem:s25+$0xFFFFFFC0] =	vst v3  }
0x10f: {  	v0 =	vld.idx.msk [tilespmem:v0+s17+$0x0], $0xffff;
	_ =	sdelay $0x5  }
0x110: {  	s26 =	sadd.s32 $0x1, s24  }
0x111: {  	v3 =	vmov s26  }
0x112: {  	v4 =	vand.u32 $0xFFFFFFFD, v3;
	v0 =	vld.idx.msk [tilespmem:v0+s4+$0x0], $0xffff  }
0x113: {  	v4 =	vadd.s32 $0x80, v4;
	_ =	sdelay $0x3  }
0x114: {  	[tilespmem:s25+$0xFFFFFFD0] =	vst v0  }
0x115: {  	v0 =	vld.idx.msk [tilespmem:v4+s13+$0x0], $0xffff;
	_ =	sdelay $0x4  }
0x116: {  	v0 =	vshll.u32 v0, $0x6  }
0x117: {  	v3 =	vshll.u32 v3, $0x7;
	v0 =	vand.u32 $0x40, v0  }
0x118: {  	v0 =	vor.u32 v3, v0  }
0x119: {  	v3 =	vor.u32 v1, v0;
	_ =	sdelay $0x4  }
0x11a: {  	v3 =	vld.idx.msk [tilespmem:v3+s17+$0x0], $0xffff;
	_ =	sdelay $0x7  }
0x11b: {  	v3 =	vld.idx.msk [tilespmem:v3+s4+$0x0], $0xffff  }
0x11c: {  	v0 =	vor.u32 v2, v0;
	_ =	sdelay $0x3  }
0x11d: {  	[tilespmem:s25+$0xFFFFFFE0] =	vst v3  }
0x11e: {  	v0 =	vld.idx.msk [tilespmem:v0+s17+$0x0], $0xffff;
	_ =	sdelay $0x5  }
0x11f: {  	s30 =	sadd.s32 $0x2, s24  }
0x120: {  	v3 =	vmov s30  }
0x121: {  	v4 =	vand.u32 $0xFFFFFFFE, v3;
	v0 =	vld.idx.msk [tilespmem:v0+s4+$0x0], $0xffff  }
0x122: {  	v4 =	vadd.s32 $0x80, v4;
	_ =	sdelay $0x3  }
0x123: {  	[tilespmem:s25+$0xFFFFFFF0] =	vst v0  }
0x124: {  	v0 =	vld.idx.msk [tilespmem:v4+s13+$0x0], $0xffff;
	_ =	sdelay $0x4  }
0x125: {  	v0 =	vshll.u32 v0, $0x6  }
0x126: {  	v3 =	vshll.u32 v3, $0x7;
	v0 =	vand.u32 $0x40, v0  }
0x127: {  	v0 =	vor.u32 v3, v0  }
0x128: {  	v3 =	vor.u32 v1, v0;
	_ =	sdelay $0x4  }
0x129: {  	v3 =	vld.idx.msk [tilespmem:v3+s17+$0x0], $0xffff;
	_ =	sdelay $0x7  }
0x12a: {  	v3 =	vld.idx.msk [tilespmem:v3+s4+$0x0], $0xffff  }
0x12b: {  	v0 =	vor.u32 v2, v0;
	_ =	sdelay $0x3  }
0x12c: {  	[tilespmem:s25+$0x0] =	vst v3  }
0x12d: {  	v0 =	vld.idx.msk [tilespmem:v0+s17+$0x0], $0xffff;
	_ =	sdelay $0x6  }
0x12e: {  	s31 =	sadd.s32 $0x3, s24  }
0x12f: {  	v3 =	vmov s31;
	v0 =	vld.idx.msk [tilespmem:v0+s4+$0x0], $0xffff  }
0x130: {  	v4 =	vadd.s32 $0x80, v3;
	_ =	sdelay $0x3  }
0x131: {  	[tilespmem:s25+$0x10] =	vst v0  }
0x132: {  	v0 =	vld.idx.msk [tilespmem:v4+s13+$0x0], $0xffff;
	_ =	sdelay $0x4  }
0x133: {  	v0 =	vshll.u32 v0, $0x6  }
0x134: {  	v3 =	vshll.u32 v3, $0x7;
	v0 =	vand.u32 $0x40, v0  }
0x135: {  	v0 =	vor.u32 v3, v0  }
0x136: {  	v3 =	vor.u32 v1, v0;
	_ =	sdelay $0x4  }
0x137: {  	v3 =	vld.idx.msk [tilespmem:v3+s17+$0x0], $0xffff;
	_ =	sdelay $0x7  }
0x138: {  	v3 =	vld.idx.msk [tilespmem:v3+s4+$0x0], $0xffff  }
0x139: {  	v0 =	vor.u32 v2, v0;
	_ =	sdelay $0x3  }
0x13a: {  	[tilespmem:s25+$0x20] =	vst v3  }
0x13b: {  	v0 =	vld.idx.msk [tilespmem:v0+s17+$0x0], $0xffff;
	_ =	sdelay $0x7  }
0x13c: {  	p0 =	sne.s32 s24, $0x7C;
	v0 =	vld.idx.msk [tilespmem:v0+s4+$0x0], $0xffff  }
.Ltmp1:
0x13d: {  	_ = 	snop;
	(pc) =	sbr.rel @p0 .LBB2_4-.Ltmp1, $2  }
0x13e: {  	_ =	sdelay $0x2  }
0x13f: {  	s24 =	sadd.s32 $0x4, s24;
	[tilespmem:s25+$0x30] =	vst v0;
	s25 =	sadd.s32 $0x80, s25  }
0x140: {  	s24 =	simm.s32 $0x0  }
0x141: {  	[hbm4b:s7+s24] =	stream.linear.scatter [tilespmem:s19], [sflag:$0x3], $0x1000, $0x38;
	[tilespmem:$0x1DF00] =	vst v63  }
0x142: {  	_ =	swait.ge [sflag:s12], $0x1000  }
0x143: {  	[sflag:s12] =	ssyncset.done $0x0  }
0x144: {  	[sflag:s12] =	ssyncadd.s32 $0xFFFFF000  }
0x145: {  	[tilespmem:s17], [sflag:$0x1] =	stream.indirect.gather [hbm4b:s0+s15], $0x80, s21, s15, $0xb8;
	[tilespmem:$0x1DF00] =	vst v63  }
0x146: {  	_ =	swait.ge [sflag:s18], $0x4000  }
0x147: {  	[sflag:s18] =	ssyncset.done $0x0  }
0x148: {  	s25 =	simm.s32 $0x1CF40;
	[sflag:s18] =	ssyncadd.s32 $0xFFFFC000  }
.LBB2_6:
0x149: {  	v0 =	vmov s24  }
0x14a: {  	v3 =	vand.u32 $0xFFFFFFFC, v0  }
0x14b: {  	v3 =	vadd.s32 $0x100, v3;
	_ =	sdelay $0x4  }
0x14c: {  	v3 =	vld.idx.msk [tilespmem:v3+s13+$0x0], $0xffff;
	_ =	sdelay $0x4  }
0x14d: {  	v3 =	vshll.u32 v3, $0x6  }
0x14e: {  	v0 =	vshll.u32 v0, $0x7;
	v3 =	vand.u32 $0x40, v3  }
0x14f: {  	v0 =	vor.u32 v0, v3  }
0x150: {  	v3 =	vor.u32 v1, v0;
	_ =	sdelay $0x4  }
0x151: {  	v3 =	vld.idx.msk [tilespmem:v3+s17+$0x0], $0xffff;
	_ =	sdelay $0x7  }
0x152: {  	v3 =	vld.idx.msk [tilespmem:v3+s4+$0x0], $0xffff  }
0x153: {  	v0 =	vor.u32 v2, v0;
	_ =	sdelay $0x3  }
0x154: {  	[tilespmem:s25+$0xFFFFFFC0] =	vst v3  }
0x155: {  	v0 =	vld.idx.msk [tilespmem:v0+s17+$0x0], $0xffff;
	_ =	sdelay $0x5  }
0x156: {  	s26 =	sadd.s32 $0x1, s24  }
0x157: {  	v3 =	vmov s26  }
0x158: {  	v4 =	vand.u32 $0xFFFFFFFD, v3;
	v0 =	vld.idx.msk [tilespmem:v0+s4+$0x0], $0xffff  }
0x159: {  	v4 =	vadd.s32 $0x100, v4;
	_ =	sdelay $0x3  }
0x15a: {  	[tilespmem:s25+$0xFFFFFFD0] =	vst v0  }
0x15b: {  	v0 =	vld.idx.msk [tilespmem:v4+s13+$0x0], $0xffff;
	_ =	sdelay $0x4  }
0x15c: {  	v0 =	vshll.u32 v0, $0x6  }
0x15d: {  	v3 =	vshll.u32 v3, $0x7;
	v0 =	vand.u32 $0x40, v0  }
0x15e: {  	v0 =	vor.u32 v3, v0  }
0x15f: {  	v3 =	vor.u32 v1, v0;
	_ =	sdelay $0x4  }
0x160: {  	v3 =	vld.idx.msk [tilespmem:v3+s17+$0x0], $0xffff;
	_ =	sdelay $0x7  }
0x161: {  	v3 =	vld.idx.msk [tilespmem:v3+s4+$0x0], $0xffff  }
0x162: {  	v0 =	vor.u32 v2, v0;
	_ =	sdelay $0x3  }
0x163: {  	[tilespmem:s25+$0xFFFFFFE0] =	vst v3  }
0x164: {  	v0 =	vld.idx.msk [tilespmem:v0+s17+$0x0], $0xffff;
	_ =	sdelay $0x5  }
0x165: {  	s30 =	sadd.s32 $0x2, s24  }
0x166: {  	v3 =	vmov s30  }
0x167: {  	v4 =	vand.u32 $0xFFFFFFFE, v3;
	v0 =	vld.idx.msk [tilespmem:v0+s4+$0x0], $0xffff  }
0x168: {  	v4 =	vadd.s32 $0x100, v4;
	_ =	sdelay $0x3  }
0x169: {  	[tilespmem:s25+$0xFFFFFFF0] =	vst v0  }
0x16a: {  	v0 =	vld.idx.msk [tilespmem:v4+s13+$0x0], $0xffff;
	_ =	sdelay $0x4  }
0x16b: {  	v0 =	vshll.u32 v0, $0x6  }
0x16c: {  	v3 =	vshll.u32 v3, $0x7;
	v0 =	vand.u32 $0x40, v0  }
0x16d: {  	v0 =	vor.u32 v3, v0  }
0x16e: {  	v3 =	vor.u32 v1, v0;
	_ =	sdelay $0x4  }
0x16f: {  	v3 =	vld.idx.msk [tilespmem:v3+s17+$0x0], $0xffff;
	_ =	sdelay $0x7  }
0x170: {  	v3 =	vld.idx.msk [tilespmem:v3+s4+$0x0], $0xffff  }
0x171: {  	v0 =	vor.u32 v2, v0;
	_ =	sdelay $0x3  }
0x172: {  	[tilespmem:s25+$0x0] =	vst v3  }
0x173: {  	v0 =	vld.idx.msk [tilespmem:v0+s17+$0x0], $0xffff;
	_ =	sdelay $0x6  }
0x174: {  	s31 =	sadd.s32 $0x3, s24  }
0x175: {  	v3 =	vmov s31;
	v0 =	vld.idx.msk [tilespmem:v0+s4+$0x0], $0xffff  }
0x176: {  	v4 =	vadd.s32 $0x100, v3;
	_ =	sdelay $0x3  }
0x177: {  	[tilespmem:s25+$0x10] =	vst v0  }
0x178: {  	v0 =	vld.idx.msk [tilespmem:v4+s13+$0x0], $0xffff;
	_ =	sdelay $0x4  }
0x179: {  	v0 =	vshll.u32 v0, $0x6  }
0x17a: {  	v3 =	vshll.u32 v3, $0x7;
	v0 =	vand.u32 $0x40, v0  }
0x17b: {  	v0 =	vor.u32 v3, v0  }
0x17c: {  	v3 =	vor.u32 v1, v0;
	_ =	sdelay $0x4  }
0x17d: {  	v3 =	vld.idx.msk [tilespmem:v3+s17+$0x0], $0xffff;
	_ =	sdelay $0x7  }
0x17e: {  	v3 =	vld.idx.msk [tilespmem:v3+s4+$0x0], $0xffff  }
0x17f: {  	v0 =	vor.u32 v2, v0;
	_ =	sdelay $0x3  }
0x180: {  	[tilespmem:s25+$0x20] =	vst v3  }
0x181: {  	v0 =	vld.idx.msk [tilespmem:v0+s17+$0x0], $0xffff;
	_ =	sdelay $0x7  }
0x182: {  	p0 =	sne.s32 s24, $0x7C;
	v0 =	vld.idx.msk [tilespmem:v0+s4+$0x0], $0xffff  }
.Ltmp2:
0x183: {  	_ = 	snop;
	(pc) =	sbr.rel @p0 .LBB2_6-.Ltmp2, $2  }
0x184: {  	_ =	sdelay $0x2  }
0x185: {  	s24 =	sadd.s32 $0x4, s24;
	[tilespmem:s25+$0x30] =	vst v0;
	s25 =	sadd.s32 $0x80, s25  }
0x186: {  	s24 =	simm.s32 $0x0  }
0x187: {  	[hbm4b:s8+s24] =	stream.linear.scatter [tilespmem:s19], [sflag:$0x3], $0x1000, $0x38;
	[tilespmem:$0x1DF00] =	vst v63  }
0x188: {  	_ =	swait.ge [sflag:s12], $0x1000  }
0x189: {  	[sflag:s12] =	ssyncset.done $0x0  }
0x18a: {  	[sflag:s12] =	ssyncadd.s32 $0xFFFFF000  }
0x18b: {  	[tilespmem:s17], [sflag:$0x1] =	stream.indirect.gather [hbm4b:s0+s15], $0x80, s22, s15, $0xb8;
	[tilespmem:$0x1DF00] =	vst v63  }
0x18c: {  	_ =	swait.ge [sflag:s18], $0x4000  }
0x18d: {  	[sflag:s18] =	ssyncset.done $0x0  }
0x18e: {  	s25 =	simm.s32 $0x1CF40;
	[sflag:s18] =	ssyncadd.s32 $0xFFFFC000  }
.LBB2_8:
0x18f: {  	v0 =	vmov s24  }
0x190: {  	v3 =	vand.u32 $0xFFFFFFFC, v0  }
0x191: {  	v3 =	vadd.s32 $0x180, v3;
	_ =	sdelay $0x4  }
0x192: {  	v3 =	vld.idx.msk [tilespmem:v3+s13+$0x0], $0xffff;
	_ =	sdelay $0x4  }
0x193: {  	v3 =	vshll.u32 v3, $0x6  }
0x194: {  	v0 =	vshll.u32 v0, $0x7;
	v3 =	vand.u32 $0x40, v3  }
0x195: {  	v0 =	vor.u32 v0, v3  }
0x196: {  	v3 =	vor.u32 v1, v0;
	_ =	sdelay $0x4  }
0x197: {  	v3 =	vld.idx.msk [tilespmem:v3+s17+$0x0], $0xffff;
	_ =	sdelay $0x7  }
0x198: {  	v3 =	vld.idx.msk [tilespmem:v3+s4+$0x0], $0xffff  }
0x199: {  	v0 =	vor.u32 v2, v0;
	_ =	sdelay $0x3  }
0x19a: {  	[tilespmem:s25+$0xFFFFFFC0] =	vst v3  }
0x19b: {  	v0 =	vld.idx.msk [tilespmem:v0+s17+$0x0], $0xffff;
	_ =	sdelay $0x5  }
0x19c: {  	s26 =	sadd.s32 $0x1, s24  }
0x19d: {  	v3 =	vmov s26  }
0x19e: {  	v4 =	vand.u32 $0xFFFFFFFD, v3;
	v0 =	vld.idx.msk [tilespmem:v0+s4+$0x0], $0xffff  }
0x19f: {  	v4 =	vadd.s32 $0x180, v4;
	_ =	sdelay $0x3  }
0x1a0: {  	[tilespmem:s25+$0xFFFFFFD0] =	vst v0  }
0x1a1: {  	v0 =	vld.idx.msk [tilespmem:v4+s13+$0x0], $0xffff;
	_ =	sdelay $0x4  }
0x1a2: {  	v0 =	vshll.u32 v0, $0x6  }
0x1a3: {  	v3 =	vshll.u32 v3, $0x7;
	v0 =	vand.u32 $0x40, v0  }
0x1a4: {  	v0 =	vor.u32 v3, v0  }
0x1a5: {  	v3 =	vor.u32 v1, v0;
	_ =	sdelay $0x4  }
0x1a6: {  	v3 =	vld.idx.msk [tilespmem:v3+s17+$0x0], $0xffff;
	_ =	sdelay $0x7  }
0x1a7: {  	v3 =	vld.idx.msk [tilespmem:v3+s4+$0x0], $0xffff  }
0x1a8: {  	v0 =	vor.u32 v2, v0;
	_ =	sdelay $0x3  }
0x1a9: {  	[tilespmem:s25+$0xFFFFFFE0] =	vst v3  }
0x1aa: {  	v0 =	vld.idx.msk [tilespmem:v0+s17+$0x0], $0xffff;
	_ =	sdelay $0x5  }
0x1ab: {  	s30 =	sadd.s32 $0x2, s24  }
0x1ac: {  	v3 =	vmov s30  }
0x1ad: {  	v4 =	vand.u32 $0xFFFFFFFE, v3;
	v0 =	vld.idx.msk [tilespmem:v0+s4+$0x0], $0xffff  }
0x1ae: {  	v4 =	vadd.s32 $0x180, v4;
	_ =	sdelay $0x3  }
0x1af: {  	[tilespmem:s25+$0xFFFFFFF0] =	vst v0  }
0x1b0: {  	v0 =	vld.idx.msk [tilespmem:v4+s13+$0x0], $0xffff;
	_ =	sdelay $0x4  }
0x1b1: {  	v0 =	vshll.u32 v0, $0x6  }
0x1b2: {  	v3 =	vshll.u32 v3, $0x7;
	v0 =	vand.u32 $0x40, v0  }
0x1b3: {  	v0 =	vor.u32 v3, v0  }
0x1b4: {  	v3 =	vor.u32 v1, v0;
	_ =	sdelay $0x4  }
0x1b5: {  	v3 =	vld.idx.msk [tilespmem:v3+s17+$0x0], $0xffff;
	_ =	sdelay $0x7  }
0x1b6: {  	v3 =	vld.idx.msk [tilespmem:v3+s4+$0x0], $0xffff  }
0x1b7: {  	v0 =	vor.u32 v2, v0;
	_ =	sdelay $0x3  }
0x1b8: {  	[tilespmem:s25+$0x0] =	vst v3  }
0x1b9: {  	v0 =	vld.idx.msk [tilespmem:v0+s17+$0x0], $0xffff;
	_ =	sdelay $0x6  }
0x1ba: {  	s31 =	sadd.s32 $0x3, s24  }
0x1bb: {  	v3 =	vmov s31;
	v0 =	vld.idx.msk [tilespmem:v0+s4+$0x0], $0xffff  }
0x1bc: {  	v4 =	vadd.s32 $0x180, v3;
	_ =	sdelay $0x3  }
0x1bd: {  	[tilespmem:s25+$0x10] =	vst v0  }
0x1be: {  	v0 =	vld.idx.msk [tilespmem:v4+s13+$0x0], $0xffff;
	_ =	sdelay $0x4  }
0x1bf: {  	v0 =	vshll.u32 v0, $0x6  }
0x1c0: {  	v3 =	vshll.u32 v3, $0x7;
	v0 =	vand.u32 $0x40, v0  }
0x1c1: {  	v0 =	vor.u32 v3, v0  }
0x1c2: {  	v3 =	vor.u32 v1, v0;
	_ =	sdelay $0x4  }
0x1c3: {  	v3 =	vld.idx.msk [tilespmem:v3+s17+$0x0], $0xffff;
	_ =	sdelay $0x7  }
0x1c4: {  	v3 =	vld.idx.msk [tilespmem:v3+s4+$0x0], $0xffff  }
0x1c5: {  	v0 =	vor.u32 v2, v0;
	_ =	sdelay $0x3  }
0x1c6: {  	[tilespmem:s25+$0x20] =	vst v3  }
0x1c7: {  	v0 =	vld.idx.msk [tilespmem:v0+s17+$0x0], $0xffff;
	_ =	sdelay $0x7  }
0x1c8: {  	p0 =	sne.s32 s24, $0x7C;
	v0 =	vld.idx.msk [tilespmem:v0+s4+$0x0], $0xffff  }
.Ltmp3:
0x1c9: {  	_ = 	snop;
	(pc) =	sbr.rel @p0 .LBB2_8-.Ltmp3, $2  }
0x1ca: {  	_ =	sdelay $0x2  }
0x1cb: {  	s24 =	sadd.s32 $0x4, s24;
	[tilespmem:s25+$0x30] =	vst v0;
	s25 =	sadd.s32 $0x80, s25  }
0x1cc: {  	s23 =	sadd.s32 $0x1, s23  }
0x1cd: {  	p0 =	sne.s32 s23, s10  }
.Ltmp4:
0x1ce: {  	_ = 	snop;
	(pc) =	sbr.rel @p0 .LBB2_1-.Ltmp4, $4  }
0x1cf: {  	[hbm4b:s9+s4] =	stream.linear.scatter [tilespmem:s19], [sflag:$0x3], $0x1000, $0x38;
	[tilespmem:$0x1DF00] =	vst v63  }
0x1d0: {  	_ =	swait.ge [sflag:s12], $0x1000  }
0x1d1: {  	[sflag:s12] =	ssyncset.done $0x0  }
0x1d2: {  	[sflag:s12] =	ssyncadd.s32 $0xFFFFF000  }
0x1d3: {  	_ =	sfence.sel $0x180000  }
0x1d4: {  	[bflag:$0x0] =	sbarrier.arrive $0xFFFF  }
0x1d5: {  	p0 =	sne.s32 s3, $0x0;
	_ =	strace $0x90000047  }
0x1d6: {  	s0 =	sadd.s32 @!p0 $0x100000, s2;
	[bflag:$0x2] =	sbarrier.arrive $0xFFFF  }
0x1d7: {  	[sflag:s0] =	ssyncadd.tile.s32 @!p0 $0x1;
	_ =	shalt  }
.Lfunc_end2:
_tile_overlayer_lowered:
.L_overlay_start_2:
0x1d8: {  	(tag) =	ssettag $0x2  }
0x1d9: {  	s0 =	rddreg [dreg:$0x0];
	s2 =	stileid.u32  }
0x1da: {  	s1 =	rddreg [dreg:$0x1];
	p0 =	sne.s32 s2, $0x0  }
0x1db: {  	s3 =	rddreg [dreg:$0x2];
	[bflag:$0x3] =	sbarrier.arrive $0xFFFF;
	s2 =	simm.s32 @!p0 $0x1C03  }
0x1dc: {  	[timem:s3], [sflag:s2] =	dma.local @!p0 [hbm:s0], s1  }
0x1dd: {  	s0 =	simm.s32 @!p0 $0x3  }
0x1de: {  	_ =	swait.ge @!p0 [sflag:s0], s1  }
0x1df: {  	s1 =	ssub.s32 @!p0 $0x0, s1;
	[sflag:s0] =	ssyncset.done @!p0 $0x0  }
0x1e0: {  	[sflag:s0] =	ssyncadd.s32 @!p0 s1  }
0x1e1: {  	[bflag:$0x3] =	sbarrier.arrive $0xFFFF  }
0x1e2: {  	_ =	shalt  }

// kernel: kernel.8.cloned.1.call-start
scs
__scs_entry_jumppad:
0x0: {  	(pc) =	sbr.rel $0x88, $3  }
0x1: {  	(tag) =	ssettag $0x0;
	lr =	simm.s32 $0x1  }
0x2: {  	[smem:$0x3F9C] =	sst lr;
	_ =	strace $0xD0000000  }
0x3: {  	_ = 	snop  }
0x4: {  	_ = 	snop  }
0x5: {  	_ = 	snop  }
0x6: {  	_ = 	snop  }
0x7: {  	_ = 	snop  }
__scs_overlays_trampoline_lowered:
0x8: {  	[smem:$0x3FAB] =	sst s0  }
0x9: {  	[smem:$0x3FAC] =	sst s1  }
0xa: {  	[smem:$0x3FAD] =	sst s2  }
0xb: {  	[smem:$0x3FAE] =	sst s3  }
0xc: {  	[smem:$0x3FAF] =	sst s4  }
0xd: {  	[smem:$0x3FB0] =	sst s5  }
0xe: {  	[smem:$0x3FB1] =	sst s6  }
0xf: {  	[smem:$0x3FB2] =	sst s7  }
0x10: {  	[smem:$0x3FB3] =	sst s8  }
0x11: {  	[smem:$0x3FB4] =	sst s9;
	s0 =	simm.s32 @!p0 $0x0  }
0x12: {  	s1 =	sld [smem:$0x3F9A];
	s0 =	simm.s32 @p0 $0x1  }
0x13: {  	[smem:$0x3FB5] =	sst s0;
	s0 =	simm.s32 @!p1 $0x0  }
0x14: {  	s2 =	sld [smem:$0x3F99];
	s0 =	simm.s32 @p1 $0x1  }
0x15: {  	[smem:$0x3FB6] =	sst s0;
	s0 =	simm.s32 @!p2 $0x0  }
0x16: {  	s3 =	sld [smem:$0x3FDB];
	s0 =	simm.s32 @p2 $0x1  }
0x17: {  	s4 =	simm.s32 $0x1BF5;
	[smem:$0x3FB8] =	sst s0  }
0x18: {  	s0 =	sld [smem:$0x3F9B];
	_ =	swait.ge [sflag:s4], $0x0  }
0x19: {  	s7 =	sld [smem:$0x3F9C]  }
0x1a: {  	s8 =	sadd.s32 $0xFFFFE003, lr  }
0x1b: {  	s9 =	sadd.s32 $0xFFFFFEF7, lr;
	s5 =	simm.s32 $0xFFFFFFFF;
	p2 =	slt.u32 s8, $0xFFFFF086  }
0x1c: {  	p1 =	slt.u32 s9, $0xF7A;
	s5 =	simm.s32 @!p2 $0x0  }
0x1d: {  	s5 =	simm.s32 @p1 $0x1;
	p0 =	seq.s32 s7, s2  }
0x1e: {  	s7 =	smul.u32 @!p0 $0xF7A, s2;
	p2 =	seq.s32 @!p0 s5, $0x0  }
0x1f: {  	s9 =	smul.u32 $0xF7A, s1;
	s8 =	simm.s32 @!p0 $0x1BF5;
	p2 =	por !p2, p0  }
0x20: {  	[sflag:s8] =	ssyncset.s32 @!p0 $0xFFFFF086;
	s6 =	sadd.s32 @!p0 s3, s7;
	s7 =	simm.s32 @!p0 $0x108  }
0x21: {  	s3 =	sadd.s32 s3, s9;
	s6 =	sadd.s32 @!p0 $0x88, s6;
	s7 =	simm.s32 @p2 $0x1082  }
0x22: {  	[simem:s7], [sflag:s8] =	dma.local @!p0 [hbm:s6], $0xF7A  }
0x23: {  	s9 =	sor.u32 $0xD0000000, s2;
	s6 =	simm.s32 $0x108;
	_ =	swait.ge @!p0 [sflag:s8], $0x0  }
0x24: {  	s3 =	sadd.s32 $0x88, s3;
	s6 =	simm.s32 @!p1 $0x1082;
	[sflag:s4] =	ssyncset.s32 $0xFFFFF086  }
0x25: {  	[simem:s6], [sflag:s4] =	dma.local [hbm:s3], $0xF7A  }
0x26: {  	[smem:$0x3F9C] =	sst s1;
	(tag) =	ssettag s2;
	_ =	strace s9  }
0x27: {  	s1 =	sld [smem:$0x3FAC]  }
0x28: {  	s2 =	sld [smem:$0x3FAD]  }
0x29: {  	s4 =	sld [smem:$0x3FAF]  }
0x2a: {  	p0 =	seq.s32 s5, $0x0;
	s5 =	sld [smem:$0x3FB0]  }
0x2b: {  	s6 =	sld [smem:$0x3FB1]  }
0x2c: {  	s7 =	sld [smem:$0x3FB2]  }
0x2d: {  	s3 =	simm.s32 $0x108;
	s8 =	sld [smem:$0x3FB3]  }
0x2e: {  	s3 =	simm.s32 @!p0 $0x1082;
	s9 =	sld [smem:$0x3FB4]  }
0x2f: {  	lr =	sadd.s32 s0, s3;
	s0 =	sld [smem:$0x3FAB]  }
0x30: {  	s3 =	sld [smem:$0x3FAE]  }
0x31: {  	[smem:$0x3FB7] =	sst s10  }
0x32: {  	s10 =	sld [smem:$0x3FB5];
	_ =	sdelay $0x3  }
0x33: {  	p0 =	seq.s32 s10, $0x1;
	s10 =	sld [smem:$0x3FB7];
	_ =	sdelay $0x3  }
0x34: {  	[smem:$0x3FB7] =	sst s10  }
0x35: {  	s10 =	sld [smem:$0x3FB6];
	_ =	sdelay $0x3  }
0x36: {  	p1 =	seq.s32 s10, $0x1;
	s10 =	sld [smem:$0x3FB7];
	_ =	sdelay $0x3  }
0x37: {  	[smem:$0x3FB7] =	sst s10  }
0x38: {  	s10 =	sld [smem:$0x3FB8]  }
0x39: {  	_ = 	snop;
	(pc) =	sbr.ind lr, $3  }
0x3a: {  	_ = 	snop  }
0x3b: {  	_ = 	snop  }
0x3c: {  	p2 =	seq.s32 s10, $0x1;
	s10 =	sld [smem:$0x3FB7]  }
0x3d: {  	_ =	shalt  }
0x3e: {  	_ =	shalt  }
0x3f: {  	_ =	shalt  }
0x40: {  	_ =	shalt  }
0x41: {  	_ =	shalt  }
0x42: {  	_ =	shalt  }
0x43: {  	_ =	shalt  }
0x44: {  	_ =	shalt  }
0x45: {  	_ =	shalt  }
0x46: {  	_ =	shalt  }
0x47: {  	_ =	shalt  }
0x48: {  	_ =	shalt  }
0x49: {  	_ =	shalt  }
0x4a: {  	_ =	shalt  }
0x4b: {  	_ =	shalt  }
0x4c: {  	_ =	shalt  }
0x4d: {  	_ =	shalt  }
0x4e: {  	_ =	shalt  }
0x4f: {  	_ =	shalt  }
0x50: {  	_ =	shalt  }
0x51: {  	_ =	shalt  }
0x52: {  	_ =	shalt  }
0x53: {  	_ =	shalt  }
0x54: {  	_ =	shalt  }
0x55: {  	_ =	shalt  }
0x56: {  	_ =	shalt  }
0x57: {  	_ =	shalt  }
0x58: {  	_ =	shalt  }
0x59: {  	_ =	shalt  }
0x5a: {  	_ =	shalt  }
0x5b: {  	_ =	shalt  }
0x5c: {  	_ =	shalt  }
0x5d: {  	_ =	shalt  }
0x5e: {  	_ =	shalt  }
0x5f: {  	_ =	shalt  }
0x60: {  	_ =	shalt  }
0x61: {  	_ =	shalt  }
0x62: {  	_ =	shalt  }
0x63: {  	_ =	shalt  }
0x64: {  	_ =	shalt  }
0x65: {  	_ =	shalt  }
0x66: {  	_ =	shalt  }
0x67: {  	_ =	shalt  }
0x68: {  	_ =	shalt  }
0x69: {  	_ =	shalt  }
0x6a: {  	_ =	shalt  }
0x6b: {  	_ =	shalt  }
0x6c: {  	_ =	shalt  }
0x6d: {  	_ =	shalt  }
0x6e: {  	_ =	shalt  }
0x6f: {  	_ =	shalt  }
0x70: {  	_ =	shalt  }
0x71: {  	_ =	shalt  }
0x72: {  	_ =	shalt  }
0x73: {  	_ =	shalt  }
0x74: {  	_ =	shalt  }
0x75: {  	_ =	shalt  }
0x76: {  	_ =	shalt  }
0x77: {  	_ =	shalt  }
0x78: {  	_ =	shalt  }
0x79: {  	_ =	shalt  }
0x7a: {  	_ =	shalt  }
0x7b: {  	_ =	shalt  }
0x7c: {  	_ =	shalt  }
0x7d: {  	_ =	shalt  }
0x7e: {  	_ =	shalt  }
0x7f: {  	_ =	shalt  }
0x80: {  	_ =	shalt  }
0x81: {  	_ =	shalt  }
0x82: {  	_ =	shalt  }
0x83: {  	_ =	shalt  }
0x84: {  	_ =	shalt  }
0x85: {  	_ =	shalt  }
0x86: {  	_ =	shalt  }
0x87: {  	_ =	shalt  }
.Lfunc_end0:
.L_simem_size_0:
called_computation.1_lowered:
.L_overlay_start_0:
0x88: {  	s2 =	sld [smem:$0x3FD9]  }
0x89: {  	s3 =	sld [smem:$0x3FFE];
	_ =	sdelay $0x1  }
0x8a: {  	s1 =	srdreg.scid  }
0x8b: {  	s0 =	sand.u32 $0x1, s1  }
0x8c: {  	s14 =	sshll.u32 s0, $0xA;
	s2 =	sadd.s32 s3, s2  }
0x8d: {  	s2 =	sadd.s32 s2, s14  }
0x8e: {  	[smem:$0x3FC3] =	sst s2  }
0x8f: {  	_ = 	snop  }
0x90: {  	s2 =	sld [smem:$0x3FD0];
	_ =	sdelay $0x2  }
0x91: {  	s15 =	simm.s32 $0xA;
	s4 =	simm.s32 $0x10  }
0x92: {  	[smem:s4], [sflag:s15] =	dma.local [hbm:s2], $0x1  }
0x93: {  	_ =	swait.eq [sflag:s15], $0x1  }
0x94: {  	[sflag:s15] =	ssyncset.done $0x0  }
0x95: {  	s16 =	sld [smem:$0x10];
	[sflag:s15] =	ssyncadd.s32 $0xFFFFFFFF  }
0x96: {  	s17 =	sld [smem:$0x11];
	(tm) =	ssettm $0x1  }
0x97: {  	s18 =	sld [smem:$0x3FFB];
	_ =	sdelay $0x3  }
0x98: {  	_ =	strace s18  }
0x99: {  	s4 =	sld [smem:$0x3FFC];
	_ =	sdelay $0x3  }
0x9a: {  	_ =	strace s4  }
0x9b: {  	s4 =	sld [smem:$0x3FFD];
	_ =	sdelay $0x3  }
0x9c: {  	_ =	strace s4  }
0x9d: {  	_ =	strace $0x8FFFFFFF  }
0x9e: {  	s19 =	sld [smem:$0x3FDB];
	_ =	sdelay $0x1  }
0x9f: {  	s5 =	simm.s32 $_scs_section_size  }
0xa0: {  	s6 =	simm.s32 $_size__tile_overlayer_lowered;
	s7 =	simm.s32 $_tile_overlayer_lowered  }
0xa1: {  	s22 =	simm.s32 $0x1BFF;
	s21 =	sshll.u32 s7, $0x1;
	s4 =	sadd.s32 s5, s19  }
0xa2: {  	s8 =	simm.s32 $0x0;
	s20 =	sshll.u32 s6, $0x1;
	s6 =	sadd.s32 s21, s4  }
0xa3: {  	[timem:s8], [sflag:s22] =	dma.local [hbm:s6], s20  }
0xa4: {  	_ =	swait.ge [sflag:s22], s20  }
0xa5: {  	s5 =	ssub.s32 $0x0, s20;
	[sflag:s22] =	ssyncset.done $0x0  }
0xa6: {  	[sflag:s22] =	ssyncadd.s32 s5;
	_ =	sdelay $0x1  }
0xa7: {  	s23 =	simm.s32 $0x1B8B  }
0xa8: {  	_ =	swait.ge [sflag:s23], $0x1  }
0xa9: {  	[sflag:s23] =	ssyncset.done $0x0  }
0xaa: {  	s25 =	simm.s32 $0x1B8E;
	s24 =	sld [smem:$0x3FFE];
	[sflag:s23] =	ssyncadd.s32 $0xFFFFFFFF  }
0xab: {  	s26 =	simm.s32 $execute0_lowered;
	[smem:$0x3FD2] =	sst s25  }
0xac: {  	s6 =	sshll.u32 s26, $0x1;
	_ =	strace $0x80000049;
	[dreg:$0x1] =	wrdreg $0xFFFFFFFF  }
0xad: {  	s28 =	simm.s32 $_size_execute0_lowered;
	s4 =	sadd.s32 s4, s6;
	[dreg:$0x0] =	wrdreg $0x0  }
0xae: {  	s6 =	sshll.u32 s28, $0x1;
	[dreg:$0x2] =	wrdreg s4  }
0xaf: {  	[dreg:$0x3] =	wrdreg s6  }
0xb0: {  	[dreg:$0x4] =	wrdreg $0xC0  }
0xb1: {  	_ =	task [dreg:s8], $0x5FFFF  }
0xb2: {  	[dreg:$0x1] =	wrdreg $0xFFFFFFFF  }
0xb3: {  	[dreg:$0x0] =	wrdreg $0x60  }
0xb4: {  	[dreg:$0x2] =	wrdreg s24  }
0xb5: {  	[dreg:$0x3] =	wrdreg s17  }
0xb6: {  	[dreg:$0x4] =	wrdreg s16  }
0xb7: {  	[dreg:$0x5] =	wrdreg $0x9  }
0xb8: {  	_ =	task.clear_ibuf [dreg:s8], $0x6FFFF;
	_ =	strace $0x90000049  }
0xb9: {  	s29 =	simm.s32 $0x9;
	_ =	strace $0x8000004B  }
0xba: {  	_ =	swait.ge [sflag:s29], $0x1  }
0xbb: {  	[sflag:s29] =	ssyncadd.s32 $0xFFFFFFFF  }
0xbc: {  	_ =	strace $0x9000004B  }
0xbd: {  	_ =	sfence  }
0xbe: {  	s30 =	sld [smem:$0x0];
	_ =	sdelay $0x2  }
0xbf: {  	s31 =	sshll.u32 s1, $0xD;
	s1 =	sshrl.u32 s1, $0x2  }
0xc0: {  	s3 =	sand.u32 $0x4000, s31;
	s1 =	sadd.s32 s1, s30  }
0xc1: {  	s0 =	sor.u32 s3, s0;
	s1 =	sshll.u32 s1, $0x11  }
0xc2: {  	s0 =	sor.u32 s1, s0  }
0xc3: {  	s0 =	sadd.s32 $0x8F2B, s0  }
0xc4: {  	[sflag:s0] =	ssyncadd.remote.s32 $0x1  }
0xc5: {  	_ =	sfence.sel $0xFFFF  }
0xc6: {  	[dreg:$0x0] =	wrdreg $0xFFFFFFFF;
	(pc) =	sbr.abs _section_cstart, $3  }
0xc7: {  	[dreg:$0x1] =	wrdreg $0xFFFFFFFF  }
0xc8: {  	_ =	task.clear_ibuf [dreg:s8], $0x2FFFF;
	_ =	strace $0x9FFFFFFF  }
0xc9: {  	(tm) =	ssettm $0x7FFFFFFF  }
tec
execute0_lowered:
.L_overlay_start_1:
0x0: {  	(tag) =	ssettag $0x1  }
0x1: {  	v0 =	vlaneseq.u32  }
0x2: {  	v1 =	vmul.u32 $0x2, v0;
	v33 =	vor.u32 $0x10, v0;
	v34 =	vor.u32 $0x20, v0  }
0x3: {  	v35 =	vor.u32 $0x30, v0;
	v36 =	vor.u32 $0x40, v0;
	v37 =	vor.u32 $0x50, v0  }
0x4: {  	v38 =	vor.u32 $0x60, v0;
	v39 =	vor.u32 $0x70, v0;
	v40 =	vor.u32 $0x80, v0  }
0x5: {  	s0 =	rddreg [dreg:$0x0];
	v41 =	vor.u32 $0x90, v0;
	v42 =	vor.u32 $0xA0, v0;
	v43 =	vor.u32 $0xB0, v0  }
0x6: {  	s1 =	rddreg [dreg:$0x1];
	v44 =	vor.u32 $0xC0, v0;
	v45 =	vor.u32 $0xD0, v0;
	v46 =	vor.u32 $0xE0, v0  }
0x7: {  	s2 =	rddreg [dreg:$0x2];
	s4 =	srdreg.scid;
	v47 =	vor.u32 $0xF0, v0;
	v48 =	vor.u32 $0x100, v0;
	v2 =	vor.u32 $0x20, v1  }
0x8: {  	s5 =	stileid.u32;
	s3 =	simm.s32 $0x0;
	s16 =	simm.s32 $0x800;
	v49 =	vor.u32 $0x110, v0;
	v50 =	vor.u32 $0x120, v0;
	[tilespmem:$0x1FF40] =	vst v2;
	v2 =	vor.u32 $0x40, v1  }
0x9: {  	s17 =	simm.s32 $0x2;
	s18 =	simm.s32 $0x400;
	s20 =	simm.s32 $0x600;
	v51 =	vor.u32 $0x130, v0;
	v52 =	vor.u32 $0x140, v0;
	[tilespmem:$0x1FF50] =	vst v2;
	v2 =	vor.u32 $0x60, v1  }
0xa: {  	s19 =	simm.s32 $0x80;
	s21 =	simm.s32 $0x880;
	s22 =	simm.s32 $0x4880;
	v53 =	vor.u32 $0x150, v0;
	v54 =	vor.u32 $0x160, v0;
	[tilespmem:$0x1FF60] =	vst v2;
	v2 =	vor.u32 $0x80, v1  }
0xb: {  	s23 =	simm.s32 $0x1;
	s24 =	simm.s32 $0x8880;
	s25 =	simm.s32 $0xA880;
	v55 =	vor.u32 $0x170, v0;
	v57 =	vor.u32 $0x190, v0;
	[tilespmem:$0x1FF70] =	vst v2;
	v2 =	vor.u32 $0xA0, v1  }
0xc: {  	s28 =	simm.s32 $0x700;
	s29 =	simm.s32 $0x780;
	s30 =	simm.s32 $0x0;
	v58 =	vor.u32 $0x1A0, v0;
	v59 =	vor.u32 $0x1B0, v0;
	[tilespmem:$0x1FF80] =	vst v2;
	v2 =	vor.u32 $0xC0, v1  }
0xd: {  	s4 =	sand.u32 $0x1, s4;
	s5 =	sshll.u32 s5, $0x1;
	[smem:$0x7FF] =	sst s3;
	v60 =	vor.u32 $0x1C0, v0;
	v61 =	vor.u32 $0x1D0, v0;
	[tilespmem:$0x1FF90] =	vst v2;
	v2 =	vor.u32 $0xE0, v1  }
0xe: {  	s9 =	sadd.s32 $0xC3600, s0;
	v62 =	vor.u32 $0x1E0, v0;
	v63 =	vor.u32 $0x1F0, v0;
	s5 =	sor.u32 s4, s5;
	s7 =	ssub.s32 $0x2, s4;
	[tilespmem:$0x1FFA0] =	vst v2;
	v2 =	vor.u32 $0x100, v1  }
0xf: {  	s4 =	sadd.s32 $0x3198800, s0;
	v14 =	vor.u32 $0x1A0, v1;
	v15 =	vor.u32 $0x1C0, v1;
	s6 =	sshll.u32 s5, $0x7;
	s8 =	sshrl.u32 s7, $0x1;
	[tilespmem:$0x1FFB0] =	vst v2;
	v2 =	vor.u32 $0x120, v1  }
0x10: {  	v16 =	vor.u32 $0x1E0, v1;
	v17 =	vor.u32 $0x200, v1;
	s5 =	sshll.u32 s5, $0xC;
	s6 =	sadd.s32 s6, s0;
	s7 =	ssub.s32 s7, s8;
	[tilespmem:$0x1FFC0] =	vst v2;
	v2 =	vor.u32 $0x140, v1  }
0x11: {  	v18 =	vor.u32 $0x220, v1;
	v19 =	vor.u32 $0x240, v1;
	s26 =	sadd.s32 s1, s5;
	s31 =	sor.u32 $0x400, s5;
	s8 =	sadd.s32 s2, s5;
	[tilespmem:$0x1FFD0] =	vst v2;
	v2 =	vor.u32 $0x160, v1  }
0x12: {  	v56 =	vor.u32 $0x180, v0;
	v20 =	vor.u32 $0x260, v1;
	s12 =	sor.u32 $0x800, s5;
	s5 =	sor.u32 $0xC00, s5;
	s6 =	sadd.s32 $0xC3800, s6;
	[tilespmem:$0x1FFE0] =	vst v2;
	v2 =	vor.u32 $0x180, v1  }
0x13: {  	v21 =	vor.u32 $0x280, v1;
	v22 =	vor.u32 $0x2A0, v1;
	v23 =	vor.u32 $0x2C0, v1;
	s10 =	sadd.s32 s2, s31;
	s11 =	sadd.s32 s1, s12;
	s12 =	sadd.s32 s2, s12;
	[tilespmem:$0x1FFF0] =	vst v2  }
0x14: {  	v24 =	vor.u32 $0x2E0, v1;
	v25 =	vor.u32 $0x300, v1;
	v26 =	vor.u32 $0x320, v1;
	s13 =	sadd.s32 s1, s5;
	_ =	strace $0x8000004A;
	[dreg:$0x4] =	wrdreg s9  }
0x15: {  	v27 =	vor.u32 $0x340, v1;
	v28 =	vor.u32 $0x360, v1;
	v29 =	vor.u32 $0x380, v1;
	s14 =	sadd.s32 s2, s5;
	s15 =	smax.u32 s7, $0x1;
	[dreg:$0x5] =	wrdreg s6  }
0x16: {  	v30 =	vor.u32 $0x3A0, v1;
	v31 =	vor.u32 $0x3C0, v1;
	v32 =	vor.u32 $0x3E0, v1;
	[dreg:$0x6] =	wrdreg s26;
	s9 =	sadd.s32 s1, s31;
	s26 =	simm.s32 $0x680  }
.LBB2_1:
0x17: {  	s1 =	rddreg [dreg:$0x4]  }
0x18: {  	[tilespmem:s16], [sflag:$0x2] =	stream.linear.gather [hbm4b:s1+s3], $0x80, $0x38;
	[tilespmem:$0xC880] =	vst v63  }
0x19: {  	_ =	swait.ge [sflag:s17], $0x80  }
0x1a: {  	[sflag:s17] =	ssyncset.done $0x0  }
0x1b: {  	s31 =	rddreg [dreg:$0x5];
	[sflag:s17] =	ssyncadd.s32 $0xFFFFFF80  }
0x1c: {  	[tilespmem:s3], [sflag:$0x2] =	stream.linear.gather [hbm4b:s31+s3], $0x400, $0x38;
	[tilespmem:$0xC880] =	vst v63  }
0x1d: {  	_ =	swait.ge [sflag:s17], $0x400  }
0x1e: {  	[sflag:s17] =	ssyncset.done $0x0  }
0x1f: {  	[sflag:s17] =	ssyncadd.s32 $0xFFFFFC00  }
0x20: {  	v2 =	vld.idx.msk [tilespmem:v1+s3+$0x0], $0xffff;
	_ =	sdelay $0x4  }
0x21: {  	[tilespmem:$0x400] =	vst v2;
	v2 =	vld [tilespmem:$0x1FF40];
	_ =	sdelay $0x7  }
0x22: {  	v2 =	vld.idx.msk [tilespmem:v2+s3+$0x0], $0xffff;
	_ =	sdelay $0x4  }
0x23: {  	[tilespmem:$0x410] =	vst v2;
	v2 =	vld [tilespmem:$0x1FF50];
	_ =	sdelay $0x7  }
0x24: {  	v2 =	vld.idx.msk [tilespmem:v2+s3+$0x0], $0xffff;
	_ =	sdelay $0x4  }
0x25: {  	[tilespmem:$0x420] =	vst v2;
	v2 =	vld [tilespmem:$0x1FF60];
	_ =	sdelay $0x7  }
0x26: {  	v2 =	vld.idx.msk [tilespmem:v2+s3+$0x0], $0xffff;
	_ =	sdelay $0x4  }
0x27: {  	[tilespmem:$0x430] =	vst v2;
	v2 =	vld [tilespmem:$0x1FF70];
	_ =	sdelay $0x7  }
0x28: {  	v2 =	vld.idx.msk [tilespmem:v2+s3+$0x0], $0xffff;
	_ =	sdelay $0x4  }
0x29: {  	[tilespmem:$0x440] =	vst v2;
	v2 =	vld [tilespmem:$0x1FF80];
	_ =	sdelay $0x7  }
0x2a: {  	v2 =	vld.idx.msk [tilespmem:v2+s3+$0x0], $0xffff;
	_ =	sdelay $0x4  }
0x2b: {  	[tilespmem:$0x450] =	vst v2;
	v2 =	vld [tilespmem:$0x1FF90];
	_ =	sdelay $0x7  }
0x2c: {  	v2 =	vld.idx.msk [tilespmem:v2+s3+$0x0], $0xffff;
	_ =	sdelay $0x4  }
0x2d: {  	[tilespmem:$0x460] =	vst v2;
	v2 =	vld [tilespmem:$0x1FFA0];
	_ =	sdelay $0x7  }
0x2e: {  	v2 =	vld.idx.msk [tilespmem:v2+s3+$0x0], $0xffff;
	_ =	sdelay $0x4  }
0x2f: {  	[tilespmem:$0x470] =	vst v2;
	v2 =	vld [tilespmem:$0x1FFB0];
	_ =	sdelay $0x7  }
0x30: {  	v2 =	vld.idx.msk [tilespmem:v2+s3+$0x0], $0xffff;
	_ =	sdelay $0x4  }
0x31: {  	[tilespmem:$0x480] =	vst v2;
	v2 =	vld [tilespmem:$0x1FFC0];
	_ =	sdelay $0x7  }
0x32: {  	v2 =	vld.idx.msk [tilespmem:v2+s3+$0x0], $0xffff;
	_ =	sdelay $0x4  }
0x33: {  	[tilespmem:$0x490] =	vst v2;
	v2 =	vld [tilespmem:$0x1FFD0];
	_ =	sdelay $0x7  }
0x34: {  	v2 =	vld.idx.msk [tilespmem:v2+s3+$0x0], $0xffff;
	_ =	sdelay $0x4  }
0x35: {  	[tilespmem:$0x4A0] =	vst v2;
	v2 =	vld [tilespmem:$0x1FFE0];
	_ =	sdelay $0x7  }
0x36: {  	v2 =	vld.idx.msk [tilespmem:v2+s3+$0x0], $0xffff;
	_ =	sdelay $0x4  }
0x37: {  	[tilespmem:$0x4B0] =	vst v2;
	v2 =	vld [tilespmem:$0x1FFF0];
	_ =	sdelay $0x7  }
0x38: {  	v2 =	vld.idx.msk [tilespmem:v2+s3+$0x0], $0xffff;
	_ =	sdelay $0x4  }
0x39: {  	[tilespmem:$0x4C0] =	vst v2  }
0x3a: {  	v2 =	vld.idx.msk [tilespmem:v14+s3+$0x0], $0xffff;
	_ =	sdelay $0x4  }
0x3b: {  	[tilespmem:$0x4D0] =	vst v2  }
0x3c: {  	v2 =	vld.idx.msk [tilespmem:v15+s3+$0x0], $0xffff;
	_ =	sdelay $0x4  }
0x3d: {  	[tilespmem:$0x4E0] =	vst v2  }
0x3e: {  	v2 =	vld.idx.msk [tilespmem:v16+s3+$0x0], $0xffff;
	_ =	sdelay $0x4  }
0x3f: {  	[tilespmem:$0x4F0] =	vst v2  }
0x40: {  	v2 =	vld.idx.msk [tilespmem:v17+s3+$0x0], $0xffff;
	_ =	sdelay $0x4  }
0x41: {  	[tilespmem:$0x500] =	vst v2  }
0x42: {  	v2 =	vld.idx.msk [tilespmem:v18+s3+$0x0], $0xffff;
	_ =	sdelay $0x4  }
0x43: {  	[tilespmem:$0x510] =	vst v2  }
0x44: {  	v2 =	vld.idx.msk [tilespmem:v19+s3+$0x0], $0xffff;
	_ =	sdelay $0x4  }
0x45: {  	[tilespmem:$0x520] =	vst v2  }
0x46: {  	v2 =	vld.idx.msk [tilespmem:v20+s3+$0x0], $0xffff;
	_ =	sdelay $0x4  }
0x47: {  	[tilespmem:$0x530] =	vst v2  }
0x48: {  	v2 =	vld.idx.msk [tilespmem:v21+s3+$0x0], $0xffff;
	_ =	sdelay $0x4  }
0x49: {  	[tilespmem:$0x540] =	vst v2  }
0x4a: {  	v2 =	vld.idx.msk [tilespmem:v22+s3+$0x0], $0xffff;
	_ =	sdelay $0x4  }
0x4b: {  	[tilespmem:$0x550] =	vst v2  }
0x4c: {  	v2 =	vld.idx.msk [tilespmem:v23+s3+$0x0], $0xffff;
	_ =	sdelay $0x4  }
0x4d: {  	[tilespmem:$0x560] =	vst v2  }
0x4e: {  	v2 =	vld.idx.msk [tilespmem:v24+s3+$0x0], $0xffff;
	_ =	sdelay $0x4  }
0x4f: {  	[tilespmem:$0x570] =	vst v2  }
0x50: {  	v2 =	vld.idx.msk [tilespmem:v25+s3+$0x0], $0xffff;
	_ =	sdelay $0x4  }
0x51: {  	[tilespmem:$0x580] =	vst v2  }
0x52: {  	v2 =	vld.idx.msk [tilespmem:v26+s3+$0x0], $0xffff;
	_ =	sdelay $0x4  }
0x53: {  	[tilespmem:$0x590] =	vst v2  }
0x54: {  	v2 =	vld.idx.msk [tilespmem:v27+s3+$0x0], $0xffff;
	_ =	sdelay $0x4  }
0x55: {  	[tilespmem:$0x5A0] =	vst v2  }
0x56: {  	v2 =	vld.idx.msk [tilespmem:v28+s3+$0x0], $0xffff;
	_ =	sdelay $0x4  }
0x57: {  	[tilespmem:$0x5B0] =	vst v2  }
0x58: {  	v2 =	vld.idx.msk [tilespmem:v29+s3+$0x0], $0xffff;
	_ =	sdelay $0x4  }
0x59: {  	[tilespmem:$0x5C0] =	vst v2  }
0x5a: {  	v2 =	vld.idx.msk [tilespmem:v30+s3+$0x0], $0xffff;
	_ =	sdelay $0x4  }
0x5b: {  	[tilespmem:$0x5D0] =	vst v2  }
0x5c: {  	v2 =	vld.idx.msk [tilespmem:v31+s3+$0x0], $0xffff;
	_ =	sdelay $0x4  }
0x5d: {  	[tilespmem:$0x5E0] =	vst v2  }
0x5e: {  	v2 =	vld.idx.msk [tilespmem:v32+s3+$0x0], $0xffff;
	_ =	sdelay $0x4  }
0x5f: {  	[tilespmem:$0x5F0] =	vst v2  }
0x60: {  	v2 =	vld.idx.msk [tilespmem:v0+s18+$0x0], $0xffff;
	_ =	sdelay $0x4  }
0x61: {  	v2 =	vshra.s32 v2, $0x1  }
0x62: {  	[tilespmem:$0x600] =	vst v2  }
0x63: {  	v2 =	vld.idx.msk [tilespmem:v33+s18+$0x0], $0xffff;
	_ =	sdelay $0x4  }
0x64: {  	v2 =	vshra.s32 v2, $0x1  }
0x65: {  	[tilespmem:$0x610] =	vst v2  }
0x66: {  	v2 =	vld.idx.msk [tilespmem:v34+s18+$0x0], $0xffff;
	_ =	sdelay $0x4  }
0x67: {  	v2 =	vshra.s32 v2, $0x1  }
0x68: {  	[tilespmem:$0x620] =	vst v2  }
0x69: {  	v2 =	vld.idx.msk [tilespmem:v35+s18+$0x0], $0xffff;
	_ =	sdelay $0x4  }
0x6a: {  	v2 =	vshra.s32 v2, $0x1  }
0x6b: {  	[tilespmem:$0x630] =	vst v2  }
0x6c: {  	v2 =	vld.idx.msk [tilespmem:v36+s18+$0x0], $0xffff;
	_ =	sdelay $0x4  }
0x6d: {  	v2 =	vshra.s32 v2, $0x1  }
0x6e: {  	[tilespmem:$0x640] =	vst v2  }
0x6f: {  	v2 =	vld.idx.msk [tilespmem:v37+s18+$0x0], $0xffff;
	_ =	sdelay $0x4  }
0x70: {  	v2 =	vshra.s32 v2, $0x1  }
0x71: {  	[tilespmem:$0x650] =	vst v2  }
0x72: {  	v2 =	vld.idx.msk [tilespmem:v38+s18+$0x0], $0xffff;
	_ =	sdelay $0x4  }
0x73: {  	v2 =	vshra.s32 v2, $0x1  }
0x74: {  	[tilespmem:$0x660] =	vst v2  }
0x75: {  	v2 =	vld.idx.msk [tilespmem:v39+s18+$0x0], $0xffff;
	_ =	sdelay $0x4  }
0x76: {  	v2 =	vshra.s32 v2, $0x1  }
0x77: {  	[tilespmem:$0x670] =	vst v2  }
0x78: {  	v2 =	vld.idx.msk [tilespmem:v40+s18+$0x0], $0xffff;
	_ =	sdelay $0x4  }
0x79: {  	v2 =	vshra.s32 v2, $0x1  }
0x7a: {  	[tilespmem:$0x680] =	vst v2  }
0x7b: {  	v2 =	vld.idx.msk [tilespmem:v41+s18+$0x0], $0xffff;
	_ =	sdelay $0x4  }
0x7c: {  	v2 =	vshra.s32 v2, $0x1  }
0x7d: {  	[tilespmem:$0x690] =	vst v2  }
0x7e: {  	v2 =	vld.idx.msk [tilespmem:v42+s18+$0x0], $0xffff;
	_ =	sdelay $0x4  }
0x7f: {  	v2 =	vshra.s32 v2, $0x1  }
0x80: {  	[tilespmem:$0x6A0] =	vst v2  }
0x81: {  	v2 =	vld.idx.msk [tilespmem:v43+s18+$0x0], $0xffff;
	_ =	sdelay $0x4  }
0x82: {  	v2 =	vshra.s32 v2, $0x1  }
0x83: {  	[tilespmem:$0x6B0] =	vst v2  }
0x84: {  	v2 =	vld.idx.msk [tilespmem:v44+s18+$0x0], $0xffff;
	_ =	sdelay $0x4  }
0x85: {  	v2 =	vshra.s32 v2, $0x1  }
0x86: {  	[tilespmem:$0x6C0] =	vst v2  }
0x87: {  	v2 =	vld.idx.msk [tilespmem:v45+s18+$0x0], $0xffff;
	_ =	sdelay $0x4  }
0x88: {  	v2 =	vshra.s32 v2, $0x1  }
0x89: {  	[tilespmem:$0x6D0] =	vst v2  }
0x8a: {  	v2 =	vld.idx.msk [tilespmem:v46+s18+$0x0], $0xffff;
	_ =	sdelay $0x4  }
0x8b: {  	v2 =	vshra.s32 v2, $0x1  }
0x8c: {  	[tilespmem:$0x6E0] =	vst v2  }
0x8d: {  	v2 =	vld.idx.msk [tilespmem:v47+s18+$0x0], $0xffff;
	_ =	sdelay $0x4  }
0x8e: {  	v2 =	vshra.s32 v2, $0x1  }
0x8f: {  	[tilespmem:$0x6F0] =	vst v2  }
0x90: {  	v2 =	vld.idx.msk [tilespmem:v48+s18+$0x0], $0xffff;
	_ =	sdelay $0x4  }
0x91: {  	v2 =	vshra.s32 v2, $0x1  }
0x92: {  	[tilespmem:$0x700] =	vst v2  }
0x93: {  	v2 =	vld.idx.msk [tilespmem:v49+s18+$0x0], $0xffff;
	_ =	sdelay $0x4  }
0x94: {  	v2 =	vshra.s32 v2, $0x1  }
0x95: {  	[tilespmem:$0x710] =	vst v2  }
0x96: {  	v2 =	vld.idx.msk [tilespmem:v50+s18+$0x0], $0xffff;
	_ =	sdelay $0x4  }
0x97: {  	v2 =	vshra.s32 v2, $0x1  }
0x98: {  	[tilespmem:$0x720] =	vst v2  }
0x99: {  	v2 =	vld.idx.msk [tilespmem:v51+s18+$0x0], $0xffff;
	_ =	sdelay $0x4  }
0x9a: {  	v2 =	vshra.s32 v2, $0x1  }
0x9b: {  	[tilespmem:$0x730] =	vst v2  }
0x9c: {  	v2 =	vld.idx.msk [tilespmem:v52+s18+$0x0], $0xffff;
	_ =	sdelay $0x4  }
0x9d: {  	v2 =	vshra.s32 v2, $0x1  }
0x9e: {  	[tilespmem:$0x740] =	vst v2  }
0x9f: {  	v2 =	vld.idx.msk [tilespmem:v53+s18+$0x0], $0xffff;
	_ =	sdelay $0x4  }
0xa0: {  	v2 =	vshra.s32 v2, $0x1  }
0xa1: {  	[tilespmem:$0x750] =	vst v2  }
0xa2: {  	v2 =	vld.idx.msk [tilespmem:v54+s18+$0x0], $0xffff;
	_ =	sdelay $0x4  }
0xa3: {  	v2 =	vshra.s32 v2, $0x1  }
0xa4: {  	[tilespmem:$0x760] =	vst v2  }
0xa5: {  	v2 =	vld.idx.msk [tilespmem:v55+s18+$0x0], $0xffff;
	_ =	sdelay $0x4  }
0xa6: {  	v2 =	vshra.s32 v2, $0x1  }
0xa7: {  	[tilespmem:$0x770] =	vst v2  }
0xa8: {  	v2 =	vld.idx.msk [tilespmem:v56+s18+$0x0], $0xffff;
	_ =	sdelay $0x4  }
0xa9: {  	v2 =	vshra.s32 v2, $0x1  }
0xaa: {  	[tilespmem:$0x780] =	vst v2  }
0xab: {  	v2 =	vld.idx.msk [tilespmem:v57+s18+$0x0], $0xffff;
	_ =	sdelay $0x4  }
0xac: {  	v2 =	vshra.s32 v2, $0x1  }
0xad: {  	[tilespmem:$0x790] =	vst v2  }
0xae: {  	v2 =	vld.idx.msk [tilespmem:v58+s18+$0x0], $0xffff;
	_ =	sdelay $0x4  }
0xaf: {  	v2 =	vshra.s32 v2, $0x1  }
0xb0: {  	[tilespmem:$0x7A0] =	vst v2  }
0xb1: {  	v2 =	vld.idx.msk [tilespmem:v59+s18+$0x0], $0xffff;
	_ =	sdelay $0x4  }
0xb2: {  	v2 =	vshra.s32 v2, $0x1  }
0xb3: {  	[tilespmem:$0x7B0] =	vst v2  }
0xb4: {  	v2 =	vld.idx.msk [tilespmem:v60+s18+$0x0], $0xffff;
	_ =	sdelay $0x4  }
0xb5: {  	v2 =	vshra.s32 v2, $0x1  }
0xb6: {  	[tilespmem:$0x7C0] =	vst v2  }
0xb7: {  	v2 =	vld.idx.msk [tilespmem:v61+s18+$0x0], $0xffff;
	_ =	sdelay $0x4  }
0xb8: {  	v2 =	vshra.s32 v2, $0x1  }
0xb9: {  	[tilespmem:$0x7D0] =	vst v2  }
0xba: {  	v2 =	vld.idx.msk [tilespmem:v62+s18+$0x0], $0xffff;
	_ =	sdelay $0x4  }
0xbb: {  	v2 =	vshra.s32 v2, $0x1  }
0xbc: {  	[tilespmem:$0x7E0] =	vst v2  }
0xbd: {  	v2 =	vld.idx.msk [tilespmem:v63+s18+$0x0], $0xffff;
	_ =	sdelay $0x1  }
0xbe: {  	v3 =	vshrl.u32 v0, $0x1  }
0xbf: {  	v4 =	vor.u32 $0x8, v3  }
0xc0: {  	v5 =	vor.u32 $0x10, v3  }
0xc1: {  	v6 =	vor.u32 $0x18, v3;
	v2 =	vshra.s32 v2, $0x1  }
0xc2: {  	[tilespmem:$0x7F0] =	vst v2  }
0xc3: {  	v2 =	vld.idx.msk [tilespmem:v3+s16+$0x0], $0xffff  }
0xc4: {  	v3 =	vld.idx.msk [tilespmem:v4+s16+$0x0], $0xffff  }
0xc5: {  	v4 =	vld.idx.msk [tilespmem:v5+s16+$0x0], $0xffff  }
0xc6: {  	v6 =	vld.idx.msk [tilespmem:v6+s16+$0x0], $0xffff;
	[tilespmem:s21], [sflag:$0x1] =	stream.indirect.gather [hbm4b:s4+s19], $0x80, s20, s19, $0xb8  }
0xc7: {  	_ = 	snop  }
0xc8: {  	[tilespmem:s22], [sflag:$0x1] =	stream.indirect.gather [hbm4b:s0+s19], $0x80, s20, s19, $0xb8;
	[tilespmem:$0xC880] =	vst v63  }
0xc9: {  	_ =	swait.ge [sflag:s23], $0x4000  }
0xca: {  	[sflag:s23] =	ssyncset.done $0x0  }
0xcb: {  	[sflag:s23] =	ssyncadd.s32 $0xFFFFC000  }
0xcc: {  	v7 =	vand.u32 $0x1, v0;
	v2 =	vshll.u32 v2, $0x1;
	v6 =	vshll.u32 v6, $0x1;
	_ =	swait.ge [sflag:s23], $0x4000  }
0xcd: {  	s2 =	simm.s32 $0xA8C0;
	v5 =	vor.u32 v7, v2;
	v2 =	vshll.u32 v3, $0x1;
	v3 =	vshll.u32 v4, $0x1;
	[sflag:s23] =	ssyncset.done $0x0  }
0xce: {  	s5 =	simm.s32 $0x0;
	s1 =	simm.s32 $0x88C0;
	v4 =	vor.u32 v7, v2;
	v3 =	vor.u32 v7, v3;
	v2 =	vor.u32 v7, v6;
	[sflag:s23] =	ssyncadd.s32 $0xFFFFC000  }
.LBB2_2:
0xcf: {  	v6 =	vmov s5;
	_ =	sdelay $0x4  }
0xd0: {  	v7 =	vld.idx.msk [tilespmem:v6+s18+$0x0], $0xffff;
	_ =	sdelay $0x4  }
0xd1: {  	v7 =	vshll.u32 v7, $0x6  }
0xd2: {  	v7 =	vand.u32 $0x40, v7  }
0xd3: {  	v8 =	vadd.s32 v5, v7  }
0xd4: {  	v6 =	vshll.u32 v6, $0x7;
	v9 =	vand.u32 $0xFFFFFF80, v8  }
0xd5: {  	v8 =	vand.u32 $0x7F, v8;
	v9 =	vadd.s32 v6, v9  }
0xd6: {  	v8 =	vor.u32 v8, v9;
	_ =	sdelay $0x4  }
0xd7: {  	v9 =	vld.idx.msk [tilespmem:v8+s21+$0x0], $0xffff;
	_ =	sdelay $0x3  }
0xd8: {  	v10 =	vadd.s32 v4, v7  }
0xd9: {  	[tilespmem:s1+$0xFFFFFFC0] =	vst v9;
	v9 =	vand.u32 $0xFFFFFF80, v10  }
0xda: {  	v10 =	vand.u32 $0x7F, v10;
	v8 =	vld.idx.msk [tilespmem:v8+s22+$0x0], $0xffff;
	v9 =	vadd.s32 v6, v9  }
0xdb: {  	v9 =	vor.u32 v10, v9;
	_ =	sdelay $0x3  }
0xdc: {  	[tilespmem:s2+$0xFFFFFFC0] =	vst v8  }
0xdd: {  	v8 =	vld.idx.msk [tilespmem:v9+s21+$0x0], $0xffff;
	_ =	sdelay $0x3  }
0xde: {  	v10 =	vadd.s32 v3, v7  }
0xdf: {  	[tilespmem:s1+$0xFFFFFFD0] =	vst v8;
	v8 =	vand.u32 $0xFFFFFF80, v10  }
0xe0: {  	v10 =	vand.u32 $0x7F, v10;
	v9 =	vld.idx.msk [tilespmem:v9+s22+$0x0], $0xffff;
	v8 =	vadd.s32 v6, v8  }
0xe1: {  	v8 =	vor.u32 v10, v8;
	_ =	sdelay $0x3  }
0xe2: {  	[tilespmem:s2+$0xFFFFFFD0] =	vst v9  }
0xe3: {  	v9 =	vld.idx.msk [tilespmem:v8+s21+$0x0], $0xffff;
	_ =	sdelay $0x3  }
0xe4: {  	v7 =	vadd.s32 v2, v7  }
0xe5: {  	[tilespmem:s1+$0xFFFFFFE0] =	vst v9;
	v9 =	vand.u32 $0xFFFFFF80, v7  }
0xe6: {  	v7 =	vand.u32 $0x7F, v7;
	v8 =	vld.idx.msk [tilespmem:v8+s22+$0x0], $0xffff;
	v6 =	vadd.s32 v6, v9  }
0xe7: {  	v6 =	vor.u32 v7, v6;
	_ =	sdelay $0x3  }
0xe8: {  	[tilespmem:s2+$0xFFFFFFE0] =	vst v8  }
0xe9: {  	v7 =	vld.idx.msk [tilespmem:v6+s21+$0x0], $0xffff;
	_ =	sdelay $0x4  }
0xea: {  	[tilespmem:s1+$0xFFFFFFF0] =	vst v7  }
0xeb: {  	s6 =	sadd.s32 $0x1, s5;
	v6 =	vld.idx.msk [tilespmem:v6+s22+$0x0], $0xffff  }
0xec: {  	v7 =	vmov s6;
	_ =	sdelay $0x3  }
0xed: {  	[tilespmem:s2+$0xFFFFFFF0] =	vst v6  }
0xee: {  	v6 =	vld.idx.msk [tilespmem:v7+s18+$0x0], $0xffff;
	_ =	sdelay $0x4  }
0xef: {  	v6 =	vshll.u32 v6, $0x6  }
0xf0: {  	v6 =	vand.u32 $0x40, v6  }
0xf1: {  	v8 =	vadd.s32 v5, v6  }
0xf2: {  	v7 =	vshll.u32 v7, $0x7;
	v9 =	vand.u32 $0xFFFFFF80, v8  }
0xf3: {  	v8 =	vand.u32 $0x7F, v8;
	v9 =	vadd.s32 v7, v9  }
0xf4: {  	v8 =	vor.u32 v8, v9;
	_ =	sdelay $0x4  }
0xf5: {  	v9 =	vld.idx.msk [tilespmem:v8+s21+$0x0], $0xffff;
	_ =	sdelay $0x3  }
0xf6: {  	v10 =	vadd.s32 v4, v6  }
0xf7: {  	[tilespmem:s1+$0x0] =	vst v9;
	v9 =	vand.u32 $0xFFFFFF80, v10  }
0xf8: {  	v10 =	vand.u32 $0x7F, v10;
	v8 =	vld.idx.msk [tilespmem:v8+s22+$0x0], $0xffff;
	v9 =	vadd.s32 v7, v9  }
0xf9: {  	v9 =	vor.u32 v10, v9;
	_ =	sdelay $0x3  }
0xfa: {  	[tilespmem:s2+$0x0] =	vst v8  }
0xfb: {  	v8 =	vld.idx.msk [tilespmem:v9+s21+$0x0], $0xffff;
	_ =	sdelay $0x3  }
0xfc: {  	v10 =	vadd.s32 v3, v6  }
0xfd: {  	[tilespmem:s1+$0x10] =	vst v8;
	v8 =	vand.u32 $0xFFFFFF80, v10  }
0xfe: {  	v10 =	vand.u32 $0x7F, v10;
	v9 =	vld.idx.msk [tilespmem:v9+s22+$0x0], $0xffff;
	v8 =	vadd.s32 v7, v8  }
0xff: {  	v8 =	vor.u32 v10, v8;
	_ =	sdelay $0x3  }
0x100: {  	[tilespmem:s2+$0x10] =	vst v9  }
0x101: {  	v9 =	vld.idx.msk [tilespmem:v8+s21+$0x0], $0xffff;
	_ =	sdelay $0x3  }
0x102: {  	v6 =	vadd.s32 v2, v6  }
0x103: {  	[tilespmem:s1+$0x20] =	vst v9;
	v9 =	vand.u32 $0xFFFFFF80, v6  }
0x104: {  	v6 =	vand.u32 $0x7F, v6;
	v8 =	vld.idx.msk [tilespmem:v8+s22+$0x0], $0xffff;
	v7 =	vadd.s32 v7, v9  }
0x105: {  	v6 =	vor.u32 v6, v7;
	_ =	sdelay $0x3  }
0x106: {  	[tilespmem:s2+$0x20] =	vst v8  }
0x107: {  	v7 =	vld.idx.msk [tilespmem:v6+s21+$0x0], $0xffff;
	_ =	sdelay $0x4  }
0x108: {  	[tilespmem:s1+$0x30] =	vst v7  }
0x109: {  	p0 =	sne.s32 s5, $0x7E;
	v6 =	vld.idx.msk [tilespmem:v6+s22+$0x0], $0xffff  }
.Ltmp0:
0x10a: {  	_ = 	snop;
	(pc) =	sbr.rel @p0 .LBB2_2-.Ltmp0, $2  }
0x10b: {  	_ =	sdelay $0x2  }
0x10c: {  	s5 =	sadd.s32 $0x2, s5;
	s1 =	sadd.s32 $0x80, s1;
	[tilespmem:s2+$0x30] =	vst v6;
	s2 =	sadd.s32 $0x80, s2  }
0x10d: {  	s1 =	simm.s32 $0x0;
	s2 =	rddreg [dreg:$0x6]  }
0x10e: {  	[hbm4b:s2+s1] =	stream.linear.scatter [tilespmem:s24], [sflag:$0x2], $0x2000, $0x38;
	[tilespmem:$0xC880] =	vst v63  }
0x10f: {  	_ =	swait.ge [sflag:s17], $0x2000  }
0x110: {  	[sflag:s17] =	ssyncset.done $0x0  }
0x111: {  	[sflag:s17] =	ssyncadd.s32 $0xFFFFE000  }
0x112: {  	[hbm4b:s8+s1] =	stream.linear.scatter [tilespmem:s25], [sflag:$0x2], $0x2000, $0x38;
	[tilespmem:$0xC880] =	vst v63  }
0x113: {  	_ =	swait.ge [sflag:s17], $0x2000  }
0x114: {  	[sflag:s17] =	ssyncset.done $0x0  }
0x115: {  	[sflag:s17] =	ssyncadd.s32 $0xFFFFE000  }
0x116: {  	[tilespmem:s21], [sflag:$0x1] =	stream.indirect.gather [hbm4b:s4+s19], $0x80, s26, s19, $0xb8;
	[tilespmem:$0xC880] =	vst v63  }
0x117: {  	_ = 	snop  }
0x118: {  	v6 =	vmov s1;
	[tilespmem:s22], [sflag:$0x1] =	stream.indirect.gather [hbm4b:s0+s19], $0x80, s26, s19, $0xb8;
	[tilespmem:$0xC880] =	vst v63  }
0x119: {  	v7 =	vand.u32 $0xFFFFFFFE, v6;
	_ =	swait.ge [sflag:s23], $0x4000  }
0x11a: {  	v7 =	vadd.s32 $0x80, v7;
	[sflag:s23] =	ssyncset.done $0x0  }
0x11b: {  	[sflag:s23] =	ssyncadd.s32 $0xFFFFC000  }
0x11c: {  	_ =	swait.ge [sflag:s23], $0x4000  }
0x11d: {  	[sflag:s23] =	ssyncset.done $0x0  }
0x11e: {  	[sflag:s23] =	ssyncadd.s32 $0xFFFFC000  }
0x11f: {  	v7 =	vld.idx.msk [tilespmem:v7+s18+$0x0], $0xffff;
	_ =	sdelay $0x4  }
0x120: {  	v7 =	vshll.u32 v7, $0x6  }
0x121: {  	v7 =	vand.u32 $0x40, v7  }
0x122: {  	v8 =	vadd.s32 v5, v7  }
0x123: {  	v6 =	vshll.u32 v6, $0x7;
	v9 =	vand.u32 $0xFFFFFF80, v8  }
0x124: {  	v8 =	vand.u32 $0x7F, v8;
	v9 =	vadd.s32 v6, v9  }
0x125: {  	v8 =	vor.u32 v8, v9;
	_ =	sdelay $0x4  }
0x126: {  	v9 =	vld.idx.msk [tilespmem:v8+s21+$0x0], $0xffff;
	_ =	sdelay $0x3  }
0x127: {  	s1 =	simm.s32 $0x88C0;
	v10 =	vadd.s32 v4, v7  }
0x128: {  	v11 =	vand.u32 $0xFFFFFF80, v10;
	[tilespmem:s1+$0xFFFFFFC0] =	vst v9  }
0x129: {  	v10 =	vand.u32 $0x7F, v10;
	v9 =	vadd.s32 v6, v11;
	v8 =	vld.idx.msk [tilespmem:v8+s22+$0x0], $0xffff  }
0x12a: {  	v9 =	vor.u32 v10, v9;
	_ =	sdelay $0x2  }
0x12b: {  	s31 =	simm.s32 $0xA8C0  }
0x12c: {  	[tilespmem:s31+$0xFFFFFFC0] =	vst v8  }
0x12d: {  	v8 =	vld.idx.msk [tilespmem:v9+s21+$0x0], $0xffff;
	_ =	sdelay $0x3  }
0x12e: {  	v10 =	vadd.s32 v3, v7  }
0x12f: {  	v11 =	vand.u32 $0xFFFFFF80, v10;
	[tilespmem:s1+$0xFFFFFFD0] =	vst v8  }
0x130: {  	v10 =	vand.u32 $0x7F, v10;
	v8 =	vadd.s32 v6, v11;
	v9 =	vld.idx.msk [tilespmem:v9+s22+$0x0], $0xffff  }
0x131: {  	v8 =	vor.u32 v10, v8;
	_ =	sdelay $0x3  }
0x132: {  	[tilespmem:s31+$0xFFFFFFD0] =	vst v9  }
0x133: {  	v9 =	vld.idx.msk [tilespmem:v8+s21+$0x0], $0xffff;
	_ =	sdelay $0x3  }
0x134: {  	v7 =	vadd.s32 v2, v7  }
0x135: {  	v10 =	vand.u32 $0xFFFFFF80, v7;
	[tilespmem:s1+$0xFFFFFFE0] =	vst v9  }
0x136: {  	v7 =	vand.u32 $0x7F, v7;
	v6 =	vadd.s32 v6, v10;
	v8 =	vld.idx.msk [tilespmem:v8+s22+$0x0], $0xffff  }
0x137: {  	v6 =	vor.u32 v7, v6;
	_ =	sdelay $0x3  }
0x138: {  	[tilespmem:s31+$0xFFFFFFE0] =	vst v8  }
0x139: {  	v7 =	vld.idx.msk [tilespmem:v6+s21+$0x0], $0xffff;
	_ =	sdelay $0x4  }
0x13a: {  	s7 =	simm.s32 $0x1;
	[tilespmem:s1+$0xFFFFFFF0] =	vst v7  }
0x13b: {  	v7 =	vmov s7;
	v6 =	vld.idx.msk [tilespmem:v6+s22+$0x0], $0xffff  }
0x13c: {  	v8 =	vadd.s32 $0x80, v7;
	_ =	sdelay $0x3  }
0x13d: {  	[tilespmem:s31+$0xFFFFFFF0] =	vst v6  }
0x13e: {  	v6 =	vld.idx.msk [tilespmem:v8+s18+$0x0], $0xffff;
	_ =	sdelay $0x4  }
0x13f: {  	v6 =	vshll.u32 v6, $0x6  }
0x140: {  	v6 =	vand.u32 $0x40, v6  }
0x141: {  	v8 =	vadd.s32 v5, v6  }
0x142: {  	v7 =	vshll.u32 v7, $0x7;
	v9 =	vand.u32 $0xFFFFFF80, v8  }
0x143: {  	v8 =	vand.u32 $0x7F, v8;
	v9 =	vadd.s32 v7, v9  }
0x144: {  	v8 =	vor.u32 v8, v9;
	_ =	sdelay $0x4  }
0x145: {  	v9 =	vld.idx.msk [tilespmem:v8+s21+$0x0], $0xffff;
	_ =	sdelay $0x3  }
0x146: {  	v10 =	vadd.s32 v4, v6  }
0x147: {  	v11 =	vand.u32 $0xFFFFFF80, v10;
	[tilespmem:s1+$0x0] =	vst v9  }
0x148: {  	v10 =	vand.u32 $0x7F, v10;
	v9 =	vadd.s32 v7, v11;
	v8 =	vld.idx.msk [tilespmem:v8+s22+$0x0], $0xffff  }
0x149: {  	v9 =	vor.u32 v10, v9;
	_ =	sdelay $0x3  }
0x14a: {  	[tilespmem:s31+$0x0] =	vst v8  }
0x14b: {  	v8 =	vld.idx.msk [tilespmem:v9+s21+$0x0], $0xffff;
	_ =	sdelay $0x3  }
0x14c: {  	v10 =	vadd.s32 v3, v6  }
0x14d: {  	v11 =	vand.u32 $0xFFFFFF80, v10;
	[tilespmem:s1+$0x10] =	vst v8  }
0x14e: {  	v10 =	vand.u32 $0x7F, v10;
	v8 =	vadd.s32 v7, v11;
	v9 =	vld.idx.msk [tilespmem:v9+s22+$0x0], $0xffff  }
0x14f: {  	v8 =	vor.u32 v10, v8;
	_ =	sdelay $0x3  }
0x150: {  	[tilespmem:s31+$0x10] =	vst v9  }
0x151: {  	v9 =	vld.idx.msk [tilespmem:v8+s21+$0x0], $0xffff;
	_ =	sdelay $0x3  }
0x152: {  	v6 =	vadd.s32 v2, v6  }
0x153: {  	v10 =	vand.u32 $0xFFFFFF80, v6;
	[tilespmem:s1+$0x20] =	vst v9  }
0x154: {  	v6 =	vand.u32 $0x7F, v6;
	v7 =	vadd.s32 v7, v10;
	v8 =	vld.idx.msk [tilespmem:v8+s22+$0x0], $0xffff  }
0x155: {  	v7 =	vor.u32 v6, v7;
	_ =	sdelay $0x3  }
0x156: {  	[tilespmem:s31+$0x20] =	vst v8  }
0x157: {  	v8 =	vld.idx.msk [tilespmem:v7+s21+$0x0], $0xffff;
	_ =	sdelay $0x3  }
0x158: {  	s2 =	simm.s32 $0x2  }
0x159: {  	v6 =	vmov s2;
	[tilespmem:s1+$0x30] =	vst v8  }
0x15a: {  	v9 =	vand.u32 $0xFFFFFFFE, v6;
	v8 =	vld.idx.msk [tilespmem:v7+s22+$0x0], $0xffff  }
0x15b: {  	s5 =	simm.s32 $0x4;
	v7 =	vadd.s32 $0x80, v9  }
.LBB2_4:
0x15c: {  	_ =	sdelay $0x1  }
0x15d: {  	s1 =	sadd.s32 $0x80, s1  }
0x15e: {  	s6 =	smov.u32 s5;
	s7 =	sadd.s32 $0x2, s5;
	[tilespmem:s31+$0x30] =	vst v8;
	s31 =	sadd.s32 $0x80, s31  }
0x15f: {  	p0 =	sne.s32 s5, $0x7E;
	v7 =	vld.idx.msk [tilespmem:v7+s18+$0x0], $0xffff;
	_ =	sdelay $0x5  }
0x160: {  	v7 =	vshll.u32 v7, $0x6  }
0x161: {  	v7 =	vand.u32 $0x40, v7  }
0x162: {  	v8 =	vadd.s32 v5, v7;
	v9 =	vadd.s32 v4, v7;
	v10 =	vadd.s32 v3, v7  }
0x163: {  	v6 =	vshll.u32 v6, $0x7;
	v11 =	vand.u32 $0xFFFFFF80, v8;
	v12 =	vand.u32 $0xFFFFFF80, v9  }
0x164: {  	v8 =	vand.u32 $0x7F, v8;
	v11 =	vadd.s32 v6, v11;
	v12 =	vadd.s32 v6, v12  }
0x165: {  	v7 =	vadd.s32 v2, v7;
	v8 =	vor.u32 v8, v11;
	v11 =	vand.u32 $0xFFFFFF80, v10  }
0x166: {  	v13 =	vand.u32 $0xFFFFFF80, v7;
	v11 =	vadd.s32 v6, v11  }
0x167: {  	v6 =	vadd.s32 v6, v13;
	_ =	sdelay $0x2  }
0x168: {  	v13 =	vld.idx.msk [tilespmem:v8+s21+$0x0], $0xffff;
	_ =	sdelay $0x5  }
0x169: {  	[tilespmem:s1+$0xFFFFFFC0] =	vst v13  }
0x16a: {  	v8 =	vld.idx.msk [tilespmem:v8+s22+$0x0], $0xffff  }
0x16b: {  	v9 =	vand.u32 $0x7F, v9  }
0x16c: {  	v9 =	vor.u32 v9, v12;
	_ =	sdelay $0x3  }
0x16d: {  	[tilespmem:s31+$0xFFFFFFC0] =	vst v8  }
0x16e: {  	v8 =	vld.idx.msk [tilespmem:v9+s21+$0x0], $0xffff;
	_ =	sdelay $0x5  }
0x16f: {  	[tilespmem:s1+$0xFFFFFFD0] =	vst v8  }
0x170: {  	v8 =	vld.idx.msk [tilespmem:v9+s22+$0x0], $0xffff  }
0x171: {  	v9 =	vand.u32 $0x7F, v10  }
0x172: {  	v9 =	vor.u32 v9, v11;
	_ =	sdelay $0x3  }
0x173: {  	[tilespmem:s31+$0xFFFFFFD0] =	vst v8  }
0x174: {  	v8 =	vld.idx.msk [tilespmem:v9+s21+$0x0], $0xffff;
	_ =	sdelay $0x5  }
0x175: {  	[tilespmem:s1+$0xFFFFFFE0] =	vst v8  }
0x176: {  	v8 =	vld.idx.msk [tilespmem:v9+s22+$0x0], $0xffff  }
0x177: {  	v7 =	vand.u32 $0x7F, v7  }
0x178: {  	v6 =	vor.u32 v7, v6;
	_ =	sdelay $0x3  }
0x179: {  	[tilespmem:s31+$0xFFFFFFE0] =	vst v8  }
0x17a: {  	v7 =	vld.idx.msk [tilespmem:v6+s21+$0x0], $0xffff;
	_ =	sdelay $0x5  }
0x17b: {  	[tilespmem:s1+$0xFFFFFFF0] =	vst v7  }
0x17c: {  	s5 =	sadd.s32 $0x1, s2;
	s2 =	smov.u32 s6;
	v6 =	vld.idx.msk [tilespmem:v6+s22+$0x0], $0xffff  }
0x17d: {  	v7 =	vmov s5  }
0x17e: {  	v8 =	vadd.s32 $0x80, v7;
	_ =	sdelay $0x3  }
0x17f: {  	[tilespmem:s31+$0xFFFFFFF0] =	vst v6  }
0x180: {  	v6 =	vld.idx.msk [tilespmem:v8+s18+$0x0], $0xffff;
	_ =	sdelay $0x5  }
0x181: {  	v6 =	vshll.u32 v6, $0x6  }
0x182: {  	v7 =	vshll.u32 v7, $0x7;
	v6 =	vand.u32 $0x40, v6  }
0x183: {  	v8 =	vadd.s32 v5, v6;
	v9 =	vadd.s32 v4, v6;
	v10 =	vadd.s32 v3, v6  }
0x184: {  	v11 =	vand.u32 $0xFFFFFF80, v8;
	v12 =	vand.u32 $0xFFFFFF80, v9;
	v13 =	vand.u32 $0xFFFFFF80, v10  }
0x185: {  	v8 =	vand.u32 $0x7F, v8;
	v11 =	vadd.s32 v7, v11;
	v12 =	vadd.s32 v7, v12  }
0x186: {  	v6 =	vadd.s32 v2, v6;
	v8 =	vor.u32 v8, v11;
	v11 =	vadd.s32 v7, v13  }
0x187: {  	v13 =	vand.u32 $0xFFFFFF80, v6  }
0x188: {  	v7 =	vadd.s32 v7, v13;
	_ =	sdelay $0x2  }
0x189: {  	v13 =	vld.idx.msk [tilespmem:v8+s21+$0x0], $0xffff;
	_ =	sdelay $0x5  }
0x18a: {  	[tilespmem:s1+$0x0] =	vst v13  }
0x18b: {  	v8 =	vld.idx.msk [tilespmem:v8+s22+$0x0], $0xffff  }
0x18c: {  	v9 =	vand.u32 $0x7F, v9  }
0x18d: {  	v9 =	vor.u32 v9, v12;
	_ =	sdelay $0x3  }
0x18e: {  	[tilespmem:s31+$0x0] =	vst v8  }
0x18f: {  	v8 =	vld.idx.msk [tilespmem:v9+s21+$0x0], $0xffff;
	_ =	sdelay $0x5  }
0x190: {  	[tilespmem:s1+$0x10] =	vst v8  }
0x191: {  	v8 =	vld.idx.msk [tilespmem:v9+s22+$0x0], $0xffff  }
0x192: {  	v9 =	vand.u32 $0x7F, v10  }
0x193: {  	v9 =	vor.u32 v9, v11;
	_ =	sdelay $0x3  }
0x194: {  	[tilespmem:s31+$0x10] =	vst v8  }
0x195: {  	v8 =	vld.idx.msk [tilespmem:v9+s21+$0x0], $0xffff;
	_ =	sdelay $0x5  }
0x196: {  	[tilespmem:s1+$0x20] =	vst v8  }
0x197: {  	v8 =	vld.idx.msk [tilespmem:v9+s22+$0x0], $0xffff  }
0x198: {  	v6 =	vand.u32 $0x7F, v6  }
0x199: {  	v7 =	vor.u32 v6, v7;
	_ =	sdelay $0x3  }
0x19a: {  	[tilespmem:s31+$0x20] =	vst v8  }
0x19b: {  	v6 =	vld.idx.msk [tilespmem:v7+s21+$0x0], $0xffff;
	_ =	sdelay $0x4  }
.Ltmp1:
0x19c: {  	(pc) =	sbr.rel @p0 .LBB2_4-.Ltmp1, $4  }
0x19d: {  	[tilespmem:s1+$0x30] =	vst v6  }
0x19e: {  	v6 =	vmov s2;
	v8 =	vld.idx.msk [tilespmem:v7+s22+$0x0], $0xffff  }
0x19f: {  	v7 =	vand.u32 $0xFFFFFFFE, v6  }
0x1a0: {  	s5 =	smov.u32 s7;
	v7 =	vadd.s32 $0x80, v7  }
0x1a1: {  	_ =	sdelay $0x2  }
0x1a2: {  	[tilespmem:s31+$0x30] =	vst v8  }
0x1a3: {  	v7 =	vld.idx.msk [tilespmem:v7+s18+$0x0], $0xffff;
	_ =	sdelay $0x4  }
0x1a4: {  	v7 =	vshll.u32 v7, $0x6  }
0x1a5: {  	v7 =	vand.u32 $0x40, v7  }
0x1a6: {  	v8 =	vadd.s32 v5, v7  }
0x1a7: {  	v6 =	vshll.u32 v6, $0x7;
	v9 =	vand.u32 $0xFFFFFF80, v8  }
0x1a8: {  	v8 =	vand.u32 $0x7F, v8;
	v9 =	vadd.s32 v6, v9  }
0x1a9: {  	v8 =	vor.u32 v8, v9;
	_ =	sdelay $0x4  }
0x1aa: {  	v9 =	vld.idx.msk [tilespmem:v8+s21+$0x0], $0xffff;
	_ =	sdelay $0x3  }
0x1ab: {  	s1 =	sadd.s32 $0x80, s1;
	v10 =	vadd.s32 v4, v7  }
0x1ac: {  	v11 =	vand.u32 $0xFFFFFF80, v10;
	[tilespmem:s1+$0xFFFFFFC0] =	vst v9  }
0x1ad: {  	v10 =	vand.u32 $0x7F, v10;
	v9 =	vadd.s32 v6, v11;
	v8 =	vld.idx.msk [tilespmem:v8+s22+$0x0], $0xffff  }
0x1ae: {  	v9 =	vor.u32 v10, v9;
	_ =	sdelay $0x2  }
0x1af: {  	s5 =	sadd.s32 $0x80, s31  }
0x1b0: {  	[tilespmem:s5+$0xFFFFFFC0] =	vst v8  }
0x1b1: {  	v8 =	vld.idx.msk [tilespmem:v9+s21+$0x0], $0xffff;
	_ =	sdelay $0x3  }
0x1b2: {  	v10 =	vadd.s32 v3, v7  }
0x1b3: {  	v11 =	vand.u32 $0xFFFFFF80, v10;
	[tilespmem:s1+$0xFFFFFFD0] =	vst v8  }
0x1b4: {  	v10 =	vand.u32 $0x7F, v10;
	v8 =	vadd.s32 v6, v11;
	v9 =	vld.idx.msk [tilespmem:v9+s22+$0x0], $0xffff  }
0x1b5: {  	v8 =	vor.u32 v10, v8;
	_ =	sdelay $0x3  }
0x1b6: {  	[tilespmem:s5+$0xFFFFFFD0] =	vst v9  }
0x1b7: {  	v9 =	vld.idx.msk [tilespmem:v8+s21+$0x0], $0xffff;
	_ =	sdelay $0x3  }
0x1b8: {  	v7 =	vadd.s32 v2, v7  }
0x1b9: {  	v10 =	vand.u32 $0xFFFFFF80, v7;
	[tilespmem:s1+$0xFFFFFFE0] =	vst v9  }
0x1ba: {  	v7 =	vand.u32 $0x7F, v7;
	v6 =	vadd.s32 v6, v10;
	v8 =	vld.idx.msk [tilespmem:v8+s22+$0x0], $0xffff  }
0x1bb: {  	v6 =	vor.u32 v7, v6;
	_ =	sdelay $0x3  }
0x1bc: {  	[tilespmem:s5+$0xFFFFFFE0] =	vst v8  }
0x1bd: {  	v7 =	vld.idx.msk [tilespmem:v6+s21+$0x0], $0xffff;
	_ =	sdelay $0x4  }
0x1be: {  	s2 =	sadd.s32 $0x1, s2;
	[tilespmem:s1+$0xFFFFFFF0] =	vst v7  }
0x1bf: {  	v7 =	vmov s2;
	v6 =	vld.idx.msk [tilespmem:v6+s22+$0x0], $0xffff  }
0x1c0: {  	v8 =	vadd.s32 $0x80, v7;
	_ =	sdelay $0x3  }
0x1c1: {  	[tilespmem:s5+$0xFFFFFFF0] =	vst v6  }
0x1c2: {  	v6 =	vld.idx.msk [tilespmem:v8+s18+$0x0], $0xffff;
	_ =	sdelay $0x4  }
0x1c3: {  	v6 =	vshll.u32 v6, $0x6  }
0x1c4: {  	v6 =	vand.u32 $0x40, v6  }
0x1c5: {  	v8 =	vadd.s32 v5, v6  }
0x1c6: {  	v7 =	vshll.u32 v7, $0x7;
	v9 =	vand.u32 $0xFFFFFF80, v8  }
0x1c7: {  	v8 =	vand.u32 $0x7F, v8;
	v9 =	vadd.s32 v7, v9  }
0x1c8: {  	v8 =	vor.u32 v8, v9;
	_ =	sdelay $0x4  }
0x1c9: {  	v9 =	vld.idx.msk [tilespmem:v8+s21+$0x0], $0xffff;
	_ =	sdelay $0x3  }
0x1ca: {  	v10 =	vadd.s32 v4, v6  }
0x1cb: {  	v11 =	vand.u32 $0xFFFFFF80, v10;
	[tilespmem:s1+$0x0] =	vst v9  }
0x1cc: {  	v10 =	vand.u32 $0x7F, v10;
	v9 =	vadd.s32 v7, v11;
	v8 =	vld.idx.msk [tilespmem:v8+s22+$0x0], $0xffff  }
0x1cd: {  	v9 =	vor.u32 v10, v9;
	_ =	sdelay $0x3  }
0x1ce: {  	[tilespmem:s5+$0x0] =	vst v8  }
0x1cf: {  	v8 =	vld.idx.msk [tilespmem:v9+s21+$0x0], $0xffff;
	_ =	sdelay $0x3  }
0x1d0: {  	v10 =	vadd.s32 v3, v6  }
0x1d1: {  	v11 =	vand.u32 $0xFFFFFF80, v10;
	[tilespmem:s1+$0x10] =	vst v8  }
0x1d2: {  	v10 =	vand.u32 $0x7F, v10;
	v8 =	vadd.s32 v7, v11;
	v9 =	vld.idx.msk [tilespmem:v9+s22+$0x0], $0xffff  }
0x1d3: {  	v8 =	vor.u32 v10, v8;
	_ =	sdelay $0x3  }
0x1d4: {  	[tilespmem:s5+$0x10] =	vst v9  }
0x1d5: {  	v9 =	vld.idx.msk [tilespmem:v8+s21+$0x0], $0xffff;
	_ =	sdelay $0x3  }
0x1d6: {  	v6 =	vadd.s32 v2, v6  }
0x1d7: {  	v10 =	vand.u32 $0xFFFFFF80, v6;
	[tilespmem:s1+$0x20] =	vst v9  }
0x1d8: {  	v6 =	vand.u32 $0x7F, v6;
	v7 =	vadd.s32 v7, v10;
	v8 =	vld.idx.msk [tilespmem:v8+s22+$0x0], $0xffff  }
0x1d9: {  	v6 =	vor.u32 v6, v7;
	_ =	sdelay $0x3  }
0x1da: {  	[tilespmem:s5+$0x20] =	vst v8  }
0x1db: {  	v7 =	vld.idx.msk [tilespmem:v6+s21+$0x0], $0xffff;
	_ =	sdelay $0x4  }
0x1dc: {  	[tilespmem:s1+$0x30] =	vst v7  }
0x1dd: {  	v6 =	vld.idx.msk [tilespmem:v6+s22+$0x0], $0xffff;
	_ =	sdelay $0x4  }
0x1de: {  	s6 =	simm.s32 $0x0;
	[tilespmem:s5+$0x30] =	vst v6  }
0x1df: {  	[hbm4b:s9+s6] =	stream.linear.scatter [tilespmem:s24], [sflag:$0x2], $0x2000, $0x38;
	[tilespmem:$0xC880] =	vst v63  }
0x1e0: {  	_ =	swait.ge [sflag:s17], $0x2000  }
0x1e1: {  	[sflag:s17] =	ssyncset.done $0x0  }
0x1e2: {  	[sflag:s17] =	ssyncadd.s32 $0xFFFFE000  }
0x1e3: {  	[hbm4b:s10+s6] =	stream.linear.scatter [tilespmem:s25], [sflag:$0x2], $0x2000, $0x38;
	[tilespmem:$0xC880] =	vst v63  }
0x1e4: {  	_ =	swait.ge [sflag:s17], $0x2000  }
0x1e5: {  	[sflag:s17] =	ssyncset.done $0x0  }
0x1e6: {  	[sflag:s17] =	ssyncadd.s32 $0xFFFFE000  }
0x1e7: {  	[tilespmem:s21], [sflag:$0x1] =	stream.indirect.gather [hbm4b:s4+s19], $0x80, s28, s19, $0xb8;
	[tilespmem:$0xC880] =	vst v63  }
0x1e8: {  	_ = 	snop  }
0x1e9: {  	v6 =	vmov s6;
	[tilespmem:s22], [sflag:$0x1] =	stream.indirect.gather [hbm4b:s0+s19], $0x80, s28, s19, $0xb8;
	[tilespmem:$0xC880] =	vst v63  }
0x1ea: {  	v7 =	vand.u32 $0xFFFFFFFE, v6;
	_ =	swait.ge [sflag:s23], $0x4000  }
0x1eb: {  	v7 =	vadd.s32 $0x100, v7;
	[sflag:s23] =	ssyncset.done $0x0  }
0x1ec: {  	[sflag:s23] =	ssyncadd.s32 $0xFFFFC000  }
0x1ed: {  	_ =	swait.ge [sflag:s23], $0x4000  }
0x1ee: {  	[sflag:s23] =	ssyncset.done $0x0  }
0x1ef: {  	[sflag:s23] =	ssyncadd.s32 $0xFFFFC000  }
0x1f0: {  	v7 =	vld.idx.msk [tilespmem:v7+s18+$0x0], $0xffff;
	_ =	sdelay $0x4  }
0x1f1: {  	v7 =	vshll.u32 v7, $0x6  }
0x1f2: {  	v7 =	vand.u32 $0x40, v7  }
0x1f3: {  	v8 =	vadd.s32 v5, v7  }
0x1f4: {  	v6 =	vshll.u32 v6, $0x7;
	v9 =	vand.u32 $0xFFFFFF80, v8  }
0x1f5: {  	v8 =	vand.u32 $0x7F, v8;
	v9 =	vadd.s32 v6, v9  }
0x1f6: {  	v8 =	vor.u32 v8, v9;
	_ =	sdelay $0x4  }
0x1f7: {  	v9 =	vld.idx.msk [tilespmem:v8+s21+$0x0], $0xffff;
	_ =	sdelay $0x3  }
0x1f8: {  	s31 =	simm.s32 $0x88C0;
	v10 =	vadd.s32 v4, v7  }
0x1f9: {  	v11 =	vand.u32 $0xFFFFFF80, v10;
	[tilespmem:s31+$0xFFFFFFC0] =	vst v9  }
0x1fa: {  	v10 =	vand.u32 $0x7F, v10;
	v9 =	vadd.s32 v6, v11;
	v8 =	vld.idx.msk [tilespmem:v8+s22+$0x0], $0xffff  }
0x1fb: {  	v9 =	vor.u32 v10, v9;
	_ =	sdelay $0x2  }
0x1fc: {  	s1 =	simm.s32 $0xA8C0  }
0x1fd: {  	[tilespmem:s1+$0xFFFFFFC0] =	vst v8  }
0x1fe: {  	v8 =	vld.idx.msk [tilespmem:v9+s21+$0x0], $0xffff;
	_ =	sdelay $0x3  }
0x1ff: {  	v10 =	vadd.s32 v3, v7  }
0x200: {  	v11 =	vand.u32 $0xFFFFFF80, v10;
	[tilespmem:s31+$0xFFFFFFD0] =	vst v8  }
0x201: {  	v10 =	vand.u32 $0x7F, v10;
	v8 =	vadd.s32 v6, v11;
	v9 =	vld.idx.msk [tilespmem:v9+s22+$0x0], $0xffff  }
0x202: {  	v8 =	vor.u32 v10, v8;
	_ =	sdelay $0x3  }
0x203: {  	[tilespmem:s1+$0xFFFFFFD0] =	vst v9  }
0x204: {  	v9 =	vld.idx.msk [tilespmem:v8+s21+$0x0], $0xffff;
	_ =	sdelay $0x3  }
0x205: {  	v7 =	vadd.s32 v2, v7  }
0x206: {  	v10 =	vand.u32 $0xFFFFFF80, v7;
	[tilespmem:s31+$0xFFFFFFE0] =	vst v9  }
0x207: {  	v7 =	vand.u32 $0x7F, v7;
	v6 =	vadd.s32 v6, v10;
	v8 =	vld.idx.msk [tilespmem:v8+s22+$0x0], $0xffff  }
0x208: {  	v6 =	vor.u32 v7, v6;
	_ =	sdelay $0x3  }
0x209: {  	[tilespmem:s1+$0xFFFFFFE0] =	vst v8  }
0x20a: {  	v7 =	vld.idx.msk [tilespmem:v6+s21+$0x0], $0xffff;
	_ =	sdelay $0x4  }
0x20b: {  	s7 =	simm.s32 $0x1;
	[tilespmem:s31+$0xFFFFFFF0] =	vst v7  }
0x20c: {  	v7 =	vmov s7;
	v6 =	vld.idx.msk [tilespmem:v6+s22+$0x0], $0xffff  }
0x20d: {  	v8 =	vadd.s32 $0x100, v7;
	_ =	sdelay $0x3  }
0x20e: {  	[tilespmem:s1+$0xFFFFFFF0] =	vst v6  }
0x20f: {  	v6 =	vld.idx.msk [tilespmem:v8+s18+$0x0], $0xffff;
	_ =	sdelay $0x4  }
0x210: {  	v6 =	vshll.u32 v6, $0x6  }
0x211: {  	v6 =	vand.u32 $0x40, v6  }
0x212: {  	v8 =	vadd.s32 v5, v6  }
0x213: {  	v7 =	vshll.u32 v7, $0x7;
	v9 =	vand.u32 $0xFFFFFF80, v8  }
0x214: {  	v8 =	vand.u32 $0x7F, v8;
	v9 =	vadd.s32 v7, v9  }
0x215: {  	v8 =	vor.u32 v8, v9;
	_ =	sdelay $0x4  }
0x216: {  	v9 =	vld.idx.msk [tilespmem:v8+s21+$0x0], $0xffff;
	_ =	sdelay $0x3  }
0x217: {  	v10 =	vadd.s32 v4, v6  }
0x218: {  	v11 =	vand.u32 $0xFFFFFF80, v10;
	[tilespmem:s31+$0x0] =	vst v9  }
0x219: {  	v10 =	vand.u32 $0x7F, v10;
	v9 =	vadd.s32 v7, v11;
	v8 =	vld.idx.msk [tilespmem:v8+s22+$0x0], $0xffff  }
0x21a: {  	v9 =	vor.u32 v10, v9;
	_ =	sdelay $0x3  }
0x21b: {  	[tilespmem:s1+$0x0] =	vst v8  }
0x21c: {  	v8 =	vld.idx.msk [tilespmem:v9+s21+$0x0], $0xffff;
	_ =	sdelay $0x3  }
0x21d: {  	v10 =	vadd.s32 v3, v6  }
0x21e: {  	v11 =	vand.u32 $0xFFFFFF80, v10;
	[tilespmem:s31+$0x10] =	vst v8  }
0x21f: {  	v10 =	vand.u32 $0x7F, v10;
	v8 =	vadd.s32 v7, v11;
	v9 =	vld.idx.msk [tilespmem:v9+s22+$0x0], $0xffff  }
0x220: {  	v8 =	vor.u32 v10, v8;
	_ =	sdelay $0x3  }
0x221: {  	[tilespmem:s1+$0x10] =	vst v9  }
0x222: {  	v9 =	vld.idx.msk [tilespmem:v8+s21+$0x0], $0xffff;
	_ =	sdelay $0x3  }
0x223: {  	v6 =	vadd.s32 v2, v6  }
0x224: {  	v10 =	vand.u32 $0xFFFFFF80, v6;
	[tilespmem:s31+$0x20] =	vst v9  }
0x225: {  	v6 =	vand.u32 $0x7F, v6;
	v7 =	vadd.s32 v7, v10;
	v8 =	vld.idx.msk [tilespmem:v8+s22+$0x0], $0xffff  }
0x226: {  	v7 =	vor.u32 v6, v7;
	_ =	sdelay $0x3  }
0x227: {  	[tilespmem:s1+$0x20] =	vst v8  }
0x228: {  	v8 =	vld.idx.msk [tilespmem:v7+s21+$0x0], $0xffff;
	_ =	sdelay $0x3  }
0x229: {  	s2 =	simm.s32 $0x2  }
0x22a: {  	v6 =	vmov s2;
	[tilespmem:s31+$0x30] =	vst v8  }
0x22b: {  	v9 =	vand.u32 $0xFFFFFFFE, v6;
	v8 =	vld.idx.msk [tilespmem:v7+s22+$0x0], $0xffff  }
0x22c: {  	s7 =	simm.s32 $0x4;
	v7 =	vadd.s32 $0x100, v9  }
.LBB2_6:
0x22d: {  	_ =	sdelay $0x1  }
0x22e: {  	s31 =	sadd.s32 $0x80, s31  }
0x22f: {  	s6 =	smov.u32 s7;
	s5 =	sadd.s32 $0x2, s7;
	[tilespmem:s1+$0x30] =	vst v8;
	s1 =	sadd.s32 $0x80, s1  }
0x230: {  	p0 =	sne.s32 s7, $0x7E;
	v7 =	vld.idx.msk [tilespmem:v7+s18+$0x0], $0xffff;
	_ =	sdelay $0x5  }
0x231: {  	v7 =	vshll.u32 v7, $0x6  }
0x232: {  	v7 =	vand.u32 $0x40, v7  }
0x233: {  	v8 =	vadd.s32 v5, v7;
	v9 =	vadd.s32 v4, v7;
	v10 =	vadd.s32 v3, v7  }
0x234: {  	v6 =	vshll.u32 v6, $0x7;
	v11 =	vand.u32 $0xFFFFFF80, v8;
	v12 =	vand.u32 $0xFFFFFF80, v9  }
0x235: {  	v8 =	vand.u32 $0x7F, v8;
	v11 =	vadd.s32 v6, v11;
	v12 =	vadd.s32 v6, v12  }
0x236: {  	v7 =	vadd.s32 v2, v7;
	v8 =	vor.u32 v8, v11;
	v11 =	vand.u32 $0xFFFFFF80, v10  }
0x237: {  	v13 =	vand.u32 $0xFFFFFF80, v7;
	v11 =	vadd.s32 v6, v11  }
0x238: {  	v6 =	vadd.s32 v6, v13;
	_ =	sdelay $0x2  }
0x239: {  	v13 =	vld.idx.msk [tilespmem:v8+s21+$0x0], $0xffff;
	_ =	sdelay $0x5  }
0x23a: {  	[tilespmem:s31+$0xFFFFFFC0] =	vst v13  }
0x23b: {  	v8 =	vld.idx.msk [tilespmem:v8+s22+$0x0], $0xffff  }
0x23c: {  	v9 =	vand.u32 $0x7F, v9  }
0x23d: {  	v9 =	vor.u32 v9, v12;
	_ =	sdelay $0x3  }
0x23e: {  	[tilespmem:s1+$0xFFFFFFC0] =	vst v8  }
0x23f: {  	v8 =	vld.idx.msk [tilespmem:v9+s21+$0x0], $0xffff;
	_ =	sdelay $0x5  }
0x240: {  	[tilespmem:s31+$0xFFFFFFD0] =	vst v8  }
0x241: {  	v8 =	vld.idx.msk [tilespmem:v9+s22+$0x0], $0xffff  }
0x242: {  	v9 =	vand.u32 $0x7F, v10  }
0x243: {  	v9 =	vor.u32 v9, v11;
	_ =	sdelay $0x3  }
0x244: {  	[tilespmem:s1+$0xFFFFFFD0] =	vst v8  }
0x245: {  	v8 =	vld.idx.msk [tilespmem:v9+s21+$0x0], $0xffff;
	_ =	sdelay $0x5  }
0x246: {  	[tilespmem:s31+$0xFFFFFFE0] =	vst v8  }
0x247: {  	v8 =	vld.idx.msk [tilespmem:v9+s22+$0x0], $0xffff  }
0x248: {  	v7 =	vand.u32 $0x7F, v7  }
0x249: {  	v6 =	vor.u32 v7, v6;
	_ =	sdelay $0x3  }
0x24a: {  	[tilespmem:s1+$0xFFFFFFE0] =	vst v8  }
0x24b: {  	v7 =	vld.idx.msk [tilespmem:v6+s21+$0x0], $0xffff;
	_ =	sdelay $0x5  }
0x24c: {  	[tilespmem:s31+$0xFFFFFFF0] =	vst v7  }
0x24d: {  	s7 =	sadd.s32 $0x1, s2;
	s2 =	smov.u32 s6;
	v6 =	vld.idx.msk [tilespmem:v6+s22+$0x0], $0xffff  }
0x24e: {  	v7 =	vmov s7  }
0x24f: {  	v8 =	vadd.s32 $0x100, v7;
	_ =	sdelay $0x3  }
0x250: {  	[tilespmem:s1+$0xFFFFFFF0] =	vst v6  }
0x251: {  	v6 =	vld.idx.msk [tilespmem:v8+s18+$0x0], $0xffff;
	_ =	sdelay $0x5  }
0x252: {  	v6 =	vshll.u32 v6, $0x6  }
0x253: {  	v7 =	vshll.u32 v7, $0x7;
	v6 =	vand.u32 $0x40, v6  }
0x254: {  	v8 =	vadd.s32 v5, v6;
	v9 =	vadd.s32 v4, v6;
	v10 =	vadd.s32 v3, v6  }
0x255: {  	v11 =	vand.u32 $0xFFFFFF80, v8;
	v12 =	vand.u32 $0xFFFFFF80, v9;
	v13 =	vand.u32 $0xFFFFFF80, v10  }
0x256: {  	v8 =	vand.u32 $0x7F, v8;
	v11 =	vadd.s32 v7, v11;
	v12 =	vadd.s32 v7, v12  }
0x257: {  	v6 =	vadd.s32 v2, v6;
	v8 =	vor.u32 v8, v11;
	v11 =	vadd.s32 v7, v13  }
0x258: {  	v13 =	vand.u32 $0xFFFFFF80, v6  }
0x259: {  	v7 =	vadd.s32 v7, v13;
	_ =	sdelay $0x2  }
0x25a: {  	v13 =	vld.idx.msk [tilespmem:v8+s21+$0x0], $0xffff;
	_ =	sdelay $0x5  }
0x25b: {  	[tilespmem:s31+$0x0] =	vst v13  }
0x25c: {  	v8 =	vld.idx.msk [tilespmem:v8+s22+$0x0], $0xffff  }
0x25d: {  	v9 =	vand.u32 $0x7F, v9  }
0x25e: {  	v9 =	vor.u32 v9, v12;
	_ =	sdelay $0x3  }
0x25f: {  	[tilespmem:s1+$0x0] =	vst v8  }
0x260: {  	v8 =	vld.idx.msk [tilespmem:v9+s21+$0x0], $0xffff;
	_ =	sdelay $0x5  }
0x261: {  	[tilespmem:s31+$0x10] =	vst v8  }
0x262: {  	v8 =	vld.idx.msk [tilespmem:v9+s22+$0x0], $0xffff  }
0x263: {  	v9 =	vand.u32 $0x7F, v10  }
0x264: {  	v9 =	vor.u32 v9, v11;
	_ =	sdelay $0x3  }
0x265: {  	[tilespmem:s1+$0x10] =	vst v8  }
0x266: {  	v8 =	vld.idx.msk [tilespmem:v9+s21+$0x0], $0xffff;
	_ =	sdelay $0x5  }
0x267: {  	[tilespmem:s31+$0x20] =	vst v8  }
0x268: {  	v8 =	vld.idx.msk [tilespmem:v9+s22+$0x0], $0xffff  }
0x269: {  	v6 =	vand.u32 $0x7F, v6  }
0x26a: {  	v7 =	vor.u32 v6, v7;
	_ =	sdelay $0x3  }
0x26b: {  	[tilespmem:s1+$0x20] =	vst v8  }
0x26c: {  	v6 =	vld.idx.msk [tilespmem:v7+s21+$0x0], $0xffff;
	_ =	sdelay $0x4  }
.Ltmp2:
0x26d: {  	(pc) =	sbr.rel @p0 .LBB2_6-.Ltmp2, $4  }
0x26e: {  	[tilespmem:s31+$0x30] =	vst v6  }
0x26f: {  	v6 =	vmov s2;
	v8 =	vld.idx.msk [tilespmem:v7+s22+$0x0], $0xffff  }
0x270: {  	v7 =	vand.u32 $0xFFFFFFFE, v6  }
0x271: {  	s7 =	smov.u32 s5;
	v7 =	vadd.s32 $0x100, v7  }
0x272: {  	_ =	sdelay $0x2  }
0x273: {  	[tilespmem:s1+$0x30] =	vst v8  }
0x274: {  	v7 =	vld.idx.msk [tilespmem:v7+s18+$0x0], $0xffff;
	_ =	sdelay $0x4  }
0x275: {  	v7 =	vshll.u32 v7, $0x6  }
0x276: {  	v7 =	vand.u32 $0x40, v7  }
0x277: {  	v8 =	vadd.s32 v5, v7  }
0x278: {  	v6 =	vshll.u32 v6, $0x7;
	v9 =	vand.u32 $0xFFFFFF80, v8  }
0x279: {  	v8 =	vand.u32 $0x7F, v8;
	v9 =	vadd.s32 v6, v9  }
0x27a: {  	v8 =	vor.u32 v8, v9;
	_ =	sdelay $0x4  }
0x27b: {  	v9 =	vld.idx.msk [tilespmem:v8+s21+$0x0], $0xffff;
	_ =	sdelay $0x3  }
0x27c: {  	s5 =	sadd.s32 $0x80, s31;
	v10 =	vadd.s32 v4, v7  }
0x27d: {  	v11 =	vand.u32 $0xFFFFFF80, v10;
	[tilespmem:s5+$0xFFFFFFC0] =	vst v9  }
0x27e: {  	v10 =	vand.u32 $0x7F, v10;
	v9 =	vadd.s32 v6, v11;
	v8 =	vld.idx.msk [tilespmem:v8+s22+$0x0], $0xffff  }
0x27f: {  	v9 =	vor.u32 v10, v9;
	_ =	sdelay $0x2  }
0x280: {  	s7 =	sadd.s32 $0x80, s1  }
0x281: {  	[tilespmem:s7+$0xFFFFFFC0] =	vst v8  }
0x282: {  	v8 =	vld.idx.msk [tilespmem:v9+s21+$0x0], $0xffff;
	_ =	sdelay $0x3  }
0x283: {  	v10 =	vadd.s32 v3, v7  }
0x284: {  	v11 =	vand.u32 $0xFFFFFF80, v10;
	[tilespmem:s5+$0xFFFFFFD0] =	vst v8  }
0x285: {  	v10 =	vand.u32 $0x7F, v10;
	v8 =	vadd.s32 v6, v11;
	v9 =	vld.idx.msk [tilespmem:v9+s22+$0x0], $0xffff  }
0x286: {  	v8 =	vor.u32 v10, v8;
	_ =	sdelay $0x3  }
0x287: {  	[tilespmem:s7+$0xFFFFFFD0] =	vst v9  }
0x288: {  	v9 =	vld.idx.msk [tilespmem:v8+s21+$0x0], $0xffff;
	_ =	sdelay $0x3  }
0x289: {  	v7 =	vadd.s32 v2, v7  }
0x28a: {  	v10 =	vand.u32 $0xFFFFFF80, v7;
	[tilespmem:s5+$0xFFFFFFE0] =	vst v9  }
0x28b: {  	v7 =	vand.u32 $0x7F, v7;
	v6 =	vadd.s32 v6, v10;
	v8 =	vld.idx.msk [tilespmem:v8+s22+$0x0], $0xffff  }
0x28c: {  	v6 =	vor.u32 v7, v6;
	_ =	sdelay $0x3  }
0x28d: {  	[tilespmem:s7+$0xFFFFFFE0] =	vst v8  }
0x28e: {  	v7 =	vld.idx.msk [tilespmem:v6+s21+$0x0], $0xffff;
	_ =	sdelay $0x4  }
0x28f: {  	s2 =	sadd.s32 $0x1, s2;
	[tilespmem:s5+$0xFFFFFFF0] =	vst v7  }
0x290: {  	v7 =	vmov s2;
	v6 =	vld.idx.msk [tilespmem:v6+s22+$0x0], $0xffff  }
0x291: {  	v8 =	vadd.s32 $0x100, v7;
	_ =	sdelay $0x3  }
0x292: {  	[tilespmem:s7+$0xFFFFFFF0] =	vst v6  }
0x293: {  	v6 =	vld.idx.msk [tilespmem:v8+s18+$0x0], $0xffff;
	_ =	sdelay $0x4  }
0x294: {  	v6 =	vshll.u32 v6, $0x6  }
0x295: {  	v6 =	vand.u32 $0x40, v6  }
0x296: {  	v8 =	vadd.s32 v5, v6  }
0x297: {  	v7 =	vshll.u32 v7, $0x7;
	v9 =	vand.u32 $0xFFFFFF80, v8  }
0x298: {  	v8 =	vand.u32 $0x7F, v8;
	v9 =	vadd.s32 v7, v9  }
0x299: {  	v8 =	vor.u32 v8, v9;
	_ =	sdelay $0x4  }
0x29a: {  	v9 =	vld.idx.msk [tilespmem:v8+s21+$0x0], $0xffff;
	_ =	sdelay $0x3  }
0x29b: {  	v10 =	vadd.s32 v4, v6  }
0x29c: {  	v11 =	vand.u32 $0xFFFFFF80, v10;
	[tilespmem:s5+$0x0] =	vst v9  }
0x29d: {  	v10 =	vand.u32 $0x7F, v10;
	v9 =	vadd.s32 v7, v11;
	v8 =	vld.idx.msk [tilespmem:v8+s22+$0x0], $0xffff  }
0x29e: {  	v9 =	vor.u32 v10, v9;
	_ =	sdelay $0x3  }
0x29f: {  	[tilespmem:s7+$0x0] =	vst v8  }
0x2a0: {  	v8 =	vld.idx.msk [tilespmem:v9+s21+$0x0], $0xffff;
	_ =	sdelay $0x3  }
0x2a1: {  	v10 =	vadd.s32 v3, v6  }
0x2a2: {  	v11 =	vand.u32 $0xFFFFFF80, v10;
	[tilespmem:s5+$0x10] =	vst v8  }
0x2a3: {  	v10 =	vand.u32 $0x7F, v10;
	v8 =	vadd.s32 v7, v11;
	v9 =	vld.idx.msk [tilespmem:v9+s22+$0x0], $0xffff  }
0x2a4: {  	v8 =	vor.u32 v10, v8;
	_ =	sdelay $0x3  }
0x2a5: {  	[tilespmem:s7+$0x10] =	vst v9  }
0x2a6: {  	v9 =	vld.idx.msk [tilespmem:v8+s21+$0x0], $0xffff;
	_ =	sdelay $0x3  }
0x2a7: {  	v6 =	vadd.s32 v2, v6  }
0x2a8: {  	v10 =	vand.u32 $0xFFFFFF80, v6;
	[tilespmem:s5+$0x20] =	vst v9  }
0x2a9: {  	v6 =	vand.u32 $0x7F, v6;
	v7 =	vadd.s32 v7, v10;
	v8 =	vld.idx.msk [tilespmem:v8+s22+$0x0], $0xffff  }
0x2aa: {  	v6 =	vor.u32 v6, v7;
	_ =	sdelay $0x3  }
0x2ab: {  	[tilespmem:s7+$0x20] =	vst v8  }
0x2ac: {  	v7 =	vld.idx.msk [tilespmem:v6+s21+$0x0], $0xffff;
	_ =	sdelay $0x4  }
0x2ad: {  	[tilespmem:s5+$0x30] =	vst v7  }
0x2ae: {  	v6 =	vld.idx.msk [tilespmem:v6+s22+$0x0], $0xffff;
	_ =	sdelay $0x4  }
0x2af: {  	s6 =	simm.s32 $0x0;
	[tilespmem:s7+$0x30] =	vst v6  }
0x2b0: {  	[hbm4b:s11+s6] =	stream.linear.scatter [tilespmem:s24], [sflag:$0x2], $0x2000, $0x38;
	[tilespmem:$0xC880] =	vst v63  }
0x2b1: {  	_ =	swait.ge [sflag:s17], $0x2000  }
0x2b2: {  	[sflag:s17] =	ssyncset.done $0x0  }
0x2b3: {  	[sflag:s17] =	ssyncadd.s32 $0xFFFFE000  }
0x2b4: {  	[hbm4b:s12+s6] =	stream.linear.scatter [tilespmem:s25], [sflag:$0x2], $0x2000, $0x38;
	[tilespmem:$0xC880] =	vst v63  }
0x2b5: {  	_ =	swait.ge [sflag:s17], $0x2000  }
0x2b6: {  	[sflag:s17] =	ssyncset.done $0x0  }
0x2b7: {  	[sflag:s17] =	ssyncadd.s32 $0xFFFFE000  }
0x2b8: {  	[tilespmem:s21], [sflag:$0x1] =	stream.indirect.gather [hbm4b:s4+s19], $0x80, s29, s19, $0xb8;
	[tilespmem:$0xC880] =	vst v63  }
0x2b9: {  	_ = 	snop  }
0x2ba: {  	v6 =	vmov s6;
	[tilespmem:s22], [sflag:$0x1] =	stream.indirect.gather [hbm4b:s0+s19], $0x80, s29, s19, $0xb8;
	[tilespmem:$0xC880] =	vst v63  }
0x2bb: {  	v7 =	vand.u32 $0xFFFFFFFE, v6;
	_ =	swait.ge [sflag:s23], $0x4000  }
0x2bc: {  	v7 =	vadd.s32 $0x180, v7;
	[sflag:s23] =	ssyncset.done $0x0  }
0x2bd: {  	[sflag:s23] =	ssyncadd.s32 $0xFFFFC000  }
0x2be: {  	_ =	swait.ge [sflag:s23], $0x4000  }
0x2bf: {  	[sflag:s23] =	ssyncset.done $0x0  }
0x2c0: {  	[sflag:s23] =	ssyncadd.s32 $0xFFFFC000  }
0x2c1: {  	v7 =	vld.idx.msk [tilespmem:v7+s18+$0x0], $0xffff;
	_ =	sdelay $0x4  }
0x2c2: {  	v7 =	vshll.u32 v7, $0x6  }
0x2c3: {  	v7 =	vand.u32 $0x40, v7  }
0x2c4: {  	v8 =	vadd.s32 v5, v7  }
0x2c5: {  	v6 =	vshll.u32 v6, $0x7;
	v9 =	vand.u32 $0xFFFFFF80, v8  }
0x2c6: {  	v8 =	vand.u32 $0x7F, v8;
	v9 =	vadd.s32 v6, v9  }
0x2c7: {  	v8 =	vor.u32 v8, v9;
	_ =	sdelay $0x4  }
0x2c8: {  	v9 =	vld.idx.msk [tilespmem:v8+s21+$0x0], $0xffff;
	_ =	sdelay $0x3  }
0x2c9: {  	s31 =	simm.s32 $0x88C0;
	v10 =	vadd.s32 v4, v7  }
0x2ca: {  	v11 =	vand.u32 $0xFFFFFF80, v10;
	[tilespmem:s31+$0xFFFFFFC0] =	vst v9  }
0x2cb: {  	v10 =	vand.u32 $0x7F, v10;
	v9 =	vadd.s32 v6, v11;
	v8 =	vld.idx.msk [tilespmem:v8+s22+$0x0], $0xffff  }
0x2cc: {  	v9 =	vor.u32 v10, v9;
	_ =	sdelay $0x2  }
0x2cd: {  	s1 =	simm.s32 $0xA8C0  }
0x2ce: {  	[tilespmem:s1+$0xFFFFFFC0] =	vst v8  }
0x2cf: {  	v8 =	vld.idx.msk [tilespmem:v9+s21+$0x0], $0xffff;
	_ =	sdelay $0x3  }
0x2d0: {  	v10 =	vadd.s32 v3, v7  }
0x2d1: {  	v11 =	vand.u32 $0xFFFFFF80, v10;
	[tilespmem:s31+$0xFFFFFFD0] =	vst v8  }
0x2d2: {  	v10 =	vand.u32 $0x7F, v10;
	v8 =	vadd.s32 v6, v11;
	v9 =	vld.idx.msk [tilespmem:v9+s22+$0x0], $0xffff  }
0x2d3: {  	v8 =	vor.u32 v10, v8;
	_ =	sdelay $0x3  }
0x2d4: {  	[tilespmem:s1+$0xFFFFFFD0] =	vst v9  }
0x2d5: {  	v9 =	vld.idx.msk [tilespmem:v8+s21+$0x0], $0xffff;
	_ =	sdelay $0x3  }
0x2d6: {  	v7 =	vadd.s32 v2, v7  }
0x2d7: {  	v10 =	vand.u32 $0xFFFFFF80, v7;
	[tilespmem:s31+$0xFFFFFFE0] =	vst v9  }
0x2d8: {  	v7 =	vand.u32 $0x7F, v7;
	v6 =	vadd.s32 v6, v10;
	v8 =	vld.idx.msk [tilespmem:v8+s22+$0x0], $0xffff  }
0x2d9: {  	v6 =	vor.u32 v7, v6;
	_ =	sdelay $0x3  }
0x2da: {  	[tilespmem:s1+$0xFFFFFFE0] =	vst v8  }
0x2db: {  	v7 =	vld.idx.msk [tilespmem:v6+s21+$0x0], $0xffff;
	_ =	sdelay $0x4  }
0x2dc: {  	s7 =	simm.s32 $0x1;
	[tilespmem:s31+$0xFFFFFFF0] =	vst v7  }
0x2dd: {  	v7 =	vmov s7;
	v6 =	vld.idx.msk [tilespmem:v6+s22+$0x0], $0xffff  }
0x2de: {  	v8 =	vadd.s32 $0x180, v7;
	_ =	sdelay $0x3  }
0x2df: {  	[tilespmem:s1+$0xFFFFFFF0] =	vst v6  }
0x2e0: {  	v6 =	vld.idx.msk [tilespmem:v8+s18+$0x0], $0xffff;
	_ =	sdelay $0x4  }
0x2e1: {  	v6 =	vshll.u32 v6, $0x6  }
0x2e2: {  	v6 =	vand.u32 $0x40, v6  }
0x2e3: {  	v8 =	vadd.s32 v5, v6  }
0x2e4: {  	v7 =	vshll.u32 v7, $0x7;
	v9 =	vand.u32 $0xFFFFFF80, v8  }
0x2e5: {  	v8 =	vand.u32 $0x7F, v8;
	v9 =	vadd.s32 v7, v9  }
0x2e6: {  	v8 =	vor.u32 v8, v9;
	_ =	sdelay $0x4  }
0x2e7: {  	v9 =	vld.idx.msk [tilespmem:v8+s21+$0x0], $0xffff;
	_ =	sdelay $0x3  }
0x2e8: {  	v10 =	vadd.s32 v4, v6  }
0x2e9: {  	v11 =	vand.u32 $0xFFFFFF80, v10;
	[tilespmem:s31+$0x0] =	vst v9  }
0x2ea: {  	v10 =	vand.u32 $0x7F, v10;
	v9 =	vadd.s32 v7, v11;
	v8 =	vld.idx.msk [tilespmem:v8+s22+$0x0], $0xffff  }
0x2eb: {  	v9 =	vor.u32 v10, v9;
	_ =	sdelay $0x3  }
0x2ec: {  	[tilespmem:s1+$0x0] =	vst v8  }
0x2ed: {  	v8 =	vld.idx.msk [tilespmem:v9+s21+$0x0], $0xffff;
	_ =	sdelay $0x3  }
0x2ee: {  	v10 =	vadd.s32 v3, v6  }
0x2ef: {  	v11 =	vand.u32 $0xFFFFFF80, v10;
	[tilespmem:s31+$0x10] =	vst v8  }
0x2f0: {  	v10 =	vand.u32 $0x7F, v10;
	v8 =	vadd.s32 v7, v11;
	v9 =	vld.idx.msk [tilespmem:v9+s22+$0x0], $0xffff  }
0x2f1: {  	v8 =	vor.u32 v10, v8;
	_ =	sdelay $0x3  }
0x2f2: {  	[tilespmem:s1+$0x10] =	vst v9  }
0x2f3: {  	v9 =	vld.idx.msk [tilespmem:v8+s21+$0x0], $0xffff;
	_ =	sdelay $0x3  }
0x2f4: {  	v6 =	vadd.s32 v2, v6  }
0x2f5: {  	v10 =	vand.u32 $0xFFFFFF80, v6;
	[tilespmem:s31+$0x20] =	vst v9  }
0x2f6: {  	v6 =	vand.u32 $0x7F, v6;
	v7 =	vadd.s32 v7, v10;
	v8 =	vld.idx.msk [tilespmem:v8+s22+$0x0], $0xffff  }
0x2f7: {  	v7 =	vor.u32 v6, v7;
	_ =	sdelay $0x3  }
0x2f8: {  	[tilespmem:s1+$0x20] =	vst v8  }
0x2f9: {  	v8 =	vld.idx.msk [tilespmem:v7+s21+$0x0], $0xffff;
	_ =	sdelay $0x3  }
0x2fa: {  	s2 =	simm.s32 $0x2  }
0x2fb: {  	v6 =	vmov s2;
	[tilespmem:s31+$0x30] =	vst v8  }
0x2fc: {  	v9 =	vand.u32 $0xFFFFFFFE, v6;
	v8 =	vld.idx.msk [tilespmem:v7+s22+$0x0], $0xffff  }
0x2fd: {  	s7 =	simm.s32 $0x4;
	v7 =	vadd.s32 $0x180, v9  }
.LBB2_8:
0x2fe: {  	_ =	sdelay $0x1  }
0x2ff: {  	s31 =	sadd.s32 $0x80, s31  }
0x300: {  	s6 =	smov.u32 s7;
	s5 =	sadd.s32 $0x2, s7;
	[tilespmem:s1+$0x30] =	vst v8;
	s1 =	sadd.s32 $0x80, s1  }
0x301: {  	p0 =	sne.s32 s7, $0x7E;
	v7 =	vld.idx.msk [tilespmem:v7+s18+$0x0], $0xffff;
	_ =	sdelay $0x5  }
0x302: {  	v7 =	vshll.u32 v7, $0x6  }
0x303: {  	v7 =	vand.u32 $0x40, v7  }
0x304: {  	v8 =	vadd.s32 v5, v7;
	v9 =	vadd.s32 v4, v7;
	v10 =	vadd.s32 v3, v7  }
0x305: {  	v6 =	vshll.u32 v6, $0x7;
	v11 =	vand.u32 $0xFFFFFF80, v8;
	v12 =	vand.u32 $0xFFFFFF80, v9  }
0x306: {  	v8 =	vand.u32 $0x7F, v8;
	v11 =	vadd.s32 v6, v11;
	v12 =	vadd.s32 v6, v12  }
0x307: {  	v7 =	vadd.s32 v2, v7;
	v8 =	vor.u32 v8, v11;
	v11 =	vand.u32 $0xFFFFFF80, v10  }
0x308: {  	v13 =	vand.u32 $0xFFFFFF80, v7;
	v11 =	vadd.s32 v6, v11  }
0x309: {  	v6 =	vadd.s32 v6, v13;
	_ =	sdelay $0x2  }
0x30a: {  	v13 =	vld.idx.msk [tilespmem:v8+s21+$0x0], $0xffff;
	_ =	sdelay $0x5  }
0x30b: {  	[tilespmem:s31+$0xFFFFFFC0] =	vst v13  }
0x30c: {  	v8 =	vld.idx.msk [tilespmem:v8+s22+$0x0], $0xffff  }
0x30d: {  	v9 =	vand.u32 $0x7F, v9  }
0x30e: {  	v9 =	vor.u32 v9, v12;
	_ =	sdelay $0x3  }
0x30f: {  	[tilespmem:s1+$0xFFFFFFC0] =	vst v8  }
0x310: {  	v8 =	vld.idx.msk [tilespmem:v9+s21+$0x0], $0xffff;
	_ =	sdelay $0x5  }
0x311: {  	[tilespmem:s31+$0xFFFFFFD0] =	vst v8  }
0x312: {  	v8 =	vld.idx.msk [tilespmem:v9+s22+$0x0], $0xffff  }
0x313: {  	v9 =	vand.u32 $0x7F, v10  }
0x314: {  	v9 =	vor.u32 v9, v11;
	_ =	sdelay $0x3  }
0x315: {  	[tilespmem:s1+$0xFFFFFFD0] =	vst v8  }
0x316: {  	v8 =	vld.idx.msk [tilespmem:v9+s21+$0x0], $0xffff;
	_ =	sdelay $0x5  }
0x317: {  	[tilespmem:s31+$0xFFFFFFE0] =	vst v8  }
0x318: {  	v8 =	vld.idx.msk [tilespmem:v9+s22+$0x0], $0xffff  }
0x319: {  	v7 =	vand.u32 $0x7F, v7  }
0x31a: {  	v6 =	vor.u32 v7, v6;
	_ =	sdelay $0x3  }
0x31b: {  	[tilespmem:s1+$0xFFFFFFE0] =	vst v8  }
0x31c: {  	v7 =	vld.idx.msk [tilespmem:v6+s21+$0x0], $0xffff;
	_ =	sdelay $0x5  }
0x31d: {  	[tilespmem:s31+$0xFFFFFFF0] =	vst v7  }
0x31e: {  	s7 =	sadd.s32 $0x1, s2;
	s2 =	smov.u32 s6;
	v6 =	vld.idx.msk [tilespmem:v6+s22+$0x0], $0xffff  }
0x31f: {  	v7 =	vmov s7  }
0x320: {  	v8 =	vadd.s32 $0x180, v7;
	_ =	sdelay $0x3  }
0x321: {  	[tilespmem:s1+$0xFFFFFFF0] =	vst v6  }
0x322: {  	v6 =	vld.idx.msk [tilespmem:v8+s18+$0x0], $0xffff;
	_ =	sdelay $0x5  }
0x323: {  	v6 =	vshll.u32 v6, $0x6  }
0x324: {  	v7 =	vshll.u32 v7, $0x7;
	v6 =	vand.u32 $0x40, v6  }
0x325: {  	v8 =	vadd.s32 v5, v6;
	v9 =	vadd.s32 v4, v6;
	v10 =	vadd.s32 v3, v6  }
0x326: {  	v11 =	vand.u32 $0xFFFFFF80, v8;
	v12 =	vand.u32 $0xFFFFFF80, v9;
	v13 =	vand.u32 $0xFFFFFF80, v10  }
0x327: {  	v8 =	vand.u32 $0x7F, v8;
	v11 =	vadd.s32 v7, v11;
	v12 =	vadd.s32 v7, v12  }
0x328: {  	v6 =	vadd.s32 v2, v6;
	v8 =	vor.u32 v8, v11;
	v11 =	vadd.s32 v7, v13  }
0x329: {  	v13 =	vand.u32 $0xFFFFFF80, v6  }
0x32a: {  	v7 =	vadd.s32 v7, v13;
	_ =	sdelay $0x2  }
0x32b: {  	v13 =	vld.idx.msk [tilespmem:v8+s21+$0x0], $0xffff;
	_ =	sdelay $0x5  }
0x32c: {  	[tilespmem:s31+$0x0] =	vst v13  }
0x32d: {  	v8 =	vld.idx.msk [tilespmem:v8+s22+$0x0], $0xffff  }
0x32e: {  	v9 =	vand.u32 $0x7F, v9  }
0x32f: {  	v9 =	vor.u32 v9, v12;
	_ =	sdelay $0x3  }
0x330: {  	[tilespmem:s1+$0x0] =	vst v8  }
0x331: {  	v8 =	vld.idx.msk [tilespmem:v9+s21+$0x0], $0xffff;
	_ =	sdelay $0x5  }
0x332: {  	[tilespmem:s31+$0x10] =	vst v8  }
0x333: {  	v8 =	vld.idx.msk [tilespmem:v9+s22+$0x0], $0xffff  }
0x334: {  	v9 =	vand.u32 $0x7F, v10  }
0x335: {  	v9 =	vor.u32 v9, v11;
	_ =	sdelay $0x3  }
0x336: {  	[tilespmem:s1+$0x10] =	vst v8  }
0x337: {  	v8 =	vld.idx.msk [tilespmem:v9+s21+$0x0], $0xffff;
	_ =	sdelay $0x5  }
0x338: {  	[tilespmem:s31+$0x20] =	vst v8  }
0x339: {  	v8 =	vld.idx.msk [tilespmem:v9+s22+$0x0], $0xffff  }
0x33a: {  	v6 =	vand.u32 $0x7F, v6  }
0x33b: {  	v7 =	vor.u32 v6, v7;
	_ =	sdelay $0x3  }
0x33c: {  	[tilespmem:s1+$0x20] =	vst v8  }
0x33d: {  	v6 =	vld.idx.msk [tilespmem:v7+s21+$0x0], $0xffff;
	_ =	sdelay $0x4  }
.Ltmp3:
0x33e: {  	(pc) =	sbr.rel @p0 .LBB2_8-.Ltmp3, $4  }
0x33f: {  	[tilespmem:s31+$0x30] =	vst v6  }
0x340: {  	v6 =	vmov s2;
	v8 =	vld.idx.msk [tilespmem:v7+s22+$0x0], $0xffff  }
0x341: {  	v7 =	vand.u32 $0xFFFFFFFE, v6  }
0x342: {  	s7 =	smov.u32 s5;
	v7 =	vadd.s32 $0x180, v7  }
0x343: {  	_ =	sdelay $0x2  }
0x344: {  	[tilespmem:s1+$0x30] =	vst v8  }
0x345: {  	v7 =	vld.idx.msk [tilespmem:v7+s18+$0x0], $0xffff;
	_ =	sdelay $0x4  }
0x346: {  	v7 =	vshll.u32 v7, $0x6  }
0x347: {  	v7 =	vand.u32 $0x40, v7  }
0x348: {  	v8 =	vadd.s32 v5, v7  }
0x349: {  	v6 =	vshll.u32 v6, $0x7;
	v9 =	vand.u32 $0xFFFFFF80, v8  }
0x34a: {  	v8 =	vand.u32 $0x7F, v8;
	v9 =	vadd.s32 v6, v9  }
0x34b: {  	v8 =	vor.u32 v8, v9;
	_ =	sdelay $0x4  }
0x34c: {  	v9 =	vld.idx.msk [tilespmem:v8+s21+$0x0], $0xffff;
	_ =	sdelay $0x3  }
0x34d: {  	s5 =	sadd.s32 $0x80, s31;
	v10 =	vadd.s32 v4, v7  }
0x34e: {  	v11 =	vand.u32 $0xFFFFFF80, v10;
	[tilespmem:s5+$0xFFFFFFC0] =	vst v9  }
0x34f: {  	v10 =	vand.u32 $0x7F, v10;
	v9 =	vadd.s32 v6, v11;
	v8 =	vld.idx.msk [tilespmem:v8+s22+$0x0], $0xffff  }
0x350: {  	v9 =	vor.u32 v10, v9;
	_ =	sdelay $0x2  }
0x351: {  	s31 =	sadd.s32 $0x80, s1  }
0x352: {  	[tilespmem:s31+$0xFFFFFFC0] =	vst v8  }
0x353: {  	v8 =	vld.idx.msk [tilespmem:v9+s21+$0x0], $0xffff;
	_ =	sdelay $0x3  }
0x354: {  	v10 =	vadd.s32 v3, v7  }
0x355: {  	v11 =	vand.u32 $0xFFFFFF80, v10;
	[tilespmem:s5+$0xFFFFFFD0] =	vst v8  }
0x356: {  	v10 =	vand.u32 $0x7F, v10;
	v8 =	vadd.s32 v6, v11;
	v9 =	vld.idx.msk [tilespmem:v9+s22+$0x0], $0xffff  }
0x357: {  	v8 =	vor.u32 v10, v8;
	_ =	sdelay $0x3  }
0x358: {  	[tilespmem:s31+$0xFFFFFFD0] =	vst v9  }
0x359: {  	v9 =	vld.idx.msk [tilespmem:v8+s21+$0x0], $0xffff;
	_ =	sdelay $0x3  }
0x35a: {  	v7 =	vadd.s32 v2, v7  }
0x35b: {  	v10 =	vand.u32 $0xFFFFFF80, v7;
	[tilespmem:s5+$0xFFFFFFE0] =	vst v9  }
0x35c: {  	v7 =	vand.u32 $0x7F, v7;
	v6 =	vadd.s32 v6, v10;
	v8 =	vld.idx.msk [tilespmem:v8+s22+$0x0], $0xffff  }
0x35d: {  	v6 =	vor.u32 v7, v6;
	_ =	sdelay $0x3  }
0x35e: {  	[tilespmem:s31+$0xFFFFFFE0] =	vst v8  }
0x35f: {  	v7 =	vld.idx.msk [tilespmem:v6+s21+$0x0], $0xffff;
	_ =	sdelay $0x4  }
0x360: {  	s2 =	sadd.s32 $0x1, s2;
	[tilespmem:s5+$0xFFFFFFF0] =	vst v7  }
0x361: {  	v7 =	vmov s2;
	v6 =	vld.idx.msk [tilespmem:v6+s22+$0x0], $0xffff  }
0x362: {  	v8 =	vadd.s32 $0x180, v7;
	_ =	sdelay $0x3  }
0x363: {  	[tilespmem:s31+$0xFFFFFFF0] =	vst v6  }
0x364: {  	v6 =	vld.idx.msk [tilespmem:v8+s18+$0x0], $0xffff;
	_ =	sdelay $0x4  }
0x365: {  	v6 =	vshll.u32 v6, $0x6  }
0x366: {  	v6 =	vand.u32 $0x40, v6  }
0x367: {  	v5 =	vadd.s32 v5, v6  }
0x368: {  	v7 =	vshll.u32 v7, $0x7;
	v8 =	vand.u32 $0xFFFFFF80, v5  }
0x369: {  	v5 =	vand.u32 $0x7F, v5;
	v8 =	vadd.s32 v7, v8  }
0x36a: {  	v5 =	vor.u32 v5, v8;
	_ =	sdelay $0x4  }
0x36b: {  	v8 =	vld.idx.msk [tilespmem:v5+s21+$0x0], $0xffff;
	_ =	sdelay $0x3  }
0x36c: {  	v4 =	vadd.s32 v4, v6  }
0x36d: {  	v9 =	vand.u32 $0xFFFFFF80, v4;
	[tilespmem:s5+$0x0] =	vst v8  }
0x36e: {  	v4 =	vand.u32 $0x7F, v4;
	v8 =	vadd.s32 v7, v9;
	v5 =	vld.idx.msk [tilespmem:v5+s22+$0x0], $0xffff  }
0x36f: {  	v4 =	vor.u32 v4, v8;
	_ =	sdelay $0x3  }
0x370: {  	[tilespmem:s31+$0x0] =	vst v5  }
0x371: {  	v5 =	vld.idx.msk [tilespmem:v4+s21+$0x0], $0xffff;
	_ =	sdelay $0x3  }
0x372: {  	v3 =	vadd.s32 v3, v6  }
0x373: {  	v8 =	vand.u32 $0xFFFFFF80, v3;
	[tilespmem:s5+$0x10] =	vst v5  }
0x374: {  	v3 =	vand.u32 $0x7F, v3;
	v9 =	vadd.s32 v7, v8;
	v4 =	vld.idx.msk [tilespmem:v4+s22+$0x0], $0xffff  }
0x375: {  	v3 =	vor.u32 v3, v9;
	_ =	sdelay $0x3  }
0x376: {  	[tilespmem:s31+$0x10] =	vst v4  }
0x377: {  	v4 =	vld.idx.msk [tilespmem:v3+s21+$0x0], $0xffff;
	_ =	sdelay $0x3  }
0x378: {  	v2 =	vadd.s32 v2, v6  }
0x379: {  	v10 =	vand.u32 $0xFFFFFF80, v2;
	[tilespmem:s5+$0x20] =	vst v4  }
0x37a: {  	v2 =	vand.u32 $0x7F, v2;
	v11 =	vadd.s32 v7, v10;
	v3 =	vld.idx.msk [tilespmem:v3+s22+$0x0], $0xffff  }
0x37b: {  	v2 =	vor.u32 v2, v11;
	_ =	sdelay $0x3  }
0x37c: {  	[tilespmem:s31+$0x20] =	vst v3  }
0x37d: {  	v3 =	vld.idx.msk [tilespmem:v2+s21+$0x0], $0xffff;
	_ =	sdelay $0x4  }
0x37e: {  	[tilespmem:s5+$0x30] =	vst v3  }
0x37f: {  	v2 =	vld.idx.msk [tilespmem:v2+s22+$0x0], $0xffff;
	_ =	sdelay $0x4  }
0x380: {  	[tilespmem:s31+$0x30] =	vst v2  }
0x381: {  	[hbm4b:s13+s3] =	stream.linear.scatter [tilespmem:s24], [sflag:$0x2], $0x2000, $0x38;
	[tilespmem:$0xC880] =	vst v63  }
0x382: {  	s30 =	sadd.s32 $0x1, s30;
	_ =	swait.ge [sflag:s17], $0x2000  }
0x383: {  	p0 =	sne.s32 s30, s15;
	[sflag:s17] =	ssyncset.done $0x0  }
.Ltmp4:
0x384: {  	[sflag:s17] =	ssyncadd.s32 $0xFFFFE000;
	(pc) =	sbr.rel @p0 .LBB2_1-.Ltmp4, $4  }
0x385: {  	[hbm4b:s14+s3] =	stream.linear.scatter [tilespmem:s25], [sflag:$0x2], $0x2000, $0x38;
	[tilespmem:$0xC880] =	vst v63  }
0x386: {  	_ =	swait.ge [sflag:s17], $0x2000  }
0x387: {  	[sflag:s17] =	ssyncset.done $0x0  }
0x388: {  	[sflag:s17] =	ssyncadd.s32 $0xFFFFE000  }
0x389: {  	_ =	sfence.sel $0x180000  }
0x38a: {  	[bflag:$0x0] =	sbarrier.arrive $0xFFFF  }
0x38b: {  	_ =	strace $0x9000004A  }
0x38c: {  	s0 =	stileid.u32;
	[bflag:$0x2] =	sbarrier.arrive $0xFFFF  }
0x38d: {  	p0 =	sne.s32 s0, $0x0;
	s0 =	rddreg [dreg:$0x3]  }
0x38e: {  	s0 =	sadd.s32 @!p0 $0x100000, s0  }
0x38f: {  	[sflag:s0] =	ssyncadd.tile.s32 @!p0 $0x1;
	_ =	shalt  }
.Lfunc_end2:
_tile_overlayer_lowered:
.L_overlay_start_2:
0x390: {  	(tag) =	ssettag $0x2  }
0x391: {  	s0 =	rddreg [dreg:$0x0];
	s2 =	stileid.u32  }
0x392: {  	s1 =	rddreg [dreg:$0x1];
	p0 =	sne.s32 s2, $0x0  }
0x393: {  	s3 =	rddreg [dreg:$0x2];
	[bflag:$0x3] =	sbarrier.arrive $0xFFFF;
	s2 =	simm.s32 @!p0 $0x1C02  }
0x394: {  	[timem:s3], [sflag:s2] =	dma.local @!p0 [hbm:s0], s1  }
0x395: {  	s0 =	simm.s32 @!p0 $0x2  }
0x396: {  	_ =	swait.ge @!p0 [sflag:s0], s1  }
0x397: {  	s1 =	ssub.s32 @!p0 $0x0, s1;
	[sflag:s0] =	ssyncset.done @!p0 $0x0  }
0x398: {  	[sflag:s0] =	ssyncadd.s32 @!p0 s1  }
0x399: {  	[bflag:$0x3] =	sbarrier.arrive $0xFFFF  }
0x39a: {  	_ =	shalt  }

</sc_bundles>
